<compile_context>
chip_gen: v7x
topology: tpu7x:2x2x1
jax: 0.10.2.dev20260603
libtpu: 0.0.44.dev20260713+nightly
codegen_flags: <defaults>
</compile_context>

<pallas_src>
import jax
import jax.numpy as jnp
from jax import lax
from jax.experimental import pallas as pl
from jax.experimental.pallas import tpu as pltpu
from jax.experimental.pallas import tpu_sc as plsc

N, E, D, ED = 10000, 320000, 128, 16
NC, NS, L = 2, 16, 16
NW = NC * NS
C = 48
C2 = 2 * C
G4 = 4 * C2
CHUNKS = 212
EPW = C * CHUNKS
EPAD = NW * EPW
NH = 10112
RPS = NH // NS
ZR = 96
BE = 8192
BP = 1000


def _pre_body(x_ref, w1a_ref, w1b_ref, p_ref):
    xv = x_ref[...]
    p_ref[0:NH, :] = jnp.dot(xv, w1a_ref[...], preferred_element_type=jnp.float32)
    p_ref[NH:2 * NH, :] = jnp.dot(xv, w1b_ref[...], preferred_element_type=jnp.float32)


def _eproj_body(ea_ref, w1c_ref, b1_ref, out_ref):
    out_ref[...] = (
        jnp.dot(ea_ref[...], w1c_ref[...], preferred_element_type=jnp.float32)
        + b1_ref[...]
    )


def _edge_body(pall, eproj, gidx, out,
               hagg, gi0, gi1, bg0, bg1, be0, be1, bh0, bh1, dh0, dh1,
               sg0, sg1, se0, se1, ss0, ss1):
    gi = (gi0, gi1)
    bg = (bg0, bg1)
    be = (be0, be1)
    bh = (bh0, bh1)
    dh = (dh0, dh1)
    sg = (sg0, sg1)
    se = (se0, se1)
    ss = (ss0, ss1)

    c = lax.axis_index("c")
    s = lax.axis_index("s")
    w = c * NS + s

    def zrow(r, carry):
        for q in range(D // L):
            bg0[r, pl.ds(q * L, L)] = jnp.zeros((L,), jnp.float32)
        return carry

    lax.fori_loop(0, ZR, zrow, 0)
    for j in range(-(-RPS // ZR)):
        rows = min(ZR, RPS - j * ZR)
        pltpu.sync_copy(bg0.at[pl.ds(0, rows)],
                        hagg.at[pl.ds(s * RPS + j * ZR, rows)])
    plsc.subcore_barrier()

    def fire(i, p, j, q, load):
        if load:
            gb = pl.multiple_of((w * CHUNKS + i) * C2, C2)
            pltpu.sync_copy(gidx.at[pl.ds(gb, G4)], gi[q])
        gslice = gi[q].at[pl.ds(j * C2, C2)]
        pltpu.async_copy(pall.at[gslice], bg[p], sg[p])
        eb = pl.multiple_of(w * EPW + i * C, C)
        pltpu.async_copy(eproj.at[pl.ds(eb, C)], be[p], se[p])

    def consume(i, p, j, q):
        eb = pl.multiple_of(w * EPW + i * C, C)
        gslice = gi[q].at[pl.ds(j * C2, C2)]
        pltpu.make_async_copy(pall.at[gslice], bg[p], sg[p]).wait()
        pltpu.make_async_copy(eproj.at[pl.ds(eb, C)], be[p], se[p]).wait()
        for k in range(C // L):
            dh[p][pl.ds(k * L, L)] = gi[q][pl.ds(j * C2 + C + k * L, L)] - NH
        def row(r, carry):
            for q2 in range(D // L):
                sl = pl.ds(q2 * L, L)
                bh[p][r, sl] = jnp.maximum(
                    bg[p][r, sl] + bg[p][C + r, sl] + be[p][r, sl], 0.0)
            return carry
        lax.fori_loop(0, C, row, 0)
        pltpu.async_copy(bh[p], hagg.at[dh[p]], ss[p], add=True)

    def wait_sc(p):
        pltpu.make_async_copy(bh[p], hagg.at[dh[p]], ss[p]).wait()

    fire(0, 0, 0, 0, True)
    fire(1, 1, 1, 0, False)
    consume(0, 0, 0, 0)
    fire(2, 0, 2, 0, False)
    consume(1, 1, 1, 0)
    fire(3, 1, 3, 0, False)

    @pl.loop(2, CHUNKS - 8, step=8)
    def _steady(k):
        wait_sc(0)
        consume(k, 0, 2, 0)
        fire(k + 2, 0, 0, 1, True)
        wait_sc(1)
        consume(k + 1, 1, 3, 0)
        fire(k + 3, 1, 1, 1, False)
        wait_sc(0)
        consume(k + 2, 0, 0, 1)
        fire(k + 4, 0, 2, 1, False)
        wait_sc(1)
        consume(k + 3, 1, 1, 1)
        fire(k + 5, 1, 3, 1, False)
        wait_sc(0)
        consume(k + 4, 0, 2, 1)
        fire(k + 6, 0, 0, 0, True)
        wait_sc(1)
        consume(k + 5, 1, 3, 1)
        fire(k + 7, 1, 1, 0, False)
        wait_sc(0)
        consume(k + 6, 0, 0, 0)
        fire(k + 8, 0, 2, 0, False)
        wait_sc(1)
        consume(k + 7, 1, 1, 0)
        fire(k + 9, 1, 3, 0, False)

    wait_sc(0)
    consume(CHUNKS - 2, 0, 2, 0)
    wait_sc(1)
    consume(CHUNKS - 1, 1, 3, 0)
    wait_sc(0)
    wait_sc(1)
    plsc.subcore_barrier()

    obase = c * NH + s * RPS
    for j in range(-(-RPS // ZR)):
        rows = min(ZR, RPS - j * ZR)
        pltpu.sync_copy(hagg.at[pl.ds(s * RPS + j * ZR, rows)],
                        bg0.at[pl.ds(0, rows)])
        pltpu.sync_copy(bg0.at[pl.ds(0, rows)],
                        out.at[pl.ds(obase + j * ZR, rows)])


def _post_body(x_ref, h0_ref, h1_ref, wm2_ref, wux_ref, wua_ref, wu2_ref,
               bu1_ref, bu2_ref, lng_ref, lnb_ref, out_ref):
    xv = x_ref[...]
    hag = h0_ref[0] + h1_ref[0]
    agg = jnp.dot(hag, wm2_ref[...], preferred_element_type=jnp.float32)
    u = jnp.maximum(
        jnp.dot(xv, wux_ref[...], preferred_element_type=jnp.float32)
        + jnp.dot(agg, wua_ref[...], preferred_element_type=jnp.float32)
        + bu1_ref[...],
        0.0,
    )
    o = jnp.dot(u, wu2_ref[...], preferred_element_type=jnp.float32) + bu2_ref[...]
    o = o * (1.0 / (1.0 + jnp.exp(-o)))
    r = xv + o
    mu = jnp.mean(r, axis=-1, keepdims=True)
    dv = r - mu
    var = jnp.mean(dv * dv, axis=-1, keepdims=True)
    out_ref[...] = dv * lax.rsqrt(var + 1e-5) * lng_ref[...] + lnb_ref[...]


def kernel(x, edge_index, edge_attr, W_msg1, b_msg1, W_msg2, b_msg2,
           W_upd1, b_upd1, W_upd2, b_upd2, ln_g, ln_b):
    f32 = jnp.float32

    W1a = W_msg1[:D]
    W1b = W_msg1[D:2 * D]
    W1c = W_msg1[2 * D:]
    Wux = W_upd1[:D]
    Wua = W_upd1[D:]
    b1r = b_msg1.reshape(1, D)
    bu1 = b_upd1.reshape(1, D)
    bu2 = b_upd2.reshape(1, D)
    lng = ln_g.reshape(1, D)
    lnb = ln_b.reshape(1, D)

    x_pad = jnp.pad(x, ((0, NH - N), (0, 0)))
    sidx = jnp.concatenate(
        [edge_index[0], jnp.zeros((EPAD - E,), jnp.int32)])
    didx = jnp.concatenate(
        [edge_index[1], jnp.full((EPAD - E,), N, jnp.int32)])
    gidx = jnp.concatenate(
        [sidx.reshape(-1, C), didx.reshape(-1, C) + NH], axis=1).reshape(-1)

    pall = pl.pallas_call(
        _pre_body,
        out_shape=jax.ShapeDtypeStruct((2 * NH, D), f32),
    )(x_pad, W1a, W1b)

    eproj = pl.pallas_call(
        _eproj_body,
        grid=(-(-EPAD // BE),),
        in_specs=[
            pl.BlockSpec((BE, ED), lambda i: (i, 0)),
            pl.BlockSpec((ED, D), lambda i: (0, 0)),
            pl.BlockSpec((1, D), lambda i: (0, 0)),
        ],
        out_specs=pl.BlockSpec((BE, D), lambda i: (i, 0)),
        out_shape=jax.ShapeDtypeStruct((EPAD, D), f32),
    )(edge_attr, W1c, b1r)

    mesh = plsc.VectorSubcoreMesh(core_axis_name="c", subcore_axis_name="s")
    edge_fn = pl.kernel(
        _edge_body,
        out_type=jax.ShapeDtypeStruct((NC * NH, D), f32),
        mesh=mesh,
        scratch_types=[
            pltpu.VMEM_SHARED((NH, D), f32),
            pltpu.VMEM((G4,), jnp.int32),
            pltpu.VMEM((G4,), jnp.int32),
            pltpu.VMEM((C2, D), f32),
            pltpu.VMEM((C2, D), f32),
            pltpu.VMEM((C, D), f32),
            pltpu.VMEM((C, D), f32),
            pltpu.VMEM((C, D), f32),
            pltpu.VMEM((C, D), f32),
            pltpu.VMEM((C,), jnp.int32),
            pltpu.VMEM((C,), jnp.int32),
            pltpu.SemaphoreType.DMA,
            pltpu.SemaphoreType.DMA,
            pltpu.SemaphoreType.DMA,
            pltpu.SemaphoreType.DMA,
            pltpu.SemaphoreType.DMA,
            pltpu.SemaphoreType.DMA,
        ],
    )
    hpart = edge_fn(pall, eproj, gidx).reshape(NC, NH, D)

    out = pl.pallas_call(
        _post_body,
        grid=(N // BP,),
        in_specs=[
            pl.BlockSpec((BP, D), lambda i: (i, 0)),
            pl.BlockSpec((1, BP, D), lambda i: (0, i, 0)),
            pl.BlockSpec((1, BP, D), lambda i: (1, i, 0)),
            pl.BlockSpec((D, D), lambda i: (0, 0)),
            pl.BlockSpec((D, D), lambda i: (0, 0)),
            pl.BlockSpec((D, D), lambda i: (0, 0)),
            pl.BlockSpec((D, D), lambda i: (0, 0)),
            pl.BlockSpec((1, D), lambda i: (0, 0)),
            pl.BlockSpec((1, D), lambda i: (0, 0)),
            pl.BlockSpec((1, D), lambda i: (0, 0)),
            pl.BlockSpec((1, D), lambda i: (0, 0)),
        ],
        out_specs=pl.BlockSpec((BP, D), lambda i: (i, 0)),
        out_shape=jax.ShapeDtypeStruct((N, D), f32),
    )(x, hpart, hpart, W_msg2, Wux, Wua, W_upd2, bu1, bu2, lng, lnb)
    return out

# --- scband reference (transcript-rebuilt; emitter-appended) ---
"""Pipeline reference for scband-edge-message-layer-75831942578740 (READ-ONLY COPY).

The authoritative reference and input builder live on the scoring server;
editing this copy changes nothing except your own understanding.
"""

import jax, jax.numpy as jnp
import numpy as np

N, E, D, ED = 10000, 320000, 128, 16
BLK_IN = 2 * D + ED  # 272
UPD_IN = 2 * D       # 256


def _layernorm(h, g, b, eps=1e-5):
    mu = jnp.mean(h, axis=-1, keepdims=True)
    var = jnp.mean((h - mu) ** 2, axis=-1, keepdims=True)
    return (h - mu) / jnp.sqrt(var + eps) * g + b


def setup_inputs(seed: int = 0) -> dict:
    key = jax.random.key(seed)
    ks = jax.random.split(key, 12)
    x = jax.random.normal(ks[0], (N, D), dtype=jnp.float32)
    edge_index = jax.random.randint(ks[1], (2, E), 0, N, dtype=jnp.int32)
    edge_attr = jax.random.normal(ks[2], (E, ED), dtype=jnp.float32)
    W_msg1 = jax.random.normal(ks[3], (BLK_IN, D), dtype=jnp.float32) / np.sqrt(BLK_IN)
    b_msg1 = jnp.zeros((D,), dtype=jnp.float32)
    W_msg2 = jax.random.normal(ks[4], (D, D), dtype=jnp.float32) / np.sqrt(D)
    b_msg2 = jnp.zeros((D,), dtype=jnp.float32)
    W_upd1 = jax.random.normal(ks[5], (UPD_IN, D), dtype=jnp.float32) / np.sqrt(UPD_IN)
    b_upd1 = jnp.zeros((D,), dtype=jnp.float32)
    W_upd2 = jax.random.normal(ks[6], (D, D), dtype=jnp.float32) / np.sqrt(D)
    b_upd2 = jnp.zeros((D,), dtype=jnp.float32)
    ln_g = jnp.ones((D,), dtype=jnp.float32)
    ln_b = jnp.zeros((D,), dtype=jnp.float32)
    return {
        "x": x, "edge_index": edge_index, "edge_attr": edge_attr,
        "W_msg1": W_msg1, "b_msg1": b_msg1, "W_msg2": W_msg2, "b_msg2": b_msg2,
        "W_upd1": W_upd1, "b_upd1": b_upd1, "W_upd2": W_upd2, "b_upd2": b_upd2,
        "ln_g": ln_g, "ln_b": ln_b,
    }


def reference(x, edge_index, edge_attr, W_msg1, b_msg1, W_msg2, b_msg2,
              W_upd1, b_upd1, W_upd2, b_upd2, ln_g, ln_b):
    src = edge_index[0]
    dst = edge_index[1]
    # msg MLP: Linear -> ReLU -> (Dropout p=0 is identity) -> Linear
    msg_in = jnp.concatenate([jnp.take(x, src, axis=0), jnp.take(x, dst, axis=0), edge_attr], axis=-1)
    h = jnp.maximum(msg_in @ W_msg1 + b_msg1, 0.0)
    messages = h @ W_msg2 + b_msg2
    # scatter-add aggregation by destination node
    agg = jnp.zeros_like(x).at[dst].add(messages)
    # upd MLP
    u_in = jnp.concatenate([x, agg], axis=-1)
    u = jnp.maximum(u_in @ W_upd1 + b_upd1, 0.0)
    out = u @ W_upd2 + b_upd2
    out = jax.nn.silu(out)
    out = _layernorm(x + out, ln_g, ln_b)
    return out

if __name__ == "__main__":
    import jax
    _d = setup_inputs()
    print(jax.jit(kernel)(*tuple(_d.values())))

</pallas_src>

<mosaic_0001>
#map = affine_map<(d0, d1) -> (0, 0)>
#map1 = affine_map<(d0, d1) -> (0)>
module attributes {stable_mosaic.version = 14 : i64} {
  func.func @_edge_body(%arg0: i32, %arg1: i32, %arg2: memref<20224x128xf32, #tpu.memory_space<hbm>>, %arg3: memref<325632x128xf32, #tpu.memory_space<hbm>>, %arg4: memref<651264xi32, #tpu.memory_space<hbm>>, %arg5: memref<20224x128xf32, #tpu.memory_space<hbm>>, %arg6: memref<10112x128xf32, #tpu.memory_space<vmem_shared>>, %arg7: memref<384xi32, #tpu.memory_space<vmem>>, %arg8: memref<384xi32, #tpu.memory_space<vmem>>, %arg9: memref<96x128xf32, #tpu.memory_space<vmem>>, %arg10: memref<96x128xf32, #tpu.memory_space<vmem>>, %arg11: memref<48x128xf32, #tpu.memory_space<vmem>>, %arg12: memref<48x128xf32, #tpu.memory_space<vmem>>, %arg13: memref<48x128xf32, #tpu.memory_space<vmem>>, %arg14: memref<48x128xf32, #tpu.memory_space<vmem>>, %arg15: memref<48xi32, #tpu.memory_space<vmem>>, %arg16: memref<48xi32, #tpu.memory_space<vmem>>, %arg17: memref<!tpu.dma_semaphore, #tpu.memory_space<semaphore_mem>>, %arg18: memref<!tpu.dma_semaphore, #tpu.memory_space<semaphore_mem>>, %arg19: memref<!tpu.dma_semaphore, #tpu.memory_space<semaphore_mem>>, %arg20: memref<!tpu.dma_semaphore, #tpu.memory_space<semaphore_mem>>, %arg21: memref<!tpu.dma_semaphore, #tpu.memory_space<semaphore_mem>>, %arg22: memref<!tpu.dma_semaphore, #tpu.memory_space<semaphore_mem>>) attributes {dimension_semantics = [#tpu.dimension_semantics<core_parallel>, #tpu.dimension_semantics<subcore_parallel>], iteration_bounds = array<i64: 2, 16>, scalar_prefetch = 0 : i64, scratch_operands = 17 : i64, tpu.core_type = #tpu.core_type<sc_vector_subcore>, window_params = [{transform_indices = #map}, {transform_indices = #map}, {transform_indices = #map1}, {transform_indices = #map}]} {
    %mul3A = arith.constant 16 : i32
    %mul3A_0 = arith.muli %arg0, %mul3A : i32
    %add3A = arith.addi %mul3A_0, %arg1 : i32
    %scan3A = arith.constant 0 : i32
    %scan3A_1 = arith.constant 0 : i32
    %scan3A_2 = arith.constant 96 : i32
    %scan3A_3 = arith.addi %scan3A_1, %scan3A_2 : i32
    %scan3A_4 = arith.constant 1 : i32
    scf.for %scan3A_368 = %scan3A_1 to %scan3A_3 step %scan3A_4  : i32 {
      %broadcast_in_dim3A = arith.constant 0.000000e+00 : f32
      %broadcast_in_dim3A_369 = vector.broadcast %broadcast_in_dim3A : f32 to vector<16xf32>
      %swap3A_370 = arith.index_cast %scan3A_368 : i32 to index
      %swap3A_371 = arith.constant 0 : index
      %swap3A_372 = tpu.vector_load %arg9[%swap3A_370, %swap3A_371] {strides = array<i32>} : memref<96x128xf32, #tpu.memory_space<vmem>>, vector<1x16xf32>,
      %swap3A_373 = vector.shape_cast %swap3A_372 : vector<1x16xf32> to vector<16xf32>
      %swap3A_374 = vector.shape_cast %broadcast_in_dim3A_369 : vector<16xf32> to vector<1x16xf32>
      tpu.vector_store %arg9[%swap3A_370, %swap3A_371], %swap3A_374 {strides = array<i32>} : memref<96x128xf32, #tpu.memory_space<vmem>>, vector<1x16xf32>,
      %broadcast_in_dim3A_375 = arith.constant 0.000000e+00 : f32
      %broadcast_in_dim3A_376 = vector.broadcast %broadcast_in_dim3A_375 : f32 to vector<16xf32>
      %swap3A_377 = arith.index_cast %scan3A_368 : i32 to index
      %swap3A_378 = arith.constant 16 : index
      %swap3A_379 = tpu.vector_load %arg9[%swap3A_377, %swap3A_378] {strides = array<i32>} : memref<96x128xf32, #tpu.memory_space<vmem>>, vector<1x16xf32>,
      %swap3A_380 = vector.shape_cast %swap3A_379 : vector<1x16xf32> to vector<16xf32>
      %swap3A_381 = vector.shape_cast %broadcast_in_dim3A_376 : vector<16xf32> to vector<1x16xf32>
      tpu.vector_store %arg9[%swap3A_377, %swap3A_378], %swap3A_381 {strides = array<i32>} : memref<96x128xf32, #tpu.memory_space<vmem>>, vector<1x16xf32>,
      %broadcast_in_dim3A_382 = arith.constant 0.000000e+00 : f32
      %broadcast_in_dim3A_383 = vector.broadcast %broadcast_in_dim3A_382 : f32 to vector<16xf32>
      %swap3A_384 = arith.index_cast %scan3A_368 : i32 to index
      %swap3A_385 = arith.constant 32 : index
      %swap3A_386 = tpu.vector_load %arg9[%swap3A_384, %swap3A_385] {strides = array<i32>} : memref<96x128xf32, #tpu.memory_space<vmem>>, vector<1x16xf32>,
      %swap3A_387 = vector.shape_cast %swap3A_386 : vector<1x16xf32> to vector<16xf32>
      %swap3A_388 = vector.shape_cast %broadcast_in_dim3A_383 : vector<16xf32> to vector<1x16xf32>
      tpu.vector_store %arg9[%swap3A_384, %swap3A_385], %swap3A_388 {strides = array<i32>} : memref<96x128xf32, #tpu.memory_space<vmem>>, vector<1x16xf32>,
      %broadcast_in_dim3A_389 = arith.constant 0.000000e+00 : f32
      %broadcast_in_dim3A_390 = vector.broadcast %broadcast_in_dim3A_389 : f32 to vector<16xf32>
      %swap3A_391 = arith.index_cast %scan3A_368 : i32 to index
      %swap3A_392 = arith.constant 48 : index
      %swap3A_393 = tpu.vector_load %arg9[%swap3A_391, %swap3A_392] {strides = array<i32>} : memref<96x128xf32, #tpu.memory_space<vmem>>, vector<1x16xf32>,
      %swap3A_394 = vector.shape_cast %swap3A_393 : vector<1x16xf32> to vector<16xf32>
      %swap3A_395 = vector.shape_cast %broadcast_in_dim3A_390 : vector<16xf32> to vector<1x16xf32>
      tpu.vector_store %arg9[%swap3A_391, %swap3A_392], %swap3A_395 {strides = array<i32>} : memref<96x128xf32, #tpu.memory_space<vmem>>, vector<1x16xf32>,
      %broadcast_in_dim3A_396 = arith.constant 0.000000e+00 : f32
      %broadcast_in_dim3A_397 = vector.broadcast %broadcast_in_dim3A_396 : f32 to vector<16xf32>
      %swap3A_398 = arith.index_cast %scan3A_368 : i32 to index
      %swap3A_399 = arith.constant 64 : index
      %swap3A_400 = tpu.vector_load %arg9[%swap3A_398, %swap3A_399] {strides = array<i32>} : memref<96x128xf32, #tpu.memory_space<vmem>>, vector<1x16xf32>,
      %swap3A_401 = vector.shape_cast %swap3A_400 : vector<1x16xf32> to vector<16xf32>
      %swap3A_402 = vector.shape_cast %broadcast_in_dim3A_397 : vector<16xf32> to vector<1x16xf32>
      tpu.vector_store %arg9[%swap3A_398, %swap3A_399], %swap3A_402 {strides = array<i32>} : memref<96x128xf32, #tpu.memory_space<vmem>>, vector<1x16xf32>,
      %broadcast_in_dim3A_403 = arith.constant 0.000000e+00 : f32
      %broadcast_in_dim3A_404 = vector.broadcast %broadcast_in_dim3A_403 : f32 to vector<16xf32>
      %swap3A_405 = arith.index_cast %scan3A_368 : i32 to index
      %swap3A_406 = arith.constant 80 : index
      %swap3A_407 = tpu.vector_load %arg9[%swap3A_405, %swap3A_406] {strides = array<i32>} : memref<96x128xf32, #tpu.memory_space<vmem>>, vector<1x16xf32>,
      %swap3A_408 = vector.shape_cast %swap3A_407 : vector<1x16xf32> to vector<16xf32>
      %swap3A_409 = vector.shape_cast %broadcast_in_dim3A_404 : vector<16xf32> to vector<1x16xf32>
      tpu.vector_store %arg9[%swap3A_405, %swap3A_406], %swap3A_409 {strides = array<i32>} : memref<96x128xf32, #tpu.memory_space<vmem>>, vector<1x16xf32>,
      %broadcast_in_dim3A_410 = arith.constant 0.000000e+00 : f32
      %broadcast_in_dim3A_411 = vector.broadcast %broadcast_in_dim3A_410 : f32 to vector<16xf32>
      %swap3A_412 = arith.index_cast %scan3A_368 : i32 to index
      %swap3A_413 = arith.constant 96 : index
      %swap3A_414 = tpu.vector_load %arg9[%swap3A_412, %swap3A_413] {strides = array<i32>} : memref<96x128xf32, #tpu.memory_space<vmem>>, vector<1x16xf32>,
      %swap3A_415 = vector.shape_cast %swap3A_414 : vector<1x16xf32> to vector<16xf32>
      %swap3A_416 = vector.shape_cast %broadcast_in_dim3A_411 : vector<16xf32> to vector<1x16xf32>
      tpu.vector_store %arg9[%swap3A_412, %swap3A_413], %swap3A_416 {strides = array<i32>} : memref<96x128xf32, #tpu.memory_space<vmem>>, vector<1x16xf32>,
      %broadcast_in_dim3A_417 = arith.constant 0.000000e+00 : f32
      %broadcast_in_dim3A_418 = vector.broadcast %broadcast_in_dim3A_417 : f32 to vector<16xf32>
      %swap3A_419 = arith.index_cast %scan3A_368 : i32 to index
      %swap3A_420 = arith.constant 112 : index
      %swap3A_421 = tpu.vector_load %arg9[%swap3A_419, %swap3A_420] {strides = array<i32>} : memref<96x128xf32, #tpu.memory_space<vmem>>, vector<1x16xf32>,
      %swap3A_422 = vector.shape_cast %swap3A_421 : vector<1x16xf32> to vector<16xf32>
      %swap3A_423 = vector.shape_cast %broadcast_in_dim3A_418 : vector<16xf32> to vector<1x16xf32>
      tpu.vector_store %arg9[%swap3A_419, %swap3A_420], %swap3A_423 {strides = array<i32>} : memref<96x128xf32, #tpu.memory_space<vmem>>, vector<1x16xf32>,
    }
    %scan3A_5 = arith.constant 96 : i32
    %mul3A_6 = arith.constant 632 : i32
    %mul3A_7 = arith.muli %arg1, %mul3A_6 : i32
    %add3A_8 = arith.constant 0 : i32
    %add3A_9 = arith.addi %mul3A_7, %add3A_8 : i32
    "tpu.region"() ({
      %run_scoped3A = tpu.sem_alloc : memref<!tpu.dma_semaphore, #tpu.memory_space<semaphore_mem>>
      %dma_start3A_368 = arith.constant 0 : i32
      %dma_start3A_369 = arith.constant 0 : i32
      %dma_start3A_370 = tpu.memref_slice %arg9[%dma_start3A_368, %dma_start3A_369] : memref<96x128xf32, #tpu.memory_space<vmem>> -> memref<96x128xf32, #tpu.memory_space<vmem>>
      %dma_start3A_371 = arith.constant 0 : i32
      %dma_start3A_372 = tpu.memref_slice %arg6[%add3A_9, %dma_start3A_371] : memref<10112x128xf32, #tpu.memory_space<vmem_shared>> -> memref<96x128xf32, #tpu.memory_space<vmem_shared>>
      %dma_start3A_373 = arith.constant 0 : i32
      %dma_start3A_374 = tpu.memref_slice %arg6[%add3A_9, %dma_start3A_373] : memref<10112x128xf32, #tpu.memory_space<vmem_shared>> -> memref<96x128xf32, #tpu.memory_space<vmem_shared>>
      %dma_start3A_375 = arith.constant 0 : i32
      %dma_start3A_376 = arith.constant 0 : i32
      %dma_start3A_377 = tpu.memref_slice %arg9[%dma_start3A_375, %dma_start3A_376] : memref<96x128xf32, #tpu.memory_space<vmem>> -> memref<96x128xf32, #tpu.memory_space<vmem>>
      tpu.enqueue_dma source(%dma_start3A_377 : memref<96x128xf32, #tpu.memory_space<vmem>>) target(%dma_start3A_374 : memref<96x128xf32, #tpu.memory_space<vmem_shared>>) target_semaphore(%run_scoped3A : memref<!tpu.dma_semaphore, #tpu.memory_space<semaphore_mem>>)
      %dma_wait3A_378 = arith.constant 0 : i32
      %dma_wait3A_379 = arith.constant 0 : i32
      %dma_wait3A_380 = tpu.memref_slice %arg9[%dma_wait3A_378, %dma_wait3A_379] : memref<96x128xf32, #tpu.memory_space<vmem>> -> memref<96x128xf32, #tpu.memory_space<vmem>>
      %dma_wait3A_381 = arith.constant 0 : i32
      %dma_wait3A_382 = tpu.memref_slice %arg6[%add3A_9, %dma_wait3A_381] : memref<10112x128xf32, #tpu.memory_space<vmem_shared>> -> memref<96x128xf32, #tpu.memory_space<vmem_shared>>
      %dma_wait3A_383 = arith.constant 0 : i32
      %dma_wait3A_384 = tpu.memref_slice %arg6[%add3A_9, %dma_wait3A_383] : memref<10112x128xf32, #tpu.memory_space<vmem_shared>> -> memref<96x128xf32, #tpu.memory_space<vmem_shared>>
      %dma_wait3A_385 = arith.constant 0 : i32
      %dma_wait3A_386 = arith.constant 0 : i32
      %dma_wait3A_387 = tpu.memref_slice %arg9[%dma_wait3A_385, %dma_wait3A_386] : memref<96x128xf32, #tpu.memory_space<vmem>> -> memref<96x128xf32, #tpu.memory_space<vmem>>
      tpu.wait_dma2 semaphore(%run_scoped3A : memref<!tpu.dma_semaphore, #tpu.memory_space<semaphore_mem>>) src(%dma_wait3A_387 : memref<96x128xf32, #tpu.memory_space<vmem>>) dst(%dma_wait3A_384 : memref<96x128xf32, #tpu.memory_space<vmem_shared>>)
      tpu.yield
    }) : () -> ()
    %mul3A_10 = arith.constant 632 : i32
    %mul3A_11 = arith.muli %arg1, %mul3A_10 : i32
    %add3A_12 = arith.constant 96 : i32
    %add3A_13 = arith.addi %mul3A_11, %add3A_12 : i32
    "tpu.region"() ({
      %run_scoped3A = tpu.sem_alloc : memref<!tpu.dma_semaphore, #tpu.memory_space<semaphore_mem>>
      %dma_start3A_368 = arith.constant 0 : i32
      %dma_start3A_369 = arith.constant 0 : i32
      %dma_start3A_370 = tpu.memref_slice %arg9[%dma_start3A_368, %dma_start3A_369] : memref<96x128xf32, #tpu.memory_space<vmem>> -> memref<96x128xf32, #tpu.memory_space<vmem>>
      %dma_start3A_371 = arith.constant 0 : i32
      %dma_start3A_372 = tpu.memref_slice %arg6[%add3A_13, %dma_start3A_371] : memref<10112x128xf32, #tpu.memory_space<vmem_shared>> -> memref<96x128xf32, #tpu.memory_space<vmem_shared>>
      %dma_start3A_373 = arith.constant 0 : i32
      %dma_start3A_374 = tpu.memref_slice %arg6[%add3A_13, %dma_start3A_373] : memref<10112x128xf32, #tpu.memory_space<vmem_shared>> -> memref<96x128xf32, #tpu.memory_space<vmem_shared>>
      %dma_start3A_375 = arith.constant 0 : i32
      %dma_start3A_376 = arith.constant 0 : i32
      %dma_start3A_377 = tpu.memref_slice %arg9[%dma_start3A_375, %dma_start3A_376] : memref<96x128xf32, #tpu.memory_space<vmem>> -> memref<96x128xf32, #tpu.memory_space<vmem>>
      tpu.enqueue_dma source(%dma_start3A_377 : memref<96x128xf32, #tpu.memory_space<vmem>>) target(%dma_start3A_374 : memref<96x128xf32, #tpu.memory_space<vmem_shared>>) target_semaphore(%run_scoped3A : memref<!tpu.dma_semaphore, #tpu.memory_space<semaphore_mem>>)
      %dma_wait3A_378 = arith.constant 0 : i32
      %dma_wait3A_379 = arith.constant 0 : i32
      %dma_wait3A_380 = tpu.memref_slice %arg9[%dma_wait3A_378, %dma_wait3A_379] : memref<96x128xf32, #tpu.memory_space<vmem>> -> memref<96x128xf32, #tpu.memory_space<vmem>>
      %dma_wait3A_381 = arith.constant 0 : i32
      %dma_wait3A_382 = tpu.memref_slice %arg6[%add3A_13, %dma_wait3A_381] : memref<10112x128xf32, #tpu.memory_space<vmem_shared>> -> memref<96x128xf32, #tpu.memory_space<vmem_shared>>
      %dma_wait3A_383 = arith.constant 0 : i32
      %dma_wait3A_384 = tpu.memref_slice %arg6[%add3A_13, %dma_wait3A_383] : memref<10112x128xf32, #tpu.memory_space<vmem_shared>> -> memref<96x128xf32, #tpu.memory_space<vmem_shared>>
      %dma_wait3A_385 = arith.constant 0 : i32
      %dma_wait3A_386 = arith.constant 0 : i32
      %dma_wait3A_387 = tpu.memref_slice %arg9[%dma_wait3A_385, %dma_wait3A_386] : memref<96x128xf32, #tpu.memory_space<vmem>> -> memref<96x128xf32, #tpu.memory_space<vmem>>
      tpu.wait_dma2 semaphore(%run_scoped3A : memref<!tpu.dma_semaphore, #tpu.memory_space<semaphore_mem>>) src(%dma_wait3A_387 : memref<96x128xf32, #tpu.memory_space<vmem>>) dst(%dma_wait3A_384 : memref<96x128xf32, #tpu.memory_space<vmem_shared>>)
      tpu.yield
    }) : () -> ()
    %mul3A_14 = arith.constant 632 : i32
    %mul3A_15 = arith.muli %arg1, %mul3A_14 : i32
    %add3A_16 = arith.constant 192 : i32
    %add3A_17 = arith.addi %mul3A_15, %add3A_16 : i32
    "tpu.region"() ({
      %run_scoped3A = tpu.sem_alloc : memref<!tpu.dma_semaphore, #tpu.memory_space<semaphore_mem>>
      %dma_start3A_368 = arith.constant 0 : i32
      %dma_start3A_369 = arith.constant 0 : i32
      %dma_start3A_370 = tpu.memref_slice %arg9[%dma_start3A_368, %dma_start3A_369] : memref<96x128xf32, #tpu.memory_space<vmem>> -> memref<96x128xf32, #tpu.memory_space<vmem>>
      %dma_start3A_371 = arith.constant 0 : i32
      %dma_start3A_372 = tpu.memref_slice %arg6[%add3A_17, %dma_start3A_371] : memref<10112x128xf32, #tpu.memory_space<vmem_shared>> -> memref<96x128xf32, #tpu.memory_space<vmem_shared>>
      %dma_start3A_373 = arith.constant 0 : i32
      %dma_start3A_374 = tpu.memref_slice %arg6[%add3A_17, %dma_start3A_373] : memref<10112x128xf32, #tpu.memory_space<vmem_shared>> -> memref<96x128xf32, #tpu.memory_space<vmem_shared>>
      %dma_start3A_375 = arith.constant 0 : i32
      %dma_start3A_376 = arith.constant 0 : i32
      %dma_start3A_377 = tpu.memref_slice %arg9[%dma_start3A_375, %dma_start3A_376] : memref<96x128xf32, #tpu.memory_space<vmem>> -> memref<96x128xf32, #tpu.memory_space<vmem>>
      tpu.enqueue_dma source(%dma_start3A_377 : memref<96x128xf32, #tpu.memory_space<vmem>>) target(%dma_start3A_374 : memref<96x128xf32, #tpu.memory_space<vmem_shared>>) target_semaphore(%run_scoped3A : memref<!tpu.dma_semaphore, #tpu.memory_space<semaphore_mem>>)
      %dma_wait3A_378 = arith.constant 0 : i32
      %dma_wait3A_379 = arith.constant 0 : i32
      %dma_wait3A_380 = tpu.memref_slice %arg9[%dma_wait3A_378, %dma_wait3A_379] : memref<96x128xf32, #tpu.memory_space<vmem>> -> memref<96x128xf32, #tpu.memory_space<vmem>>
      %dma_wait3A_381 = arith.constant 0 : i32
      %dma_wait3A_382 = tpu.memref_slice %arg6[%add3A_17, %dma_wait3A_381] : memref<10112x128xf32, #tpu.memory_space<vmem_shared>> -> memref<96x128xf32, #tpu.memory_space<vmem_shared>>
      %dma_wait3A_383 = arith.constant 0 : i32
      %dma_wait3A_384 = tpu.memref_slice %arg6[%add3A_17, %dma_wait3A_383] : memref<10112x128xf32, #tpu.memory_space<vmem_shared>> -> memref<96x128xf32, #tpu.memory_space<vmem_shared>>
      %dma_wait3A_385 = arith.constant 0 : i32
      %dma_wait3A_386 = arith.constant 0 : i32
      %dma_wait3A_387 = tpu.memref_slice %arg9[%dma_wait3A_385, %dma_wait3A_386] : memref<96x128xf32, #tpu.memory_space<vmem>> -> memref<96x128xf32, #tpu.memory_space<vmem>>
      tpu.wait_dma2 semaphore(%run_scoped3A : memref<!tpu.dma_semaphore, #tpu.memory_space<semaphore_mem>>) src(%dma_wait3A_387 : memref<96x128xf32, #tpu.memory_space<vmem>>) dst(%dma_wait3A_384 : memref<96x128xf32, #tpu.memory_space<vmem_shared>>)
      tpu.yield
    }) : () -> ()
    %mul3A_18 = arith.constant 632 : i32
    %mul3A_19 = arith.muli %arg1, %mul3A_18 : i32
    %add3A_20 = arith.constant 288 : i32
    %add3A_21 = arith.addi %mul3A_19, %add3A_20 : i32
    "tpu.region"() ({
      %run_scoped3A = tpu.sem_alloc : memref<!tpu.dma_semaphore, #tpu.memory_space<semaphore_mem>>
      %dma_start3A_368 = arith.constant 0 : i32
      %dma_start3A_369 = arith.constant 0 : i32
      %dma_start3A_370 = tpu.memref_slice %arg9[%dma_start3A_368, %dma_start3A_369] : memref<96x128xf32, #tpu.memory_space<vmem>> -> memref<96x128xf32, #tpu.memory_space<vmem>>
      %dma_start3A_371 = arith.constant 0 : i32
      %dma_start3A_372 = tpu.memref_slice %arg6[%add3A_21, %dma_start3A_371] : memref<10112x128xf32, #tpu.memory_space<vmem_shared>> -> memref<96x128xf32, #tpu.memory_space<vmem_shared>>
      %dma_start3A_373 = arith.constant 0 : i32
      %dma_start3A_374 = tpu.memref_slice %arg6[%add3A_21, %dma_start3A_373] : memref<10112x128xf32, #tpu.memory_space<vmem_shared>> -> memref<96x128xf32, #tpu.memory_space<vmem_shared>>
      %dma_start3A_375 = arith.constant 0 : i32
      %dma_start3A_376 = arith.constant 0 : i32
      %dma_start3A_377 = tpu.memref_slice %arg9[%dma_start3A_375, %dma_start3A_376] : memref<96x128xf32, #tpu.memory_space<vmem>> -> memref<96x128xf32, #tpu.memory_space<vmem>>
      tpu.enqueue_dma source(%dma_start3A_377 : memref<96x128xf32, #tpu.memory_space<vmem>>) target(%dma_start3A_374 : memref<96x128xf32, #tpu.memory_space<vmem_shared>>) target_semaphore(%run_scoped3A : memref<!tpu.dma_semaphore, #tpu.memory_space<semaphore_mem>>)
      %dma_wait3A_378 = arith.constant 0 : i32
      %dma_wait3A_379 = arith.constant 0 : i32
      %dma_wait3A_380 = tpu.memref_slice %arg9[%dma_wait3A_378, %dma_wait3A_379] : memref<96x128xf32, #tpu.memory_space<vmem>> -> memref<96x128xf32, #tpu.memory_space<vmem>>
      %dma_wait3A_381 = arith.constant 0 : i32
      %dma_wait3A_382 = tpu.memref_slice %arg6[%add3A_21, %dma_wait3A_381] : memref<10112x128xf32, #tpu.memory_space<vmem_shared>> -> memref<96x128xf32, #tpu.memory_space<vmem_shared>>
      %dma_wait3A_383 = arith.constant 0 : i32
      %dma_wait3A_384 = tpu.memref_slice %arg6[%add3A_21, %dma_wait3A_383] : memref<10112x128xf32, #tpu.memory_space<vmem_shared>> -> memref<96x128xf32, #tpu.memory_space<vmem_shared>>
      %dma_wait3A_385 = arith.constant 0 : i32
      %dma_wait3A_386 = arith.constant 0 : i32
      %dma_wait3A_387 = tpu.memref_slice %arg9[%dma_wait3A_385, %dma_wait3A_386] : memref<96x128xf32, #tpu.memory_space<vmem>> -> memref<96x128xf32, #tpu.memory_space<vmem>>
      tpu.wait_dma2 semaphore(%run_scoped3A : memref<!tpu.dma_semaphore, #tpu.memory_space<semaphore_mem>>) src(%dma_wait3A_387 : memref<96x128xf32, #tpu.memory_space<vmem>>) dst(%dma_wait3A_384 : memref<96x128xf32, #tpu.memory_space<vmem_shared>>)
      tpu.yield
    }) : () -> ()
    %mul3A_22 = arith.constant 632 : i32
    %mul3A_23 = arith.muli %arg1, %mul3A_22 : i32
    %add3A_24 = arith.constant 384 : i32
    %add3A_25 = arith.addi %mul3A_23, %add3A_24 : i32
    "tpu.region"() ({
      %run_scoped3A = tpu.sem_alloc : memref<!tpu.dma_semaphore, #tpu.memory_space<semaphore_mem>>
      %dma_start3A_368 = arith.constant 0 : i32
      %dma_start3A_369 = arith.constant 0 : i32
      %dma_start3A_370 = tpu.memref_slice %arg9[%dma_start3A_368, %dma_start3A_369] : memref<96x128xf32, #tpu.memory_space<vmem>> -> memref<96x128xf32, #tpu.memory_space<vmem>>
      %dma_start3A_371 = arith.constant 0 : i32
      %dma_start3A_372 = tpu.memref_slice %arg6[%add3A_25, %dma_start3A_371] : memref<10112x128xf32, #tpu.memory_space<vmem_shared>> -> memref<96x128xf32, #tpu.memory_space<vmem_shared>>
      %dma_start3A_373 = arith.constant 0 : i32
      %dma_start3A_374 = tpu.memref_slice %arg6[%add3A_25, %dma_start3A_373] : memref<10112x128xf32, #tpu.memory_space<vmem_shared>> -> memref<96x128xf32, #tpu.memory_space<vmem_shared>>
      %dma_start3A_375 = arith.constant 0 : i32
      %dma_start3A_376 = arith.constant 0 : i32
      %dma_start3A_377 = tpu.memref_slice %arg9[%dma_start3A_375, %dma_start3A_376] : memref<96x128xf32, #tpu.memory_space<vmem>> -> memref<96x128xf32, #tpu.memory_space<vmem>>
      tpu.enqueue_dma source(%dma_start3A_377 : memref<96x128xf32, #tpu.memory_space<vmem>>) target(%dma_start3A_374 : memref<96x128xf32, #tpu.memory_space<vmem_shared>>) target_semaphore(%run_scoped3A : memref<!tpu.dma_semaphore, #tpu.memory_space<semaphore_mem>>)
      %dma_wait3A_378 = arith.constant 0 : i32
      %dma_wait3A_379 = arith.constant 0 : i32
      %dma_wait3A_380 = tpu.memref_slice %arg9[%dma_wait3A_378, %dma_wait3A_379] : memref<96x128xf32, #tpu.memory_space<vmem>> -> memref<96x128xf32, #tpu.memory_space<vmem>>
      %dma_wait3A_381 = arith.constant 0 : i32
      %dma_wait3A_382 = tpu.memref_slice %arg6[%add3A_25, %dma_wait3A_381] : memref<10112x128xf32, #tpu.memory_space<vmem_shared>> -> memref<96x128xf32, #tpu.memory_space<vmem_shared>>
      %dma_wait3A_383 = arith.constant 0 : i32
      %dma_wait3A_384 = tpu.memref_slice %arg6[%add3A_25, %dma_wait3A_383] : memref<10112x128xf32, #tpu.memory_space<vmem_shared>> -> memref<96x128xf32, #tpu.memory_space<vmem_shared>>
      %dma_wait3A_385 = arith.constant 0 : i32
      %dma_wait3A_386 = arith.constant 0 : i32
      %dma_wait3A_387 = tpu.memref_slice %arg9[%dma_wait3A_385, %dma_wait3A_386] : memref<96x128xf32, #tpu.memory_space<vmem>> -> memref<96x128xf32, #tpu.memory_space<vmem>>
      tpu.wait_dma2 semaphore(%run_scoped3A : memref<!tpu.dma_semaphore, #tpu.memory_space<semaphore_mem>>) src(%dma_wait3A_387 : memref<96x128xf32, #tpu.memory_space<vmem>>) dst(%dma_wait3A_384 : memref<96x128xf32, #tpu.memory_space<vmem_shared>>)
      tpu.yield
    }) : () -> ()
    %mul3A_26 = arith.constant 632 : i32
    %mul3A_27 = arith.muli %arg1, %mul3A_26 : i32
    %add3A_28 = arith.constant 480 : i32
    %add3A_29 = arith.addi %mul3A_27, %add3A_28 : i32
    "tpu.region"() ({
      %run_scoped3A = tpu.sem_alloc : memref<!tpu.dma_semaphore, #tpu.memory_space<semaphore_mem>>
      %dma_start3A_368 = arith.constant 0 : i32
      %dma_start3A_369 = arith.constant 0 : i32
      %dma_start3A_370 = tpu.memref_slice %arg9[%dma_start3A_368, %dma_start3A_369] : memref<96x128xf32, #tpu.memory_space<vmem>> -> memref<96x128xf32, #tpu.memory_space<vmem>>
      %dma_start3A_371 = arith.constant 0 : i32
      %dma_start3A_372 = tpu.memref_slice %arg6[%add3A_29, %dma_start3A_371] : memref<10112x128xf32, #tpu.memory_space<vmem_shared>> -> memref<96x128xf32, #tpu.memory_space<vmem_shared>>
      %dma_start3A_373 = arith.constant 0 : i32
      %dma_start3A_374 = tpu.memref_slice %arg6[%add3A_29, %dma_start3A_373] : memref<10112x128xf32, #tpu.memory_space<vmem_shared>> -> memref<96x128xf32, #tpu.memory_space<vmem_shared>>
      %dma_start3A_375 = arith.constant 0 : i32
      %dma_start3A_376 = arith.constant 0 : i32
      %dma_start3A_377 = tpu.memref_slice %arg9[%dma_start3A_375, %dma_start3A_376] : memref<96x128xf32, #tpu.memory_space<vmem>> -> memref<96x128xf32, #tpu.memory_space<vmem>>
      tpu.enqueue_dma source(%dma_start3A_377 : memref<96x128xf32, #tpu.memory_space<vmem>>) target(%dma_start3A_374 : memref<96x128xf32, #tpu.memory_space<vmem_shared>>) target_semaphore(%run_scoped3A : memref<!tpu.dma_semaphore, #tpu.memory_space<semaphore_mem>>)
      %dma_wait3A_378 = arith.constant 0 : i32
      %dma_wait3A_379 = arith.constant 0 : i32
      %dma_wait3A_380 = tpu.memref_slice %arg9[%dma_wait3A_378, %dma_wait3A_379] : memref<96x128xf32, #tpu.memory_space<vmem>> -> memref<96x128xf32, #tpu.memory_space<vmem>>
      %dma_wait3A_381 = arith.constant 0 : i32
      %dma_wait3A_382 = tpu.memref_slice %arg6[%add3A_29, %dma_wait3A_381] : memref<10112x128xf32, #tpu.memory_space<vmem_shared>> -> memref<96x128xf32, #tpu.memory_space<vmem_shared>>
      %dma_wait3A_383 = arith.constant 0 : i32
      %dma_wait3A_384 = tpu.memref_slice %arg6[%add3A_29, %dma_wait3A_383] : memref<10112x128xf32, #tpu.memory_space<vmem_shared>> -> memref<96x128xf32, #tpu.memory_space<vmem_shared>>
      %dma_wait3A_385 = arith.constant 0 : i32
      %dma_wait3A_386 = arith.constant 0 : i32
      %dma_wait3A_387 = tpu.memref_slice %arg9[%dma_wait3A_385, %dma_wait3A_386] : memref<96x128xf32, #tpu.memory_space<vmem>> -> memref<96x128xf32, #tpu.memory_space<vmem>>
      tpu.wait_dma2 semaphore(%run_scoped3A : memref<!tpu.dma_semaphore, #tpu.memory_space<semaphore_mem>>) src(%dma_wait3A_387 : memref<96x128xf32, #tpu.memory_space<vmem>>) dst(%dma_wait3A_384 : memref<96x128xf32, #tpu.memory_space<vmem_shared>>)
      tpu.yield
    }) : () -> ()
    %mul3A_30 = arith.constant 632 : i32
    %mul3A_31 = arith.muli %arg1, %mul3A_30 : i32
    %add3A_32 = arith.constant 576 : i32
    %add3A_33 = arith.addi %mul3A_31, %add3A_32 : i32
    "tpu.region"() ({
      %run_scoped3A = tpu.sem_alloc : memref<!tpu.dma_semaphore, #tpu.memory_space<semaphore_mem>>
      %dma_start3A_368 = arith.constant 0 : i32
      %dma_start3A_369 = arith.constant 0 : i32
      %dma_start3A_370 = tpu.memref_slice %arg9[%dma_start3A_368, %dma_start3A_369] : memref<96x128xf32, #tpu.memory_space<vmem>> -> memref<56x128xf32, #tpu.memory_space<vmem>>
      %dma_start3A_371 = arith.constant 0 : i32
      %dma_start3A_372 = tpu.memref_slice %arg6[%add3A_33, %dma_start3A_371] : memref<10112x128xf32, #tpu.memory_space<vmem_shared>> -> memref<56x128xf32, #tpu.memory_space<vmem_shared>>
      %dma_start3A_373 = arith.constant 0 : i32
      %dma_start3A_374 = tpu.memref_slice %arg6[%add3A_33, %dma_start3A_373] : memref<10112x128xf32, #tpu.memory_space<vmem_shared>> -> memref<56x128xf32, #tpu.memory_space<vmem_shared>>
      %dma_start3A_375 = arith.constant 0 : i32
      %dma_start3A_376 = arith.constant 0 : i32
      %dma_start3A_377 = tpu.memref_slice %arg9[%dma_start3A_375, %dma_start3A_376] : memref<96x128xf32, #tpu.memory_space<vmem>> -> memref<56x128xf32, #tpu.memory_space<vmem>>
      tpu.enqueue_dma source(%dma_start3A_377 : memref<56x128xf32, #tpu.memory_space<vmem>>) target(%dma_start3A_374 : memref<56x128xf32, #tpu.memory_space<vmem_shared>>) target_semaphore(%run_scoped3A : memref<!tpu.dma_semaphore, #tpu.memory_space<semaphore_mem>>)
      %dma_wait3A_378 = arith.constant 0 : i32
      %dma_wait3A_379 = arith.constant 0 : i32
      %dma_wait3A_380 = tpu.memref_slice %arg9[%dma_wait3A_378, %dma_wait3A_379] : memref<96x128xf32, #tpu.memory_space<vmem>> -> memref<56x128xf32, #tpu.memory_space<vmem>>
      %dma_wait3A_381 = arith.constant 0 : i32
      %dma_wait3A_382 = tpu.memref_slice %arg6[%add3A_33, %dma_wait3A_381] : memref<10112x128xf32, #tpu.memory_space<vmem_shared>> -> memref<56x128xf32, #tpu.memory_space<vmem_shared>>
      %dma_wait3A_383 = arith.constant 0 : i32
      %dma_wait3A_384 = tpu.memref_slice %arg6[%add3A_33, %dma_wait3A_383] : memref<10112x128xf32, #tpu.memory_space<vmem_shared>> -> memref<56x128xf32, #tpu.memory_space<vmem_shared>>
      %dma_wait3A_385 = arith.constant 0 : i32
      %dma_wait3A_386 = arith.constant 0 : i32
      %dma_wait3A_387 = tpu.memref_slice %arg9[%dma_wait3A_385, %dma_wait3A_386] : memref<96x128xf32, #tpu.memory_space<vmem>> -> memref<56x128xf32, #tpu.memory_space<vmem>>
      tpu.wait_dma2 semaphore(%run_scoped3A : memref<!tpu.dma_semaphore, #tpu.memory_space<semaphore_mem>>) src(%dma_wait3A_387 : memref<56x128xf32, #tpu.memory_space<vmem>>) dst(%dma_wait3A_384 : memref<56x128xf32, #tpu.memory_space<vmem_shared>>)
      tpu.yield
    }) : () -> ()
    %barrier3A = arith.constant 0 : index
    tpu.barrier barrier_id(%barrier3A)
    %mul3A_34 = arith.constant 212 : i32
    %mul3A_35 = arith.muli %add3A, %mul3A_34 : i32
    %add3A_36 = arith.constant 0 : i32
    %add3A_37 = arith.addi %mul3A_35, %add3A_36 : i32
    %mul3A_38 = arith.constant 96 : i32
    %mul3A_39 = arith.muli %add3A_37, %mul3A_38 : i32
    %multiple_of3A = tpu.assume_multiple %mul3A_39, 96 : i32
    "tpu.region"() ({
      %run_scoped3A = tpu.sem_alloc : memref<!tpu.dma_semaphore, #tpu.memory_space<semaphore_mem>>
      %dma_start3A_368 = tpu.memref_slice %arg4[%multiple_of3A] : memref<651264xi32, #tpu.memory_space<hbm>> -> memref<384xi32, #tpu.memory_space<hbm>>
      %dma_start3A_369 = tpu.memref_slice %arg4[%multiple_of3A] : memref<651264xi32, #tpu.memory_space<hbm>> -> memref<384xi32, #tpu.memory_space<hbm>>
      tpu.enqueue_dma source(%dma_start3A_369 : memref<384xi32, #tpu.memory_space<hbm>>) target(%arg7 : memref<384xi32, #tpu.memory_space<vmem>>) target_semaphore(%run_scoped3A : memref<!tpu.dma_semaphore, #tpu.memory_space<semaphore_mem>>)
      %dma_wait3A_370 = tpu.memref_slice %arg4[%multiple_of3A] : memref<651264xi32, #tpu.memory_space<hbm>> -> memref<384xi32, #tpu.memory_space<hbm>>
      %dma_wait3A_371 = tpu.memref_slice %arg4[%multiple_of3A] : memref<651264xi32, #tpu.memory_space<hbm>> -> memref<384xi32, #tpu.memory_space<hbm>>
      tpu.wait_dma2 semaphore(%run_scoped3A : memref<!tpu.dma_semaphore, #tpu.memory_space<semaphore_mem>>) src(%dma_wait3A_371 : memref<384xi32, #tpu.memory_space<hbm>>) dst(%arg7 : memref<384xi32, #tpu.memory_space<vmem>>)
      tpu.yield
    }) : () -> ()
    %dma_start3A = arith.constant 0 : i32
    %dma_start3A_40 = tpu.memref_slice %arg7[%dma_start3A] : memref<384xi32, #tpu.memory_space<vmem>> -> memref<96xi32, #tpu.memory_space<vmem>>
    %dma_start3A_41 = arith.constant 0 : i32
    %dma_start3A_42 = arith.constant 0 : i32
    %dma_start3A_43 = tpu.memref_slice %arg2[%dma_start3A_41, %dma_start3A_42] : memref<20224x128xf32, #tpu.memory_space<hbm>> -> memref<20224x128xf32, #tpu.memory_space<hbm>>
    tpu.enqueue_indirect_dma source(%dma_start3A_43 : memref<20224x128xf32, #tpu.memory_space<hbm>>) target(%arg9 : memref<96x128xf32, #tpu.memory_space<vmem>>) offsets(%dma_start3A_40 : memref<96xi32, #tpu.memory_space<vmem>>) semaphore(%arg17 : memref<!tpu.dma_semaphore, #tpu.memory_space<semaphore_mem>>)
    %mul3A_44 = arith.constant 10176 : i32
    %mul3A_45 = arith.muli %add3A, %mul3A_44 : i32
    %add3A_46 = arith.constant 0 : i32
    %add3A_47 = arith.addi %mul3A_45, %add3A_46 : i32
    %multiple_of3A_48 = tpu.assume_multiple %add3A_47, 48 : i32
    %dma_start3A_49 = arith.constant 0 : i32
    %dma_start3A_50 = tpu.memref_slice %arg3[%multiple_of3A_48, %dma_start3A_49] : memref<325632x128xf32, #tpu.memory_space<hbm>> -> memref<48x128xf32, #tpu.memory_space<hbm>>
    %dma_start3A_51 = arith.constant 0 : i32
    %dma_start3A_52 = tpu.memref_slice %arg3[%multiple_of3A_48, %dma_start3A_51] : memref<325632x128xf32, #tpu.memory_space<hbm>> -> memref<48x128xf32, #tpu.memory_space<hbm>>
    tpu.enqueue_dma source(%dma_start3A_52 : memref<48x128xf32, #tpu.memory_space<hbm>>) target(%arg11 : memref<48x128xf32, #tpu.memory_space<vmem>>) target_semaphore(%arg19 : memref<!tpu.dma_semaphore, #tpu.memory_space<semaphore_mem>>)
    %dma_start3A_53 = arith.constant 96 : i32
    %dma_start3A_54 = tpu.memref_slice %arg7[%dma_start3A_53] : memref<384xi32, #tpu.memory_space<vmem>> -> memref<96xi32, #tpu.memory_space<vmem>>
    %dma_start3A_55 = arith.constant 0 : i32
    %dma_start3A_56 = arith.constant 0 : i32
    %dma_start3A_57 = tpu.memref_slice %arg2[%dma_start3A_55, %dma_start3A_56] : memref<20224x128xf32, #tpu.memory_space<hbm>> -> memref<20224x128xf32, #tpu.memory_space<hbm>>
    tpu.enqueue_indirect_dma source(%dma_start3A_57 : memref<20224x128xf32, #tpu.memory_space<hbm>>) target(%arg10 : memref<96x128xf32, #tpu.memory_space<vmem>>) offsets(%dma_start3A_54 : memref<96xi32, #tpu.memory_space<vmem>>) semaphore(%arg18 : memref<!tpu.dma_semaphore, #tpu.memory_space<semaphore_mem>>)
    %mul3A_58 = arith.constant 10176 : i32
    %mul3A_59 = arith.muli %add3A, %mul3A_58 : i32
    %add3A_60 = arith.constant 48 : i32
    %add3A_61 = arith.addi %mul3A_59, %add3A_60 : i32
    %multiple_of3A_62 = tpu.assume_multiple %add3A_61, 48 : i32
    %dma_start3A_63 = arith.constant 0 : i32
    %dma_start3A_64 = tpu.memref_slice %arg3[%multiple_of3A_62, %dma_start3A_63] : memref<325632x128xf32, #tpu.memory_space<hbm>> -> memref<48x128xf32, #tpu.memory_space<hbm>>
    %dma_start3A_65 = arith.constant 0 : i32
    %dma_start3A_66 = tpu.memref_slice %arg3[%multiple_of3A_62, %dma_start3A_65] : memref<325632x128xf32, #tpu.memory_space<hbm>> -> memref<48x128xf32, #tpu.memory_space<hbm>>
    tpu.enqueue_dma source(%dma_start3A_66 : memref<48x128xf32, #tpu.memory_space<hbm>>) target(%arg12 : memref<48x128xf32, #tpu.memory_space<vmem>>) target_semaphore(%arg20 : memref<!tpu.dma_semaphore, #tpu.memory_space<semaphore_mem>>)
    %mul3A_67 = arith.constant 10176 : i32
    %mul3A_68 = arith.muli %add3A, %mul3A_67 : i32
    %add3A_69 = arith.constant 0 : i32
    %add3A_70 = arith.addi %mul3A_68, %add3A_69 : i32
    %multiple_of3A_71 = tpu.assume_multiple %add3A_70, 48 : i32
    %dma_wait3A = arith.constant 0 : i32
    %dma_wait3A_72 = tpu.memref_slice %arg7[%dma_wait3A] : memref<384xi32, #tpu.memory_space<vmem>> -> memref<96xi32, #tpu.memory_space<vmem>>
    %dma_wait3A_73 = arith.constant 0 : i32
    %dma_wait3A_74 = arith.constant 0 : i32
    %dma_wait3A_75 = tpu.memref_slice %arg2[%dma_wait3A_73, %dma_wait3A_74] : memref<20224x128xf32, #tpu.memory_space<hbm>> -> memref<20224x128xf32, #tpu.memory_space<hbm>>
    tpu.wait_indirect_dma semaphore(%arg17 : memref<!tpu.dma_semaphore, #tpu.memory_space<semaphore_mem>>) src(%dma_wait3A_75 : memref<20224x128xf32, #tpu.memory_space<hbm>>) dst(%arg9 : memref<96x128xf32, #tpu.memory_space<vmem>>)
    %dma_wait3A_76 = arith.constant 0 : i32
    %dma_wait3A_77 = tpu.memref_slice %arg3[%multiple_of3A_71, %dma_wait3A_76] : memref<325632x128xf32, #tpu.memory_space<hbm>> -> memref<48x128xf32, #tpu.memory_space<hbm>>
    %dma_wait3A_78 = arith.constant 0 : i32
    %dma_wait3A_79 = tpu.memref_slice %arg3[%multiple_of3A_71, %dma_wait3A_78] : memref<325632x128xf32, #tpu.memory_space<hbm>> -> memref<48x128xf32, #tpu.memory_space<hbm>>
    tpu.wait_dma2 semaphore(%arg19 : memref<!tpu.dma_semaphore, #tpu.memory_space<semaphore_mem>>) src(%dma_wait3A_79 : memref<48x128xf32, #tpu.memory_space<hbm>>) dst(%arg11 : memref<48x128xf32, #tpu.memory_space<vmem>>)
    %get3A = arith.constant 48 : index
    %get3A_80 = tpu.vector_load %arg7[%get3A] {strides = array<i32>} : memref<384xi32, #tpu.memory_space<vmem>>, vector<16xi32>,
    %get3A_81 = vector.shape_cast %get3A_80 : vector<16xi32> to vector<16xi32>
    %sub3A = arith.constant 10112 : i32
    %sub3A_82 = vector.broadcast %sub3A : i32 to vector<16xi32>
    %sub3A_83 = arith.subi %get3A_81, %sub3A_82 : vector<16xi32>
    %swap3A = arith.constant 0 : index
    %swap3A_84 = tpu.vector_load %arg15[%swap3A] {strides = array<i32>} : memref<48xi32, #tpu.memory_space<vmem>>, vector<16xi32>,
    %swap3A_85 = vector.shape_cast %swap3A_84 : vector<16xi32> to vector<16xi32>
    %swap3A_86 = vector.shape_cast %sub3A_83 : vector<16xi32> to vector<16xi32>
    tpu.vector_store %arg15[%swap3A], %swap3A_86 {strides = array<i32>} : memref<48xi32, #tpu.memory_space<vmem>>, vector<16xi32>,
    %get3A_87 = arith.constant 64 : index
    %get3A_88 = tpu.vector_load %arg7[%get3A_87] {strides = array<i32>} : memref<384xi32, #tpu.memory_space<vmem>>, vector<16xi32>,
    %get3A_89 = vector.shape_cast %get3A_88 : vector<16xi32> to vector<16xi32>
    %sub3A_90 = arith.constant 10112 : i32
    %sub3A_91 = vector.broadcast %sub3A_90 : i32 to vector<16xi32>
    %sub3A_92 = arith.subi %get3A_89, %sub3A_91 : vector<16xi32>
    %swap3A_93 = arith.constant 16 : index
    %swap3A_94 = tpu.vector_load %arg15[%swap3A_93] {strides = array<i32>} : memref<48xi32, #tpu.memory_space<vmem>>, vector<16xi32>,
    %swap3A_95 = vector.shape_cast %swap3A_94 : vector<16xi32> to vector<16xi32>
    %swap3A_96 = vector.shape_cast %sub3A_92 : vector<16xi32> to vector<16xi32>
    tpu.vector_store %arg15[%swap3A_93], %swap3A_96 {strides = array<i32>} : memref<48xi32, #tpu.memory_space<vmem>>, vector<16xi32>,
    %get3A_97 = arith.constant 80 : index
    %get3A_98 = tpu.vector_load %arg7[%get3A_97] {strides = array<i32>} : memref<384xi32, #tpu.memory_space<vmem>>, vector<16xi32>,
    %get3A_99 = vector.shape_cast %get3A_98 : vector<16xi32> to vector<16xi32>
    %sub3A_100 = arith.constant 10112 : i32
    %sub3A_101 = vector.broadcast %sub3A_100 : i32 to vector<16xi32>
    %sub3A_102 = arith.subi %get3A_99, %sub3A_101 : vector<16xi32>
    %swap3A_103 = arith.constant 32 : index
    %swap3A_104 = tpu.vector_load %arg15[%swap3A_103] {strides = array<i32>} : memref<48xi32, #tpu.memory_space<vmem>>, vector<16xi32>,
    %swap3A_105 = vector.shape_cast %swap3A_104 : vector<16xi32> to vector<16xi32>
    %swap3A_106 = vector.shape_cast %sub3A_102 : vector<16xi32> to vector<16xi32>
    tpu.vector_store %arg15[%swap3A_103], %swap3A_106 {strides = array<i32>} : memref<48xi32, #tpu.memory_space<vmem>>, vector<16xi32>,
    %scan3A_107 = arith.constant 0 : i32
    %scan3A_108 = arith.constant 0 : i32
    %scan3A_109 = arith.constant 48 : i32
    %scan3A_110 = arith.addi %scan3A_108, %scan3A_109 : i32
    %scan3A_111 = arith.constant 1 : i32
    scf.for %scan3A_368 = %scan3A_108 to %scan3A_110 step %scan3A_111  : i32 {
      %get3A_369 = arith.index_cast %scan3A_368 : i32 to index
      %get3A_370 = arith.constant 0 : index
      %get3A_371 = tpu.vector_load %arg9[%get3A_369, %get3A_370] {strides = array<i32>} : memref<96x128xf32, #tpu.memory_space<vmem>>, vector<1x16xf32>,
      %get3A_372 = vector.shape_cast %get3A_371 : vector<1x16xf32> to vector<16xf32>
      %add3A_373 = arith.constant 48 : i32
      %add3A_374 = arith.addi %add3A_373, %scan3A_368 : i32
      %get3A_375 = arith.index_cast %add3A_374 : i32 to index
      %get3A_376 = arith.constant 0 : index
      %get3A_377 = tpu.vector_load %arg9[%get3A_375, %get3A_376] {strides = array<i32>} : memref<96x128xf32, #tpu.memory_space<vmem>>, vector<1x16xf32>,
      %get3A_378 = vector.shape_cast %get3A_377 : vector<1x16xf32> to vector<16xf32>
      %add3A_379 = arith.addf %get3A_372, %get3A_378 : vector<16xf32>
      %get3A_380 = arith.index_cast %scan3A_368 : i32 to index
      %get3A_381 = arith.constant 0 : index
      %get3A_382 = tpu.vector_load %arg11[%get3A_380, %get3A_381] {strides = array<i32>} : memref<48x128xf32, #tpu.memory_space<vmem>>, vector<1x16xf32>,
      %get3A_383 = vector.shape_cast %get3A_382 : vector<1x16xf32> to vector<16xf32>
      %add3A_384 = arith.addf %add3A_379, %get3A_383 : vector<16xf32>
      %max3A = arith.constant 0.000000e+00 : f32
      %max3A_385 = vector.broadcast %max3A : f32 to vector<16xf32>
      %max3A_386 = arith.maximumf %add3A_384, %max3A_385 : vector<16xf32>
      %swap3A_387 = arith.index_cast %scan3A_368 : i32 to index
      %swap3A_388 = arith.constant 0 : index
      %swap3A_389 = tpu.vector_load %arg13[%swap3A_387, %swap3A_388] {strides = array<i32>} : memref<48x128xf32, #tpu.memory_space<vmem>>, vector<1x16xf32>,
      %swap3A_390 = vector.shape_cast %swap3A_389 : vector<1x16xf32> to vector<16xf32>
      %swap3A_391 = vector.shape_cast %max3A_386 : vector<16xf32> to vector<1x16xf32>
      tpu.vector_store %arg13[%swap3A_387, %swap3A_388], %swap3A_391 {strides = array<i32>} : memref<48x128xf32, #tpu.memory_space<vmem>>, vector<1x16xf32>,
      %get3A_392 = arith.index_cast %scan3A_368 : i32 to index
      %get3A_393 = arith.constant 16 : index
      %get3A_394 = tpu.vector_load %arg9[%get3A_392, %get3A_393] {strides = array<i32>} : memref<96x128xf32, #tpu.memory_space<vmem>>, vector<1x16xf32>,
      %get3A_395 = vector.shape_cast %get3A_394 : vector<1x16xf32> to vector<16xf32>
      %add3A_396 = arith.constant 48 : i32
      %add3A_397 = arith.addi %add3A_396, %scan3A_368 : i32
      %get3A_398 = arith.index_cast %add3A_397 : i32 to index
      %get3A_399 = arith.constant 16 : index
      %get3A_400 = tpu.vector_load %arg9[%get3A_398, %get3A_399] {strides = array<i32>} : memref<96x128xf32, #tpu.memory_space<vmem>>, vector<1x16xf32>,
      %get3A_401 = vector.shape_cast %get3A_400 : vector<1x16xf32> to vector<16xf32>
      %add3A_402 = arith.addf %get3A_395, %get3A_401 : vector<16xf32>
      %get3A_403 = arith.index_cast %scan3A_368 : i32 to index
      %get3A_404 = arith.constant 16 : index
      %get3A_405 = tpu.vector_load %arg11[%get3A_403, %get3A_404] {strides = array<i32>} : memref<48x128xf32, #tpu.memory_space<vmem>>, vector<1x16xf32>,
      %get3A_406 = vector.shape_cast %get3A_405 : vector<1x16xf32> to vector<16xf32>
      %add3A_407 = arith.addf %add3A_402, %get3A_406 : vector<16xf32>
      %max3A_408 = arith.constant 0.000000e+00 : f32
      %max3A_409 = vector.broadcast %max3A_408 : f32 to vector<16xf32>
      %max3A_410 = arith.maximumf %add3A_407, %max3A_409 : vector<16xf32>
      %swap3A_411 = arith.index_cast %scan3A_368 : i32 to index
      %swap3A_412 = arith.constant 16 : index
      %swap3A_413 = tpu.vector_load %arg13[%swap3A_411, %swap3A_412] {strides = array<i32>} : memref<48x128xf32, #tpu.memory_space<vmem>>, vector<1x16xf32>,
      %swap3A_414 = vector.shape_cast %swap3A_413 : vector<1x16xf32> to vector<16xf32>
      %swap3A_415 = vector.shape_cast %max3A_410 : vector<16xf32> to vector<1x16xf32>
      tpu.vector_store %arg13[%swap3A_411, %swap3A_412], %swap3A_415 {strides = array<i32>} : memref<48x128xf32, #tpu.memory_space<vmem>>, vector<1x16xf32>,
      %get3A_416 = arith.index_cast %scan3A_368 : i32 to index
      %get3A_417 = arith.constant 32 : index
      %get3A_418 = tpu.vector_load %arg9[%get3A_416, %get3A_417] {strides = array<i32>} : memref<96x128xf32, #tpu.memory_space<vmem>>, vector<1x16xf32>,
      %get3A_419 = vector.shape_cast %get3A_418 : vector<1x16xf32> to vector<16xf32>
      %add3A_420 = arith.constant 48 : i32
      %add3A_421 = arith.addi %add3A_420, %scan3A_368 : i32
      %get3A_422 = arith.index_cast %add3A_421 : i32 to index
      %get3A_423 = arith.constant 32 : index
      %get3A_424 = tpu.vector_load %arg9[%get3A_422, %get3A_423] {strides = array<i32>} : memref<96x128xf32, #tpu.memory_space<vmem>>, vector<1x16xf32>,
      %get3A_425 = vector.shape_cast %get3A_424 : vector<1x16xf32> to vector<16xf32>
      %add3A_426 = arith.addf %get3A_419, %get3A_425 : vector<16xf32>
      %get3A_427 = arith.index_cast %scan3A_368 : i32 to index
      %get3A_428 = arith.constant 32 : index
      %get3A_429 = tpu.vector_load %arg11[%get3A_427, %get3A_428] {strides = array<i32>} : memref<48x128xf32, #tpu.memory_space<vmem>>, vector<1x16xf32>,
      %get3A_430 = vector.shape_cast %get3A_429 : vector<1x16xf32> to vector<16xf32>
      %add3A_431 = arith.addf %add3A_426, %get3A_430 : vector<16xf32>
      %max3A_432 = arith.constant 0.000000e+00 : f32
      %max3A_433 = vector.broadcast %max3A_432 : f32 to vector<16xf32>
      %max3A_434 = arith.maximumf %add3A_431, %max3A_433 : vector<16xf32>
      %swap3A_435 = arith.index_cast %scan3A_368 : i32 to index
      %swap3A_436 = arith.constant 32 : index
      %swap3A_437 = tpu.vector_load %arg13[%swap3A_435, %swap3A_436] {strides = array<i32>} : memref<48x128xf32, #tpu.memory_space<vmem>>, vector<1x16xf32>,
      %swap3A_438 = vector.shape_cast %swap3A_437 : vector<1x16xf32> to vector<16xf32>
      %swap3A_439 = vector.shape_cast %max3A_434 : vector<16xf32> to vector<1x16xf32>
      tpu.vector_store %arg13[%swap3A_435, %swap3A_436], %swap3A_439 {strides = array<i32>} : memref<48x128xf32, #tpu.memory_space<vmem>>, vector<1x16xf32>,
      %get3A_440 = arith.index_cast %scan3A_368 : i32 to index
      %get3A_441 = arith.constant 48 : index
      %get3A_442 = tpu.vector_load %arg9[%get3A_440, %get3A_441] {strides = array<i32>} : memref<96x128xf32, #tpu.memory_space<vmem>>, vector<1x16xf32>,
      %get3A_443 = vector.shape_cast %get3A_442 : vector<1x16xf32> to vector<16xf32>
      %add3A_444 = arith.constant 48 : i32
      %add3A_445 = arith.addi %add3A_444, %scan3A_368 : i32
      %get3A_446 = arith.index_cast %add3A_445 : i32 to index
      %get3A_447 = arith.constant 48 : index
      %get3A_448 = tpu.vector_load %arg9[%get3A_446, %get3A_447] {strides = array<i32>} : memref<96x128xf32, #tpu.memory_space<vmem>>, vector<1x16xf32>,
      %get3A_449 = vector.shape_cast %get3A_448 : vector<1x16xf32> to vector<16xf32>
      %add3A_450 = arith.addf %get3A_443, %get3A_449 : vector<16xf32>
      %get3A_451 = arith.index_cast %scan3A_368 : i32 to index
      %get3A_452 = arith.constant 48 : index
      %get3A_453 = tpu.vector_load %arg11[%get3A_451, %get3A_452] {strides = array<i32>} : memref<48x128xf32, #tpu.memory_space<vmem>>, vector<1x16xf32>,
      %get3A_454 = vector.shape_cast %get3A_453 : vector<1x16xf32> to vector<16xf32>
      %add3A_455 = arith.addf %add3A_450, %get3A_454 : vector<16xf32>
      %max3A_456 = arith.constant 0.000000e+00 : f32
      %max3A_457 = vector.broadcast %max3A_456 : f32 to vector<16xf32>
      %max3A_458 = arith.maximumf %add3A_455, %max3A_457 : vector<16xf32>
      %swap3A_459 = arith.index_cast %scan3A_368 : i32 to index
      %swap3A_460 = arith.constant 48 : index
      %swap3A_461 = tpu.vector_load %arg13[%swap3A_459, %swap3A_460] {strides = array<i32>} : memref<48x128xf32, #tpu.memory_space<vmem>>, vector<1x16xf32>,
      %swap3A_462 = vector.shape_cast %swap3A_461 : vector<1x16xf32> to vector<16xf32>
      %swap3A_463 = vector.shape_cast %max3A_458 : vector<16xf32> to vector<1x16xf32>
      tpu.vector_store %arg13[%swap3A_459, %swap3A_460], %swap3A_463 {strides = array<i32>} : memref<48x128xf32, #tpu.memory_space<vmem>>, vector<1x16xf32>,
      %get3A_464 = arith.index_cast %scan3A_368 : i32 to index
      %get3A_465 = arith.constant 64 : index
      %get3A_466 = tpu.vector_load %arg9[%get3A_464, %get3A_465] {strides = array<i32>} : memref<96x128xf32, #tpu.memory_space<vmem>>, vector<1x16xf32>,
      %get3A_467 = vector.shape_cast %get3A_466 : vector<1x16xf32> to vector<16xf32>
      %add3A_468 = arith.constant 48 : i32
      %add3A_469 = arith.addi %add3A_468, %scan3A_368 : i32
      %get3A_470 = arith.index_cast %add3A_469 : i32 to index
      %get3A_471 = arith.constant 64 : index
      %get3A_472 = tpu.vector_load %arg9[%get3A_470, %get3A_471] {strides = array<i32>} : memref<96x128xf32, #tpu.memory_space<vmem>>, vector<1x16xf32>,
      %get3A_473 = vector.shape_cast %get3A_472 : vector<1x16xf32> to vector<16xf32>
      %add3A_474 = arith.addf %get3A_467, %get3A_473 : vector<16xf32>
      %get3A_475 = arith.index_cast %scan3A_368 : i32 to index
      %get3A_476 = arith.constant 64 : index
      %get3A_477 = tpu.vector_load %arg11[%get3A_475, %get3A_476] {strides = array<i32>} : memref<48x128xf32, #tpu.memory_space<vmem>>, vector<1x16xf32>,
      %get3A_478 = vector.shape_cast %get3A_477 : vector<1x16xf32> to vector<16xf32>
      %add3A_479 = arith.addf %add3A_474, %get3A_478 : vector<16xf32>
      %max3A_480 = arith.constant 0.000000e+00 : f32
      %max3A_481 = vector.broadcast %max3A_480 : f32 to vector<16xf32>
      %max3A_482 = arith.maximumf %add3A_479, %max3A_481 : vector<16xf32>
      %swap3A_483 = arith.index_cast %scan3A_368 : i32 to index
      %swap3A_484 = arith.constant 64 : index
      %swap3A_485 = tpu.vector_load %arg13[%swap3A_483, %swap3A_484] {strides = array<i32>} : memref<48x128xf32, #tpu.memory_space<vmem>>, vector<1x16xf32>,
      %swap3A_486 = vector.shape_cast %swap3A_485 : vector<1x16xf32> to vector<16xf32>
      %swap3A_487 = vector.shape_cast %max3A_482 : vector<16xf32> to vector<1x16xf32>
      tpu.vector_store %arg13[%swap3A_483, %swap3A_484], %swap3A_487 {strides = array<i32>} : memref<48x128xf32, #tpu.memory_space<vmem>>, vector<1x16xf32>,
      %get3A_488 = arith.index_cast %scan3A_368 : i32 to index
      %get3A_489 = arith.constant 80 : index
      %get3A_490 = tpu.vector_load %arg9[%get3A_488, %get3A_489] {strides = array<i32>} : memref<96x128xf32, #tpu.memory_space<vmem>>, vector<1x16xf32>,
      %get3A_491 = vector.shape_cast %get3A_490 : vector<1x16xf32> to vector<16xf32>
      %add3A_492 = arith.constant 48 : i32
      %add3A_493 = arith.addi %add3A_492, %scan3A_368 : i32
      %get3A_494 = arith.index_cast %add3A_493 : i32 to index
      %get3A_495 = arith.constant 80 : index
      %get3A_496 = tpu.vector_load %arg9[%get3A_494, %get3A_495] {strides = array<i32>} : memref<96x128xf32, #tpu.memory_space<vmem>>, vector<1x16xf32>,
      %get3A_497 = vector.shape_cast %get3A_496 : vector<1x16xf32> to vector<16xf32>
      %add3A_498 = arith.addf %get3A_491, %get3A_497 : vector<16xf32>
      %get3A_499 = arith.index_cast %scan3A_368 : i32 to index
      %get3A_500 = arith.constant 80 : index
      %get3A_501 = tpu.vector_load %arg11[%get3A_499, %get3A_500] {strides = array<i32>} : memref<48x128xf32, #tpu.memory_space<vmem>>, vector<1x16xf32>,
      %get3A_502 = vector.shape_cast %get3A_501 : vector<1x16xf32> to vector<16xf32>
      %add3A_503 = arith.addf %add3A_498, %get3A_502 : vector<16xf32>
      %max3A_504 = arith.constant 0.000000e+00 : f32
      %max3A_505 = vector.broadcast %max3A_504 : f32 to vector<16xf32>
      %max3A_506 = arith.maximumf %add3A_503, %max3A_505 : vector<16xf32>
      %swap3A_507 = arith.index_cast %scan3A_368 : i32 to index
      %swap3A_508 = arith.constant 80 : index
      %swap3A_509 = tpu.vector_load %arg13[%swap3A_507, %swap3A_508] {strides = array<i32>} : memref<48x128xf32, #tpu.memory_space<vmem>>, vector<1x16xf32>,
      %swap3A_510 = vector.shape_cast %swap3A_509 : vector<1x16xf32> to vector<16xf32>
      %swap3A_511 = vector.shape_cast %max3A_506 : vector<16xf32> to vector<1x16xf32>
      tpu.vector_store %arg13[%swap3A_507, %swap3A_508], %swap3A_511 {strides = array<i32>} : memref<48x128xf32, #tpu.memory_space<vmem>>, vector<1x16xf32>,
      %get3A_512 = arith.index_cast %scan3A_368 : i32 to index
      %get3A_513 = arith.constant 96 : index
      %get3A_514 = tpu.vector_load %arg9[%get3A_512, %get3A_513] {strides = array<i32>} : memref<96x128xf32, #tpu.memory_space<vmem>>, vector<1x16xf32>,
      %get3A_515 = vector.shape_cast %get3A_514 : vector<1x16xf32> to vector<16xf32>
      %add3A_516 = arith.constant 48 : i32
      %add3A_517 = arith.addi %add3A_516, %scan3A_368 : i32
      %get3A_518 = arith.index_cast %add3A_517 : i32 to index
      %get3A_519 = arith.constant 96 : index
      %get3A_520 = tpu.vector_load %arg9[%get3A_518, %get3A_519] {strides = array<i32>} : memref<96x128xf32, #tpu.memory_space<vmem>>, vector<1x16xf32>,
      %get3A_521 = vector.shape_cast %get3A_520 : vector<1x16xf32> to vector<16xf32>
      %add3A_522 = arith.addf %get3A_515, %get3A_521 : vector<16xf32>
      %get3A_523 = arith.index_cast %scan3A_368 : i32 to index
      %get3A_524 = arith.constant 96 : index
      %get3A_525 = tpu.vector_load %arg11[%get3A_523, %get3A_524] {strides = array<i32>} : memref<48x128xf32, #tpu.memory_space<vmem>>, vector<1x16xf32>,
      %get3A_526 = vector.shape_cast %get3A_525 : vector<1x16xf32> to vector<16xf32>
      %add3A_527 = arith.addf %add3A_522, %get3A_526 : vector<16xf32>
      %max3A_528 = arith.constant 0.000000e+00 : f32
      %max3A_529 = vector.broadcast %max3A_528 : f32 to vector<16xf32>
      %max3A_530 = arith.maximumf %add3A_527, %max3A_529 : vector<16xf32>
      %swap3A_531 = arith.index_cast %scan3A_368 : i32 to index
      %swap3A_532 = arith.constant 96 : index
      %swap3A_533 = tpu.vector_load %arg13[%swap3A_531, %swap3A_532] {strides = array<i32>} : memref<48x128xf32, #tpu.memory_space<vmem>>, vector<1x16xf32>,
      %swap3A_534 = vector.shape_cast %swap3A_533 : vector<1x16xf32> to vector<16xf32>
      %swap3A_535 = vector.shape_cast %max3A_530 : vector<16xf32> to vector<1x16xf32>
      tpu.vector_store %arg13[%swap3A_531, %swap3A_532], %swap3A_535 {strides = array<i32>} : memref<48x128xf32, #tpu.memory_space<vmem>>, vector<1x16xf32>,
      %get3A_536 = arith.index_cast %scan3A_368 : i32 to index
      %get3A_537 = arith.constant 112 : index
      %get3A_538 = tpu.vector_load %arg9[%get3A_536, %get3A_537] {strides = array<i32>} : memref<96x128xf32, #tpu.memory_space<vmem>>, vector<1x16xf32>,
      %get3A_539 = vector.shape_cast %get3A_538 : vector<1x16xf32> to vector<16xf32>
      %add3A_540 = arith.constant 48 : i32
      %add3A_541 = arith.addi %add3A_540, %scan3A_368 : i32
      %get3A_542 = arith.index_cast %add3A_541 : i32 to index
      %get3A_543 = arith.constant 112 : index
      %get3A_544 = tpu.vector_load %arg9[%get3A_542, %get3A_543] {strides = array<i32>} : memref<96x128xf32, #tpu.memory_space<vmem>>, vector<1x16xf32>,
      %get3A_545 = vector.shape_cast %get3A_544 : vector<1x16xf32> to vector<16xf32>
      %add3A_546 = arith.addf %get3A_539, %get3A_545 : vector<16xf32>
      %get3A_547 = arith.index_cast %scan3A_368 : i32 to index
      %get3A_548 = arith.constant 112 : index
      %get3A_549 = tpu.vector_load %arg11[%get3A_547, %get3A_548] {strides = array<i32>} : memref<48x128xf32, #tpu.memory_space<vmem>>, vector<1x16xf32>,
      %get3A_550 = vector.shape_cast %get3A_549 : vector<1x16xf32> to vector<16xf32>
      %add3A_551 = arith.addf %add3A_546, %get3A_550 : vector<16xf32>
      %max3A_552 = arith.constant 0.000000e+00 : f32
      %max3A_553 = vector.broadcast %max3A_552 : f32 to vector<16xf32>
      %max3A_554 = arith.maximumf %add3A_551, %max3A_553 : vector<16xf32>
      %swap3A_555 = arith.index_cast %scan3A_368 : i32 to index
      %swap3A_556 = arith.constant 112 : index
      %swap3A_557 = tpu.vector_load %arg13[%swap3A_555, %swap3A_556] {strides = array<i32>} : memref<48x128xf32, #tpu.memory_space<vmem>>, vector<1x16xf32>,
      %swap3A_558 = vector.shape_cast %swap3A_557 : vector<1x16xf32> to vector<16xf32>
      %swap3A_559 = vector.shape_cast %max3A_554 : vector<16xf32> to vector<1x16xf32>
      tpu.vector_store %arg13[%swap3A_555, %swap3A_556], %swap3A_559 {strides = array<i32>} : memref<48x128xf32, #tpu.memory_space<vmem>>, vector<1x16xf32>,
    }
    %scan3A_112 = arith.constant 48 : i32
    %dma_start3A_113 = arith.constant 0 : i32
    %dma_start3A_114 = arith.constant 0 : i32
    %dma_start3A_115 = tpu.memref_slice %arg6[%dma_start3A_113, %dma_start3A_114] : memref<10112x128xf32, #tpu.memory_space<vmem_shared>> -> memref<10112x128xf32, #tpu.memory_space<vmem_shared>>
    tpu.enqueue_indirect_dma source(%arg13 : memref<48x128xf32, #tpu.memory_space<vmem>>) target(%dma_start3A_115 : memref<10112x128xf32, #tpu.memory_space<vmem_shared>>) offsets(%arg15 : memref<48xi32, #tpu.memory_space<vmem>>) semaphore(%arg21 : memref<!tpu.dma_semaphore, #tpu.memory_space<semaphore_mem>>) {add = true}
    %dma_start3A_116 = arith.constant 192 : i32
    %dma_start3A_117 = tpu.memref_slice %arg7[%dma_start3A_116] : memref<384xi32, #tpu.memory_space<vmem>> -> memref<96xi32, #tpu.memory_space<vmem>>
    %dma_start3A_118 = arith.constant 0 : i32
    %dma_start3A_119 = arith.constant 0 : i32
    %dma_start3A_120 = tpu.memref_slice %arg2[%dma_start3A_118, %dma_start3A_119] : memref<20224x128xf32, #tpu.memory_space<hbm>> -> memref<20224x128xf32, #tpu.memory_space<hbm>>
    tpu.enqueue_indirect_dma source(%dma_start3A_120 : memref<20224x128xf32, #tpu.memory_space<hbm>>) target(%arg9 : memref<96x128xf32, #tpu.memory_space<vmem>>) offsets(%dma_start3A_117 : memref<96xi32, #tpu.memory_space<vmem>>) semaphore(%arg17 : memref<!tpu.dma_semaphore, #tpu.memory_space<semaphore_mem>>)
    %mul3A_121 = arith.constant 10176 : i32
    %mul3A_122 = arith.muli %add3A, %mul3A_121 : i32
    %add3A_123 = arith.constant 96 : i32
    %add3A_124 = arith.addi %mul3A_122, %add3A_123 : i32
    %multiple_of3A_125 = tpu.assume_multiple %add3A_124, 48 : i32
    %dma_start3A_126 = arith.constant 0 : i32
    %dma_start3A_127 = tpu.memref_slice %arg3[%multiple_of3A_125, %dma_start3A_126] : memref<325632x128xf32, #tpu.memory_space<hbm>> -> memref<48x128xf32, #tpu.memory_space<hbm>>
    %dma_start3A_128 = arith.constant 0 : i32
    %dma_start3A_129 = tpu.memref_slice %arg3[%multiple_of3A_125, %dma_start3A_128] : memref<325632x128xf32, #tpu.memory_space<hbm>> -> memref<48x128xf32, #tpu.memory_space<hbm>>
    tpu.enqueue_dma source(%dma_start3A_129 : memref<48x128xf32, #tpu.memory_space<hbm>>) target(%arg11 : memref<48x128xf32, #tpu.memory_space<vmem>>) target_semaphore(%arg19 : memref<!tpu.dma_semaphore, #tpu.memory_space<semaphore_mem>>)
    %mul3A_130 = arith.constant 10176 : i32
    %mul3A_131 = arith.muli %add3A, %mul3A_130 : i32
    %add3A_132 = arith.constant 48 : i32
    %add3A_133 = arith.addi %mul3A_131, %add3A_132 : i32
    %multiple_of3A_134 = tpu.assume_multiple %add3A_133, 48 : i32
    %dma_wait3A_135 = arith.constant 96 : i32
    %dma_wait3A_136 = tpu.memref_slice %arg7[%dma_wait3A_135] : memref<384xi32, #tpu.memory_space<vmem>> -> memref<96xi32, #tpu.memory_space<vmem>>
    %dma_wait3A_137 = arith.constant 0 : i32
    %dma_wait3A_138 = arith.constant 0 : i32
    %dma_wait3A_139 = tpu.memref_slice %arg2[%dma_wait3A_137, %dma_wait3A_138] : memref<20224x128xf32, #tpu.memory_space<hbm>> -> memref<20224x128xf32, #tpu.memory_space<hbm>>
    tpu.wait_indirect_dma semaphore(%arg18 : memref<!tpu.dma_semaphore, #tpu.memory_space<semaphore_mem>>) src(%dma_wait3A_139 : memref<20224x128xf32, #tpu.memory_space<hbm>>) dst(%arg10 : memref<96x128xf32, #tpu.memory_space<vmem>>)
    %dma_wait3A_140 = arith.constant 0 : i32
    %dma_wait3A_141 = tpu.memref_slice %arg3[%multiple_of3A_134, %dma_wait3A_140] : memref<325632x128xf32, #tpu.memory_space<hbm>> -> memref<48x128xf32, #tpu.memory_space<hbm>>
    %dma_wait3A_142 = arith.constant 0 : i32
    %dma_wait3A_143 = tpu.memref_slice %arg3[%multiple_of3A_134, %dma_wait3A_142] : memref<325632x128xf32, #tpu.memory_space<hbm>> -> memref<48x128xf32, #tpu.memory_space<hbm>>
    tpu.wait_dma2 semaphore(%arg20 : memref<!tpu.dma_semaphore, #tpu.memory_space<semaphore_mem>>) src(%dma_wait3A_143 : memref<48x128xf32, #tpu.memory_space<hbm>>) dst(%arg12 : memref<48x128xf32, #tpu.memory_space<vmem>>)
    %get3A_144 = arith.constant 144 : index
    %get3A_145 = tpu.vector_load %arg7[%get3A_144] {strides = array<i32>} : memref<384xi32, #tpu.memory_space<vmem>>, vector<16xi32>,
    %get3A_146 = vector.shape_cast %get3A_145 : vector<16xi32> to vector<16xi32>
    %sub3A_147 = arith.constant 10112 : i32
    %sub3A_148 = vector.broadcast %sub3A_147 : i32 to vector<16xi32>
    %sub3A_149 = arith.subi %get3A_146, %sub3A_148 : vector<16xi32>
    %swap3A_150 = arith.constant 0 : index
    %swap3A_151 = tpu.vector_load %arg16[%swap3A_150] {strides = array<i32>} : memref<48xi32, #tpu.memory_space<vmem>>, vector<16xi32>,
    %swap3A_152 = vector.shape_cast %swap3A_151 : vector<16xi32> to vector<16xi32>
    %swap3A_153 = vector.shape_cast %sub3A_149 : vector<16xi32> to vector<16xi32>
    tpu.vector_store %arg16[%swap3A_150], %swap3A_153 {strides = array<i32>} : memref<48xi32, #tpu.memory_space<vmem>>, vector<16xi32>,
    %get3A_154 = arith.constant 160 : index
    %get3A_155 = tpu.vector_load %arg7[%get3A_154] {strides = array<i32>} : memref<384xi32, #tpu.memory_space<vmem>>, vector<16xi32>,
    %get3A_156 = vector.shape_cast %get3A_155 : vector<16xi32> to vector<16xi32>
    %sub3A_157 = arith.constant 10112 : i32
    %sub3A_158 = vector.broadcast %sub3A_157 : i32 to vector<16xi32>
    %sub3A_159 = arith.subi %get3A_156, %sub3A_158 : vector<16xi32>
    %swap3A_160 = arith.constant 16 : index
    %swap3A_161 = tpu.vector_load %arg16[%swap3A_160] {strides = array<i32>} : memref<48xi32, #tpu.memory_space<vmem>>, vector<16xi32>,
    %swap3A_162 = vector.shape_cast %swap3A_161 : vector<16xi32> to vector<16xi32>
    %swap3A_163 = vector.shape_cast %sub3A_159 : vector<16xi32> to vector<16xi32>
    tpu.vector_store %arg16[%swap3A_160], %swap3A_163 {strides = array<i32>} : memref<48xi32, #tpu.memory_space<vmem>>, vector<16xi32>,
    %get3A_164 = arith.constant 176 : index
    %get3A_165 = tpu.vector_load %arg7[%get3A_164] {strides = array<i32>} : memref<384xi32, #tpu.memory_space<vmem>>, vector<16xi32>,
    %get3A_166 = vector.shape_cast %get3A_165 : vector<16xi32> to vector<16xi32>
    %sub3A_167 = arith.constant 10112 : i32
    %sub3A_168 = vector.broadcast %sub3A_167 : i32 to vector<16xi32>
    %sub3A_169 = arith.subi %get3A_166, %sub3A_168 : vector<16xi32>
    %swap3A_170 = arith.constant 32 : index
    %swap3A_171 = tpu.vector_load %arg16[%swap3A_170] {strides = array<i32>} : memref<48xi32, #tpu.memory_space<vmem>>, vector<16xi32>,
    %swap3A_172 = vector.shape_cast %swap3A_171 : vector<16xi32> to vector<16xi32>
    %swap3A_173 = vector.shape_cast %sub3A_169 : vector<16xi32> to vector<16xi32>
    tpu.vector_store %arg16[%swap3A_170], %swap3A_173 {strides = array<i32>} : memref<48xi32, #tpu.memory_space<vmem>>, vector<16xi32>,
    %scan3A_174 = arith.constant 0 : i32
    %scan3A_175 = arith.constant 0 : i32
    %scan3A_176 = arith.constant 48 : i32
    %scan3A_177 = arith.addi %scan3A_175, %scan3A_176 : i32
    %scan3A_178 = arith.constant 1 : i32
    scf.for %scan3A_368 = %scan3A_175 to %scan3A_177 step %scan3A_178  : i32 {
      %get3A_369 = arith.index_cast %scan3A_368 : i32 to index
      %get3A_370 = arith.constant 0 : index
      %get3A_371 = tpu.vector_load %arg10[%get3A_369, %get3A_370] {strides = array<i32>} : memref<96x128xf32, #tpu.memory_space<vmem>>, vector<1x16xf32>,
      %get3A_372 = vector.shape_cast %get3A_371 : vector<1x16xf32> to vector<16xf32>
      %add3A_373 = arith.constant 48 : i32
      %add3A_374 = arith.addi %add3A_373, %scan3A_368 : i32
      %get3A_375 = arith.index_cast %add3A_374 : i32 to index
      %get3A_376 = arith.constant 0 : index
      %get3A_377 = tpu.vector_load %arg10[%get3A_375, %get3A_376] {strides = array<i32>} : memref<96x128xf32, #tpu.memory_space<vmem>>, vector<1x16xf32>,
      %get3A_378 = vector.shape_cast %get3A_377 : vector<1x16xf32> to vector<16xf32>
      %add3A_379 = arith.addf %get3A_372, %get3A_378 : vector<16xf32>
      %get3A_380 = arith.index_cast %scan3A_368 : i32 to index
      %get3A_381 = arith.constant 0 : index
      %get3A_382 = tpu.vector_load %arg12[%get3A_380, %get3A_381] {strides = array<i32>} : memref<48x128xf32, #tpu.memory_space<vmem>>, vector<1x16xf32>,
      %get3A_383 = vector.shape_cast %get3A_382 : vector<1x16xf32> to vector<16xf32>
      %add3A_384 = arith.addf %add3A_379, %get3A_383 : vector<16xf32>
      %max3A = arith.constant 0.000000e+00 : f32
      %max3A_385 = vector.broadcast %max3A : f32 to vector<16xf32>
      %max3A_386 = arith.maximumf %add3A_384, %max3A_385 : vector<16xf32>
      %swap3A_387 = arith.index_cast %scan3A_368 : i32 to index
      %swap3A_388 = arith.constant 0 : index
      %swap3A_389 = tpu.vector_load %arg14[%swap3A_387, %swap3A_388] {strides = array<i32>} : memref<48x128xf32, #tpu.memory_space<vmem>>, vector<1x16xf32>,
      %swap3A_390 = vector.shape_cast %swap3A_389 : vector<1x16xf32> to vector<16xf32>
      %swap3A_391 = vector.shape_cast %max3A_386 : vector<16xf32> to vector<1x16xf32>
      tpu.vector_store %arg14[%swap3A_387, %swap3A_388], %swap3A_391 {strides = array<i32>} : memref<48x128xf32, #tpu.memory_space<vmem>>, vector<1x16xf32>,
      %get3A_392 = arith.index_cast %scan3A_368 : i32 to index
      %get3A_393 = arith.constant 16 : index
      %get3A_394 = tpu.vector_load %arg10[%get3A_392, %get3A_393] {strides = array<i32>} : memref<96x128xf32, #tpu.memory_space<vmem>>, vector<1x16xf32>,
      %get3A_395 = vector.shape_cast %get3A_394 : vector<1x16xf32> to vector<16xf32>
      %add3A_396 = arith.constant 48 : i32
      %add3A_397 = arith.addi %add3A_396, %scan3A_368 : i32
      %get3A_398 = arith.index_cast %add3A_397 : i32 to index
      %get3A_399 = arith.constant 16 : index
      %get3A_400 = tpu.vector_load %arg10[%get3A_398, %get3A_399] {strides = array<i32>} : memref<96x128xf32, #tpu.memory_space<vmem>>, vector<1x16xf32>,
      %get3A_401 = vector.shape_cast %get3A_400 : vector<1x16xf32> to vector<16xf32>
      %add3A_402 = arith.addf %get3A_395, %get3A_401 : vector<16xf32>
      %get3A_403 = arith.index_cast %scan3A_368 : i32 to index
      %get3A_404 = arith.constant 16 : index
      %get3A_405 = tpu.vector_load %arg12[%get3A_403, %get3A_404] {strides = array<i32>} : memref<48x128xf32, #tpu.memory_space<vmem>>, vector<1x16xf32>,
      %get3A_406 = vector.shape_cast %get3A_405 : vector<1x16xf32> to vector<16xf32>
      %add3A_407 = arith.addf %add3A_402, %get3A_406 : vector<16xf32>
      %max3A_408 = arith.constant 0.000000e+00 : f32
      %max3A_409 = vector.broadcast %max3A_408 : f32 to vector<16xf32>
      %max3A_410 = arith.maximumf %add3A_407, %max3A_409 : vector<16xf32>
      %swap3A_411 = arith.index_cast %scan3A_368 : i32 to index
      %swap3A_412 = arith.constant 16 : index
      %swap3A_413 = tpu.vector_load %arg14[%swap3A_411, %swap3A_412] {strides = array<i32>} : memref<48x128xf32, #tpu.memory_space<vmem>>, vector<1x16xf32>,
      %swap3A_414 = vector.shape_cast %swap3A_413 : vector<1x16xf32> to vector<16xf32>
      %swap3A_415 = vector.shape_cast %max3A_410 : vector<16xf32> to vector<1x16xf32>
      tpu.vector_store %arg14[%swap3A_411, %swap3A_412], %swap3A_415 {strides = array<i32>} : memref<48x128xf32, #tpu.memory_space<vmem>>, vector<1x16xf32>,
      %get3A_416 = arith.index_cast %scan3A_368 : i32 to index
      %get3A_417 = arith.constant 32 : index
      %get3A_418 = tpu.vector_load %arg10[%get3A_416, %get3A_417] {strides = array<i32>} : memref<96x128xf32, #tpu.memory_space<vmem>>, vector<1x16xf32>,
      %get3A_419 = vector.shape_cast %get3A_418 : vector<1x16xf32> to vector<16xf32>
      %add3A_420 = arith.constant 48 : i32
      %add3A_421 = arith.addi %add3A_420, %scan3A_368 : i32
      %get3A_422 = arith.index_cast %add3A_421 : i32 to index
      %get3A_423 = arith.constant 32 : index
      %get3A_424 = tpu.vector_load %arg10[%get3A_422, %get3A_423] {strides = array<i32>} : memref<96x128xf32, #tpu.memory_space<vmem>>, vector<1x16xf32>,
      %get3A_425 = vector.shape_cast %get3A_424 : vector<1x16xf32> to vector<16xf32>
      %add3A_426 = arith.addf %get3A_419, %get3A_425 : vector<16xf32>
      %get3A_427 = arith.index_cast %scan3A_368 : i32 to index
      %get3A_428 = arith.constant 32 : index
      %get3A_429 = tpu.vector_load %arg12[%get3A_427, %get3A_428] {strides = array<i32>} : memref<48x128xf32, #tpu.memory_space<vmem>>, vector<1x16xf32>,
      %get3A_430 = vector.shape_cast %get3A_429 : vector<1x16xf32> to vector<16xf32>
      %add3A_431 = arith.addf %add3A_426, %get3A_430 : vector<16xf32>
      %max3A_432 = arith.constant 0.000000e+00 : f32
      %max3A_433 = vector.broadcast %max3A_432 : f32 to vector<16xf32>
      %max3A_434 = arith.maximumf %add3A_431, %max3A_433 : vector<16xf32>
      %swap3A_435 = arith.index_cast %scan3A_368 : i32 to index
      %swap3A_436 = arith.constant 32 : index
      %swap3A_437 = tpu.vector_load %arg14[%swap3A_435, %swap3A_436] {strides = array<i32>} : memref<48x128xf32, #tpu.memory_space<vmem>>, vector<1x16xf32>,
      %swap3A_438 = vector.shape_cast %swap3A_437 : vector<1x16xf32> to vector<16xf32>
      %swap3A_439 = vector.shape_cast %max3A_434 : vector<16xf32> to vector<1x16xf32>
      tpu.vector_store %arg14[%swap3A_435, %swap3A_436], %swap3A_439 {strides = array<i32>} : memref<48x128xf32, #tpu.memory_space<vmem>>, vector<1x16xf32>,
      %get3A_440 = arith.index_cast %scan3A_368 : i32 to index
      %get3A_441 = arith.constant 48 : index
      %get3A_442 = tpu.vector_load %arg10[%get3A_440, %get3A_441] {strides = array<i32>} : memref<96x128xf32, #tpu.memory_space<vmem>>, vector<1x16xf32>,
      %get3A_443 = vector.shape_cast %get3A_442 : vector<1x16xf32> to vector<16xf32>
      %add3A_444 = arith.constant 48 : i32
      %add3A_445 = arith.addi %add3A_444, %scan3A_368 : i32
      %get3A_446 = arith.index_cast %add3A_445 : i32 to index
      %get3A_447 = arith.constant 48 : index
      %get3A_448 = tpu.vector_load %arg10[%get3A_446, %get3A_447] {strides = array<i32>} : memref<96x128xf32, #tpu.memory_space<vmem>>, vector<1x16xf32>,
      %get3A_449 = vector.shape_cast %get3A_448 : vector<1x16xf32> to vector<16xf32>
      %add3A_450 = arith.addf %get3A_443, %get3A_449 : vector<16xf32>
      %get3A_451 = arith.index_cast %scan3A_368 : i32 to index
      %get3A_452 = arith.constant 48 : index
      %get3A_453 = tpu.vector_load %arg12[%get3A_451, %get3A_452] {strides = array<i32>} : memref<48x128xf32, #tpu.memory_space<vmem>>, vector<1x16xf32>,
      %get3A_454 = vector.shape_cast %get3A_453 : vector<1x16xf32> to vector<16xf32>
      %add3A_455 = arith.addf %add3A_450, %get3A_454 : vector<16xf32>
      %max3A_456 = arith.constant 0.000000e+00 : f32
      %max3A_457 = vector.broadcast %max3A_456 : f32 to vector<16xf32>
      %max3A_458 = arith.maximumf %add3A_455, %max3A_457 : vector<16xf32>
      %swap3A_459 = arith.index_cast %scan3A_368 : i32 to index
      %swap3A_460 = arith.constant 48 : index
      %swap3A_461 = tpu.vector_load %arg14[%swap3A_459, %swap3A_460] {strides = array<i32>} : memref<48x128xf32, #tpu.memory_space<vmem>>, vector<1x16xf32>,
      %swap3A_462 = vector.shape_cast %swap3A_461 : vector<1x16xf32> to vector<16xf32>
      %swap3A_463 = vector.shape_cast %max3A_458 : vector<16xf32> to vector<1x16xf32>
      tpu.vector_store %arg14[%swap3A_459, %swap3A_460], %swap3A_463 {strides = array<i32>} : memref<48x128xf32, #tpu.memory_space<vmem>>, vector<1x16xf32>,
      %get3A_464 = arith.index_cast %scan3A_368 : i32 to index
      %get3A_465 = arith.constant 64 : index
      %get3A_466 = tpu.vector_load %arg10[%get3A_464, %get3A_465] {strides = array<i32>} : memref<96x128xf32, #tpu.memory_space<vmem>>, vector<1x16xf32>,
      %get3A_467 = vector.shape_cast %get3A_466 : vector<1x16xf32> to vector<16xf32>
      %add3A_468 = arith.constant 48 : i32
      %add3A_469 = arith.addi %add3A_468, %scan3A_368 : i32
      %get3A_470 = arith.index_cast %add3A_469 : i32 to index
      %get3A_471 = arith.constant 64 : index
      %get3A_472 = tpu.vector_load %arg10[%get3A_470, %get3A_471] {strides = array<i32>} : memref<96x128xf32, #tpu.memory_space<vmem>>, vector<1x16xf32>,
      %get3A_473 = vector.shape_cast %get3A_472 : vector<1x16xf32> to vector<16xf32>
      %add3A_474 = arith.addf %get3A_467, %get3A_473 : vector<16xf32>
      %get3A_475 = arith.index_cast %scan3A_368 : i32 to index
      %get3A_476 = arith.constant 64 : index
      %get3A_477 = tpu.vector_load %arg12[%get3A_475, %get3A_476] {strides = array<i32>} : memref<48x128xf32, #tpu.memory_space<vmem>>, vector<1x16xf32>,
      %get3A_478 = vector.shape_cast %get3A_477 : vector<1x16xf32> to vector<16xf32>
      %add3A_479 = arith.addf %add3A_474, %get3A_478 : vector<16xf32>
      %max3A_480 = arith.constant 0.000000e+00 : f32
      %max3A_481 = vector.broadcast %max3A_480 : f32 to vector<16xf32>
      %max3A_482 = arith.maximumf %add3A_479, %max3A_481 : vector<16xf32>
      %swap3A_483 = arith.index_cast %scan3A_368 : i32 to index
      %swap3A_484 = arith.constant 64 : index
      %swap3A_485 = tpu.vector_load %arg14[%swap3A_483, %swap3A_484] {strides = array<i32>} : memref<48x128xf32, #tpu.memory_space<vmem>>, vector<1x16xf32>,
      %swap3A_486 = vector.shape_cast %swap3A_485 : vector<1x16xf32> to vector<16xf32>
      %swap3A_487 = vector.shape_cast %max3A_482 : vector<16xf32> to vector<1x16xf32>
      tpu.vector_store %arg14[%swap3A_483, %swap3A_484], %swap3A_487 {strides = array<i32>} : memref<48x128xf32, #tpu.memory_space<vmem>>, vector<1x16xf32>,
      %get3A_488 = arith.index_cast %scan3A_368 : i32 to index
      %get3A_489 = arith.constant 80 : index
      %get3A_490 = tpu.vector_load %arg10[%get3A_488, %get3A_489] {strides = array<i32>} : memref<96x128xf32, #tpu.memory_space<vmem>>, vector<1x16xf32>,
      %get3A_491 = vector.shape_cast %get3A_490 : vector<1x16xf32> to vector<16xf32>
      %add3A_492 = arith.constant 48 : i32
      %add3A_493 = arith.addi %add3A_492, %scan3A_368 : i32
      %get3A_494 = arith.index_cast %add3A_493 : i32 to index
      %get3A_495 = arith.constant 80 : index
      %get3A_496 = tpu.vector_load %arg10[%get3A_494, %get3A_495] {strides = array<i32>} : memref<96x128xf32, #tpu.memory_space<vmem>>, vector<1x16xf32>,
      %get3A_497 = vector.shape_cast %get3A_496 : vector<1x16xf32> to vector<16xf32>
      %add3A_498 = arith.addf %get3A_491, %get3A_497 : vector<16xf32>
      %get3A_499 = arith.index_cast %scan3A_368 : i32 to index
      %get3A_500 = arith.constant 80 : index
      %get3A_501 = tpu.vector_load %arg12[%get3A_499, %get3A_500] {strides = array<i32>} : memref<48x128xf32, #tpu.memory_space<vmem>>, vector<1x16xf32>,
      %get3A_502 = vector.shape_cast %get3A_501 : vector<1x16xf32> to vector<16xf32>
      %add3A_503 = arith.addf %add3A_498, %get3A_502 : vector<16xf32>
      %max3A_504 = arith.constant 0.000000e+00 : f32
      %max3A_505 = vector.broadcast %max3A_504 : f32 to vector<16xf32>
      %max3A_506 = arith.maximumf %add3A_503, %max3A_505 : vector<16xf32>
      %swap3A_507 = arith.index_cast %scan3A_368 : i32 to index
      %swap3A_508 = arith.constant 80 : index
      %swap3A_509 = tpu.vector_load %arg14[%swap3A_507, %swap3A_508] {strides = array<i32>} : memref<48x128xf32, #tpu.memory_space<vmem>>, vector<1x16xf32>,
      %swap3A_510 = vector.shape_cast %swap3A_509 : vector<1x16xf32> to vector<16xf32>
      %swap3A_511 = vector.shape_cast %max3A_506 : vector<16xf32> to vector<1x16xf32>
      tpu.vector_store %arg14[%swap3A_507, %swap3A_508], %swap3A_511 {strides = array<i32>} : memref<48x128xf32, #tpu.memory_space<vmem>>, vector<1x16xf32>,
      %get3A_512 = arith.index_cast %scan3A_368 : i32 to index
      %get3A_513 = arith.constant 96 : index
      %get3A_514 = tpu.vector_load %arg10[%get3A_512, %get3A_513] {strides = array<i32>} : memref<96x128xf32, #tpu.memory_space<vmem>>, vector<1x16xf32>,
      %get3A_515 = vector.shape_cast %get3A_514 : vector<1x16xf32> to vector<16xf32>
      %add3A_516 = arith.constant 48 : i32
      %add3A_517 = arith.addi %add3A_516, %scan3A_368 : i32
      %get3A_518 = arith.index_cast %add3A_517 : i32 to index
      %get3A_519 = arith.constant 96 : index
      %get3A_520 = tpu.vector_load %arg10[%get3A_518, %get3A_519] {strides = array<i32>} : memref<96x128xf32, #tpu.memory_space<vmem>>, vector<1x16xf32>,
      %get3A_521 = vector.shape_cast %get3A_520 : vector<1x16xf32> to vector<16xf32>
      %add3A_522 = arith.addf %get3A_515, %get3A_521 : vector<16xf32>
      %get3A_523 = arith.index_cast %scan3A_368 : i32 to index
      %get3A_524 = arith.constant 96 : index
      %get3A_525 = tpu.vector_load %arg12[%get3A_523, %get3A_524] {strides = array<i32>} : memref<48x128xf32, #tpu.memory_space<vmem>>, vector<1x16xf32>,
      %get3A_526 = vector.shape_cast %get3A_525 : vector<1x16xf32> to vector<16xf32>
      %add3A_527 = arith.addf %add3A_522, %get3A_526 : vector<16xf32>
      %max3A_528 = arith.constant 0.000000e+00 : f32
      %max3A_529 = vector.broadcast %max3A_528 : f32 to vector<16xf32>
      %max3A_530 = arith.maximumf %add3A_527, %max3A_529 : vector<16xf32>
      %swap3A_531 = arith.index_cast %scan3A_368 : i32 to index
      %swap3A_532 = arith.constant 96 : index
      %swap3A_533 = tpu.vector_load %arg14[%swap3A_531, %swap3A_532] {strides = array<i32>} : memref<48x128xf32, #tpu.memory_space<vmem>>, vector<1x16xf32>,
      %swap3A_534 = vector.shape_cast %swap3A_533 : vector<1x16xf32> to vector<16xf32>
      %swap3A_535 = vector.shape_cast %max3A_530 : vector<16xf32> to vector<1x16xf32>
      tpu.vector_store %arg14[%swap3A_531, %swap3A_532], %swap3A_535 {strides = array<i32>} : memref<48x128xf32, #tpu.memory_space<vmem>>, vector<1x16xf32>,
      %get3A_536 = arith.index_cast %scan3A_368 : i32 to index
      %get3A_537 = arith.constant 112 : index
      %get3A_538 = tpu.vector_load %arg10[%get3A_536, %get3A_537] {strides = array<i32>} : memref<96x128xf32, #tpu.memory_space<vmem>>, vector<1x16xf32>,
      %get3A_539 = vector.shape_cast %get3A_538 : vector<1x16xf32> to vector<16xf32>
      %add3A_540 = arith.constant 48 : i32
      %add3A_541 = arith.addi %add3A_540, %scan3A_368 : i32
      %get3A_542 = arith.index_cast %add3A_541 : i32 to index
      %get3A_543 = arith.constant 112 : index
      %get3A_544 = tpu.vector_load %arg10[%get3A_542, %get3A_543] {strides = array<i32>} : memref<96x128xf32, #tpu.memory_space<vmem>>, vector<1x16xf32>,
      %get3A_545 = vector.shape_cast %get3A_544 : vector<1x16xf32> to vector<16xf32>
      %add3A_546 = arith.addf %get3A_539, %get3A_545 : vector<16xf32>
      %get3A_547 = arith.index_cast %scan3A_368 : i32 to index
      %get3A_548 = arith.constant 112 : index
      %get3A_549 = tpu.vector_load %arg12[%get3A_547, %get3A_548] {strides = array<i32>} : memref<48x128xf32, #tpu.memory_space<vmem>>, vector<1x16xf32>,
      %get3A_550 = vector.shape_cast %get3A_549 : vector<1x16xf32> to vector<16xf32>
      %add3A_551 = arith.addf %add3A_546, %get3A_550 : vector<16xf32>
      %max3A_552 = arith.constant 0.000000e+00 : f32
      %max3A_553 = vector.broadcast %max3A_552 : f32 to vector<16xf32>
      %max3A_554 = arith.maximumf %add3A_551, %max3A_553 : vector<16xf32>
      %swap3A_555 = arith.index_cast %scan3A_368 : i32 to index
      %swap3A_556 = arith.constant 112 : index
      %swap3A_557 = tpu.vector_load %arg14[%swap3A_555, %swap3A_556] {strides = array<i32>} : memref<48x128xf32, #tpu.memory_space<vmem>>, vector<1x16xf32>,
      %swap3A_558 = vector.shape_cast %swap3A_557 : vector<1x16xf32> to vector<16xf32>
      %swap3A_559 = vector.shape_cast %max3A_554 : vector<16xf32> to vector<1x16xf32>
      tpu.vector_store %arg14[%swap3A_555, %swap3A_556], %swap3A_559 {strides = array<i32>} : memref<48x128xf32, #tpu.memory_space<vmem>>, vector<1x16xf32>,
    }
    %scan3A_179 = arith.constant 48 : i32
    %dma_start3A_180 = arith.constant 0 : i32
    %dma_start3A_181 = arith.constant 0 : i32
    %dma_start3A_182 = tpu.memref_slice %arg6[%dma_start3A_180, %dma_start3A_181] : memref<10112x128xf32, #tpu.memory_space<vmem_shared>> -> memref<10112x128xf32, #tpu.memory_space<vmem_shared>>
    tpu.enqueue_indirect_dma source(%arg14 : memref<48x128xf32, #tpu.memory_space<vmem>>) target(%dma_start3A_182 : memref<10112x128xf32, #tpu.memory_space<vmem_shared>>) offsets(%arg16 : memref<48xi32, #tpu.memory_space<vmem>>) semaphore(%arg22 : memref<!tpu.dma_semaphore, #tpu.memory_space<semaphore_mem>>) {add = true}
    %dma_start3A_183 = arith.constant 288 : i32
    %dma_start3A_184 = tpu.memref_slice %arg7[%dma_start3A_183] : memref<384xi32, #tpu.memory_space<vmem>> -> memref<96xi32, #tpu.memory_space<vmem>>
    %dma_start3A_185 = arith.constant 0 : i32
    %dma_start3A_186 = arith.constant 0 : i32
    %dma_start3A_187 = tpu.memref_slice %arg2[%dma_start3A_185, %dma_start3A_186] : memref<20224x128xf32, #tpu.memory_space<hbm>> -> memref<20224x128xf32, #tpu.memory_space<hbm>>
    tpu.enqueue_indirect_dma source(%dma_start3A_187 : memref<20224x128xf32, #tpu.memory_space<hbm>>) target(%arg10 : memref<96x128xf32, #tpu.memory_space<vmem>>) offsets(%dma_start3A_184 : memref<96xi32, #tpu.memory_space<vmem>>) semaphore(%arg18 : memref<!tpu.dma_semaphore, #tpu.memory_space<semaphore_mem>>)
    %mul3A_188 = arith.constant 10176 : i32
    %mul3A_189 = arith.muli %add3A, %mul3A_188 : i32
    %add3A_190 = arith.constant 144 : i32
    %add3A_191 = arith.addi %mul3A_189, %add3A_190 : i32
    %multiple_of3A_192 = tpu.assume_multiple %add3A_191, 48 : i32
    %dma_start3A_193 = arith.constant 0 : i32
    %dma_start3A_194 = tpu.memref_slice %arg3[%multiple_of3A_192, %dma_start3A_193] : memref<325632x128xf32, #tpu.memory_space<hbm>> -> memref<48x128xf32, #tpu.memory_space<hbm>>
    %dma_start3A_195 = arith.constant 0 : i32
    %dma_start3A_196 = tpu.memref_slice %arg3[%multiple_of3A_192, %dma_start3A_195] : memref<325632x128xf32, #tpu.memory_space<hbm>> -> memref<48x128xf32, #tpu.memory_space<hbm>>
    tpu.enqueue_dma source(%dma_start3A_196 : memref<48x128xf32, #tpu.memory_space<hbm>>) target(%arg12 : memref<48x128xf32, #tpu.memory_space<vmem>>) target_semaphore(%arg20 : memref<!tpu.dma_semaphore, #tpu.memory_space<semaphore_mem>>)
    %scan3A_197 = arith.constant 0 : i32
    %scan3A_198 = arith.constant 26 : i32
    %scan3A_199 = arith.addi %scan3A_197, %scan3A_198 : i32
    %scan3A_200 = arith.constant 1 : i32
    scf.for %scan3A_368 = %scan3A_197 to %scan3A_199 step %scan3A_200  : i32 {
      %mul3A_369 = arith.constant 8 : i32
      %mul3A_370 = arith.muli %scan3A_368, %mul3A_369 : i32
      %add3A_371 = arith.constant 2 : i32
      %add3A_372 = arith.addi %add3A_371, %mul3A_370 : i32
      %dma_wait3A_373 = arith.constant 0 : i32
      %dma_wait3A_374 = arith.constant 0 : i32
      %dma_wait3A_375 = tpu.memref_slice %arg6[%dma_wait3A_373, %dma_wait3A_374] : memref<10112x128xf32, #tpu.memory_space<vmem_shared>> -> memref<10112x128xf32, #tpu.memory_space<vmem_shared>>
      tpu.wait_indirect_dma semaphore(%arg21 : memref<!tpu.dma_semaphore, #tpu.memory_space<semaphore_mem>>) src(%arg13 : memref<48x128xf32, #tpu.memory_space<vmem>>) dst(%dma_wait3A_375 : memref<10112x128xf32, #tpu.memory_space<vmem_shared>>)
      %mul3A_376 = arith.constant 10176 : i32
      %mul3A_377 = arith.muli %add3A, %mul3A_376 : i32
      %mul3A_378 = arith.constant 48 : i32
      %mul3A_379 = arith.muli %add3A_372, %mul3A_378 : i32
      %add3A_380 = arith.addi %mul3A_377, %mul3A_379 : i32
      %multiple_of3A_381 = tpu.assume_multiple %add3A_380, 48 : i32
      %dma_wait3A_382 = arith.constant 192 : i32
      %dma_wait3A_383 = tpu.memref_slice %arg7[%dma_wait3A_382] : memref<384xi32, #tpu.memory_space<vmem>> -> memref<96xi32, #tpu.memory_space<vmem>>
      %dma_wait3A_384 = arith.constant 0 : i32
      %dma_wait3A_385 = arith.constant 0 : i32
      %dma_wait3A_386 = tpu.memref_slice %arg2[%dma_wait3A_384, %dma_wait3A_385] : memref<20224x128xf32, #tpu.memory_space<hbm>> -> memref<20224x128xf32, #tpu.memory_space<hbm>>
      tpu.wait_indirect_dma semaphore(%arg17 : memref<!tpu.dma_semaphore, #tpu.memory_space<semaphore_mem>>) src(%dma_wait3A_386 : memref<20224x128xf32, #tpu.memory_space<hbm>>) dst(%arg9 : memref<96x128xf32, #tpu.memory_space<vmem>>)
      %dma_wait3A_387 = arith.constant 0 : i32
      %dma_wait3A_388 = tpu.memref_slice %arg3[%multiple_of3A_381, %dma_wait3A_387] : memref<325632x128xf32, #tpu.memory_space<hbm>> -> memref<48x128xf32, #tpu.memory_space<hbm>>
      %dma_wait3A_389 = arith.constant 0 : i32
      %dma_wait3A_390 = tpu.memref_slice %arg3[%multiple_of3A_381, %dma_wait3A_389] : memref<325632x128xf32, #tpu.memory_space<hbm>> -> memref<48x128xf32, #tpu.memory_space<hbm>>
      tpu.wait_dma2 semaphore(%arg19 : memref<!tpu.dma_semaphore, #tpu.memory_space<semaphore_mem>>) src(%dma_wait3A_390 : memref<48x128xf32, #tpu.memory_space<hbm>>) dst(%arg11 : memref<48x128xf32, #tpu.memory_space<vmem>>)
      %get3A_391 = arith.constant 240 : index
      %get3A_392 = tpu.vector_load %arg7[%get3A_391] {strides = array<i32>} : memref<384xi32, #tpu.memory_space<vmem>>, vector<16xi32>,
      %get3A_393 = vector.shape_cast %get3A_392 : vector<16xi32> to vector<16xi32>
      %sub3A_394 = arith.constant 10112 : i32
      %sub3A_395 = vector.broadcast %sub3A_394 : i32 to vector<16xi32>
      %sub3A_396 = arith.subi %get3A_393, %sub3A_395 : vector<16xi32>
      %swap3A_397 = arith.constant 0 : index
      %swap3A_398 = tpu.vector_load %arg15[%swap3A_397] {strides = array<i32>} : memref<48xi32, #tpu.memory_space<vmem>>, vector<16xi32>,
      %swap3A_399 = vector.shape_cast %swap3A_398 : vector<16xi32> to vector<16xi32>
      %swap3A_400 = vector.shape_cast %sub3A_396 : vector<16xi32> to vector<16xi32>
      tpu.vector_store %arg15[%swap3A_397], %swap3A_400 {strides = array<i32>} : memref<48xi32, #tpu.memory_space<vmem>>, vector<16xi32>,
      %get3A_401 = arith.constant 256 : index
      %get3A_402 = tpu.vector_load %arg7[%get3A_401] {strides = array<i32>} : memref<384xi32, #tpu.memory_space<vmem>>, vector<16xi32>,
      %get3A_403 = vector.shape_cast %get3A_402 : vector<16xi32> to vector<16xi32>
      %sub3A_404 = arith.constant 10112 : i32
      %sub3A_405 = vector.broadcast %sub3A_404 : i32 to vector<16xi32>
      %sub3A_406 = arith.subi %get3A_403, %sub3A_405 : vector<16xi32>
      %swap3A_407 = arith.constant 16 : index
      %swap3A_408 = tpu.vector_load %arg15[%swap3A_407] {strides = array<i32>} : memref<48xi32, #tpu.memory_space<vmem>>, vector<16xi32>,
      %swap3A_409 = vector.shape_cast %swap3A_408 : vector<16xi32> to vector<16xi32>
      %swap3A_410 = vector.shape_cast %sub3A_406 : vector<16xi32> to vector<16xi32>
      tpu.vector_store %arg15[%swap3A_407], %swap3A_410 {strides = array<i32>} : memref<48xi32, #tpu.memory_space<vmem>>, vector<16xi32>,
      %get3A_411 = arith.constant 272 : index
      %get3A_412 = tpu.vector_load %arg7[%get3A_411] {strides = array<i32>} : memref<384xi32, #tpu.memory_space<vmem>>, vector<16xi32>,
      %get3A_413 = vector.shape_cast %get3A_412 : vector<16xi32> to vector<16xi32>
      %sub3A_414 = arith.constant 10112 : i32
      %sub3A_415 = vector.broadcast %sub3A_414 : i32 to vector<16xi32>
      %sub3A_416 = arith.subi %get3A_413, %sub3A_415 : vector<16xi32>
      %swap3A_417 = arith.constant 32 : index
      %swap3A_418 = tpu.vector_load %arg15[%swap3A_417] {strides = array<i32>} : memref<48xi32, #tpu.memory_space<vmem>>, vector<16xi32>,
      %swap3A_419 = vector.shape_cast %swap3A_418 : vector<16xi32> to vector<16xi32>
      %swap3A_420 = vector.shape_cast %sub3A_416 : vector<16xi32> to vector<16xi32>
      tpu.vector_store %arg15[%swap3A_417], %swap3A_420 {strides = array<i32>} : memref<48xi32, #tpu.memory_space<vmem>>, vector<16xi32>,
      %scan3A_421 = arith.constant 0 : i32
      %scan3A_422 = arith.constant 0 : i32
      %scan3A_423 = arith.constant 48 : i32
      %scan3A_424 = arith.addi %scan3A_422, %scan3A_423 : i32
      %scan3A_425 = arith.constant 1 : i32
      scf.for %scan3A_991 = %scan3A_422 to %scan3A_424 step %scan3A_425  : i32 {
        %get3A_992 = arith.index_cast %scan3A_991 : i32 to index
        %get3A_993 = arith.constant 0 : index
        %get3A_994 = tpu.vector_load %arg9[%get3A_992, %get3A_993] {strides = array<i32>} : memref<96x128xf32, #tpu.memory_space<vmem>>, vector<1x16xf32>,
        %get3A_995 = vector.shape_cast %get3A_994 : vector<1x16xf32> to vector<16xf32>
        %add3A_996 = arith.constant 48 : i32
        %add3A_997 = arith.addi %add3A_996, %scan3A_991 : i32
        %get3A_998 = arith.index_cast %add3A_997 : i32 to index
        %get3A_999 = arith.constant 0 : index
        %get3A_1000 = tpu.vector_load %arg9[%get3A_998, %get3A_999] {strides = array<i32>} : memref<96x128xf32, #tpu.memory_space<vmem>>, vector<1x16xf32>,
        %get3A_1001 = vector.shape_cast %get3A_1000 : vector<1x16xf32> to vector<16xf32>
        %add3A_1002 = arith.addf %get3A_995, %get3A_1001 : vector<16xf32>
        %get3A_1003 = arith.index_cast %scan3A_991 : i32 to index
        %get3A_1004 = arith.constant 0 : index
        %get3A_1005 = tpu.vector_load %arg11[%get3A_1003, %get3A_1004] {strides = array<i32>} : memref<48x128xf32, #tpu.memory_space<vmem>>, vector<1x16xf32>,
        %get3A_1006 = vector.shape_cast %get3A_1005 : vector<1x16xf32> to vector<16xf32>
        %add3A_1007 = arith.addf %add3A_1002, %get3A_1006 : vector<16xf32>
        %max3A = arith.constant 0.000000e+00 : f32
        %max3A_1008 = vector.broadcast %max3A : f32 to vector<16xf32>
        %max3A_1009 = arith.maximumf %add3A_1007, %max3A_1008 : vector<16xf32>
        %swap3A_1010 = arith.index_cast %scan3A_991 : i32 to index
        %swap3A_1011 = arith.constant 0 : index
        %swap3A_1012 = tpu.vector_load %arg13[%swap3A_1010, %swap3A_1011] {strides = array<i32>} : memref<48x128xf32, #tpu.memory_space<vmem>>, vector<1x16xf32>,
        %swap3A_1013 = vector.shape_cast %swap3A_1012 : vector<1x16xf32> to vector<16xf32>
        %swap3A_1014 = vector.shape_cast %max3A_1009 : vector<16xf32> to vector<1x16xf32>
        tpu.vector_store %arg13[%swap3A_1010, %swap3A_1011], %swap3A_1014 {strides = array<i32>} : memref<48x128xf32, #tpu.memory_space<vmem>>, vector<1x16xf32>,
        %get3A_1015 = arith.index_cast %scan3A_991 : i32 to index
        %get3A_1016 = arith.constant 16 : index
        %get3A_1017 = tpu.vector_load %arg9[%get3A_1015, %get3A_1016] {strides = array<i32>} : memref<96x128xf32, #tpu.memory_space<vmem>>, vector<1x16xf32>,
        %get3A_1018 = vector.shape_cast %get3A_1017 : vector<1x16xf32> to vector<16xf32>
        %add3A_1019 = arith.constant 48 : i32
        %add3A_1020 = arith.addi %add3A_1019, %scan3A_991 : i32
        %get3A_1021 = arith.index_cast %add3A_1020 : i32 to index
        %get3A_1022 = arith.constant 16 : index
        %get3A_1023 = tpu.vector_load %arg9[%get3A_1021, %get3A_1022] {strides = array<i32>} : memref<96x128xf32, #tpu.memory_space<vmem>>, vector<1x16xf32>,
        %get3A_1024 = vector.shape_cast %get3A_1023 : vector<1x16xf32> to vector<16xf32>
        %add3A_1025 = arith.addf %get3A_1018, %get3A_1024 : vector<16xf32>
        %get3A_1026 = arith.index_cast %scan3A_991 : i32 to index
        %get3A_1027 = arith.constant 16 : index
        %get3A_1028 = tpu.vector_load %arg11[%get3A_1026, %get3A_1027] {strides = array<i32>} : memref<48x128xf32, #tpu.memory_space<vmem>>, vector<1x16xf32>,
        %get3A_1029 = vector.shape_cast %get3A_1028 : vector<1x16xf32> to vector<16xf32>
        %add3A_1030 = arith.addf %add3A_1025, %get3A_1029 : vector<16xf32>
        %max3A_1031 = arith.constant 0.000000e+00 : f32
        %max3A_1032 = vector.broadcast %max3A_1031 : f32 to vector<16xf32>
        %max3A_1033 = arith.maximumf %add3A_1030, %max3A_1032 : vector<16xf32>
        %swap3A_1034 = arith.index_cast %scan3A_991 : i32 to index
        %swap3A_1035 = arith.constant 16 : index
        %swap3A_1036 = tpu.vector_load %arg13[%swap3A_1034, %swap3A_1035] {strides = array<i32>} : memref<48x128xf32, #tpu.memory_space<vmem>>, vector<1x16xf32>,
        %swap3A_1037 = vector.shape_cast %swap3A_1036 : vector<1x16xf32> to vector<16xf32>
        %swap3A_1038 = vector.shape_cast %max3A_1033 : vector<16xf32> to vector<1x16xf32>
        tpu.vector_store %arg13[%swap3A_1034, %swap3A_1035], %swap3A_1038 {strides = array<i32>} : memref<48x128xf32, #tpu.memory_space<vmem>>, vector<1x16xf32>,
        %get3A_1039 = arith.index_cast %scan3A_991 : i32 to index
        %get3A_1040 = arith.constant 32 : index
        %get3A_1041 = tpu.vector_load %arg9[%get3A_1039, %get3A_1040] {strides = array<i32>} : memref<96x128xf32, #tpu.memory_space<vmem>>, vector<1x16xf32>,
        %get3A_1042 = vector.shape_cast %get3A_1041 : vector<1x16xf32> to vector<16xf32>
        %add3A_1043 = arith.constant 48 : i32
        %add3A_1044 = arith.addi %add3A_1043, %scan3A_991 : i32
        %get3A_1045 = arith.index_cast %add3A_1044 : i32 to index
        %get3A_1046 = arith.constant 32 : index
        %get3A_1047 = tpu.vector_load %arg9[%get3A_1045, %get3A_1046] {strides = array<i32>} : memref<96x128xf32, #tpu.memory_space<vmem>>, vector<1x16xf32>,
        %get3A_1048 = vector.shape_cast %get3A_1047 : vector<1x16xf32> to vector<16xf32>
        %add3A_1049 = arith.addf %get3A_1042, %get3A_1048 : vector<16xf32>
        %get3A_1050 = arith.index_cast %scan3A_991 : i32 to index
        %get3A_1051 = arith.constant 32 : index
        %get3A_1052 = tpu.vector_load %arg11[%get3A_1050, %get3A_1051] {strides = array<i32>} : memref<48x128xf32, #tpu.memory_space<vmem>>, vector<1x16xf32>,
        %get3A_1053 = vector.shape_cast %get3A_1052 : vector<1x16xf32> to vector<16xf32>
        %add3A_1054 = arith.addf %add3A_1049, %get3A_1053 : vector<16xf32>
        %max3A_1055 = arith.constant 0.000000e+00 : f32
        %max3A_1056 = vector.broadcast %max3A_1055 : f32 to vector<16xf32>
        %max3A_1057 = arith.maximumf %add3A_1054, %max3A_1056 : vector<16xf32>
        %swap3A_1058 = arith.index_cast %scan3A_991 : i32 to index
        %swap3A_1059 = arith.constant 32 : index
        %swap3A_1060 = tpu.vector_load %arg13[%swap3A_1058, %swap3A_1059] {strides = array<i32>} : memref<48x128xf32, #tpu.memory_space<vmem>>, vector<1x16xf32>,
        %swap3A_1061 = vector.shape_cast %swap3A_1060 : vector<1x16xf32> to vector<16xf32>
        %swap3A_1062 = vector.shape_cast %max3A_1057 : vector<16xf32> to vector<1x16xf32>
        tpu.vector_store %arg13[%swap3A_1058, %swap3A_1059], %swap3A_1062 {strides = array<i32>} : memref<48x128xf32, #tpu.memory_space<vmem>>, vector<1x16xf32>,
        %get3A_1063 = arith.index_cast %scan3A_991 : i32 to index
        %get3A_1064 = arith.constant 48 : index
        %get3A_1065 = tpu.vector_load %arg9[%get3A_1063, %get3A_1064] {strides = array<i32>} : memref<96x128xf32, #tpu.memory_space<vmem>>, vector<1x16xf32>,
        %get3A_1066 = vector.shape_cast %get3A_1065 : vector<1x16xf32> to vector<16xf32>
        %add3A_1067 = arith.constant 48 : i32
        %add3A_1068 = arith.addi %add3A_1067, %scan3A_991 : i32
        %get3A_1069 = arith.index_cast %add3A_1068 : i32 to index
        %get3A_1070 = arith.constant 48 : index
        %get3A_1071 = tpu.vector_load %arg9[%get3A_1069, %get3A_1070] {strides = array<i32>} : memref<96x128xf32, #tpu.memory_space<vmem>>, vector<1x16xf32>,
        %get3A_1072 = vector.shape_cast %get3A_1071 : vector<1x16xf32> to vector<16xf32>
        %add3A_1073 = arith.addf %get3A_1066, %get3A_1072 : vector<16xf32>
        %get3A_1074 = arith.index_cast %scan3A_991 : i32 to index
        %get3A_1075 = arith.constant 48 : index
        %get3A_1076 = tpu.vector_load %arg11[%get3A_1074, %get3A_1075] {strides = array<i32>} : memref<48x128xf32, #tpu.memory_space<vmem>>, vector<1x16xf32>,
        %get3A_1077 = vector.shape_cast %get3A_1076 : vector<1x16xf32> to vector<16xf32>
        %add3A_1078 = arith.addf %add3A_1073, %get3A_1077 : vector<16xf32>
        %max3A_1079 = arith.constant 0.000000e+00 : f32
        %max3A_1080 = vector.broadcast %max3A_1079 : f32 to vector<16xf32>
        %max3A_1081 = arith.maximumf %add3A_1078, %max3A_1080 : vector<16xf32>
        %swap3A_1082 = arith.index_cast %scan3A_991 : i32 to index
        %swap3A_1083 = arith.constant 48 : index
        %swap3A_1084 = tpu.vector_load %arg13[%swap3A_1082, %swap3A_1083] {strides = array<i32>} : memref<48x128xf32, #tpu.memory_space<vmem>>, vector<1x16xf32>,
        %swap3A_1085 = vector.shape_cast %swap3A_1084 : vector<1x16xf32> to vector<16xf32>
        %swap3A_1086 = vector.shape_cast %max3A_1081 : vector<16xf32> to vector<1x16xf32>
        tpu.vector_store %arg13[%swap3A_1082, %swap3A_1083], %swap3A_1086 {strides = array<i32>} : memref<48x128xf32, #tpu.memory_space<vmem>>, vector<1x16xf32>,
        %get3A_1087 = arith.index_cast %scan3A_991 : i32 to index
        %get3A_1088 = arith.constant 64 : index
        %get3A_1089 = tpu.vector_load %arg9[%get3A_1087, %get3A_1088] {strides = array<i32>} : memref<96x128xf32, #tpu.memory_space<vmem>>, vector<1x16xf32>,
        %get3A_1090 = vector.shape_cast %get3A_1089 : vector<1x16xf32> to vector<16xf32>
        %add3A_1091 = arith.constant 48 : i32
        %add3A_1092 = arith.addi %add3A_1091, %scan3A_991 : i32
        %get3A_1093 = arith.index_cast %add3A_1092 : i32 to index
        %get3A_1094 = arith.constant 64 : index
        %get3A_1095 = tpu.vector_load %arg9[%get3A_1093, %get3A_1094] {strides = array<i32>} : memref<96x128xf32, #tpu.memory_space<vmem>>, vector<1x16xf32>,
        %get3A_1096 = vector.shape_cast %get3A_1095 : vector<1x16xf32> to vector<16xf32>
        %add3A_1097 = arith.addf %get3A_1090, %get3A_1096 : vector<16xf32>
        %get3A_1098 = arith.index_cast %scan3A_991 : i32 to index
        %get3A_1099 = arith.constant 64 : index
        %get3A_1100 = tpu.vector_load %arg11[%get3A_1098, %get3A_1099] {strides = array<i32>} : memref<48x128xf32, #tpu.memory_space<vmem>>, vector<1x16xf32>,
        %get3A_1101 = vector.shape_cast %get3A_1100 : vector<1x16xf32> to vector<16xf32>
        %add3A_1102 = arith.addf %add3A_1097, %get3A_1101 : vector<16xf32>
        %max3A_1103 = arith.constant 0.000000e+00 : f32
        %max3A_1104 = vector.broadcast %max3A_1103 : f32 to vector<16xf32>
        %max3A_1105 = arith.maximumf %add3A_1102, %max3A_1104 : vector<16xf32>
        %swap3A_1106 = arith.index_cast %scan3A_991 : i32 to index
        %swap3A_1107 = arith.constant 64 : index
        %swap3A_1108 = tpu.vector_load %arg13[%swap3A_1106, %swap3A_1107] {strides = array<i32>} : memref<48x128xf32, #tpu.memory_space<vmem>>, vector<1x16xf32>,
        %swap3A_1109 = vector.shape_cast %swap3A_1108 : vector<1x16xf32> to vector<16xf32>
        %swap3A_1110 = vector.shape_cast %max3A_1105 : vector<16xf32> to vector<1x16xf32>
        tpu.vector_store %arg13[%swap3A_1106, %swap3A_1107], %swap3A_1110 {strides = array<i32>} : memref<48x128xf32, #tpu.memory_space<vmem>>, vector<1x16xf32>,
        %get3A_1111 = arith.index_cast %scan3A_991 : i32 to index
        %get3A_1112 = arith.constant 80 : index
        %get3A_1113 = tpu.vector_load %arg9[%get3A_1111, %get3A_1112] {strides = array<i32>} : memref<96x128xf32, #tpu.memory_space<vmem>>, vector<1x16xf32>,
        %get3A_1114 = vector.shape_cast %get3A_1113 : vector<1x16xf32> to vector<16xf32>
        %add3A_1115 = arith.constant 48 : i32
        %add3A_1116 = arith.addi %add3A_1115, %scan3A_991 : i32
        %get3A_1117 = arith.index_cast %add3A_1116 : i32 to index
        %get3A_1118 = arith.constant 80 : index
        %get3A_1119 = tpu.vector_load %arg9[%get3A_1117, %get3A_1118] {strides = array<i32>} : memref<96x128xf32, #tpu.memory_space<vmem>>, vector<1x16xf32>,
        %get3A_1120 = vector.shape_cast %get3A_1119 : vector<1x16xf32> to vector<16xf32>
        %add3A_1121 = arith.addf %get3A_1114, %get3A_1120 : vector<16xf32>
        %get3A_1122 = arith.index_cast %scan3A_991 : i32 to index
        %get3A_1123 = arith.constant 80 : index
        %get3A_1124 = tpu.vector_load %arg11[%get3A_1122, %get3A_1123] {strides = array<i32>} : memref<48x128xf32, #tpu.memory_space<vmem>>, vector<1x16xf32>,
        %get3A_1125 = vector.shape_cast %get3A_1124 : vector<1x16xf32> to vector<16xf32>
        %add3A_1126 = arith.addf %add3A_1121, %get3A_1125 : vector<16xf32>
        %max3A_1127 = arith.constant 0.000000e+00 : f32
        %max3A_1128 = vector.broadcast %max3A_1127 : f32 to vector<16xf32>
        %max3A_1129 = arith.maximumf %add3A_1126, %max3A_1128 : vector<16xf32>
        %swap3A_1130 = arith.index_cast %scan3A_991 : i32 to index
        %swap3A_1131 = arith.constant 80 : index
        %swap3A_1132 = tpu.vector_load %arg13[%swap3A_1130, %swap3A_1131] {strides = array<i32>} : memref<48x128xf32, #tpu.memory_space<vmem>>, vector<1x16xf32>,
        %swap3A_1133 = vector.shape_cast %swap3A_1132 : vector<1x16xf32> to vector<16xf32>
        %swap3A_1134 = vector.shape_cast %max3A_1129 : vector<16xf32> to vector<1x16xf32>
        tpu.vector_store %arg13[%swap3A_1130, %swap3A_1131], %swap3A_1134 {strides = array<i32>} : memref<48x128xf32, #tpu.memory_space<vmem>>, vector<1x16xf32>,
        %get3A_1135 = arith.index_cast %scan3A_991 : i32 to index
        %get3A_1136 = arith.constant 96 : index
        %get3A_1137 = tpu.vector_load %arg9[%get3A_1135, %get3A_1136] {strides = array<i32>} : memref<96x128xf32, #tpu.memory_space<vmem>>, vector<1x16xf32>,
        %get3A_1138 = vector.shape_cast %get3A_1137 : vector<1x16xf32> to vector<16xf32>
        %add3A_1139 = arith.constant 48 : i32
        %add3A_1140 = arith.addi %add3A_1139, %scan3A_991 : i32
        %get3A_1141 = arith.index_cast %add3A_1140 : i32 to index
        %get3A_1142 = arith.constant 96 : index
        %get3A_1143 = tpu.vector_load %arg9[%get3A_1141, %get3A_1142] {strides = array<i32>} : memref<96x128xf32, #tpu.memory_space<vmem>>, vector<1x16xf32>,
        %get3A_1144 = vector.shape_cast %get3A_1143 : vector<1x16xf32> to vector<16xf32>
        %add3A_1145 = arith.addf %get3A_1138, %get3A_1144 : vector<16xf32>
        %get3A_1146 = arith.index_cast %scan3A_991 : i32 to index
        %get3A_1147 = arith.constant 96 : index
        %get3A_1148 = tpu.vector_load %arg11[%get3A_1146, %get3A_1147] {strides = array<i32>} : memref<48x128xf32, #tpu.memory_space<vmem>>, vector<1x16xf32>,
        %get3A_1149 = vector.shape_cast %get3A_1148 : vector<1x16xf32> to vector<16xf32>
        %add3A_1150 = arith.addf %add3A_1145, %get3A_1149 : vector<16xf32>
        %max3A_1151 = arith.constant 0.000000e+00 : f32
        %max3A_1152 = vector.broadcast %max3A_1151 : f32 to vector<16xf32>
        %max3A_1153 = arith.maximumf %add3A_1150, %max3A_1152 : vector<16xf32>
        %swap3A_1154 = arith.index_cast %scan3A_991 : i32 to index
        %swap3A_1155 = arith.constant 96 : index
        %swap3A_1156 = tpu.vector_load %arg13[%swap3A_1154, %swap3A_1155] {strides = array<i32>} : memref<48x128xf32, #tpu.memory_space<vmem>>, vector<1x16xf32>,
        %swap3A_1157 = vector.shape_cast %swap3A_1156 : vector<1x16xf32> to vector<16xf32>
        %swap3A_1158 = vector.shape_cast %max3A_1153 : vector<16xf32> to vector<1x16xf32>
        tpu.vector_store %arg13[%swap3A_1154, %swap3A_1155], %swap3A_1158 {strides = array<i32>} : memref<48x128xf32, #tpu.memory_space<vmem>>, vector<1x16xf32>,
        %get3A_1159 = arith.index_cast %scan3A_991 : i32 to index
        %get3A_1160 = arith.constant 112 : index
        %get3A_1161 = tpu.vector_load %arg9[%get3A_1159, %get3A_1160] {strides = array<i32>} : memref<96x128xf32, #tpu.memory_space<vmem>>, vector<1x16xf32>,
        %get3A_1162 = vector.shape_cast %get3A_1161 : vector<1x16xf32> to vector<16xf32>
        %add3A_1163 = arith.constant 48 : i32
        %add3A_1164 = arith.addi %add3A_1163, %scan3A_991 : i32
        %get3A_1165 = arith.index_cast %add3A_1164 : i32 to index
        %get3A_1166 = arith.constant 112 : index
        %get3A_1167 = tpu.vector_load %arg9[%get3A_1165, %get3A_1166] {strides = array<i32>} : memref<96x128xf32, #tpu.memory_space<vmem>>, vector<1x16xf32>,
        %get3A_1168 = vector.shape_cast %get3A_1167 : vector<1x16xf32> to vector<16xf32>
        %add3A_1169 = arith.addf %get3A_1162, %get3A_1168 : vector<16xf32>
        %get3A_1170 = arith.index_cast %scan3A_991 : i32 to index
        %get3A_1171 = arith.constant 112 : index
        %get3A_1172 = tpu.vector_load %arg11[%get3A_1170, %get3A_1171] {strides = array<i32>} : memref<48x128xf32, #tpu.memory_space<vmem>>, vector<1x16xf32>,
        %get3A_1173 = vector.shape_cast %get3A_1172 : vector<1x16xf32> to vector<16xf32>
        %add3A_1174 = arith.addf %add3A_1169, %get3A_1173 : vector<16xf32>
        %max3A_1175 = arith.constant 0.000000e+00 : f32
        %max3A_1176 = vector.broadcast %max3A_1175 : f32 to vector<16xf32>
        %max3A_1177 = arith.maximumf %add3A_1174, %max3A_1176 : vector<16xf32>
        %swap3A_1178 = arith.index_cast %scan3A_991 : i32 to index
        %swap3A_1179 = arith.constant 112 : index
        %swap3A_1180 = tpu.vector_load %arg13[%swap3A_1178, %swap3A_1179] {strides = array<i32>} : memref<48x128xf32, #tpu.memory_space<vmem>>, vector<1x16xf32>,
        %swap3A_1181 = vector.shape_cast %swap3A_1180 : vector<1x16xf32> to vector<16xf32>
        %swap3A_1182 = vector.shape_cast %max3A_1177 : vector<16xf32> to vector<1x16xf32>
        tpu.vector_store %arg13[%swap3A_1178, %swap3A_1179], %swap3A_1182 {strides = array<i32>} : memref<48x128xf32, #tpu.memory_space<vmem>>, vector<1x16xf32>,
      }
      %scan3A_426 = arith.constant 48 : i32
      %dma_start3A_427 = arith.constant 0 : i32
      %dma_start3A_428 = arith.constant 0 : i32
      %dma_start3A_429 = tpu.memref_slice %arg6[%dma_start3A_427, %dma_start3A_428] : memref<10112x128xf32, #tpu.memory_space<vmem_shared>> -> memref<10112x128xf32, #tpu.memory_space<vmem_shared>>
      tpu.enqueue_indirect_dma source(%arg13 : memref<48x128xf32, #tpu.memory_space<vmem>>) target(%dma_start3A_429 : memref<10112x128xf32, #tpu.memory_space<vmem_shared>>) offsets(%arg15 : memref<48xi32, #tpu.memory_space<vmem>>) semaphore(%arg21 : memref<!tpu.dma_semaphore, #tpu.memory_space<semaphore_mem>>) {add = true}
      %add3A_430 = arith.constant 2 : i32
      %add3A_431 = arith.addi %add3A_372, %add3A_430 : i32
      %mul3A_432 = arith.constant 212 : i32
      %mul3A_433 = arith.muli %add3A, %mul3A_432 : i32
      %add3A_434 = arith.addi %mul3A_433, %add3A_431 : i32
      %mul3A_435 = arith.constant 96 : i32
      %mul3A_436 = arith.muli %add3A_434, %mul3A_435 : i32
      %multiple_of3A_437 = tpu.assume_multiple %mul3A_436, 96 : i32
      "tpu.region"() ({
        %run_scoped3A = tpu.sem_alloc : memref<!tpu.dma_semaphore, #tpu.memory_space<semaphore_mem>>
        %dma_start3A_991 = tpu.memref_slice %arg4[%multiple_of3A_437] : memref<651264xi32, #tpu.memory_space<hbm>> -> memref<384xi32, #tpu.memory_space<hbm>>
        %dma_start3A_992 = tpu.memref_slice %arg4[%multiple_of3A_437] : memref<651264xi32, #tpu.memory_space<hbm>> -> memref<384xi32, #tpu.memory_space<hbm>>
        tpu.enqueue_dma source(%dma_start3A_992 : memref<384xi32, #tpu.memory_space<hbm>>) target(%arg8 : memref<384xi32, #tpu.memory_space<vmem>>) target_semaphore(%run_scoped3A : memref<!tpu.dma_semaphore, #tpu.memory_space<semaphore_mem>>)
        %dma_wait3A_993 = tpu.memref_slice %arg4[%multiple_of3A_437] : memref<651264xi32, #tpu.memory_space<hbm>> -> memref<384xi32, #tpu.memory_space<hbm>>
        %dma_wait3A_994 = tpu.memref_slice %arg4[%multiple_of3A_437] : memref<651264xi32, #tpu.memory_space<hbm>> -> memref<384xi32, #tpu.memory_space<hbm>>
        tpu.wait_dma2 semaphore(%run_scoped3A : memref<!tpu.dma_semaphore, #tpu.memory_space<semaphore_mem>>) src(%dma_wait3A_994 : memref<384xi32, #tpu.memory_space<hbm>>) dst(%arg8 : memref<384xi32, #tpu.memory_space<vmem>>)
        tpu.yield
      }) : () -> ()
      %dma_start3A_438 = arith.constant 0 : i32
      %dma_start3A_439 = tpu.memref_slice %arg8[%dma_start3A_438] : memref<384xi32, #tpu.memory_space<vmem>> -> memref<96xi32, #tpu.memory_space<vmem>>
      %dma_start3A_440 = arith.constant 0 : i32
      %dma_start3A_441 = arith.constant 0 : i32
      %dma_start3A_442 = tpu.memref_slice %arg2[%dma_start3A_440, %dma_start3A_441] : memref<20224x128xf32, #tpu.memory_space<hbm>> -> memref<20224x128xf32, #tpu.memory_space<hbm>>
      tpu.enqueue_indirect_dma source(%dma_start3A_442 : memref<20224x128xf32, #tpu.memory_space<hbm>>) target(%arg9 : memref<96x128xf32, #tpu.memory_space<vmem>>) offsets(%dma_start3A_439 : memref<96xi32, #tpu.memory_space<vmem>>) semaphore(%arg17 : memref<!tpu.dma_semaphore, #tpu.memory_space<semaphore_mem>>)
      %mul3A_443 = arith.constant 10176 : i32
      %mul3A_444 = arith.muli %add3A, %mul3A_443 : i32
      %mul3A_445 = arith.constant 48 : i32
      %mul3A_446 = arith.muli %add3A_431, %mul3A_445 : i32
      %add3A_447 = arith.addi %mul3A_444, %mul3A_446 : i32
      %multiple_of3A_448 = tpu.assume_multiple %add3A_447, 48 : i32
      %dma_start3A_449 = arith.constant 0 : i32
      %dma_start3A_450 = tpu.memref_slice %arg3[%multiple_of3A_448, %dma_start3A_449] : memref<325632x128xf32, #tpu.memory_space<hbm>> -> memref<48x128xf32, #tpu.memory_space<hbm>>
      %dma_start3A_451 = arith.constant 0 : i32
      %dma_start3A_452 = tpu.memref_slice %arg3[%multiple_of3A_448, %dma_start3A_451] : memref<325632x128xf32, #tpu.memory_space<hbm>> -> memref<48x128xf32, #tpu.memory_space<hbm>>
      tpu.enqueue_dma source(%dma_start3A_452 : memref<48x128xf32, #tpu.memory_space<hbm>>) target(%arg11 : memref<48x128xf32, #tpu.memory_space<vmem>>) target_semaphore(%arg19 : memref<!tpu.dma_semaphore, #tpu.memory_space<semaphore_mem>>)
      %dma_wait3A_453 = arith.constant 0 : i32
      %dma_wait3A_454 = arith.constant 0 : i32
      %dma_wait3A_455 = tpu.memref_slice %arg6[%dma_wait3A_453, %dma_wait3A_454] : memref<10112x128xf32, #tpu.memory_space<vmem_shared>> -> memref<10112x128xf32, #tpu.memory_space<vmem_shared>>
      tpu.wait_indirect_dma semaphore(%arg22 : memref<!tpu.dma_semaphore, #tpu.memory_space<semaphore_mem>>) src(%arg14 : memref<48x128xf32, #tpu.memory_space<vmem>>) dst(%dma_wait3A_455 : memref<10112x128xf32, #tpu.memory_space<vmem_shared>>)
      %add3A_456 = arith.constant 1 : i32
      %add3A_457 = arith.addi %add3A_372, %add3A_456 : i32
      %mul3A_458 = arith.constant 10176 : i32
      %mul3A_459 = arith.muli %add3A, %mul3A_458 : i32
      %mul3A_460 = arith.constant 48 : i32
      %mul3A_461 = arith.muli %add3A_457, %mul3A_460 : i32
      %add3A_462 = arith.addi %mul3A_459, %mul3A_461 : i32
      %multiple_of3A_463 = tpu.assume_multiple %add3A_462, 48 : i32
      %dma_wait3A_464 = arith.constant 288 : i32
      %dma_wait3A_465 = tpu.memref_slice %arg7[%dma_wait3A_464] : memref<384xi32, #tpu.memory_space<vmem>> -> memref<96xi32, #tpu.memory_space<vmem>>
      %dma_wait3A_466 = arith.constant 0 : i32
      %dma_wait3A_467 = arith.constant 0 : i32
      %dma_wait3A_468 = tpu.memref_slice %arg2[%dma_wait3A_466, %dma_wait3A_467] : memref<20224x128xf32, #tpu.memory_space<hbm>> -> memref<20224x128xf32, #tpu.memory_space<hbm>>
      tpu.wait_indirect_dma semaphore(%arg18 : memref<!tpu.dma_semaphore, #tpu.memory_space<semaphore_mem>>) src(%dma_wait3A_468 : memref<20224x128xf32, #tpu.memory_space<hbm>>) dst(%arg10 : memref<96x128xf32, #tpu.memory_space<vmem>>)
      %dma_wait3A_469 = arith.constant 0 : i32
      %dma_wait3A_470 = tpu.memref_slice %arg3[%multiple_of3A_463, %dma_wait3A_469] : memref<325632x128xf32, #tpu.memory_space<hbm>> -> memref<48x128xf32, #tpu.memory_space<hbm>>
      %dma_wait3A_471 = arith.constant 0 : i32
      %dma_wait3A_472 = tpu.memref_slice %arg3[%multiple_of3A_463, %dma_wait3A_471] : memref<325632x128xf32, #tpu.memory_space<hbm>> -> memref<48x128xf32, #tpu.memory_space<hbm>>
      tpu.wait_dma2 semaphore(%arg20 : memref<!tpu.dma_semaphore, #tpu.memory_space<semaphore_mem>>) src(%dma_wait3A_472 : memref<48x128xf32, #tpu.memory_space<hbm>>) dst(%arg12 : memref<48x128xf32, #tpu.memory_space<vmem>>)
      %get3A_473 = arith.constant 336 : index
      %get3A_474 = tpu.vector_load %arg7[%get3A_473] {strides = array<i32>} : memref<384xi32, #tpu.memory_space<vmem>>, vector<16xi32>,
      %get3A_475 = vector.shape_cast %get3A_474 : vector<16xi32> to vector<16xi32>
      %sub3A_476 = arith.constant 10112 : i32
      %sub3A_477 = vector.broadcast %sub3A_476 : i32 to vector<16xi32>
      %sub3A_478 = arith.subi %get3A_475, %sub3A_477 : vector<16xi32>
      %swap3A_479 = arith.constant 0 : index
      %swap3A_480 = tpu.vector_load %arg16[%swap3A_479] {strides = array<i32>} : memref<48xi32, #tpu.memory_space<vmem>>, vector<16xi32>,
      %swap3A_481 = vector.shape_cast %swap3A_480 : vector<16xi32> to vector<16xi32>
      %swap3A_482 = vector.shape_cast %sub3A_478 : vector<16xi32> to vector<16xi32>
      tpu.vector_store %arg16[%swap3A_479], %swap3A_482 {strides = array<i32>} : memref<48xi32, #tpu.memory_space<vmem>>, vector<16xi32>,
      %get3A_483 = arith.constant 352 : index
      %get3A_484 = tpu.vector_load %arg7[%get3A_483] {strides = array<i32>} : memref<384xi32, #tpu.memory_space<vmem>>, vector<16xi32>,
      %get3A_485 = vector.shape_cast %get3A_484 : vector<16xi32> to vector<16xi32>
      %sub3A_486 = arith.constant 10112 : i32
      %sub3A_487 = vector.broadcast %sub3A_486 : i32 to vector<16xi32>
      %sub3A_488 = arith.subi %get3A_485, %sub3A_487 : vector<16xi32>
      %swap3A_489 = arith.constant 16 : index
      %swap3A_490 = tpu.vector_load %arg16[%swap3A_489] {strides = array<i32>} : memref<48xi32, #tpu.memory_space<vmem>>, vector<16xi32>,
      %swap3A_491 = vector.shape_cast %swap3A_490 : vector<16xi32> to vector<16xi32>
      %swap3A_492 = vector.shape_cast %sub3A_488 : vector<16xi32> to vector<16xi32>
      tpu.vector_store %arg16[%swap3A_489], %swap3A_492 {strides = array<i32>} : memref<48xi32, #tpu.memory_space<vmem>>, vector<16xi32>,
      %get3A_493 = arith.constant 368 : index
      %get3A_494 = tpu.vector_load %arg7[%get3A_493] {strides = array<i32>} : memref<384xi32, #tpu.memory_space<vmem>>, vector<16xi32>,
      %get3A_495 = vector.shape_cast %get3A_494 : vector<16xi32> to vector<16xi32>
      %sub3A_496 = arith.constant 10112 : i32
      %sub3A_497 = vector.broadcast %sub3A_496 : i32 to vector<16xi32>
      %sub3A_498 = arith.subi %get3A_495, %sub3A_497 : vector<16xi32>
      %swap3A_499 = arith.constant 32 : index
      %swap3A_500 = tpu.vector_load %arg16[%swap3A_499] {strides = array<i32>} : memref<48xi32, #tpu.memory_space<vmem>>, vector<16xi32>,
      %swap3A_501 = vector.shape_cast %swap3A_500 : vector<16xi32> to vector<16xi32>
      %swap3A_502 = vector.shape_cast %sub3A_498 : vector<16xi32> to vector<16xi32>
      tpu.vector_store %arg16[%swap3A_499], %swap3A_502 {strides = array<i32>} : memref<48xi32, #tpu.memory_space<vmem>>, vector<16xi32>,
      %scan3A_503 = arith.constant 0 : i32
      %scan3A_504 = arith.constant 0 : i32
      %scan3A_505 = arith.constant 48 : i32
      %scan3A_506 = arith.addi %scan3A_504, %scan3A_505 : i32
      %scan3A_507 = arith.constant 1 : i32
      scf.for %scan3A_991 = %scan3A_504 to %scan3A_506 step %scan3A_507  : i32 {
        %get3A_992 = arith.index_cast %scan3A_991 : i32 to index
        %get3A_993 = arith.constant 0 : index
        %get3A_994 = tpu.vector_load %arg10[%get3A_992, %get3A_993] {strides = array<i32>} : memref<96x128xf32, #tpu.memory_space<vmem>>, vector<1x16xf32>,
        %get3A_995 = vector.shape_cast %get3A_994 : vector<1x16xf32> to vector<16xf32>
        %add3A_996 = arith.constant 48 : i32
        %add3A_997 = arith.addi %add3A_996, %scan3A_991 : i32
        %get3A_998 = arith.index_cast %add3A_997 : i32 to index
        %get3A_999 = arith.constant 0 : index
        %get3A_1000 = tpu.vector_load %arg10[%get3A_998, %get3A_999] {strides = array<i32>} : memref<96x128xf32, #tpu.memory_space<vmem>>, vector<1x16xf32>,
        %get3A_1001 = vector.shape_cast %get3A_1000 : vector<1x16xf32> to vector<16xf32>
        %add3A_1002 = arith.addf %get3A_995, %get3A_1001 : vector<16xf32>
        %get3A_1003 = arith.index_cast %scan3A_991 : i32 to index
        %get3A_1004 = arith.constant 0 : index
        %get3A_1005 = tpu.vector_load %arg12[%get3A_1003, %get3A_1004] {strides = array<i32>} : memref<48x128xf32, #tpu.memory_space<vmem>>, vector<1x16xf32>,
        %get3A_1006 = vector.shape_cast %get3A_1005 : vector<1x16xf32> to vector<16xf32>
        %add3A_1007 = arith.addf %add3A_1002, %get3A_1006 : vector<16xf32>
        %max3A = arith.constant 0.000000e+00 : f32
        %max3A_1008 = vector.broadcast %max3A : f32 to vector<16xf32>
        %max3A_1009 = arith.maximumf %add3A_1007, %max3A_1008 : vector<16xf32>
        %swap3A_1010 = arith.index_cast %scan3A_991 : i32 to index
        %swap3A_1011 = arith.constant 0 : index
        %swap3A_1012 = tpu.vector_load %arg14[%swap3A_1010, %swap3A_1011] {strides = array<i32>} : memref<48x128xf32, #tpu.memory_space<vmem>>, vector<1x16xf32>,
        %swap3A_1013 = vector.shape_cast %swap3A_1012 : vector<1x16xf32> to vector<16xf32>
        %swap3A_1014 = vector.shape_cast %max3A_1009 : vector<16xf32> to vector<1x16xf32>
        tpu.vector_store %arg14[%swap3A_1010, %swap3A_1011], %swap3A_1014 {strides = array<i32>} : memref<48x128xf32, #tpu.memory_space<vmem>>, vector<1x16xf32>,
        %get3A_1015 = arith.index_cast %scan3A_991 : i32 to index
        %get3A_1016 = arith.constant 16 : index
        %get3A_1017 = tpu.vector_load %arg10[%get3A_1015, %get3A_1016] {strides = array<i32>} : memref<96x128xf32, #tpu.memory_space<vmem>>, vector<1x16xf32>,
        %get3A_1018 = vector.shape_cast %get3A_1017 : vector<1x16xf32> to vector<16xf32>
        %add3A_1019 = arith.constant 48 : i32
        %add3A_1020 = arith.addi %add3A_1019, %scan3A_991 : i32
        %get3A_1021 = arith.index_cast %add3A_1020 : i32 to index
        %get3A_1022 = arith.constant 16 : index
        %get3A_1023 = tpu.vector_load %arg10[%get3A_1021, %get3A_1022] {strides = array<i32>} : memref<96x128xf32, #tpu.memory_space<vmem>>, vector<1x16xf32>,
        %get3A_1024 = vector.shape_cast %get3A_1023 : vector<1x16xf32> to vector<16xf32>
        %add3A_1025 = arith.addf %get3A_1018, %get3A_1024 : vector<16xf32>
        %get3A_1026 = arith.index_cast %scan3A_991 : i32 to index
        %get3A_1027 = arith.constant 16 : index
        %get3A_1028 = tpu.vector_load %arg12[%get3A_1026, %get3A_1027] {strides = array<i32>} : memref<48x128xf32, #tpu.memory_space<vmem>>, vector<1x16xf32>,
        %get3A_1029 = vector.shape_cast %get3A_1028 : vector<1x16xf32> to vector<16xf32>
        %add3A_1030 = arith.addf %add3A_1025, %get3A_1029 : vector<16xf32>
        %max3A_1031 = arith.constant 0.000000e+00 : f32
        %max3A_1032 = vector.broadcast %max3A_1031 : f32 to vector<16xf32>
        %max3A_1033 = arith.maximumf %add3A_1030, %max3A_1032 : vector<16xf32>
        %swap3A_1034 = arith.index_cast %scan3A_991 : i32 to index
        %swap3A_1035 = arith.constant 16 : index
        %swap3A_1036 = tpu.vector_load %arg14[%swap3A_1034, %swap3A_1035] {strides = array<i32>} : memref<48x128xf32, #tpu.memory_space<vmem>>, vector<1x16xf32>,
        %swap3A_1037 = vector.shape_cast %swap3A_1036 : vector<1x16xf32> to vector<16xf32>
        %swap3A_1038 = vector.shape_cast %max3A_1033 : vector<16xf32> to vector<1x16xf32>
        tpu.vector_store %arg14[%swap3A_1034, %swap3A_1035], %swap3A_1038 {strides = array<i32>} : memref<48x128xf32, #tpu.memory_space<vmem>>, vector<1x16xf32>,
        %get3A_1039 = arith.index_cast %scan3A_991 : i32 to index
        %get3A_1040 = arith.constant 32 : index
        %get3A_1041 = tpu.vector_load %arg10[%get3A_1039, %get3A_1040] {strides = array<i32>} : memref<96x128xf32, #tpu.memory_space<vmem>>, vector<1x16xf32>,
        %get3A_1042 = vector.shape_cast %get3A_1041 : vector<1x16xf32> to vector<16xf32>
        %add3A_1043 = arith.constant 48 : i32
        %add3A_1044 = arith.addi %add3A_1043, %scan3A_991 : i32
        %get3A_1045 = arith.index_cast %add3A_1044 : i32 to index
        %get3A_1046 = arith.constant 32 : index
        %get3A_1047 = tpu.vector_load %arg10[%get3A_1045, %get3A_1046] {strides = array<i32>} : memref<96x128xf32, #tpu.memory_space<vmem>>, vector<1x16xf32>,
        %get3A_1048 = vector.shape_cast %get3A_1047 : vector<1x16xf32> to vector<16xf32>
        %add3A_1049 = arith.addf %get3A_1042, %get3A_1048 : vector<16xf32>
        %get3A_1050 = arith.index_cast %scan3A_991 : i32 to index
        %get3A_1051 = arith.constant 32 : index
        %get3A_1052 = tpu.vector_load %arg12[%get3A_1050, %get3A_1051] {strides = array<i32>} : memref<48x128xf32, #tpu.memory_space<vmem>>, vector<1x16xf32>,
        %get3A_1053 = vector.shape_cast %get3A_1052 : vector<1x16xf32> to vector<16xf32>
        %add3A_1054 = arith.addf %add3A_1049, %get3A_1053 : vector<16xf32>
        %max3A_1055 = arith.constant 0.000000e+00 : f32
        %max3A_1056 = vector.broadcast %max3A_1055 : f32 to vector<16xf32>
        %max3A_1057 = arith.maximumf %add3A_1054, %max3A_1056 : vector<16xf32>
        %swap3A_1058 = arith.index_cast %scan3A_991 : i32 to index
        %swap3A_1059 = arith.constant 32 : index
        %swap3A_1060 = tpu.vector_load %arg14[%swap3A_1058, %swap3A_1059] {strides = array<i32>} : memref<48x128xf32, #tpu.memory_space<vmem>>, vector<1x16xf32>,
        %swap3A_1061 = vector.shape_cast %swap3A_1060 : vector<1x16xf32> to vector<16xf32>
        %swap3A_1062 = vector.shape_cast %max3A_1057 : vector<16xf32> to vector<1x16xf32>
        tpu.vector_store %arg14[%swap3A_1058, %swap3A_1059], %swap3A_1062 {strides = array<i32>} : memref<48x128xf32, #tpu.memory_space<vmem>>, vector<1x16xf32>,
        %get3A_1063 = arith.index_cast %scan3A_991 : i32 to index
        %get3A_1064 = arith.constant 48 : index
        %get3A_1065 = tpu.vector_load %arg10[%get3A_1063, %get3A_1064] {strides = array<i32>} : memref<96x128xf32, #tpu.memory_space<vmem>>, vector<1x16xf32>,
        %get3A_1066 = vector.shape_cast %get3A_1065 : vector<1x16xf32> to vector<16xf32>
        %add3A_1067 = arith.constant 48 : i32
        %add3A_1068 = arith.addi %add3A_1067, %scan3A_991 : i32
        %get3A_1069 = arith.index_cast %add3A_1068 : i32 to index
        %get3A_1070 = arith.constant 48 : index
        %get3A_1071 = tpu.vector_load %arg10[%get3A_1069, %get3A_1070] {strides = array<i32>} : memref<96x128xf32, #tpu.memory_space<vmem>>, vector<1x16xf32>,
        %get3A_1072 = vector.shape_cast %get3A_1071 : vector<1x16xf32> to vector<16xf32>
        %add3A_1073 = arith.addf %get3A_1066, %get3A_1072 : vector<16xf32>
        %get3A_1074 = arith.index_cast %scan3A_991 : i32 to index
        %get3A_1075 = arith.constant 48 : index
        %get3A_1076 = tpu.vector_load %arg12[%get3A_1074, %get3A_1075] {strides = array<i32>} : memref<48x128xf32, #tpu.memory_space<vmem>>, vector<1x16xf32>,
        %get3A_1077 = vector.shape_cast %get3A_1076 : vector<1x16xf32> to vector<16xf32>
        %add3A_1078 = arith.addf %add3A_1073, %get3A_1077 : vector<16xf32>
        %max3A_1079 = arith.constant 0.000000e+00 : f32
        %max3A_1080 = vector.broadcast %max3A_1079 : f32 to vector<16xf32>
        %max3A_1081 = arith.maximumf %add3A_1078, %max3A_1080 : vector<16xf32>
        %swap3A_1082 = arith.index_cast %scan3A_991 : i32 to index
        %swap3A_1083 = arith.constant 48 : index
        %swap3A_1084 = tpu.vector_load %arg14[%swap3A_1082, %swap3A_1083] {strides = array<i32>} : memref<48x128xf32, #tpu.memory_space<vmem>>, vector<1x16xf32>,
        %swap3A_1085 = vector.shape_cast %swap3A_1084 : vector<1x16xf32> to vector<16xf32>
        %swap3A_1086 = vector.shape_cast %max3A_1081 : vector<16xf32> to vector<1x16xf32>
        tpu.vector_store %arg14[%swap3A_1082, %swap3A_1083], %swap3A_1086 {strides = array<i32>} : memref<48x128xf32, #tpu.memory_space<vmem>>, vector<1x16xf32>,
        %get3A_1087 = arith.index_cast %scan3A_991 : i32 to index
        %get3A_1088 = arith.constant 64 : index
        %get3A_1089 = tpu.vector_load %arg10[%get3A_1087, %get3A_1088] {strides = array<i32>} : memref<96x128xf32, #tpu.memory_space<vmem>>, vector<1x16xf32>,
        %get3A_1090 = vector.shape_cast %get3A_1089 : vector<1x16xf32> to vector<16xf32>
        %add3A_1091 = arith.constant 48 : i32
        %add3A_1092 = arith.addi %add3A_1091, %scan3A_991 : i32
        %get3A_1093 = arith.index_cast %add3A_1092 : i32 to index
        %get3A_1094 = arith.constant 64 : index
        %get3A_1095 = tpu.vector_load %arg10[%get3A_1093, %get3A_1094] {strides = array<i32>} : memref<96x128xf32, #tpu.memory_space<vmem>>, vector<1x16xf32>,
        %get3A_1096 = vector.shape_cast %get3A_1095 : vector<1x16xf32> to vector<16xf32>
        %add3A_1097 = arith.addf %get3A_1090, %get3A_1096 : vector<16xf32>
        %get3A_1098 = arith.index_cast %scan3A_991 : i32 to index
        %get3A_1099 = arith.constant 64 : index
        %get3A_1100 = tpu.vector_load %arg12[%get3A_1098, %get3A_1099] {strides = array<i32>} : memref<48x128xf32, #tpu.memory_space<vmem>>, vector<1x16xf32>,
        %get3A_1101 = vector.shape_cast %get3A_1100 : vector<1x16xf32> to vector<16xf32>
        %add3A_1102 = arith.addf %add3A_1097, %get3A_1101 : vector<16xf32>
        %max3A_1103 = arith.constant 0.000000e+00 : f32
        %max3A_1104 = vector.broadcast %max3A_1103 : f32 to vector<16xf32>
        %max3A_1105 = arith.maximumf %add3A_1102, %max3A_1104 : vector<16xf32>
        %swap3A_1106 = arith.index_cast %scan3A_991 : i32 to index
        %swap3A_1107 = arith.constant 64 : index
        %swap3A_1108 = tpu.vector_load %arg14[%swap3A_1106, %swap3A_1107] {strides = array<i32>} : memref<48x128xf32, #tpu.memory_space<vmem>>, vector<1x16xf32>,
        %swap3A_1109 = vector.shape_cast %swap3A_1108 : vector<1x16xf32> to vector<16xf32>
        %swap3A_1110 = vector.shape_cast %max3A_1105 : vector<16xf32> to vector<1x16xf32>
        tpu.vector_store %arg14[%swap3A_1106, %swap3A_1107], %swap3A_1110 {strides = array<i32>} : memref<48x128xf32, #tpu.memory_space<vmem>>, vector<1x16xf32>,
        %get3A_1111 = arith.index_cast %scan3A_991 : i32 to index
        %get3A_1112 = arith.constant 80 : index
        %get3A_1113 = tpu.vector_load %arg10[%get3A_1111, %get3A_1112] {strides = array<i32>} : memref<96x128xf32, #tpu.memory_space<vmem>>, vector<1x16xf32>,
        %get3A_1114 = vector.shape_cast %get3A_1113 : vector<1x16xf32> to vector<16xf32>
        %add3A_1115 = arith.constant 48 : i32
        %add3A_1116 = arith.addi %add3A_1115, %scan3A_991 : i32
        %get3A_1117 = arith.index_cast %add3A_1116 : i32 to index
        %get3A_1118 = arith.constant 80 : index
        %get3A_1119 = tpu.vector_load %arg10[%get3A_1117, %get3A_1118] {strides = array<i32>} : memref<96x128xf32, #tpu.memory_space<vmem>>, vector<1x16xf32>,
        %get3A_1120 = vector.shape_cast %get3A_1119 : vector<1x16xf32> to vector<16xf32>
        %add3A_1121 = arith.addf %get3A_1114, %get3A_1120 : vector<16xf32>
        %get3A_1122 = arith.index_cast %scan3A_991 : i32 to index
        %get3A_1123 = arith.constant 80 : index
        %get3A_1124 = tpu.vector_load %arg12[%get3A_1122, %get3A_1123] {strides = array<i32>} : memref<48x128xf32, #tpu.memory_space<vmem>>, vector<1x16xf32>,
        %get3A_1125 = vector.shape_cast %get3A_1124 : vector<1x16xf32> to vector<16xf32>
        %add3A_1126 = arith.addf %add3A_1121, %get3A_1125 : vector<16xf32>
        %max3A_1127 = arith.constant 0.000000e+00 : f32
        %max3A_1128 = vector.broadcast %max3A_1127 : f32 to vector<16xf32>
        %max3A_1129 = arith.maximumf %add3A_1126, %max3A_1128 : vector<16xf32>
        %swap3A_1130 = arith.index_cast %scan3A_991 : i32 to index
        %swap3A_1131 = arith.constant 80 : index
        %swap3A_1132 = tpu.vector_load %arg14[%swap3A_1130, %swap3A_1131] {strides = array<i32>} : memref<48x128xf32, #tpu.memory_space<vmem>>, vector<1x16xf32>,
        %swap3A_1133 = vector.shape_cast %swap3A_1132 : vector<1x16xf32> to vector<16xf32>
        %swap3A_1134 = vector.shape_cast %max3A_1129 : vector<16xf32> to vector<1x16xf32>
        tpu.vector_store %arg14[%swap3A_1130, %swap3A_1131], %swap3A_1134 {strides = array<i32>} : memref<48x128xf32, #tpu.memory_space<vmem>>, vector<1x16xf32>,
        %get3A_1135 = arith.index_cast %scan3A_991 : i32 to index
        %get3A_1136 = arith.constant 96 : index
        %get3A_1137 = tpu.vector_load %arg10[%get3A_1135, %get3A_1136] {strides = array<i32>} : memref<96x128xf32, #tpu.memory_space<vmem>>, vector<1x16xf32>,
        %get3A_1138 = vector.shape_cast %get3A_1137 : vector<1x16xf32> to vector<16xf32>
        %add3A_1139 = arith.constant 48 : i32
        %add3A_1140 = arith.addi %add3A_1139, %scan3A_991 : i32
        %get3A_1141 = arith.index_cast %add3A_1140 : i32 to index
        %get3A_1142 = arith.constant 96 : index
        %get3A_1143 = tpu.vector_load %arg10[%get3A_1141, %get3A_1142] {strides = array<i32>} : memref<96x128xf32, #tpu.memory_space<vmem>>, vector<1x16xf32>,
        %get3A_1144 = vector.shape_cast %get3A_1143 : vector<1x16xf32> to vector<16xf32>
        %add3A_1145 = arith.addf %get3A_1138, %get3A_1144 : vector<16xf32>
        %get3A_1146 = arith.index_cast %scan3A_991 : i32 to index
        %get3A_1147 = arith.constant 96 : index
        %get3A_1148 = tpu.vector_load %arg12[%get3A_1146, %get3A_1147] {strides = array<i32>} : memref<48x128xf32, #tpu.memory_space<vmem>>, vector<1x16xf32>,
        %get3A_1149 = vector.shape_cast %get3A_1148 : vector<1x16xf32> to vector<16xf32>
        %add3A_1150 = arith.addf %add3A_1145, %get3A_1149 : vector<16xf32>
        %max3A_1151 = arith.constant 0.000000e+00 : f32
        %max3A_1152 = vector.broadcast %max3A_1151 : f32 to vector<16xf32>
        %max3A_1153 = arith.maximumf %add3A_1150, %max3A_1152 : vector<16xf32>
        %swap3A_1154 = arith.index_cast %scan3A_991 : i32 to index
        %swap3A_1155 = arith.constant 96 : index
        %swap3A_1156 = tpu.vector_load %arg14[%swap3A_1154, %swap3A_1155] {strides = array<i32>} : memref<48x128xf32, #tpu.memory_space<vmem>>, vector<1x16xf32>,
        %swap3A_1157 = vector.shape_cast %swap3A_1156 : vector<1x16xf32> to vector<16xf32>
        %swap3A_1158 = vector.shape_cast %max3A_1153 : vector<16xf32> to vector<1x16xf32>
        tpu.vector_store %arg14[%swap3A_1154, %swap3A_1155], %swap3A_1158 {strides = array<i32>} : memref<48x128xf32, #tpu.memory_space<vmem>>, vector<1x16xf32>,
        %get3A_1159 = arith.index_cast %scan3A_991 : i32 to index
        %get3A_1160 = arith.constant 112 : index
        %get3A_1161 = tpu.vector_load %arg10[%get3A_1159, %get3A_1160] {strides = array<i32>} : memref<96x128xf32, #tpu.memory_space<vmem>>, vector<1x16xf32>,
        %get3A_1162 = vector.shape_cast %get3A_1161 : vector<1x16xf32> to vector<16xf32>
        %add3A_1163 = arith.constant 48 : i32
        %add3A_1164 = arith.addi %add3A_1163, %scan3A_991 : i32
        %get3A_1165 = arith.index_cast %add3A_1164 : i32 to index
        %get3A_1166 = arith.constant 112 : index
        %get3A_1167 = tpu.vector_load %arg10[%get3A_1165, %get3A_1166] {strides = array<i32>} : memref<96x128xf32, #tpu.memory_space<vmem>>, vector<1x16xf32>,
        %get3A_1168 = vector.shape_cast %get3A_1167 : vector<1x16xf32> to vector<16xf32>
        %add3A_1169 = arith.addf %get3A_1162, %get3A_1168 : vector<16xf32>
        %get3A_1170 = arith.index_cast %scan3A_991 : i32 to index
        %get3A_1171 = arith.constant 112 : index
        %get3A_1172 = tpu.vector_load %arg12[%get3A_1170, %get3A_1171] {strides = array<i32>} : memref<48x128xf32, #tpu.memory_space<vmem>>, vector<1x16xf32>,
        %get3A_1173 = vector.shape_cast %get3A_1172 : vector<1x16xf32> to vector<16xf32>
        %add3A_1174 = arith.addf %add3A_1169, %get3A_1173 : vector<16xf32>
        %max3A_1175 = arith.constant 0.000000e+00 : f32
        %max3A_1176 = vector.broadcast %max3A_1175 : f32 to vector<16xf32>
        %max3A_1177 = arith.maximumf %add3A_1174, %max3A_1176 : vector<16xf32>
        %swap3A_1178 = arith.index_cast %scan3A_991 : i32 to index
        %swap3A_1179 = arith.constant 112 : index
        %swap3A_1180 = tpu.vector_load %arg14[%swap3A_1178, %swap3A_1179] {strides = array<i32>} : memref<48x128xf32, #tpu.memory_space<vmem>>, vector<1x16xf32>,
        %swap3A_1181 = vector.shape_cast %swap3A_1180 : vector<1x16xf32> to vector<16xf32>
        %swap3A_1182 = vector.shape_cast %max3A_1177 : vector<16xf32> to vector<1x16xf32>
        tpu.vector_store %arg14[%swap3A_1178, %swap3A_1179], %swap3A_1182 {strides = array<i32>} : memref<48x128xf32, #tpu.memory_space<vmem>>, vector<1x16xf32>,
      }
      %scan3A_508 = arith.constant 48 : i32
      %dma_start3A_509 = arith.constant 0 : i32
      %dma_start3A_510 = arith.constant 0 : i32
      %dma_start3A_511 = tpu.memref_slice %arg6[%dma_start3A_509, %dma_start3A_510] : memref<10112x128xf32, #tpu.memory_space<vmem_shared>> -> memref<10112x128xf32, #tpu.memory_space<vmem_shared>>
      tpu.enqueue_indirect_dma source(%arg14 : memref<48x128xf32, #tpu.memory_space<vmem>>) target(%dma_start3A_511 : memref<10112x128xf32, #tpu.memory_space<vmem_shared>>) offsets(%arg16 : memref<48xi32, #tpu.memory_space<vmem>>) semaphore(%arg22 : memref<!tpu.dma_semaphore, #tpu.memory_space<semaphore_mem>>) {add = true}
      %add3A_512 = arith.constant 3 : i32
      %add3A_513 = arith.addi %add3A_372, %add3A_512 : i32
      %dma_start3A_514 = arith.constant 96 : i32
      %dma_start3A_515 = tpu.memref_slice %arg8[%dma_start3A_514] : memref<384xi32, #tpu.memory_space<vmem>> -> memref<96xi32, #tpu.memory_space<vmem>>
      %dma_start3A_516 = arith.constant 0 : i32
      %dma_start3A_517 = arith.constant 0 : i32
      %dma_start3A_518 = tpu.memref_slice %arg2[%dma_start3A_516, %dma_start3A_517] : memref<20224x128xf32, #tpu.memory_space<hbm>> -> memref<20224x128xf32, #tpu.memory_space<hbm>>
      tpu.enqueue_indirect_dma source(%dma_start3A_518 : memref<20224x128xf32, #tpu.memory_space<hbm>>) target(%arg10 : memref<96x128xf32, #tpu.memory_space<vmem>>) offsets(%dma_start3A_515 : memref<96xi32, #tpu.memory_space<vmem>>) semaphore(%arg18 : memref<!tpu.dma_semaphore, #tpu.memory_space<semaphore_mem>>)
      %mul3A_519 = arith.constant 10176 : i32
      %mul3A_520 = arith.muli %add3A, %mul3A_519 : i32
      %mul3A_521 = arith.constant 48 : i32
      %mul3A_522 = arith.muli %add3A_513, %mul3A_521 : i32
      %add3A_523 = arith.addi %mul3A_520, %mul3A_522 : i32
      %multiple_of3A_524 = tpu.assume_multiple %add3A_523, 48 : i32
      %dma_start3A_525 = arith.constant 0 : i32
      %dma_start3A_526 = tpu.memref_slice %arg3[%multiple_of3A_524, %dma_start3A_525] : memref<325632x128xf32, #tpu.memory_space<hbm>> -> memref<48x128xf32, #tpu.memory_space<hbm>>
      %dma_start3A_527 = arith.constant 0 : i32
      %dma_start3A_528 = tpu.memref_slice %arg3[%multiple_of3A_524, %dma_start3A_527] : memref<325632x128xf32, #tpu.memory_space<hbm>> -> memref<48x128xf32, #tpu.memory_space<hbm>>
      tpu.enqueue_dma source(%dma_start3A_528 : memref<48x128xf32, #tpu.memory_space<hbm>>) target(%arg12 : memref<48x128xf32, #tpu.memory_space<vmem>>) target_semaphore(%arg20 : memref<!tpu.dma_semaphore, #tpu.memory_space<semaphore_mem>>)
      %dma_wait3A_529 = arith.constant 0 : i32
      %dma_wait3A_530 = arith.constant 0 : i32
      %dma_wait3A_531 = tpu.memref_slice %arg6[%dma_wait3A_529, %dma_wait3A_530] : memref<10112x128xf32, #tpu.memory_space<vmem_shared>> -> memref<10112x128xf32, #tpu.memory_space<vmem_shared>>
      tpu.wait_indirect_dma semaphore(%arg21 : memref<!tpu.dma_semaphore, #tpu.memory_space<semaphore_mem>>) src(%arg13 : memref<48x128xf32, #tpu.memory_space<vmem>>) dst(%dma_wait3A_531 : memref<10112x128xf32, #tpu.memory_space<vmem_shared>>)
      %add3A_532 = arith.constant 2 : i32
      %add3A_533 = arith.addi %add3A_372, %add3A_532 : i32
      %mul3A_534 = arith.constant 10176 : i32
      %mul3A_535 = arith.muli %add3A, %mul3A_534 : i32
      %mul3A_536 = arith.constant 48 : i32
      %mul3A_537 = arith.muli %add3A_533, %mul3A_536 : i32
      %add3A_538 = arith.addi %mul3A_535, %mul3A_537 : i32
      %multiple_of3A_539 = tpu.assume_multiple %add3A_538, 48 : i32
      %dma_wait3A_540 = arith.constant 0 : i32
      %dma_wait3A_541 = tpu.memref_slice %arg8[%dma_wait3A_540] : memref<384xi32, #tpu.memory_space<vmem>> -> memref<96xi32, #tpu.memory_space<vmem>>
      %dma_wait3A_542 = arith.constant 0 : i32
      %dma_wait3A_543 = arith.constant 0 : i32
      %dma_wait3A_544 = tpu.memref_slice %arg2[%dma_wait3A_542, %dma_wait3A_543] : memref<20224x128xf32, #tpu.memory_space<hbm>> -> memref<20224x128xf32, #tpu.memory_space<hbm>>
      tpu.wait_indirect_dma semaphore(%arg17 : memref<!tpu.dma_semaphore, #tpu.memory_space<semaphore_mem>>) src(%dma_wait3A_544 : memref<20224x128xf32, #tpu.memory_space<hbm>>) dst(%arg9 : memref<96x128xf32, #tpu.memory_space<vmem>>)
      %dma_wait3A_545 = arith.constant 0 : i32
      %dma_wait3A_546 = tpu.memref_slice %arg3[%multiple_of3A_539, %dma_wait3A_545] : memref<325632x128xf32, #tpu.memory_space<hbm>> -> memref<48x128xf32, #tpu.memory_space<hbm>>
      %dma_wait3A_547 = arith.constant 0 : i32
      %dma_wait3A_548 = tpu.memref_slice %arg3[%multiple_of3A_539, %dma_wait3A_547] : memref<325632x128xf32, #tpu.memory_space<hbm>> -> memref<48x128xf32, #tpu.memory_space<hbm>>
      tpu.wait_dma2 semaphore(%arg19 : memref<!tpu.dma_semaphore, #tpu.memory_space<semaphore_mem>>) src(%dma_wait3A_548 : memref<48x128xf32, #tpu.memory_space<hbm>>) dst(%arg11 : memref<48x128xf32, #tpu.memory_space<vmem>>)
      %get3A_549 = arith.constant 48 : index
      %get3A_550 = tpu.vector_load %arg8[%get3A_549] {strides = array<i32>} : memref<384xi32, #tpu.memory_space<vmem>>, vector<16xi32>,
      %get3A_551 = vector.shape_cast %get3A_550 : vector<16xi32> to vector<16xi32>
      %sub3A_552 = arith.constant 10112 : i32
      %sub3A_553 = vector.broadcast %sub3A_552 : i32 to vector<16xi32>
      %sub3A_554 = arith.subi %get3A_551, %sub3A_553 : vector<16xi32>
      %swap3A_555 = arith.constant 0 : index
      %swap3A_556 = tpu.vector_load %arg15[%swap3A_555] {strides = array<i32>} : memref<48xi32, #tpu.memory_space<vmem>>, vector<16xi32>,
      %swap3A_557 = vector.shape_cast %swap3A_556 : vector<16xi32> to vector<16xi32>
      %swap3A_558 = vector.shape_cast %sub3A_554 : vector<16xi32> to vector<16xi32>
      tpu.vector_store %arg15[%swap3A_555], %swap3A_558 {strides = array<i32>} : memref<48xi32, #tpu.memory_space<vmem>>, vector<16xi32>,
      %get3A_559 = arith.constant 64 : index
      %get3A_560 = tpu.vector_load %arg8[%get3A_559] {strides = array<i32>} : memref<384xi32, #tpu.memory_space<vmem>>, vector<16xi32>,
      %get3A_561 = vector.shape_cast %get3A_560 : vector<16xi32> to vector<16xi32>
      %sub3A_562 = arith.constant 10112 : i32
      %sub3A_563 = vector.broadcast %sub3A_562 : i32 to vector<16xi32>
      %sub3A_564 = arith.subi %get3A_561, %sub3A_563 : vector<16xi32>
      %swap3A_565 = arith.constant 16 : index
      %swap3A_566 = tpu.vector_load %arg15[%swap3A_565] {strides = array<i32>} : memref<48xi32, #tpu.memory_space<vmem>>, vector<16xi32>,
      %swap3A_567 = vector.shape_cast %swap3A_566 : vector<16xi32> to vector<16xi32>
      %swap3A_568 = vector.shape_cast %sub3A_564 : vector<16xi32> to vector<16xi32>
      tpu.vector_store %arg15[%swap3A_565], %swap3A_568 {strides = array<i32>} : memref<48xi32, #tpu.memory_space<vmem>>, vector<16xi32>,
      %get3A_569 = arith.constant 80 : index
      %get3A_570 = tpu.vector_load %arg8[%get3A_569] {strides = array<i32>} : memref<384xi32, #tpu.memory_space<vmem>>, vector<16xi32>,
      %get3A_571 = vector.shape_cast %get3A_570 : vector<16xi32> to vector<16xi32>
      %sub3A_572 = arith.constant 10112 : i32
      %sub3A_573 = vector.broadcast %sub3A_572 : i32 to vector<16xi32>
      %sub3A_574 = arith.subi %get3A_571, %sub3A_573 : vector<16xi32>
      %swap3A_575 = arith.constant 32 : index
      %swap3A_576 = tpu.vector_load %arg15[%swap3A_575] {strides = array<i32>} : memref<48xi32, #tpu.memory_space<vmem>>, vector<16xi32>,
      %swap3A_577 = vector.shape_cast %swap3A_576 : vector<16xi32> to vector<16xi32>
      %swap3A_578 = vector.shape_cast %sub3A_574 : vector<16xi32> to vector<16xi32>
      tpu.vector_store %arg15[%swap3A_575], %swap3A_578 {strides = array<i32>} : memref<48xi32, #tpu.memory_space<vmem>>, vector<16xi32>,
      %scan3A_579 = arith.constant 0 : i32
      %scan3A_580 = arith.constant 0 : i32
      %scan3A_581 = arith.constant 48 : i32
      %scan3A_582 = arith.addi %scan3A_580, %scan3A_581 : i32
      %scan3A_583 = arith.constant 1 : i32
      scf.for %scan3A_991 = %scan3A_580 to %scan3A_582 step %scan3A_583  : i32 {
        %get3A_992 = arith.index_cast %scan3A_991 : i32 to index
        %get3A_993 = arith.constant 0 : index
        %get3A_994 = tpu.vector_load %arg9[%get3A_992, %get3A_993] {strides = array<i32>} : memref<96x128xf32, #tpu.memory_space<vmem>>, vector<1x16xf32>,
        %get3A_995 = vector.shape_cast %get3A_994 : vector<1x16xf32> to vector<16xf32>
        %add3A_996 = arith.constant 48 : i32
        %add3A_997 = arith.addi %add3A_996, %scan3A_991 : i32
        %get3A_998 = arith.index_cast %add3A_997 : i32 to index
        %get3A_999 = arith.constant 0 : index
        %get3A_1000 = tpu.vector_load %arg9[%get3A_998, %get3A_999] {strides = array<i32>} : memref<96x128xf32, #tpu.memory_space<vmem>>, vector<1x16xf32>,
        %get3A_1001 = vector.shape_cast %get3A_1000 : vector<1x16xf32> to vector<16xf32>
        %add3A_1002 = arith.addf %get3A_995, %get3A_1001 : vector<16xf32>
        %get3A_1003 = arith.index_cast %scan3A_991 : i32 to index
        %get3A_1004 = arith.constant 0 : index
        %get3A_1005 = tpu.vector_load %arg11[%get3A_1003, %get3A_1004] {strides = array<i32>} : memref<48x128xf32, #tpu.memory_space<vmem>>, vector<1x16xf32>,
        %get3A_1006 = vector.shape_cast %get3A_1005 : vector<1x16xf32> to vector<16xf32>
        %add3A_1007 = arith.addf %add3A_1002, %get3A_1006 : vector<16xf32>
        %max3A = arith.constant 0.000000e+00 : f32
        %max3A_1008 = vector.broadcast %max3A : f32 to vector<16xf32>
        %max3A_1009 = arith.maximumf %add3A_1007, %max3A_1008 : vector<16xf32>
        %swap3A_1010 = arith.index_cast %scan3A_991 : i32 to index
        %swap3A_1011 = arith.constant 0 : index
        %swap3A_1012 = tpu.vector_load %arg13[%swap3A_1010, %swap3A_1011] {strides = array<i32>} : memref<48x128xf32, #tpu.memory_space<vmem>>, vector<1x16xf32>,
        %swap3A_1013 = vector.shape_cast %swap3A_1012 : vector<1x16xf32> to vector<16xf32>
        %swap3A_1014 = vector.shape_cast %max3A_1009 : vector<16xf32> to vector<1x16xf32>
        tpu.vector_store %arg13[%swap3A_1010, %swap3A_1011], %swap3A_1014 {strides = array<i32>} : memref<48x128xf32, #tpu.memory_space<vmem>>, vector<1x16xf32>,
        %get3A_1015 = arith.index_cast %scan3A_991 : i32 to index
        %get3A_1016 = arith.constant 16 : index
        %get3A_1017 = tpu.vector_load %arg9[%get3A_1015, %get3A_1016] {strides = array<i32>} : memref<96x128xf32, #tpu.memory_space<vmem>>, vector<1x16xf32>,
        %get3A_1018 = vector.shape_cast %get3A_1017 : vector<1x16xf32> to vector<16xf32>
        %add3A_1019 = arith.constant 48 : i32
        %add3A_1020 = arith.addi %add3A_1019, %scan3A_991 : i32
        %get3A_1021 = arith.index_cast %add3A_1020 : i32 to index
        %get3A_1022 = arith.constant 16 : index
        %get3A_1023 = tpu.vector_load %arg9[%get3A_1021, %get3A_1022] {strides = array<i32>} : memref<96x128xf32, #tpu.memory_space<vmem>>, vector<1x16xf32>,
        %get3A_1024 = vector.shape_cast %get3A_1023 : vector<1x16xf32> to vector<16xf32>
        %add3A_1025 = arith.addf %get3A_1018, %get3A_1024 : vector<16xf32>
        %get3A_1026 = arith.index_cast %scan3A_991 : i32 to index
        %get3A_1027 = arith.constant 16 : index
        %get3A_1028 = tpu.vector_load %arg11[%get3A_1026, %get3A_1027] {strides = array<i32>} : memref<48x128xf32, #tpu.memory_space<vmem>>, vector<1x16xf32>,
        %get3A_1029 = vector.shape_cast %get3A_1028 : vector<1x16xf32> to vector<16xf32>
        %add3A_1030 = arith.addf %add3A_1025, %get3A_1029 : vector<16xf32>
        %max3A_1031 = arith.constant 0.000000e+00 : f32
        %max3A_1032 = vector.broadcast %max3A_1031 : f32 to vector<16xf32>
        %max3A_1033 = arith.maximumf %add3A_1030, %max3A_1032 : vector<16xf32>
        %swap3A_1034 = arith.index_cast %scan3A_991 : i32 to index
        %swap3A_1035 = arith.constant 16 : index
        %swap3A_1036 = tpu.vector_load %arg13[%swap3A_1034, %swap3A_1035] {strides = array<i32>} : memref<48x128xf32, #tpu.memory_space<vmem>>, vector<1x16xf32>,
        %swap3A_1037 = vector.shape_cast %swap3A_1036 : vector<1x16xf32> to vector<16xf32>
        %swap3A_1038 = vector.shape_cast %max3A_1033 : vector<16xf32> to vector<1x16xf32>
        tpu.vector_store %arg13[%swap3A_1034, %swap3A_1035], %swap3A_1038 {strides = array<i32>} : memref<48x128xf32, #tpu.memory_space<vmem>>, vector<1x16xf32>,
        %get3A_1039 = arith.index_cast %scan3A_991 : i32 to index
        %get3A_1040 = arith.constant 32 : index
        %get3A_1041 = tpu.vector_load %arg9[%get3A_1039, %get3A_1040] {strides = array<i32>} : memref<96x128xf32, #tpu.memory_space<vmem>>, vector<1x16xf32>,
        %get3A_1042 = vector.shape_cast %get3A_1041 : vector<1x16xf32> to vector<16xf32>
        %add3A_1043 = arith.constant 48 : i32
        %add3A_1044 = arith.addi %add3A_1043, %scan3A_991 : i32
        %get3A_1045 = arith.index_cast %add3A_1044 : i32 to index
        %get3A_1046 = arith.constant 32 : index
        %get3A_1047 = tpu.vector_load %arg9[%get3A_1045, %get3A_1046] {strides = array<i32>} : memref<96x128xf32, #tpu.memory_space<vmem>>, vector<1x16xf32>,
        %get3A_1048 = vector.shape_cast %get3A_1047 : vector<1x16xf32> to vector<16xf32>
        %add3A_1049 = arith.addf %get3A_1042, %get3A_1048 : vector<16xf32>
        %get3A_1050 = arith.index_cast %scan3A_991 : i32 to index
        %get3A_1051 = arith.constant 32 : index
        %get3A_1052 = tpu.vector_load %arg11[%get3A_1050, %get3A_1051] {strides = array<i32>} : memref<48x128xf32, #tpu.memory_space<vmem>>, vector<1x16xf32>,
        %get3A_1053 = vector.shape_cast %get3A_1052 : vector<1x16xf32> to vector<16xf32>
        %add3A_1054 = arith.addf %add3A_1049, %get3A_1053 : vector<16xf32>
        %max3A_1055 = arith.constant 0.000000e+00 : f32
        %max3A_1056 = vector.broadcast %max3A_1055 : f32 to vector<16xf32>
        %max3A_1057 = arith.maximumf %add3A_1054, %max3A_1056 : vector<16xf32>
        %swap3A_1058 = arith.index_cast %scan3A_991 : i32 to index
        %swap3A_1059 = arith.constant 32 : index
        %swap3A_1060 = tpu.vector_load %arg13[%swap3A_1058, %swap3A_1059] {strides = array<i32>} : memref<48x128xf32, #tpu.memory_space<vmem>>, vector<1x16xf32>,
        %swap3A_1061 = vector.shape_cast %swap3A_1060 : vector<1x16xf32> to vector<16xf32>
        %swap3A_1062 = vector.shape_cast %max3A_1057 : vector<16xf32> to vector<1x16xf32>
        tpu.vector_store %arg13[%swap3A_1058, %swap3A_1059], %swap3A_1062 {strides = array<i32>} : memref<48x128xf32, #tpu.memory_space<vmem>>, vector<1x16xf32>,
        %get3A_1063 = arith.index_cast %scan3A_991 : i32 to index
        %get3A_1064 = arith.constant 48 : index
        %get3A_1065 = tpu.vector_load %arg9[%get3A_1063, %get3A_1064] {strides = array<i32>} : memref<96x128xf32, #tpu.memory_space<vmem>>, vector<1x16xf32>,
        %get3A_1066 = vector.shape_cast %get3A_1065 : vector<1x16xf32> to vector<16xf32>
        %add3A_1067 = arith.constant 48 : i32
        %add3A_1068 = arith.addi %add3A_1067, %scan3A_991 : i32
        %get3A_1069 = arith.index_cast %add3A_1068 : i32 to index
        %get3A_1070 = arith.constant 48 : index
        %get3A_1071 = tpu.vector_load %arg9[%get3A_1069, %get3A_1070] {strides = array<i32>} : memref<96x128xf32, #tpu.memory_space<vmem>>, vector<1x16xf32>,
        %get3A_1072 = vector.shape_cast %get3A_1071 : vector<1x16xf32> to vector<16xf32>
        %add3A_1073 = arith.addf %get3A_1066, %get3A_1072 : vector<16xf32>
        %get3A_1074 = arith.index_cast %scan3A_991 : i32 to index
        %get3A_1075 = arith.constant 48 : index
        %get3A_1076 = tpu.vector_load %arg11[%get3A_1074, %get3A_1075] {strides = array<i32>} : memref<48x128xf32, #tpu.memory_space<vmem>>, vector<1x16xf32>,
        %get3A_1077 = vector.shape_cast %get3A_1076 : vector<1x16xf32> to vector<16xf32>
        %add3A_1078 = arith.addf %add3A_1073, %get3A_1077 : vector<16xf32>
        %max3A_1079 = arith.constant 0.000000e+00 : f32
        %max3A_1080 = vector.broadcast %max3A_1079 : f32 to vector<16xf32>
        %max3A_1081 = arith.maximumf %add3A_1078, %max3A_1080 : vector<16xf32>
        %swap3A_1082 = arith.index_cast %scan3A_991 : i32 to index
        %swap3A_1083 = arith.constant 48 : index
        %swap3A_1084 = tpu.vector_load %arg13[%swap3A_1082, %swap3A_1083] {strides = array<i32>} : memref<48x128xf32, #tpu.memory_space<vmem>>, vector<1x16xf32>,
        %swap3A_1085 = vector.shape_cast %swap3A_1084 : vector<1x16xf32> to vector<16xf32>
        %swap3A_1086 = vector.shape_cast %max3A_1081 : vector<16xf32> to vector<1x16xf32>
        tpu.vector_store %arg13[%swap3A_1082, %swap3A_1083], %swap3A_1086 {strides = array<i32>} : memref<48x128xf32, #tpu.memory_space<vmem>>, vector<1x16xf32>,
        %get3A_1087 = arith.index_cast %scan3A_991 : i32 to index
        %get3A_1088 = arith.constant 64 : index
        %get3A_1089 = tpu.vector_load %arg9[%get3A_1087, %get3A_1088] {strides = array<i32>} : memref<96x128xf32, #tpu.memory_space<vmem>>, vector<1x16xf32>,
        %get3A_1090 = vector.shape_cast %get3A_1089 : vector<1x16xf32> to vector<16xf32>
        %add3A_1091 = arith.constant 48 : i32
        %add3A_1092 = arith.addi %add3A_1091, %scan3A_991 : i32
        %get3A_1093 = arith.index_cast %add3A_1092 : i32 to index
        %get3A_1094 = arith.constant 64 : index
        %get3A_1095 = tpu.vector_load %arg9[%get3A_1093, %get3A_1094] {strides = array<i32>} : memref<96x128xf32, #tpu.memory_space<vmem>>, vector<1x16xf32>,
        %get3A_1096 = vector.shape_cast %get3A_1095 : vector<1x16xf32> to vector<16xf32>
        %add3A_1097 = arith.addf %get3A_1090, %get3A_1096 : vector<16xf32>
        %get3A_1098 = arith.index_cast %scan3A_991 : i32 to index
        %get3A_1099 = arith.constant 64 : index
        %get3A_1100 = tpu.vector_load %arg11[%get3A_1098, %get3A_1099] {strides = array<i32>} : memref<48x128xf32, #tpu.memory_space<vmem>>, vector<1x16xf32>,
        %get3A_1101 = vector.shape_cast %get3A_1100 : vector<1x16xf32> to vector<16xf32>
        %add3A_1102 = arith.addf %add3A_1097, %get3A_1101 : vector<16xf32>
        %max3A_1103 = arith.constant 0.000000e+00 : f32
        %max3A_1104 = vector.broadcast %max3A_1103 : f32 to vector<16xf32>
        %max3A_1105 = arith.maximumf %add3A_1102, %max3A_1104 : vector<16xf32>
        %swap3A_1106 = arith.index_cast %scan3A_991 : i32 to index
        %swap3A_1107 = arith.constant 64 : index
        %swap3A_1108 = tpu.vector_load %arg13[%swap3A_1106, %swap3A_1107] {strides = array<i32>} : memref<48x128xf32, #tpu.memory_space<vmem>>, vector<1x16xf32>,
        %swap3A_1109 = vector.shape_cast %swap3A_1108 : vector<1x16xf32> to vector<16xf32>
        %swap3A_1110 = vector.shape_cast %max3A_1105 : vector<16xf32> to vector<1x16xf32>
        tpu.vector_store %arg13[%swap3A_1106, %swap3A_1107], %swap3A_1110 {strides = array<i32>} : memref<48x128xf32, #tpu.memory_space<vmem>>, vector<1x16xf32>,
        %get3A_1111 = arith.index_cast %scan3A_991 : i32 to index
        %get3A_1112 = arith.constant 80 : index
        %get3A_1113 = tpu.vector_load %arg9[%get3A_1111, %get3A_1112] {strides = array<i32>} : memref<96x128xf32, #tpu.memory_space<vmem>>, vector<1x16xf32>,
        %get3A_1114 = vector.shape_cast %get3A_1113 : vector<1x16xf32> to vector<16xf32>
        %add3A_1115 = arith.constant 48 : i32
        %add3A_1116 = arith.addi %add3A_1115, %scan3A_991 : i32
        %get3A_1117 = arith.index_cast %add3A_1116 : i32 to index
        %get3A_1118 = arith.constant 80 : index
        %get3A_1119 = tpu.vector_load %arg9[%get3A_1117, %get3A_1118] {strides = array<i32>} : memref<96x128xf32, #tpu.memory_space<vmem>>, vector<1x16xf32>,
        %get3A_1120 = vector.shape_cast %get3A_1119 : vector<1x16xf32> to vector<16xf32>
        %add3A_1121 = arith.addf %get3A_1114, %get3A_1120 : vector<16xf32>
        %get3A_1122 = arith.index_cast %scan3A_991 : i32 to index
        %get3A_1123 = arith.constant 80 : index
        %get3A_1124 = tpu.vector_load %arg11[%get3A_1122, %get3A_1123] {strides = array<i32>} : memref<48x128xf32, #tpu.memory_space<vmem>>, vector<1x16xf32>,
        %get3A_1125 = vector.shape_cast %get3A_1124 : vector<1x16xf32> to vector<16xf32>
        %add3A_1126 = arith.addf %add3A_1121, %get3A_1125 : vector<16xf32>
        %max3A_1127 = arith.constant 0.000000e+00 : f32
        %max3A_1128 = vector.broadcast %max3A_1127 : f32 to vector<16xf32>
        %max3A_1129 = arith.maximumf %add3A_1126, %max3A_1128 : vector<16xf32>
        %swap3A_1130 = arith.index_cast %scan3A_991 : i32 to index
        %swap3A_1131 = arith.constant 80 : index
        %swap3A_1132 = tpu.vector_load %arg13[%swap3A_1130, %swap3A_1131] {strides = array<i32>} : memref<48x128xf32, #tpu.memory_space<vmem>>, vector<1x16xf32>,
        %swap3A_1133 = vector.shape_cast %swap3A_1132 : vector<1x16xf32> to vector<16xf32>
        %swap3A_1134 = vector.shape_cast %max3A_1129 : vector<16xf32> to vector<1x16xf32>
        tpu.vector_store %arg13[%swap3A_1130, %swap3A_1131], %swap3A_1134 {strides = array<i32>} : memref<48x128xf32, #tpu.memory_space<vmem>>, vector<1x16xf32>,
        %get3A_1135 = arith.index_cast %scan3A_991 : i32 to index
        %get3A_1136 = arith.constant 96 : index
        %get3A_1137 = tpu.vector_load %arg9[%get3A_1135, %get3A_1136] {strides = array<i32>} : memref<96x128xf32, #tpu.memory_space<vmem>>, vector<1x16xf32>,
        %get3A_1138 = vector.shape_cast %get3A_1137 : vector<1x16xf32> to vector<16xf32>
        %add3A_1139 = arith.constant 48 : i32
        %add3A_1140 = arith.addi %add3A_1139, %scan3A_991 : i32
        %get3A_1141 = arith.index_cast %add3A_1140 : i32 to index
        %get3A_1142 = arith.constant 96 : index
        %get3A_1143 = tpu.vector_load %arg9[%get3A_1141, %get3A_1142] {strides = array<i32>} : memref<96x128xf32, #tpu.memory_space<vmem>>, vector<1x16xf32>,
        %get3A_1144 = vector.shape_cast %get3A_1143 : vector<1x16xf32> to vector<16xf32>
        %add3A_1145 = arith.addf %get3A_1138, %get3A_1144 : vector<16xf32>
        %get3A_1146 = arith.index_cast %scan3A_991 : i32 to index
        %get3A_1147 = arith.constant 96 : index
        %get3A_1148 = tpu.vector_load %arg11[%get3A_1146, %get3A_1147] {strides = array<i32>} : memref<48x128xf32, #tpu.memory_space<vmem>>, vector<1x16xf32>,
        %get3A_1149 = vector.shape_cast %get3A_1148 : vector<1x16xf32> to vector<16xf32>
        %add3A_1150 = arith.addf %add3A_1145, %get3A_1149 : vector<16xf32>
        %max3A_1151 = arith.constant 0.000000e+00 : f32
        %max3A_1152 = vector.broadcast %max3A_1151 : f32 to vector<16xf32>
        %max3A_1153 = arith.maximumf %add3A_1150, %max3A_1152 : vector<16xf32>
        %swap3A_1154 = arith.index_cast %scan3A_991 : i32 to index
        %swap3A_1155 = arith.constant 96 : index
        %swap3A_1156 = tpu.vector_load %arg13[%swap3A_1154, %swap3A_1155] {strides = array<i32>} : memref<48x128xf32, #tpu.memory_space<vmem>>, vector<1x16xf32>,
        %swap3A_1157 = vector.shape_cast %swap3A_1156 : vector<1x16xf32> to vector<16xf32>
        %swap3A_1158 = vector.shape_cast %max3A_1153 : vector<16xf32> to vector<1x16xf32>
        tpu.vector_store %arg13[%swap3A_1154, %swap3A_1155], %swap3A_1158 {strides = array<i32>} : memref<48x128xf32, #tpu.memory_space<vmem>>, vector<1x16xf32>,
        %get3A_1159 = arith.index_cast %scan3A_991 : i32 to index
        %get3A_1160 = arith.constant 112 : index
        %get3A_1161 = tpu.vector_load %arg9[%get3A_1159, %get3A_1160] {strides = array<i32>} : memref<96x128xf32, #tpu.memory_space<vmem>>, vector<1x16xf32>,
        %get3A_1162 = vector.shape_cast %get3A_1161 : vector<1x16xf32> to vector<16xf32>
        %add3A_1163 = arith.constant 48 : i32
        %add3A_1164 = arith.addi %add3A_1163, %scan3A_991 : i32
        %get3A_1165 = arith.index_cast %add3A_1164 : i32 to index
        %get3A_1166 = arith.constant 112 : index
        %get3A_1167 = tpu.vector_load %arg9[%get3A_1165, %get3A_1166] {strides = array<i32>} : memref<96x128xf32, #tpu.memory_space<vmem>>, vector<1x16xf32>,
        %get3A_1168 = vector.shape_cast %get3A_1167 : vector<1x16xf32> to vector<16xf32>
        %add3A_1169 = arith.addf %get3A_1162, %get3A_1168 : vector<16xf32>
        %get3A_1170 = arith.index_cast %scan3A_991 : i32 to index
        %get3A_1171 = arith.constant 112 : index
        %get3A_1172 = tpu.vector_load %arg11[%get3A_1170, %get3A_1171] {strides = array<i32>} : memref<48x128xf32, #tpu.memory_space<vmem>>, vector<1x16xf32>,
        %get3A_1173 = vector.shape_cast %get3A_1172 : vector<1x16xf32> to vector<16xf32>
        %add3A_1174 = arith.addf %add3A_1169, %get3A_1173 : vector<16xf32>
        %max3A_1175 = arith.constant 0.000000e+00 : f32
        %max3A_1176 = vector.broadcast %max3A_1175 : f32 to vector<16xf32>
        %max3A_1177 = arith.maximumf %add3A_1174, %max3A_1176 : vector<16xf32>
        %swap3A_1178 = arith.index_cast %scan3A_991 : i32 to index
        %swap3A_1179 = arith.constant 112 : index
        %swap3A_1180 = tpu.vector_load %arg13[%swap3A_1178, %swap3A_1179] {strides = array<i32>} : memref<48x128xf32, #tpu.memory_space<vmem>>, vector<1x16xf32>,
        %swap3A_1181 = vector.shape_cast %swap3A_1180 : vector<1x16xf32> to vector<16xf32>
        %swap3A_1182 = vector.shape_cast %max3A_1177 : vector<16xf32> to vector<1x16xf32>
        tpu.vector_store %arg13[%swap3A_1178, %swap3A_1179], %swap3A_1182 {strides = array<i32>} : memref<48x128xf32, #tpu.memory_space<vmem>>, vector<1x16xf32>,
      }
      %scan3A_584 = arith.constant 48 : i32
      %dma_start3A_585 = arith.constant 0 : i32
      %dma_start3A_586 = arith.constant 0 : i32
      %dma_start3A_587 = tpu.memref_slice %arg6[%dma_start3A_585, %dma_start3A_586] : memref<10112x128xf32, #tpu.memory_space<vmem_shared>> -> memref<10112x128xf32, #tpu.memory_space<vmem_shared>>
      tpu.enqueue_indirect_dma source(%arg13 : memref<48x128xf32, #tpu.memory_space<vmem>>) target(%dma_start3A_587 : memref<10112x128xf32, #tpu.memory_space<vmem_shared>>) offsets(%arg15 : memref<48xi32, #tpu.memory_space<vmem>>) semaphore(%arg21 : memref<!tpu.dma_semaphore, #tpu.memory_space<semaphore_mem>>) {add = true}
      %add3A_588 = arith.constant 4 : i32
      %add3A_589 = arith.addi %add3A_372, %add3A_588 : i32
      %dma_start3A_590 = arith.constant 192 : i32
      %dma_start3A_591 = tpu.memref_slice %arg8[%dma_start3A_590] : memref<384xi32, #tpu.memory_space<vmem>> -> memref<96xi32, #tpu.memory_space<vmem>>
      %dma_start3A_592 = arith.constant 0 : i32
      %dma_start3A_593 = arith.constant 0 : i32
      %dma_start3A_594 = tpu.memref_slice %arg2[%dma_start3A_592, %dma_start3A_593] : memref<20224x128xf32, #tpu.memory_space<hbm>> -> memref<20224x128xf32, #tpu.memory_space<hbm>>
      tpu.enqueue_indirect_dma source(%dma_start3A_594 : memref<20224x128xf32, #tpu.memory_space<hbm>>) target(%arg9 : memref<96x128xf32, #tpu.memory_space<vmem>>) offsets(%dma_start3A_591 : memref<96xi32, #tpu.memory_space<vmem>>) semaphore(%arg17 : memref<!tpu.dma_semaphore, #tpu.memory_space<semaphore_mem>>)
      %mul3A_595 = arith.constant 10176 : i32
      %mul3A_596 = arith.muli %add3A, %mul3A_595 : i32
      %mul3A_597 = arith.constant 48 : i32
      %mul3A_598 = arith.muli %add3A_589, %mul3A_597 : i32
      %add3A_599 = arith.addi %mul3A_596, %mul3A_598 : i32
      %multiple_of3A_600 = tpu.assume_multiple %add3A_599, 48 : i32
      %dma_start3A_601 = arith.constant 0 : i32
      %dma_start3A_602 = tpu.memref_slice %arg3[%multiple_of3A_600, %dma_start3A_601] : memref<325632x128xf32, #tpu.memory_space<hbm>> -> memref<48x128xf32, #tpu.memory_space<hbm>>
      %dma_start3A_603 = arith.constant 0 : i32
      %dma_start3A_604 = tpu.memref_slice %arg3[%multiple_of3A_600, %dma_start3A_603] : memref<325632x128xf32, #tpu.memory_space<hbm>> -> memref<48x128xf32, #tpu.memory_space<hbm>>
      tpu.enqueue_dma source(%dma_start3A_604 : memref<48x128xf32, #tpu.memory_space<hbm>>) target(%arg11 : memref<48x128xf32, #tpu.memory_space<vmem>>) target_semaphore(%arg19 : memref<!tpu.dma_semaphore, #tpu.memory_space<semaphore_mem>>)
      %dma_wait3A_605 = arith.constant 0 : i32
      %dma_wait3A_606 = arith.constant 0 : i32
      %dma_wait3A_607 = tpu.memref_slice %arg6[%dma_wait3A_605, %dma_wait3A_606] : memref<10112x128xf32, #tpu.memory_space<vmem_shared>> -> memref<10112x128xf32, #tpu.memory_space<vmem_shared>>
      tpu.wait_indirect_dma semaphore(%arg22 : memref<!tpu.dma_semaphore, #tpu.memory_space<semaphore_mem>>) src(%arg14 : memref<48x128xf32, #tpu.memory_space<vmem>>) dst(%dma_wait3A_607 : memref<10112x128xf32, #tpu.memory_space<vmem_shared>>)
      %add3A_608 = arith.constant 3 : i32
      %add3A_609 = arith.addi %add3A_372, %add3A_608 : i32
      %mul3A_610 = arith.constant 10176 : i32
      %mul3A_611 = arith.muli %add3A, %mul3A_610 : i32
      %mul3A_612 = arith.constant 48 : i32
      %mul3A_613 = arith.muli %add3A_609, %mul3A_612 : i32
      %add3A_614 = arith.addi %mul3A_611, %mul3A_613 : i32
      %multiple_of3A_615 = tpu.assume_multiple %add3A_614, 48 : i32
      %dma_wait3A_616 = arith.constant 96 : i32
      %dma_wait3A_617 = tpu.memref_slice %arg8[%dma_wait3A_616] : memref<384xi32, #tpu.memory_space<vmem>> -> memref<96xi32, #tpu.memory_space<vmem>>
      %dma_wait3A_618 = arith.constant 0 : i32
      %dma_wait3A_619 = arith.constant 0 : i32
      %dma_wait3A_620 = tpu.memref_slice %arg2[%dma_wait3A_618, %dma_wait3A_619] : memref<20224x128xf32, #tpu.memory_space<hbm>> -> memref<20224x128xf32, #tpu.memory_space<hbm>>
      tpu.wait_indirect_dma semaphore(%arg18 : memref<!tpu.dma_semaphore, #tpu.memory_space<semaphore_mem>>) src(%dma_wait3A_620 : memref<20224x128xf32, #tpu.memory_space<hbm>>) dst(%arg10 : memref<96x128xf32, #tpu.memory_space<vmem>>)
      %dma_wait3A_621 = arith.constant 0 : i32
      %dma_wait3A_622 = tpu.memref_slice %arg3[%multiple_of3A_615, %dma_wait3A_621] : memref<325632x128xf32, #tpu.memory_space<hbm>> -> memref<48x128xf32, #tpu.memory_space<hbm>>
      %dma_wait3A_623 = arith.constant 0 : i32
      %dma_wait3A_624 = tpu.memref_slice %arg3[%multiple_of3A_615, %dma_wait3A_623] : memref<325632x128xf32, #tpu.memory_space<hbm>> -> memref<48x128xf32, #tpu.memory_space<hbm>>
      tpu.wait_dma2 semaphore(%arg20 : memref<!tpu.dma_semaphore, #tpu.memory_space<semaphore_mem>>) src(%dma_wait3A_624 : memref<48x128xf32, #tpu.memory_space<hbm>>) dst(%arg12 : memref<48x128xf32, #tpu.memory_space<vmem>>)
      %get3A_625 = arith.constant 144 : index
      %get3A_626 = tpu.vector_load %arg8[%get3A_625] {strides = array<i32>} : memref<384xi32, #tpu.memory_space<vmem>>, vector<16xi32>,
      %get3A_627 = vector.shape_cast %get3A_626 : vector<16xi32> to vector<16xi32>
      %sub3A_628 = arith.constant 10112 : i32
      %sub3A_629 = vector.broadcast %sub3A_628 : i32 to vector<16xi32>
      %sub3A_630 = arith.subi %get3A_627, %sub3A_629 : vector<16xi32>
      %swap3A_631 = arith.constant 0 : index
      %swap3A_632 = tpu.vector_load %arg16[%swap3A_631] {strides = array<i32>} : memref<48xi32, #tpu.memory_space<vmem>>, vector<16xi32>,
      %swap3A_633 = vector.shape_cast %swap3A_632 : vector<16xi32> to vector<16xi32>
      %swap3A_634 = vector.shape_cast %sub3A_630 : vector<16xi32> to vector<16xi32>
      tpu.vector_store %arg16[%swap3A_631], %swap3A_634 {strides = array<i32>} : memref<48xi32, #tpu.memory_space<vmem>>, vector<16xi32>,
      %get3A_635 = arith.constant 160 : index
      %get3A_636 = tpu.vector_load %arg8[%get3A_635] {strides = array<i32>} : memref<384xi32, #tpu.memory_space<vmem>>, vector<16xi32>,
      %get3A_637 = vector.shape_cast %get3A_636 : vector<16xi32> to vector<16xi32>
      %sub3A_638 = arith.constant 10112 : i32
      %sub3A_639 = vector.broadcast %sub3A_638 : i32 to vector<16xi32>
      %sub3A_640 = arith.subi %get3A_637, %sub3A_639 : vector<16xi32>
      %swap3A_641 = arith.constant 16 : index
      %swap3A_642 = tpu.vector_load %arg16[%swap3A_641] {strides = array<i32>} : memref<48xi32, #tpu.memory_space<vmem>>, vector<16xi32>,
      %swap3A_643 = vector.shape_cast %swap3A_642 : vector<16xi32> to vector<16xi32>
      %swap3A_644 = vector.shape_cast %sub3A_640 : vector<16xi32> to vector<16xi32>
      tpu.vector_store %arg16[%swap3A_641], %swap3A_644 {strides = array<i32>} : memref<48xi32, #tpu.memory_space<vmem>>, vector<16xi32>,
      %get3A_645 = arith.constant 176 : index
      %get3A_646 = tpu.vector_load %arg8[%get3A_645] {strides = array<i32>} : memref<384xi32, #tpu.memory_space<vmem>>, vector<16xi32>,
      %get3A_647 = vector.shape_cast %get3A_646 : vector<16xi32> to vector<16xi32>
      %sub3A_648 = arith.constant 10112 : i32
      %sub3A_649 = vector.broadcast %sub3A_648 : i32 to vector<16xi32>
      %sub3A_650 = arith.subi %get3A_647, %sub3A_649 : vector<16xi32>
      %swap3A_651 = arith.constant 32 : index
      %swap3A_652 = tpu.vector_load %arg16[%swap3A_651] {strides = array<i32>} : memref<48xi32, #tpu.memory_space<vmem>>, vector<16xi32>,
      %swap3A_653 = vector.shape_cast %swap3A_652 : vector<16xi32> to vector<16xi32>
      %swap3A_654 = vector.shape_cast %sub3A_650 : vector<16xi32> to vector<16xi32>
      tpu.vector_store %arg16[%swap3A_651], %swap3A_654 {strides = array<i32>} : memref<48xi32, #tpu.memory_space<vmem>>, vector<16xi32>,
      %scan3A_655 = arith.constant 0 : i32
      %scan3A_656 = arith.constant 0 : i32
      %scan3A_657 = arith.constant 48 : i32
      %scan3A_658 = arith.addi %scan3A_656, %scan3A_657 : i32
      %scan3A_659 = arith.constant 1 : i32
      scf.for %scan3A_991 = %scan3A_656 to %scan3A_658 step %scan3A_659  : i32 {
        %get3A_992 = arith.index_cast %scan3A_991 : i32 to index
        %get3A_993 = arith.constant 0 : index
        %get3A_994 = tpu.vector_load %arg10[%get3A_992, %get3A_993] {strides = array<i32>} : memref<96x128xf32, #tpu.memory_space<vmem>>, vector<1x16xf32>,
        %get3A_995 = vector.shape_cast %get3A_994 : vector<1x16xf32> to vector<16xf32>
        %add3A_996 = arith.constant 48 : i32
        %add3A_997 = arith.addi %add3A_996, %scan3A_991 : i32
        %get3A_998 = arith.index_cast %add3A_997 : i32 to index
        %get3A_999 = arith.constant 0 : index
        %get3A_1000 = tpu.vector_load %arg10[%get3A_998, %get3A_999] {strides = array<i32>} : memref<96x128xf32, #tpu.memory_space<vmem>>, vector<1x16xf32>,
        %get3A_1001 = vector.shape_cast %get3A_1000 : vector<1x16xf32> to vector<16xf32>
        %add3A_1002 = arith.addf %get3A_995, %get3A_1001 : vector<16xf32>
        %get3A_1003 = arith.index_cast %scan3A_991 : i32 to index
        %get3A_1004 = arith.constant 0 : index
        %get3A_1005 = tpu.vector_load %arg12[%get3A_1003, %get3A_1004] {strides = array<i32>} : memref<48x128xf32, #tpu.memory_space<vmem>>, vector<1x16xf32>,
        %get3A_1006 = vector.shape_cast %get3A_1005 : vector<1x16xf32> to vector<16xf32>
        %add3A_1007 = arith.addf %add3A_1002, %get3A_1006 : vector<16xf32>
        %max3A = arith.constant 0.000000e+00 : f32
        %max3A_1008 = vector.broadcast %max3A : f32 to vector<16xf32>
        %max3A_1009 = arith.maximumf %add3A_1007, %max3A_1008 : vector<16xf32>
        %swap3A_1010 = arith.index_cast %scan3A_991 : i32 to index
        %swap3A_1011 = arith.constant 0 : index
        %swap3A_1012 = tpu.vector_load %arg14[%swap3A_1010, %swap3A_1011] {strides = array<i32>} : memref<48x128xf32, #tpu.memory_space<vmem>>, vector<1x16xf32>,
        %swap3A_1013 = vector.shape_cast %swap3A_1012 : vector<1x16xf32> to vector<16xf32>
        %swap3A_1014 = vector.shape_cast %max3A_1009 : vector<16xf32> to vector<1x16xf32>
        tpu.vector_store %arg14[%swap3A_1010, %swap3A_1011], %swap3A_1014 {strides = array<i32>} : memref<48x128xf32, #tpu.memory_space<vmem>>, vector<1x16xf32>,
        %get3A_1015 = arith.index_cast %scan3A_991 : i32 to index
        %get3A_1016 = arith.constant 16 : index
        %get3A_1017 = tpu.vector_load %arg10[%get3A_1015, %get3A_1016] {strides = array<i32>} : memref<96x128xf32, #tpu.memory_space<vmem>>, vector<1x16xf32>,
        %get3A_1018 = vector.shape_cast %get3A_1017 : vector<1x16xf32> to vector<16xf32>
        %add3A_1019 = arith.constant 48 : i32
        %add3A_1020 = arith.addi %add3A_1019, %scan3A_991 : i32
        %get3A_1021 = arith.index_cast %add3A_1020 : i32 to index
        %get3A_1022 = arith.constant 16 : index
        %get3A_1023 = tpu.vector_load %arg10[%get3A_1021, %get3A_1022] {strides = array<i32>} : memref<96x128xf32, #tpu.memory_space<vmem>>, vector<1x16xf32>,
        %get3A_1024 = vector.shape_cast %get3A_1023 : vector<1x16xf32> to vector<16xf32>
        %add3A_1025 = arith.addf %get3A_1018, %get3A_1024 : vector<16xf32>
        %get3A_1026 = arith.index_cast %scan3A_991 : i32 to index
        %get3A_1027 = arith.constant 16 : index
        %get3A_1028 = tpu.vector_load %arg12[%get3A_1026, %get3A_1027] {strides = array<i32>} : memref<48x128xf32, #tpu.memory_space<vmem>>, vector<1x16xf32>,
        %get3A_1029 = vector.shape_cast %get3A_1028 : vector<1x16xf32> to vector<16xf32>
        %add3A_1030 = arith.addf %add3A_1025, %get3A_1029 : vector<16xf32>
        %max3A_1031 = arith.constant 0.000000e+00 : f32
        %max3A_1032 = vector.broadcast %max3A_1031 : f32 to vector<16xf32>
        %max3A_1033 = arith.maximumf %add3A_1030, %max3A_1032 : vector<16xf32>
        %swap3A_1034 = arith.index_cast %scan3A_991 : i32 to index
        %swap3A_1035 = arith.constant 16 : index
        %swap3A_1036 = tpu.vector_load %arg14[%swap3A_1034, %swap3A_1035] {strides = array<i32>} : memref<48x128xf32, #tpu.memory_space<vmem>>, vector<1x16xf32>,
        %swap3A_1037 = vector.shape_cast %swap3A_1036 : vector<1x16xf32> to vector<16xf32>
        %swap3A_1038 = vector.shape_cast %max3A_1033 : vector<16xf32> to vector<1x16xf32>
        tpu.vector_store %arg14[%swap3A_1034, %swap3A_1035], %swap3A_1038 {strides = array<i32>} : memref<48x128xf32, #tpu.memory_space<vmem>>, vector<1x16xf32>,
        %get3A_1039 = arith.index_cast %scan3A_991 : i32 to index
        %get3A_1040 = arith.constant 32 : index
        %get3A_1041 = tpu.vector_load %arg10[%get3A_1039, %get3A_1040] {strides = array<i32>} : memref<96x128xf32, #tpu.memory_space<vmem>>, vector<1x16xf32>,
        %get3A_1042 = vector.shape_cast %get3A_1041 : vector<1x16xf32> to vector<16xf32>
        %add3A_1043 = arith.constant 48 : i32
        %add3A_1044 = arith.addi %add3A_1043, %scan3A_991 : i32
        %get3A_1045 = arith.index_cast %add3A_1044 : i32 to index
        %get3A_1046 = arith.constant 32 : index
        %get3A_1047 = tpu.vector_load %arg10[%get3A_1045, %get3A_1046] {strides = array<i32>} : memref<96x128xf32, #tpu.memory_space<vmem>>, vector<1x16xf32>,
        %get3A_1048 = vector.shape_cast %get3A_1047 : vector<1x16xf32> to vector<16xf32>
        %add3A_1049 = arith.addf %get3A_1042, %get3A_1048 : vector<16xf32>
        %get3A_1050 = arith.index_cast %scan3A_991 : i32 to index
        %get3A_1051 = arith.constant 32 : index
        %get3A_1052 = tpu.vector_load %arg12[%get3A_1050, %get3A_1051] {strides = array<i32>} : memref<48x128xf32, #tpu.memory_space<vmem>>, vector<1x16xf32>,
        %get3A_1053 = vector.shape_cast %get3A_1052 : vector<1x16xf32> to vector<16xf32>
        %add3A_1054 = arith.addf %add3A_1049, %get3A_1053 : vector<16xf32>
        %max3A_1055 = arith.constant 0.000000e+00 : f32
        %max3A_1056 = vector.broadcast %max3A_1055 : f32 to vector<16xf32>
        %max3A_1057 = arith.maximumf %add3A_1054, %max3A_1056 : vector<16xf32>
        %swap3A_1058 = arith.index_cast %scan3A_991 : i32 to index
        %swap3A_1059 = arith.constant 32 : index
        %swap3A_1060 = tpu.vector_load %arg14[%swap3A_1058, %swap3A_1059] {strides = array<i32>} : memref<48x128xf32, #tpu.memory_space<vmem>>, vector<1x16xf32>,
        %swap3A_1061 = vector.shape_cast %swap3A_1060 : vector<1x16xf32> to vector<16xf32>
        %swap3A_1062 = vector.shape_cast %max3A_1057 : vector<16xf32> to vector<1x16xf32>
        tpu.vector_store %arg14[%swap3A_1058, %swap3A_1059], %swap3A_1062 {strides = array<i32>} : memref<48x128xf32, #tpu.memory_space<vmem>>, vector<1x16xf32>,
        %get3A_1063 = arith.index_cast %scan3A_991 : i32 to index
        %get3A_1064 = arith.constant 48 : index
        %get3A_1065 = tpu.vector_load %arg10[%get3A_1063, %get3A_1064] {strides = array<i32>} : memref<96x128xf32, #tpu.memory_space<vmem>>, vector<1x16xf32>,
        %get3A_1066 = vector.shape_cast %get3A_1065 : vector<1x16xf32> to vector<16xf32>
        %add3A_1067 = arith.constant 48 : i32
        %add3A_1068 = arith.addi %add3A_1067, %scan3A_991 : i32
        %get3A_1069 = arith.index_cast %add3A_1068 : i32 to index
        %get3A_1070 = arith.constant 48 : index
        %get3A_1071 = tpu.vector_load %arg10[%get3A_1069, %get3A_1070] {strides = array<i32>} : memref<96x128xf32, #tpu.memory_space<vmem>>, vector<1x16xf32>,
        %get3A_1072 = vector.shape_cast %get3A_1071 : vector<1x16xf32> to vector<16xf32>
        %add3A_1073 = arith.addf %get3A_1066, %get3A_1072 : vector<16xf32>
        %get3A_1074 = arith.index_cast %scan3A_991 : i32 to index
        %get3A_1075 = arith.constant 48 : index
        %get3A_1076 = tpu.vector_load %arg12[%get3A_1074, %get3A_1075] {strides = array<i32>} : memref<48x128xf32, #tpu.memory_space<vmem>>, vector<1x16xf32>,
        %get3A_1077 = vector.shape_cast %get3A_1076 : vector<1x16xf32> to vector<16xf32>
        %add3A_1078 = arith.addf %add3A_1073, %get3A_1077 : vector<16xf32>
        %max3A_1079 = arith.constant 0.000000e+00 : f32
        %max3A_1080 = vector.broadcast %max3A_1079 : f32 to vector<16xf32>
        %max3A_1081 = arith.maximumf %add3A_1078, %max3A_1080 : vector<16xf32>
        %swap3A_1082 = arith.index_cast %scan3A_991 : i32 to index
        %swap3A_1083 = arith.constant 48 : index
        %swap3A_1084 = tpu.vector_load %arg14[%swap3A_1082, %swap3A_1083] {strides = array<i32>} : memref<48x128xf32, #tpu.memory_space<vmem>>, vector<1x16xf32>,
        %swap3A_1085 = vector.shape_cast %swap3A_1084 : vector<1x16xf32> to vector<16xf32>
        %swap3A_1086 = vector.shape_cast %max3A_1081 : vector<16xf32> to vector<1x16xf32>
        tpu.vector_store %arg14[%swap3A_1082, %swap3A_1083], %swap3A_1086 {strides = array<i32>} : memref<48x128xf32, #tpu.memory_space<vmem>>, vector<1x16xf32>,
        %get3A_1087 = arith.index_cast %scan3A_991 : i32 to index
        %get3A_1088 = arith.constant 64 : index
        %get3A_1089 = tpu.vector_load %arg10[%get3A_1087, %get3A_1088] {strides = array<i32>} : memref<96x128xf32, #tpu.memory_space<vmem>>, vector<1x16xf32>,
        %get3A_1090 = vector.shape_cast %get3A_1089 : vector<1x16xf32> to vector<16xf32>
        %add3A_1091 = arith.constant 48 : i32
        %add3A_1092 = arith.addi %add3A_1091, %scan3A_991 : i32
        %get3A_1093 = arith.index_cast %add3A_1092 : i32 to index
        %get3A_1094 = arith.constant 64 : index
        %get3A_1095 = tpu.vector_load %arg10[%get3A_1093, %get3A_1094] {strides = array<i32>} : memref<96x128xf32, #tpu.memory_space<vmem>>, vector<1x16xf32>,
        %get3A_1096 = vector.shape_cast %get3A_1095 : vector<1x16xf32> to vector<16xf32>
        %add3A_1097 = arith.addf %get3A_1090, %get3A_1096 : vector<16xf32>
        %get3A_1098 = arith.index_cast %scan3A_991 : i32 to index
        %get3A_1099 = arith.constant 64 : index
        %get3A_1100 = tpu.vector_load %arg12[%get3A_1098, %get3A_1099] {strides = array<i32>} : memref<48x128xf32, #tpu.memory_space<vmem>>, vector<1x16xf32>,
        %get3A_1101 = vector.shape_cast %get3A_1100 : vector<1x16xf32> to vector<16xf32>
        %add3A_1102 = arith.addf %add3A_1097, %get3A_1101 : vector<16xf32>
        %max3A_1103 = arith.constant 0.000000e+00 : f32
        %max3A_1104 = vector.broadcast %max3A_1103 : f32 to vector<16xf32>
        %max3A_1105 = arith.maximumf %add3A_1102, %max3A_1104 : vector<16xf32>
        %swap3A_1106 = arith.index_cast %scan3A_991 : i32 to index
        %swap3A_1107 = arith.constant 64 : index
        %swap3A_1108 = tpu.vector_load %arg14[%swap3A_1106, %swap3A_1107] {strides = array<i32>} : memref<48x128xf32, #tpu.memory_space<vmem>>, vector<1x16xf32>,
        %swap3A_1109 = vector.shape_cast %swap3A_1108 : vector<1x16xf32> to vector<16xf32>
        %swap3A_1110 = vector.shape_cast %max3A_1105 : vector<16xf32> to vector<1x16xf32>
        tpu.vector_store %arg14[%swap3A_1106, %swap3A_1107], %swap3A_1110 {strides = array<i32>} : memref<48x128xf32, #tpu.memory_space<vmem>>, vector<1x16xf32>,
        %get3A_1111 = arith.index_cast %scan3A_991 : i32 to index
        %get3A_1112 = arith.constant 80 : index
        %get3A_1113 = tpu.vector_load %arg10[%get3A_1111, %get3A_1112] {strides = array<i32>} : memref<96x128xf32, #tpu.memory_space<vmem>>, vector<1x16xf32>,
        %get3A_1114 = vector.shape_cast %get3A_1113 : vector<1x16xf32> to vector<16xf32>
        %add3A_1115 = arith.constant 48 : i32
        %add3A_1116 = arith.addi %add3A_1115, %scan3A_991 : i32
        %get3A_1117 = arith.index_cast %add3A_1116 : i32 to index
        %get3A_1118 = arith.constant 80 : index
        %get3A_1119 = tpu.vector_load %arg10[%get3A_1117, %get3A_1118] {strides = array<i32>} : memref<96x128xf32, #tpu.memory_space<vmem>>, vector<1x16xf32>,
        %get3A_1120 = vector.shape_cast %get3A_1119 : vector<1x16xf32> to vector<16xf32>
        %add3A_1121 = arith.addf %get3A_1114, %get3A_1120 : vector<16xf32>
        %get3A_1122 = arith.index_cast %scan3A_991 : i32 to index
        %get3A_1123 = arith.constant 80 : index
        %get3A_1124 = tpu.vector_load %arg12[%get3A_1122, %get3A_1123] {strides = array<i32>} : memref<48x128xf32, #tpu.memory_space<vmem>>, vector<1x16xf32>,
        %get3A_1125 = vector.shape_cast %get3A_1124 : vector<1x16xf32> to vector<16xf32>
        %add3A_1126 = arith.addf %add3A_1121, %get3A_1125 : vector<16xf32>
        %max3A_1127 = arith.constant 0.000000e+00 : f32
        %max3A_1128 = vector.broadcast %max3A_1127 : f32 to vector<16xf32>
        %max3A_1129 = arith.maximumf %add3A_1126, %max3A_1128 : vector<16xf32>
        %swap3A_1130 = arith.index_cast %scan3A_991 : i32 to index
        %swap3A_1131 = arith.constant 80 : index
        %swap3A_1132 = tpu.vector_load %arg14[%swap3A_1130, %swap3A_1131] {strides = array<i32>} : memref<48x128xf32, #tpu.memory_space<vmem>>, vector<1x16xf32>,
        %swap3A_1133 = vector.shape_cast %swap3A_1132 : vector<1x16xf32> to vector<16xf32>
        %swap3A_1134 = vector.shape_cast %max3A_1129 : vector<16xf32> to vector<1x16xf32>
        tpu.vector_store %arg14[%swap3A_1130, %swap3A_1131], %swap3A_1134 {strides = array<i32>} : memref<48x128xf32, #tpu.memory_space<vmem>>, vector<1x16xf32>,
        %get3A_1135 = arith.index_cast %scan3A_991 : i32 to index
        %get3A_1136 = arith.constant 96 : index
        %get3A_1137 = tpu.vector_load %arg10[%get3A_1135, %get3A_1136] {strides = array<i32>} : memref<96x128xf32, #tpu.memory_space<vmem>>, vector<1x16xf32>,
        %get3A_1138 = vector.shape_cast %get3A_1137 : vector<1x16xf32> to vector<16xf32>
        %add3A_1139 = arith.constant 48 : i32
        %add3A_1140 = arith.addi %add3A_1139, %scan3A_991 : i32
        %get3A_1141 = arith.index_cast %add3A_1140 : i32 to index
        %get3A_1142 = arith.constant 96 : index
        %get3A_1143 = tpu.vector_load %arg10[%get3A_1141, %get3A_1142] {strides = array<i32>} : memref<96x128xf32, #tpu.memory_space<vmem>>, vector<1x16xf32>,
        %get3A_1144 = vector.shape_cast %get3A_1143 : vector<1x16xf32> to vector<16xf32>
        %add3A_1145 = arith.addf %get3A_1138, %get3A_1144 : vector<16xf32>
        %get3A_1146 = arith.index_cast %scan3A_991 : i32 to index
        %get3A_1147 = arith.constant 96 : index
        %get3A_1148 = tpu.vector_load %arg12[%get3A_1146, %get3A_1147] {strides = array<i32>} : memref<48x128xf32, #tpu.memory_space<vmem>>, vector<1x16xf32>,
        %get3A_1149 = vector.shape_cast %get3A_1148 : vector<1x16xf32> to vector<16xf32>
        %add3A_1150 = arith.addf %add3A_1145, %get3A_1149 : vector<16xf32>
        %max3A_1151 = arith.constant 0.000000e+00 : f32
        %max3A_1152 = vector.broadcast %max3A_1151 : f32 to vector<16xf32>
        %max3A_1153 = arith.maximumf %add3A_1150, %max3A_1152 : vector<16xf32>
        %swap3A_1154 = arith.index_cast %scan3A_991 : i32 to index
        %swap3A_1155 = arith.constant 96 : index
        %swap3A_1156 = tpu.vector_load %arg14[%swap3A_1154, %swap3A_1155] {strides = array<i32>} : memref<48x128xf32, #tpu.memory_space<vmem>>, vector<1x16xf32>,
        %swap3A_1157 = vector.shape_cast %swap3A_1156 : vector<1x16xf32> to vector<16xf32>
        %swap3A_1158 = vector.shape_cast %max3A_1153 : vector<16xf32> to vector<1x16xf32>
        tpu.vector_store %arg14[%swap3A_1154, %swap3A_1155], %swap3A_1158 {strides = array<i32>} : memref<48x128xf32, #tpu.memory_space<vmem>>, vector<1x16xf32>,
        %get3A_1159 = arith.index_cast %scan3A_991 : i32 to index
        %get3A_1160 = arith.constant 112 : index
        %get3A_1161 = tpu.vector_load %arg10[%get3A_1159, %get3A_1160] {strides = array<i32>} : memref<96x128xf32, #tpu.memory_space<vmem>>, vector<1x16xf32>,
        %get3A_1162 = vector.shape_cast %get3A_1161 : vector<1x16xf32> to vector<16xf32>
        %add3A_1163 = arith.constant 48 : i32
        %add3A_1164 = arith.addi %add3A_1163, %scan3A_991 : i32
        %get3A_1165 = arith.index_cast %add3A_1164 : i32 to index
        %get3A_1166 = arith.constant 112 : index
        %get3A_1167 = tpu.vector_load %arg10[%get3A_1165, %get3A_1166] {strides = array<i32>} : memref<96x128xf32, #tpu.memory_space<vmem>>, vector<1x16xf32>,
        %get3A_1168 = vector.shape_cast %get3A_1167 : vector<1x16xf32> to vector<16xf32>
        %add3A_1169 = arith.addf %get3A_1162, %get3A_1168 : vector<16xf32>
        %get3A_1170 = arith.index_cast %scan3A_991 : i32 to index
        %get3A_1171 = arith.constant 112 : index
        %get3A_1172 = tpu.vector_load %arg12[%get3A_1170, %get3A_1171] {strides = array<i32>} : memref<48x128xf32, #tpu.memory_space<vmem>>, vector<1x16xf32>,
        %get3A_1173 = vector.shape_cast %get3A_1172 : vector<1x16xf32> to vector<16xf32>
        %add3A_1174 = arith.addf %add3A_1169, %get3A_1173 : vector<16xf32>
        %max3A_1175 = arith.constant 0.000000e+00 : f32
        %max3A_1176 = vector.broadcast %max3A_1175 : f32 to vector<16xf32>
        %max3A_1177 = arith.maximumf %add3A_1174, %max3A_1176 : vector<16xf32>
        %swap3A_1178 = arith.index_cast %scan3A_991 : i32 to index
        %swap3A_1179 = arith.constant 112 : index
        %swap3A_1180 = tpu.vector_load %arg14[%swap3A_1178, %swap3A_1179] {strides = array<i32>} : memref<48x128xf32, #tpu.memory_space<vmem>>, vector<1x16xf32>,
        %swap3A_1181 = vector.shape_cast %swap3A_1180 : vector<1x16xf32> to vector<16xf32>
        %swap3A_1182 = vector.shape_cast %max3A_1177 : vector<16xf32> to vector<1x16xf32>
        tpu.vector_store %arg14[%swap3A_1178, %swap3A_1179], %swap3A_1182 {strides = array<i32>} : memref<48x128xf32, #tpu.memory_space<vmem>>, vector<1x16xf32>,
      }
      %scan3A_660 = arith.constant 48 : i32
      %dma_start3A_661 = arith.constant 0 : i32
      %dma_start3A_662 = arith.constant 0 : i32
      %dma_start3A_663 = tpu.memref_slice %arg6[%dma_start3A_661, %dma_start3A_662] : memref<10112x128xf32, #tpu.memory_space<vmem_shared>> -> memref<10112x128xf32, #tpu.memory_space<vmem_shared>>
      tpu.enqueue_indirect_dma source(%arg14 : memref<48x128xf32, #tpu.memory_space<vmem>>) target(%dma_start3A_663 : memref<10112x128xf32, #tpu.memory_space<vmem_shared>>) offsets(%arg16 : memref<48xi32, #tpu.memory_space<vmem>>) semaphore(%arg22 : memref<!tpu.dma_semaphore, #tpu.memory_space<semaphore_mem>>) {add = true}
      %add3A_664 = arith.constant 5 : i32
      %add3A_665 = arith.addi %add3A_372, %add3A_664 : i32
      %dma_start3A_666 = arith.constant 288 : i32
      %dma_start3A_667 = tpu.memref_slice %arg8[%dma_start3A_666] : memref<384xi32, #tpu.memory_space<vmem>> -> memref<96xi32, #tpu.memory_space<vmem>>
      %dma_start3A_668 = arith.constant 0 : i32
      %dma_start3A_669 = arith.constant 0 : i32
      %dma_start3A_670 = tpu.memref_slice %arg2[%dma_start3A_668, %dma_start3A_669] : memref<20224x128xf32, #tpu.memory_space<hbm>> -> memref<20224x128xf32, #tpu.memory_space<hbm>>
      tpu.enqueue_indirect_dma source(%dma_start3A_670 : memref<20224x128xf32, #tpu.memory_space<hbm>>) target(%arg10 : memref<96x128xf32, #tpu.memory_space<vmem>>) offsets(%dma_start3A_667 : memref<96xi32, #tpu.memory_space<vmem>>) semaphore(%arg18 : memref<!tpu.dma_semaphore, #tpu.memory_space<semaphore_mem>>)
      %mul3A_671 = arith.constant 10176 : i32
      %mul3A_672 = arith.muli %add3A, %mul3A_671 : i32
      %mul3A_673 = arith.constant 48 : i32
      %mul3A_674 = arith.muli %add3A_665, %mul3A_673 : i32
      %add3A_675 = arith.addi %mul3A_672, %mul3A_674 : i32
      %multiple_of3A_676 = tpu.assume_multiple %add3A_675, 48 : i32
      %dma_start3A_677 = arith.constant 0 : i32
      %dma_start3A_678 = tpu.memref_slice %arg3[%multiple_of3A_676, %dma_start3A_677] : memref<325632x128xf32, #tpu.memory_space<hbm>> -> memref<48x128xf32, #tpu.memory_space<hbm>>
      %dma_start3A_679 = arith.constant 0 : i32
      %dma_start3A_680 = tpu.memref_slice %arg3[%multiple_of3A_676, %dma_start3A_679] : memref<325632x128xf32, #tpu.memory_space<hbm>> -> memref<48x128xf32, #tpu.memory_space<hbm>>
      tpu.enqueue_dma source(%dma_start3A_680 : memref<48x128xf32, #tpu.memory_space<hbm>>) target(%arg12 : memref<48x128xf32, #tpu.memory_space<vmem>>) target_semaphore(%arg20 : memref<!tpu.dma_semaphore, #tpu.memory_space<semaphore_mem>>)
      %dma_wait3A_681 = arith.constant 0 : i32
      %dma_wait3A_682 = arith.constant 0 : i32
      %dma_wait3A_683 = tpu.memref_slice %arg6[%dma_wait3A_681, %dma_wait3A_682] : memref<10112x128xf32, #tpu.memory_space<vmem_shared>> -> memref<10112x128xf32, #tpu.memory_space<vmem_shared>>
      tpu.wait_indirect_dma semaphore(%arg21 : memref<!tpu.dma_semaphore, #tpu.memory_space<semaphore_mem>>) src(%arg13 : memref<48x128xf32, #tpu.memory_space<vmem>>) dst(%dma_wait3A_683 : memref<10112x128xf32, #tpu.memory_space<vmem_shared>>)
      %add3A_684 = arith.constant 4 : i32
      %add3A_685 = arith.addi %add3A_372, %add3A_684 : i32
      %mul3A_686 = arith.constant 10176 : i32
      %mul3A_687 = arith.muli %add3A, %mul3A_686 : i32
      %mul3A_688 = arith.constant 48 : i32
      %mul3A_689 = arith.muli %add3A_685, %mul3A_688 : i32
      %add3A_690 = arith.addi %mul3A_687, %mul3A_689 : i32
      %multiple_of3A_691 = tpu.assume_multiple %add3A_690, 48 : i32
      %dma_wait3A_692 = arith.constant 192 : i32
      %dma_wait3A_693 = tpu.memref_slice %arg8[%dma_wait3A_692] : memref<384xi32, #tpu.memory_space<vmem>> -> memref<96xi32, #tpu.memory_space<vmem>>
      %dma_wait3A_694 = arith.constant 0 : i32
      %dma_wait3A_695 = arith.constant 0 : i32
      %dma_wait3A_696 = tpu.memref_slice %arg2[%dma_wait3A_694, %dma_wait3A_695] : memref<20224x128xf32, #tpu.memory_space<hbm>> -> memref<20224x128xf32, #tpu.memory_space<hbm>>
      tpu.wait_indirect_dma semaphore(%arg17 : memref<!tpu.dma_semaphore, #tpu.memory_space<semaphore_mem>>) src(%dma_wait3A_696 : memref<20224x128xf32, #tpu.memory_space<hbm>>) dst(%arg9 : memref<96x128xf32, #tpu.memory_space<vmem>>)
      %dma_wait3A_697 = arith.constant 0 : i32
      %dma_wait3A_698 = tpu.memref_slice %arg3[%multiple_of3A_691, %dma_wait3A_697] : memref<325632x128xf32, #tpu.memory_space<hbm>> -> memref<48x128xf32, #tpu.memory_space<hbm>>
      %dma_wait3A_699 = arith.constant 0 : i32
      %dma_wait3A_700 = tpu.memref_slice %arg3[%multiple_of3A_691, %dma_wait3A_699] : memref<325632x128xf32, #tpu.memory_space<hbm>> -> memref<48x128xf32, #tpu.memory_space<hbm>>
      tpu.wait_dma2 semaphore(%arg19 : memref<!tpu.dma_semaphore, #tpu.memory_space<semaphore_mem>>) src(%dma_wait3A_700 : memref<48x128xf32, #tpu.memory_space<hbm>>) dst(%arg11 : memref<48x128xf32, #tpu.memory_space<vmem>>)
      %get3A_701 = arith.constant 240 : index
      %get3A_702 = tpu.vector_load %arg8[%get3A_701] {strides = array<i32>} : memref<384xi32, #tpu.memory_space<vmem>>, vector<16xi32>,
      %get3A_703 = vector.shape_cast %get3A_702 : vector<16xi32> to vector<16xi32>
      %sub3A_704 = arith.constant 10112 : i32
      %sub3A_705 = vector.broadcast %sub3A_704 : i32 to vector<16xi32>
      %sub3A_706 = arith.subi %get3A_703, %sub3A_705 : vector<16xi32>
      %swap3A_707 = arith.constant 0 : index
      %swap3A_708 = tpu.vector_load %arg15[%swap3A_707] {strides = array<i32>} : memref<48xi32, #tpu.memory_space<vmem>>, vector<16xi32>,
      %swap3A_709 = vector.shape_cast %swap3A_708 : vector<16xi32> to vector<16xi32>
      %swap3A_710 = vector.shape_cast %sub3A_706 : vector<16xi32> to vector<16xi32>
      tpu.vector_store %arg15[%swap3A_707], %swap3A_710 {strides = array<i32>} : memref<48xi32, #tpu.memory_space<vmem>>, vector<16xi32>,
      %get3A_711 = arith.constant 256 : index
      %get3A_712 = tpu.vector_load %arg8[%get3A_711] {strides = array<i32>} : memref<384xi32, #tpu.memory_space<vmem>>, vector<16xi32>,
      %get3A_713 = vector.shape_cast %get3A_712 : vector<16xi32> to vector<16xi32>
      %sub3A_714 = arith.constant 10112 : i32
      %sub3A_715 = vector.broadcast %sub3A_714 : i32 to vector<16xi32>
      %sub3A_716 = arith.subi %get3A_713, %sub3A_715 : vector<16xi32>
      %swap3A_717 = arith.constant 16 : index
      %swap3A_718 = tpu.vector_load %arg15[%swap3A_717] {strides = array<i32>} : memref<48xi32, #tpu.memory_space<vmem>>, vector<16xi32>,
      %swap3A_719 = vector.shape_cast %swap3A_718 : vector<16xi32> to vector<16xi32>
      %swap3A_720 = vector.shape_cast %sub3A_716 : vector<16xi32> to vector<16xi32>
      tpu.vector_store %arg15[%swap3A_717], %swap3A_720 {strides = array<i32>} : memref<48xi32, #tpu.memory_space<vmem>>, vector<16xi32>,
      %get3A_721 = arith.constant 272 : index
      %get3A_722 = tpu.vector_load %arg8[%get3A_721] {strides = array<i32>} : memref<384xi32, #tpu.memory_space<vmem>>, vector<16xi32>,
      %get3A_723 = vector.shape_cast %get3A_722 : vector<16xi32> to vector<16xi32>
      %sub3A_724 = arith.constant 10112 : i32
      %sub3A_725 = vector.broadcast %sub3A_724 : i32 to vector<16xi32>
      %sub3A_726 = arith.subi %get3A_723, %sub3A_725 : vector<16xi32>
      %swap3A_727 = arith.constant 32 : index
      %swap3A_728 = tpu.vector_load %arg15[%swap3A_727] {strides = array<i32>} : memref<48xi32, #tpu.memory_space<vmem>>, vector<16xi32>,
      %swap3A_729 = vector.shape_cast %swap3A_728 : vector<16xi32> to vector<16xi32>
      %swap3A_730 = vector.shape_cast %sub3A_726 : vector<16xi32> to vector<16xi32>
      tpu.vector_store %arg15[%swap3A_727], %swap3A_730 {strides = array<i32>} : memref<48xi32, #tpu.memory_space<vmem>>, vector<16xi32>,
      %scan3A_731 = arith.constant 0 : i32
      %scan3A_732 = arith.constant 0 : i32
      %scan3A_733 = arith.constant 48 : i32
      %scan3A_734 = arith.addi %scan3A_732, %scan3A_733 : i32
      %scan3A_735 = arith.constant 1 : i32
      scf.for %scan3A_991 = %scan3A_732 to %scan3A_734 step %scan3A_735  : i32 {
        %get3A_992 = arith.index_cast %scan3A_991 : i32 to index
        %get3A_993 = arith.constant 0 : index
        %get3A_994 = tpu.vector_load %arg9[%get3A_992, %get3A_993] {strides = array<i32>} : memref<96x128xf32, #tpu.memory_space<vmem>>, vector<1x16xf32>,
        %get3A_995 = vector.shape_cast %get3A_994 : vector<1x16xf32> to vector<16xf32>
        %add3A_996 = arith.constant 48 : i32
        %add3A_997 = arith.addi %add3A_996, %scan3A_991 : i32
        %get3A_998 = arith.index_cast %add3A_997 : i32 to index
        %get3A_999 = arith.constant 0 : index
        %get3A_1000 = tpu.vector_load %arg9[%get3A_998, %get3A_999] {strides = array<i32>} : memref<96x128xf32, #tpu.memory_space<vmem>>, vector<1x16xf32>,
        %get3A_1001 = vector.shape_cast %get3A_1000 : vector<1x16xf32> to vector<16xf32>
        %add3A_1002 = arith.addf %get3A_995, %get3A_1001 : vector<16xf32>
        %get3A_1003 = arith.index_cast %scan3A_991 : i32 to index
        %get3A_1004 = arith.constant 0 : index
        %get3A_1005 = tpu.vector_load %arg11[%get3A_1003, %get3A_1004] {strides = array<i32>} : memref<48x128xf32, #tpu.memory_space<vmem>>, vector<1x16xf32>,
        %get3A_1006 = vector.shape_cast %get3A_1005 : vector<1x16xf32> to vector<16xf32>
        %add3A_1007 = arith.addf %add3A_1002, %get3A_1006 : vector<16xf32>
        %max3A = arith.constant 0.000000e+00 : f32
        %max3A_1008 = vector.broadcast %max3A : f32 to vector<16xf32>
        %max3A_1009 = arith.maximumf %add3A_1007, %max3A_1008 : vector<16xf32>
        %swap3A_1010 = arith.index_cast %scan3A_991 : i32 to index
        %swap3A_1011 = arith.constant 0 : index
        %swap3A_1012 = tpu.vector_load %arg13[%swap3A_1010, %swap3A_1011] {strides = array<i32>} : memref<48x128xf32, #tpu.memory_space<vmem>>, vector<1x16xf32>,
        %swap3A_1013 = vector.shape_cast %swap3A_1012 : vector<1x16xf32> to vector<16xf32>
        %swap3A_1014 = vector.shape_cast %max3A_1009 : vector<16xf32> to vector<1x16xf32>
        tpu.vector_store %arg13[%swap3A_1010, %swap3A_1011], %swap3A_1014 {strides = array<i32>} : memref<48x128xf32, #tpu.memory_space<vmem>>, vector<1x16xf32>,
        %get3A_1015 = arith.index_cast %scan3A_991 : i32 to index
        %get3A_1016 = arith.constant 16 : index
        %get3A_1017 = tpu.vector_load %arg9[%get3A_1015, %get3A_1016] {strides = array<i32>} : memref<96x128xf32, #tpu.memory_space<vmem>>, vector<1x16xf32>,
        %get3A_1018 = vector.shape_cast %get3A_1017 : vector<1x16xf32> to vector<16xf32>
        %add3A_1019 = arith.constant 48 : i32
        %add3A_1020 = arith.addi %add3A_1019, %scan3A_991 : i32
        %get3A_1021 = arith.index_cast %add3A_1020 : i32 to index
        %get3A_1022 = arith.constant 16 : index
        %get3A_1023 = tpu.vector_load %arg9[%get3A_1021, %get3A_1022] {strides = array<i32>} : memref<96x128xf32, #tpu.memory_space<vmem>>, vector<1x16xf32>,
        %get3A_1024 = vector.shape_cast %get3A_1023 : vector<1x16xf32> to vector<16xf32>
        %add3A_1025 = arith.addf %get3A_1018, %get3A_1024 : vector<16xf32>
        %get3A_1026 = arith.index_cast %scan3A_991 : i32 to index
        %get3A_1027 = arith.constant 16 : index
        %get3A_1028 = tpu.vector_load %arg11[%get3A_1026, %get3A_1027] {strides = array<i32>} : memref<48x128xf32, #tpu.memory_space<vmem>>, vector<1x16xf32>,
        %get3A_1029 = vector.shape_cast %get3A_1028 : vector<1x16xf32> to vector<16xf32>
        %add3A_1030 = arith.addf %add3A_1025, %get3A_1029 : vector<16xf32>
        %max3A_1031 = arith.constant 0.000000e+00 : f32
        %max3A_1032 = vector.broadcast %max3A_1031 : f32 to vector<16xf32>
        %max3A_1033 = arith.maximumf %add3A_1030, %max3A_1032 : vector<16xf32>
        %swap3A_1034 = arith.index_cast %scan3A_991 : i32 to index
        %swap3A_1035 = arith.constant 16 : index
        %swap3A_1036 = tpu.vector_load %arg13[%swap3A_1034, %swap3A_1035] {strides = array<i32>} : memref<48x128xf32, #tpu.memory_space<vmem>>, vector<1x16xf32>,
        %swap3A_1037 = vector.shape_cast %swap3A_1036 : vector<1x16xf32> to vector<16xf32>
        %swap3A_1038 = vector.shape_cast %max3A_1033 : vector<16xf32> to vector<1x16xf32>
        tpu.vector_store %arg13[%swap3A_1034, %swap3A_1035], %swap3A_1038 {strides = array<i32>} : memref<48x128xf32, #tpu.memory_space<vmem>>, vector<1x16xf32>,
        %get3A_1039 = arith.index_cast %scan3A_991 : i32 to index
        %get3A_1040 = arith.constant 32 : index
        %get3A_1041 = tpu.vector_load %arg9[%get3A_1039, %get3A_1040] {strides = array<i32>} : memref<96x128xf32, #tpu.memory_space<vmem>>, vector<1x16xf32>,
        %get3A_1042 = vector.shape_cast %get3A_1041 : vector<1x16xf32> to vector<16xf32>
        %add3A_1043 = arith.constant 48 : i32
        %add3A_1044 = arith.addi %add3A_1043, %scan3A_991 : i32
        %get3A_1045 = arith.index_cast %add3A_1044 : i32 to index
        %get3A_1046 = arith.constant 32 : index
        %get3A_1047 = tpu.vector_load %arg9[%get3A_1045, %get3A_1046] {strides = array<i32>} : memref<96x128xf32, #tpu.memory_space<vmem>>, vector<1x16xf32>,
        %get3A_1048 = vector.shape_cast %get3A_1047 : vector<1x16xf32> to vector<16xf32>
        %add3A_1049 = arith.addf %get3A_1042, %get3A_1048 : vector<16xf32>
        %get3A_1050 = arith.index_cast %scan3A_991 : i32 to index
        %get3A_1051 = arith.constant 32 : index
        %get3A_1052 = tpu.vector_load %arg11[%get3A_1050, %get3A_1051] {strides = array<i32>} : memref<48x128xf32, #tpu.memory_space<vmem>>, vector<1x16xf32>,
        %get3A_1053 = vector.shape_cast %get3A_1052 : vector<1x16xf32> to vector<16xf32>
        %add3A_1054 = arith.addf %add3A_1049, %get3A_1053 : vector<16xf32>
        %max3A_1055 = arith.constant 0.000000e+00 : f32
        %max3A_1056 = vector.broadcast %max3A_1055 : f32 to vector<16xf32>
        %max3A_1057 = arith.maximumf %add3A_1054, %max3A_1056 : vector<16xf32>
        %swap3A_1058 = arith.index_cast %scan3A_991 : i32 to index
        %swap3A_1059 = arith.constant 32 : index
        %swap3A_1060 = tpu.vector_load %arg13[%swap3A_1058, %swap3A_1059] {strides = array<i32>} : memref<48x128xf32, #tpu.memory_space<vmem>>, vector<1x16xf32>,
        %swap3A_1061 = vector.shape_cast %swap3A_1060 : vector<1x16xf32> to vector<16xf32>
        %swap3A_1062 = vector.shape_cast %max3A_1057 : vector<16xf32> to vector<1x16xf32>
        tpu.vector_store %arg13[%swap3A_1058, %swap3A_1059], %swap3A_1062 {strides = array<i32>} : memref<48x128xf32, #tpu.memory_space<vmem>>, vector<1x16xf32>,
        %get3A_1063 = arith.index_cast %scan3A_991 : i32 to index
        %get3A_1064 = arith.constant 48 : index
        %get3A_1065 = tpu.vector_load %arg9[%get3A_1063, %get3A_1064] {strides = array<i32>} : memref<96x128xf32, #tpu.memory_space<vmem>>, vector<1x16xf32>,
        %get3A_1066 = vector.shape_cast %get3A_1065 : vector<1x16xf32> to vector<16xf32>
        %add3A_1067 = arith.constant 48 : i32
        %add3A_1068 = arith.addi %add3A_1067, %scan3A_991 : i32
        %get3A_1069 = arith.index_cast %add3A_1068 : i32 to index
        %get3A_1070 = arith.constant 48 : index
        %get3A_1071 = tpu.vector_load %arg9[%get3A_1069, %get3A_1070] {strides = array<i32>} : memref<96x128xf32, #tpu.memory_space<vmem>>, vector<1x16xf32>,
        %get3A_1072 = vector.shape_cast %get3A_1071 : vector<1x16xf32> to vector<16xf32>
        %add3A_1073 = arith.addf %get3A_1066, %get3A_1072 : vector<16xf32>
        %get3A_1074 = arith.index_cast %scan3A_991 : i32 to index
        %get3A_1075 = arith.constant 48 : index
        %get3A_1076 = tpu.vector_load %arg11[%get3A_1074, %get3A_1075] {strides = array<i32>} : memref<48x128xf32, #tpu.memory_space<vmem>>, vector<1x16xf32>,
        %get3A_1077 = vector.shape_cast %get3A_1076 : vector<1x16xf32> to vector<16xf32>
        %add3A_1078 = arith.addf %add3A_1073, %get3A_1077 : vector<16xf32>
        %max3A_1079 = arith.constant 0.000000e+00 : f32
        %max3A_1080 = vector.broadcast %max3A_1079 : f32 to vector<16xf32>
        %max3A_1081 = arith.maximumf %add3A_1078, %max3A_1080 : vector<16xf32>
        %swap3A_1082 = arith.index_cast %scan3A_991 : i32 to index
        %swap3A_1083 = arith.constant 48 : index
        %swap3A_1084 = tpu.vector_load %arg13[%swap3A_1082, %swap3A_1083] {strides = array<i32>} : memref<48x128xf32, #tpu.memory_space<vmem>>, vector<1x16xf32>,
        %swap3A_1085 = vector.shape_cast %swap3A_1084 : vector<1x16xf32> to vector<16xf32>
        %swap3A_1086 = vector.shape_cast %max3A_1081 : vector<16xf32> to vector<1x16xf32>
        tpu.vector_store %arg13[%swap3A_1082, %swap3A_1083], %swap3A_1086 {strides = array<i32>} : memref<48x128xf32, #tpu.memory_space<vmem>>, vector<1x16xf32>,
        %get3A_1087 = arith.index_cast %scan3A_991 : i32 to index
        %get3A_1088 = arith.constant 64 : index
        %get3A_1089 = tpu.vector_load %arg9[%get3A_1087, %get3A_1088] {strides = array<i32>} : memref<96x128xf32, #tpu.memory_space<vmem>>, vector<1x16xf32>,
        %get3A_1090 = vector.shape_cast %get3A_1089 : vector<1x16xf32> to vector<16xf32>
        %add3A_1091 = arith.constant 48 : i32
        %add3A_1092 = arith.addi %add3A_1091, %scan3A_991 : i32
        %get3A_1093 = arith.index_cast %add3A_1092 : i32 to index
        %get3A_1094 = arith.constant 64 : index
        %get3A_1095 = tpu.vector_load %arg9[%get3A_1093, %get3A_1094] {strides = array<i32>} : memref<96x128xf32, #tpu.memory_space<vmem>>, vector<1x16xf32>,
        %get3A_1096 = vector.shape_cast %get3A_1095 : vector<1x16xf32> to vector<16xf32>
        %add3A_1097 = arith.addf %get3A_1090, %get3A_1096 : vector<16xf32>
        %get3A_1098 = arith.index_cast %scan3A_991 : i32 to index
        %get3A_1099 = arith.constant 64 : index
        %get3A_1100 = tpu.vector_load %arg11[%get3A_1098, %get3A_1099] {strides = array<i32>} : memref<48x128xf32, #tpu.memory_space<vmem>>, vector<1x16xf32>,
        %get3A_1101 = vector.shape_cast %get3A_1100 : vector<1x16xf32> to vector<16xf32>
        %add3A_1102 = arith.addf %add3A_1097, %get3A_1101 : vector<16xf32>
        %max3A_1103 = arith.constant 0.000000e+00 : f32
        %max3A_1104 = vector.broadcast %max3A_1103 : f32 to vector<16xf32>
        %max3A_1105 = arith.maximumf %add3A_1102, %max3A_1104 : vector<16xf32>
        %swap3A_1106 = arith.index_cast %scan3A_991 : i32 to index
        %swap3A_1107 = arith.constant 64 : index
        %swap3A_1108 = tpu.vector_load %arg13[%swap3A_1106, %swap3A_1107] {strides = array<i32>} : memref<48x128xf32, #tpu.memory_space<vmem>>, vector<1x16xf32>,
        %swap3A_1109 = vector.shape_cast %swap3A_1108 : vector<1x16xf32> to vector<16xf32>
        %swap3A_1110 = vector.shape_cast %max3A_1105 : vector<16xf32> to vector<1x16xf32>
        tpu.vector_store %arg13[%swap3A_1106, %swap3A_1107], %swap3A_1110 {strides = array<i32>} : memref<48x128xf32, #tpu.memory_space<vmem>>, vector<1x16xf32>,
        %get3A_1111 = arith.index_cast %scan3A_991 : i32 to index
        %get3A_1112 = arith.constant 80 : index
        %get3A_1113 = tpu.vector_load %arg9[%get3A_1111, %get3A_1112] {strides = array<i32>} : memref<96x128xf32, #tpu.memory_space<vmem>>, vector<1x16xf32>,
        %get3A_1114 = vector.shape_cast %get3A_1113 : vector<1x16xf32> to vector<16xf32>
        %add3A_1115 = arith.constant 48 : i32
        %add3A_1116 = arith.addi %add3A_1115, %scan3A_991 : i32
        %get3A_1117 = arith.index_cast %add3A_1116 : i32 to index
        %get3A_1118 = arith.constant 80 : index
        %get3A_1119 = tpu.vector_load %arg9[%get3A_1117, %get3A_1118] {strides = array<i32>} : memref<96x128xf32, #tpu.memory_space<vmem>>, vector<1x16xf32>,
        %get3A_1120 = vector.shape_cast %get3A_1119 : vector<1x16xf32> to vector<16xf32>
        %add3A_1121 = arith.addf %get3A_1114, %get3A_1120 : vector<16xf32>
        %get3A_1122 = arith.index_cast %scan3A_991 : i32 to index
        %get3A_1123 = arith.constant 80 : index
        %get3A_1124 = tpu.vector_load %arg11[%get3A_1122, %get3A_1123] {strides = array<i32>} : memref<48x128xf32, #tpu.memory_space<vmem>>, vector<1x16xf32>,
        %get3A_1125 = vector.shape_cast %get3A_1124 : vector<1x16xf32> to vector<16xf32>
        %add3A_1126 = arith.addf %add3A_1121, %get3A_1125 : vector<16xf32>
        %max3A_1127 = arith.constant 0.000000e+00 : f32
        %max3A_1128 = vector.broadcast %max3A_1127 : f32 to vector<16xf32>
        %max3A_1129 = arith.maximumf %add3A_1126, %max3A_1128 : vector<16xf32>
        %swap3A_1130 = arith.index_cast %scan3A_991 : i32 to index
        %swap3A_1131 = arith.constant 80 : index
        %swap3A_1132 = tpu.vector_load %arg13[%swap3A_1130, %swap3A_1131] {strides = array<i32>} : memref<48x128xf32, #tpu.memory_space<vmem>>, vector<1x16xf32>,
        %swap3A_1133 = vector.shape_cast %swap3A_1132 : vector<1x16xf32> to vector<16xf32>
        %swap3A_1134 = vector.shape_cast %max3A_1129 : vector<16xf32> to vector<1x16xf32>
        tpu.vector_store %arg13[%swap3A_1130, %swap3A_1131], %swap3A_1134 {strides = array<i32>} : memref<48x128xf32, #tpu.memory_space<vmem>>, vector<1x16xf32>,
        %get3A_1135 = arith.index_cast %scan3A_991 : i32 to index
        %get3A_1136 = arith.constant 96 : index
        %get3A_1137 = tpu.vector_load %arg9[%get3A_1135, %get3A_1136] {strides = array<i32>} : memref<96x128xf32, #tpu.memory_space<vmem>>, vector<1x16xf32>,
        %get3A_1138 = vector.shape_cast %get3A_1137 : vector<1x16xf32> to vector<16xf32>
        %add3A_1139 = arith.constant 48 : i32
        %add3A_1140 = arith.addi %add3A_1139, %scan3A_991 : i32
        %get3A_1141 = arith.index_cast %add3A_1140 : i32 to index
        %get3A_1142 = arith.constant 96 : index
        %get3A_1143 = tpu.vector_load %arg9[%get3A_1141, %get3A_1142] {strides = array<i32>} : memref<96x128xf32, #tpu.memory_space<vmem>>, vector<1x16xf32>,
        %get3A_1144 = vector.shape_cast %get3A_1143 : vector<1x16xf32> to vector<16xf32>
        %add3A_1145 = arith.addf %get3A_1138, %get3A_1144 : vector<16xf32>
        %get3A_1146 = arith.index_cast %scan3A_991 : i32 to index
        %get3A_1147 = arith.constant 96 : index
        %get3A_1148 = tpu.vector_load %arg11[%get3A_1146, %get3A_1147] {strides = array<i32>} : memref<48x128xf32, #tpu.memory_space<vmem>>, vector<1x16xf32>,
        %get3A_1149 = vector.shape_cast %get3A_1148 : vector<1x16xf32> to vector<16xf32>
        %add3A_1150 = arith.addf %add3A_1145, %get3A_1149 : vector<16xf32>
        %max3A_1151 = arith.constant 0.000000e+00 : f32
        %max3A_1152 = vector.broadcast %max3A_1151 : f32 to vector<16xf32>
        %max3A_1153 = arith.maximumf %add3A_1150, %max3A_1152 : vector<16xf32>
        %swap3A_1154 = arith.index_cast %scan3A_991 : i32 to index
        %swap3A_1155 = arith.constant 96 : index
        %swap3A_1156 = tpu.vector_load %arg13[%swap3A_1154, %swap3A_1155] {strides = array<i32>} : memref<48x128xf32, #tpu.memory_space<vmem>>, vector<1x16xf32>,
        %swap3A_1157 = vector.shape_cast %swap3A_1156 : vector<1x16xf32> to vector<16xf32>
        %swap3A_1158 = vector.shape_cast %max3A_1153 : vector<16xf32> to vector<1x16xf32>
        tpu.vector_store %arg13[%swap3A_1154, %swap3A_1155], %swap3A_1158 {strides = array<i32>} : memref<48x128xf32, #tpu.memory_space<vmem>>, vector<1x16xf32>,
        %get3A_1159 = arith.index_cast %scan3A_991 : i32 to index
        %get3A_1160 = arith.constant 112 : index
        %get3A_1161 = tpu.vector_load %arg9[%get3A_1159, %get3A_1160] {strides = array<i32>} : memref<96x128xf32, #tpu.memory_space<vmem>>, vector<1x16xf32>,
        %get3A_1162 = vector.shape_cast %get3A_1161 : vector<1x16xf32> to vector<16xf32>
        %add3A_1163 = arith.constant 48 : i32
        %add3A_1164 = arith.addi %add3A_1163, %scan3A_991 : i32
        %get3A_1165 = arith.index_cast %add3A_1164 : i32 to index
        %get3A_1166 = arith.constant 112 : index
        %get3A_1167 = tpu.vector_load %arg9[%get3A_1165, %get3A_1166] {strides = array<i32>} : memref<96x128xf32, #tpu.memory_space<vmem>>, vector<1x16xf32>,
        %get3A_1168 = vector.shape_cast %get3A_1167 : vector<1x16xf32> to vector<16xf32>
        %add3A_1169 = arith.addf %get3A_1162, %get3A_1168 : vector<16xf32>
        %get3A_1170 = arith.index_cast %scan3A_991 : i32 to index
        %get3A_1171 = arith.constant 112 : index
        %get3A_1172 = tpu.vector_load %arg11[%get3A_1170, %get3A_1171] {strides = array<i32>} : memref<48x128xf32, #tpu.memory_space<vmem>>, vector<1x16xf32>,
        %get3A_1173 = vector.shape_cast %get3A_1172 : vector<1x16xf32> to vector<16xf32>
        %add3A_1174 = arith.addf %add3A_1169, %get3A_1173 : vector<16xf32>
        %max3A_1175 = arith.constant 0.000000e+00 : f32
        %max3A_1176 = vector.broadcast %max3A_1175 : f32 to vector<16xf32>
        %max3A_1177 = arith.maximumf %add3A_1174, %max3A_1176 : vector<16xf32>
        %swap3A_1178 = arith.index_cast %scan3A_991 : i32 to index
        %swap3A_1179 = arith.constant 112 : index
        %swap3A_1180 = tpu.vector_load %arg13[%swap3A_1178, %swap3A_1179] {strides = array<i32>} : memref<48x128xf32, #tpu.memory_space<vmem>>, vector<1x16xf32>,
        %swap3A_1181 = vector.shape_cast %swap3A_1180 : vector<1x16xf32> to vector<16xf32>
        %swap3A_1182 = vector.shape_cast %max3A_1177 : vector<16xf32> to vector<1x16xf32>
        tpu.vector_store %arg13[%swap3A_1178, %swap3A_1179], %swap3A_1182 {strides = array<i32>} : memref<48x128xf32, #tpu.memory_space<vmem>>, vector<1x16xf32>,
      }
      %scan3A_736 = arith.constant 48 : i32
      %dma_start3A_737 = arith.constant 0 : i32
      %dma_start3A_738 = arith.constant 0 : i32
      %dma_start3A_739 = tpu.memref_slice %arg6[%dma_start3A_737, %dma_start3A_738] : memref<10112x128xf32, #tpu.memory_space<vmem_shared>> -> memref<10112x128xf32, #tpu.memory_space<vmem_shared>>
      tpu.enqueue_indirect_dma source(%arg13 : memref<48x128xf32, #tpu.memory_space<vmem>>) target(%dma_start3A_739 : memref<10112x128xf32, #tpu.memory_space<vmem_shared>>) offsets(%arg15 : memref<48xi32, #tpu.memory_space<vmem>>) semaphore(%arg21 : memref<!tpu.dma_semaphore, #tpu.memory_space<semaphore_mem>>) {add = true}
      %add3A_740 = arith.constant 6 : i32
      %add3A_741 = arith.addi %add3A_372, %add3A_740 : i32
      %mul3A_742 = arith.constant 212 : i32
      %mul3A_743 = arith.muli %add3A, %mul3A_742 : i32
      %add3A_744 = arith.addi %mul3A_743, %add3A_741 : i32
      %mul3A_745 = arith.constant 96 : i32
      %mul3A_746 = arith.muli %add3A_744, %mul3A_745 : i32
      %multiple_of3A_747 = tpu.assume_multiple %mul3A_746, 96 : i32
      "tpu.region"() ({
        %run_scoped3A = tpu.sem_alloc : memref<!tpu.dma_semaphore, #tpu.memory_space<semaphore_mem>>
        %dma_start3A_991 = tpu.memref_slice %arg4[%multiple_of3A_747] : memref<651264xi32, #tpu.memory_space<hbm>> -> memref<384xi32, #tpu.memory_space<hbm>>
        %dma_start3A_992 = tpu.memref_slice %arg4[%multiple_of3A_747] : memref<651264xi32, #tpu.memory_space<hbm>> -> memref<384xi32, #tpu.memory_space<hbm>>
        tpu.enqueue_dma source(%dma_start3A_992 : memref<384xi32, #tpu.memory_space<hbm>>) target(%arg7 : memref<384xi32, #tpu.memory_space<vmem>>) target_semaphore(%run_scoped3A : memref<!tpu.dma_semaphore, #tpu.memory_space<semaphore_mem>>)
        %dma_wait3A_993 = tpu.memref_slice %arg4[%multiple_of3A_747] : memref<651264xi32, #tpu.memory_space<hbm>> -> memref<384xi32, #tpu.memory_space<hbm>>
        %dma_wait3A_994 = tpu.memref_slice %arg4[%multiple_of3A_747] : memref<651264xi32, #tpu.memory_space<hbm>> -> memref<384xi32, #tpu.memory_space<hbm>>
        tpu.wait_dma2 semaphore(%run_scoped3A : memref<!tpu.dma_semaphore, #tpu.memory_space<semaphore_mem>>) src(%dma_wait3A_994 : memref<384xi32, #tpu.memory_space<hbm>>) dst(%arg7 : memref<384xi32, #tpu.memory_space<vmem>>)
        tpu.yield
      }) : () -> ()
      %dma_start3A_748 = arith.constant 0 : i32
      %dma_start3A_749 = tpu.memref_slice %arg7[%dma_start3A_748] : memref<384xi32, #tpu.memory_space<vmem>> -> memref<96xi32, #tpu.memory_space<vmem>>
      %dma_start3A_750 = arith.constant 0 : i32
      %dma_start3A_751 = arith.constant 0 : i32
      %dma_start3A_752 = tpu.memref_slice %arg2[%dma_start3A_750, %dma_start3A_751] : memref<20224x128xf32, #tpu.memory_space<hbm>> -> memref<20224x128xf32, #tpu.memory_space<hbm>>
      tpu.enqueue_indirect_dma source(%dma_start3A_752 : memref<20224x128xf32, #tpu.memory_space<hbm>>) target(%arg9 : memref<96x128xf32, #tpu.memory_space<vmem>>) offsets(%dma_start3A_749 : memref<96xi32, #tpu.memory_space<vmem>>) semaphore(%arg17 : memref<!tpu.dma_semaphore, #tpu.memory_space<semaphore_mem>>)
      %mul3A_753 = arith.constant 10176 : i32
      %mul3A_754 = arith.muli %add3A, %mul3A_753 : i32
      %mul3A_755 = arith.constant 48 : i32
      %mul3A_756 = arith.muli %add3A_741, %mul3A_755 : i32
      %add3A_757 = arith.addi %mul3A_754, %mul3A_756 : i32
      %multiple_of3A_758 = tpu.assume_multiple %add3A_757, 48 : i32
      %dma_start3A_759 = arith.constant 0 : i32
      %dma_start3A_760 = tpu.memref_slice %arg3[%multiple_of3A_758, %dma_start3A_759] : memref<325632x128xf32, #tpu.memory_space<hbm>> -> memref<48x128xf32, #tpu.memory_space<hbm>>
      %dma_start3A_761 = arith.constant 0 : i32
      %dma_start3A_762 = tpu.memref_slice %arg3[%multiple_of3A_758, %dma_start3A_761] : memref<325632x128xf32, #tpu.memory_space<hbm>> -> memref<48x128xf32, #tpu.memory_space<hbm>>
      tpu.enqueue_dma source(%dma_start3A_762 : memref<48x128xf32, #tpu.memory_space<hbm>>) target(%arg11 : memref<48x128xf32, #tpu.memory_space<vmem>>) target_semaphore(%arg19 : memref<!tpu.dma_semaphore, #tpu.memory_space<semaphore_mem>>)
      %dma_wait3A_763 = arith.constant 0 : i32
      %dma_wait3A_764 = arith.constant 0 : i32
      %dma_wait3A_765 = tpu.memref_slice %arg6[%dma_wait3A_763, %dma_wait3A_764] : memref<10112x128xf32, #tpu.memory_space<vmem_shared>> -> memref<10112x128xf32, #tpu.memory_space<vmem_shared>>
      tpu.wait_indirect_dma semaphore(%arg22 : memref<!tpu.dma_semaphore, #tpu.memory_space<semaphore_mem>>) src(%arg14 : memref<48x128xf32, #tpu.memory_space<vmem>>) dst(%dma_wait3A_765 : memref<10112x128xf32, #tpu.memory_space<vmem_shared>>)
      %add3A_766 = arith.constant 5 : i32
      %add3A_767 = arith.addi %add3A_372, %add3A_766 : i32
      %mul3A_768 = arith.constant 10176 : i32
      %mul3A_769 = arith.muli %add3A, %mul3A_768 : i32
      %mul3A_770 = arith.constant 48 : i32
      %mul3A_771 = arith.muli %add3A_767, %mul3A_770 : i32
      %add3A_772 = arith.addi %mul3A_769, %mul3A_771 : i32
      %multiple_of3A_773 = tpu.assume_multiple %add3A_772, 48 : i32
      %dma_wait3A_774 = arith.constant 288 : i32
      %dma_wait3A_775 = tpu.memref_slice %arg8[%dma_wait3A_774] : memref<384xi32, #tpu.memory_space<vmem>> -> memref<96xi32, #tpu.memory_space<vmem>>
      %dma_wait3A_776 = arith.constant 0 : i32
      %dma_wait3A_777 = arith.constant 0 : i32
      %dma_wait3A_778 = tpu.memref_slice %arg2[%dma_wait3A_776, %dma_wait3A_777] : memref<20224x128xf32, #tpu.memory_space<hbm>> -> memref<20224x128xf32, #tpu.memory_space<hbm>>
      tpu.wait_indirect_dma semaphore(%arg18 : memref<!tpu.dma_semaphore, #tpu.memory_space<semaphore_mem>>) src(%dma_wait3A_778 : memref<20224x128xf32, #tpu.memory_space<hbm>>) dst(%arg10 : memref<96x128xf32, #tpu.memory_space<vmem>>)
      %dma_wait3A_779 = arith.constant 0 : i32
      %dma_wait3A_780 = tpu.memref_slice %arg3[%multiple_of3A_773, %dma_wait3A_779] : memref<325632x128xf32, #tpu.memory_space<hbm>> -> memref<48x128xf32, #tpu.memory_space<hbm>>
      %dma_wait3A_781 = arith.constant 0 : i32
      %dma_wait3A_782 = tpu.memref_slice %arg3[%multiple_of3A_773, %dma_wait3A_781] : memref<325632x128xf32, #tpu.memory_space<hbm>> -> memref<48x128xf32, #tpu.memory_space<hbm>>
      tpu.wait_dma2 semaphore(%arg20 : memref<!tpu.dma_semaphore, #tpu.memory_space<semaphore_mem>>) src(%dma_wait3A_782 : memref<48x128xf32, #tpu.memory_space<hbm>>) dst(%arg12 : memref<48x128xf32, #tpu.memory_space<vmem>>)
      %get3A_783 = arith.constant 336 : index
      %get3A_784 = tpu.vector_load %arg8[%get3A_783] {strides = array<i32>} : memref<384xi32, #tpu.memory_space<vmem>>, vector<16xi32>,
      %get3A_785 = vector.shape_cast %get3A_784 : vector<16xi32> to vector<16xi32>
      %sub3A_786 = arith.constant 10112 : i32
      %sub3A_787 = vector.broadcast %sub3A_786 : i32 to vector<16xi32>
      %sub3A_788 = arith.subi %get3A_785, %sub3A_787 : vector<16xi32>
      %swap3A_789 = arith.constant 0 : index
      %swap3A_790 = tpu.vector_load %arg16[%swap3A_789] {strides = array<i32>} : memref<48xi32, #tpu.memory_space<vmem>>, vector<16xi32>,
      %swap3A_791 = vector.shape_cast %swap3A_790 : vector<16xi32> to vector<16xi32>
      %swap3A_792 = vector.shape_cast %sub3A_788 : vector<16xi32> to vector<16xi32>
      tpu.vector_store %arg16[%swap3A_789], %swap3A_792 {strides = array<i32>} : memref<48xi32, #tpu.memory_space<vmem>>, vector<16xi32>,
      %get3A_793 = arith.constant 352 : index
      %get3A_794 = tpu.vector_load %arg8[%get3A_793] {strides = array<i32>} : memref<384xi32, #tpu.memory_space<vmem>>, vector<16xi32>,
      %get3A_795 = vector.shape_cast %get3A_794 : vector<16xi32> to vector<16xi32>
      %sub3A_796 = arith.constant 10112 : i32
      %sub3A_797 = vector.broadcast %sub3A_796 : i32 to vector<16xi32>
      %sub3A_798 = arith.subi %get3A_795, %sub3A_797 : vector<16xi32>
      %swap3A_799 = arith.constant 16 : index
      %swap3A_800 = tpu.vector_load %arg16[%swap3A_799] {strides = array<i32>} : memref<48xi32, #tpu.memory_space<vmem>>, vector<16xi32>,
      %swap3A_801 = vector.shape_cast %swap3A_800 : vector<16xi32> to vector<16xi32>
      %swap3A_802 = vector.shape_cast %sub3A_798 : vector<16xi32> to vector<16xi32>
      tpu.vector_store %arg16[%swap3A_799], %swap3A_802 {strides = array<i32>} : memref<48xi32, #tpu.memory_space<vmem>>, vector<16xi32>,
      %get3A_803 = arith.constant 368 : index
      %get3A_804 = tpu.vector_load %arg8[%get3A_803] {strides = array<i32>} : memref<384xi32, #tpu.memory_space<vmem>>, vector<16xi32>,
      %get3A_805 = vector.shape_cast %get3A_804 : vector<16xi32> to vector<16xi32>
      %sub3A_806 = arith.constant 10112 : i32
      %sub3A_807 = vector.broadcast %sub3A_806 : i32 to vector<16xi32>
      %sub3A_808 = arith.subi %get3A_805, %sub3A_807 : vector<16xi32>
      %swap3A_809 = arith.constant 32 : index
      %swap3A_810 = tpu.vector_load %arg16[%swap3A_809] {strides = array<i32>} : memref<48xi32, #tpu.memory_space<vmem>>, vector<16xi32>,
      %swap3A_811 = vector.shape_cast %swap3A_810 : vector<16xi32> to vector<16xi32>
      %swap3A_812 = vector.shape_cast %sub3A_808 : vector<16xi32> to vector<16xi32>
      tpu.vector_store %arg16[%swap3A_809], %swap3A_812 {strides = array<i32>} : memref<48xi32, #tpu.memory_space<vmem>>, vector<16xi32>,
      %scan3A_813 = arith.constant 0 : i32
      %scan3A_814 = arith.constant 0 : i32
      %scan3A_815 = arith.constant 48 : i32
      %scan3A_816 = arith.addi %scan3A_814, %scan3A_815 : i32
      %scan3A_817 = arith.constant 1 : i32
      scf.for %scan3A_991 = %scan3A_814 to %scan3A_816 step %scan3A_817  : i32 {
        %get3A_992 = arith.index_cast %scan3A_991 : i32 to index
        %get3A_993 = arith.constant 0 : index
        %get3A_994 = tpu.vector_load %arg10[%get3A_992, %get3A_993] {strides = array<i32>} : memref<96x128xf32, #tpu.memory_space<vmem>>, vector<1x16xf32>,
        %get3A_995 = vector.shape_cast %get3A_994 : vector<1x16xf32> to vector<16xf32>
        %add3A_996 = arith.constant 48 : i32
        %add3A_997 = arith.addi %add3A_996, %scan3A_991 : i32
        %get3A_998 = arith.index_cast %add3A_997 : i32 to index
        %get3A_999 = arith.constant 0 : index
        %get3A_1000 = tpu.vector_load %arg10[%get3A_998, %get3A_999] {strides = array<i32>} : memref<96x128xf32, #tpu.memory_space<vmem>>, vector<1x16xf32>,
        %get3A_1001 = vector.shape_cast %get3A_1000 : vector<1x16xf32> to vector<16xf32>
        %add3A_1002 = arith.addf %get3A_995, %get3A_1001 : vector<16xf32>
        %get3A_1003 = arith.index_cast %scan3A_991 : i32 to index
        %get3A_1004 = arith.constant 0 : index
        %get3A_1005 = tpu.vector_load %arg12[%get3A_1003, %get3A_1004] {strides = array<i32>} : memref<48x128xf32, #tpu.memory_space<vmem>>, vector<1x16xf32>,
        %get3A_1006 = vector.shape_cast %get3A_1005 : vector<1x16xf32> to vector<16xf32>
        %add3A_1007 = arith.addf %add3A_1002, %get3A_1006 : vector<16xf32>
        %max3A = arith.constant 0.000000e+00 : f32
        %max3A_1008 = vector.broadcast %max3A : f32 to vector<16xf32>
        %max3A_1009 = arith.maximumf %add3A_1007, %max3A_1008 : vector<16xf32>
        %swap3A_1010 = arith.index_cast %scan3A_991 : i32 to index
        %swap3A_1011 = arith.constant 0 : index
        %swap3A_1012 = tpu.vector_load %arg14[%swap3A_1010, %swap3A_1011] {strides = array<i32>} : memref<48x128xf32, #tpu.memory_space<vmem>>, vector<1x16xf32>,
        %swap3A_1013 = vector.shape_cast %swap3A_1012 : vector<1x16xf32> to vector<16xf32>
        %swap3A_1014 = vector.shape_cast %max3A_1009 : vector<16xf32> to vector<1x16xf32>
        tpu.vector_store %arg14[%swap3A_1010, %swap3A_1011], %swap3A_1014 {strides = array<i32>} : memref<48x128xf32, #tpu.memory_space<vmem>>, vector<1x16xf32>,
        %get3A_1015 = arith.index_cast %scan3A_991 : i32 to index
        %get3A_1016 = arith.constant 16 : index
        %get3A_1017 = tpu.vector_load %arg10[%get3A_1015, %get3A_1016] {strides = array<i32>} : memref<96x128xf32, #tpu.memory_space<vmem>>, vector<1x16xf32>,
        %get3A_1018 = vector.shape_cast %get3A_1017 : vector<1x16xf32> to vector<16xf32>
        %add3A_1019 = arith.constant 48 : i32
        %add3A_1020 = arith.addi %add3A_1019, %scan3A_991 : i32
        %get3A_1021 = arith.index_cast %add3A_1020 : i32 to index
        %get3A_1022 = arith.constant 16 : index
        %get3A_1023 = tpu.vector_load %arg10[%get3A_1021, %get3A_1022] {strides = array<i32>} : memref<96x128xf32, #tpu.memory_space<vmem>>, vector<1x16xf32>,
        %get3A_1024 = vector.shape_cast %get3A_1023 : vector<1x16xf32> to vector<16xf32>
        %add3A_1025 = arith.addf %get3A_1018, %get3A_1024 : vector<16xf32>
        %get3A_1026 = arith.index_cast %scan3A_991 : i32 to index
        %get3A_1027 = arith.constant 16 : index
        %get3A_1028 = tpu.vector_load %arg12[%get3A_1026, %get3A_1027] {strides = array<i32>} : memref<48x128xf32, #tpu.memory_space<vmem>>, vector<1x16xf32>,
        %get3A_1029 = vector.shape_cast %get3A_1028 : vector<1x16xf32> to vector<16xf32>
        %add3A_1030 = arith.addf %add3A_1025, %get3A_1029 : vector<16xf32>
        %max3A_1031 = arith.constant 0.000000e+00 : f32
        %max3A_1032 = vector.broadcast %max3A_1031 : f32 to vector<16xf32>
        %max3A_1033 = arith.maximumf %add3A_1030, %max3A_1032 : vector<16xf32>
        %swap3A_1034 = arith.index_cast %scan3A_991 : i32 to index
        %swap3A_1035 = arith.constant 16 : index
        %swap3A_1036 = tpu.vector_load %arg14[%swap3A_1034, %swap3A_1035] {strides = array<i32>} : memref<48x128xf32, #tpu.memory_space<vmem>>, vector<1x16xf32>,
        %swap3A_1037 = vector.shape_cast %swap3A_1036 : vector<1x16xf32> to vector<16xf32>
        %swap3A_1038 = vector.shape_cast %max3A_1033 : vector<16xf32> to vector<1x16xf32>
        tpu.vector_store %arg14[%swap3A_1034, %swap3A_1035], %swap3A_1038 {strides = array<i32>} : memref<48x128xf32, #tpu.memory_space<vmem>>, vector<1x16xf32>,
        %get3A_1039 = arith.index_cast %scan3A_991 : i32 to index
        %get3A_1040 = arith.constant 32 : index
        %get3A_1041 = tpu.vector_load %arg10[%get3A_1039, %get3A_1040] {strides = array<i32>} : memref<96x128xf32, #tpu.memory_space<vmem>>, vector<1x16xf32>,
        %get3A_1042 = vector.shape_cast %get3A_1041 : vector<1x16xf32> to vector<16xf32>
        %add3A_1043 = arith.constant 48 : i32
        %add3A_1044 = arith.addi %add3A_1043, %scan3A_991 : i32
        %get3A_1045 = arith.index_cast %add3A_1044 : i32 to index
        %get3A_1046 = arith.constant 32 : index
        %get3A_1047 = tpu.vector_load %arg10[%get3A_1045, %get3A_1046] {strides = array<i32>} : memref<96x128xf32, #tpu.memory_space<vmem>>, vector<1x16xf32>,
        %get3A_1048 = vector.shape_cast %get3A_1047 : vector<1x16xf32> to vector<16xf32>
        %add3A_1049 = arith.addf %get3A_1042, %get3A_1048 : vector<16xf32>
        %get3A_1050 = arith.index_cast %scan3A_991 : i32 to index
        %get3A_1051 = arith.constant 32 : index
        %get3A_1052 = tpu.vector_load %arg12[%get3A_1050, %get3A_1051] {strides = array<i32>} : memref<48x128xf32, #tpu.memory_space<vmem>>, vector<1x16xf32>,
        %get3A_1053 = vector.shape_cast %get3A_1052 : vector<1x16xf32> to vector<16xf32>
        %add3A_1054 = arith.addf %add3A_1049, %get3A_1053 : vector<16xf32>
        %max3A_1055 = arith.constant 0.000000e+00 : f32
        %max3A_1056 = vector.broadcast %max3A_1055 : f32 to vector<16xf32>
        %max3A_1057 = arith.maximumf %add3A_1054, %max3A_1056 : vector<16xf32>
        %swap3A_1058 = arith.index_cast %scan3A_991 : i32 to index
        %swap3A_1059 = arith.constant 32 : index
        %swap3A_1060 = tpu.vector_load %arg14[%swap3A_1058, %swap3A_1059] {strides = array<i32>} : memref<48x128xf32, #tpu.memory_space<vmem>>, vector<1x16xf32>,
        %swap3A_1061 = vector.shape_cast %swap3A_1060 : vector<1x16xf32> to vector<16xf32>
        %swap3A_1062 = vector.shape_cast %max3A_1057 : vector<16xf32> to vector<1x16xf32>
        tpu.vector_store %arg14[%swap3A_1058, %swap3A_1059], %swap3A_1062 {strides = array<i32>} : memref<48x128xf32, #tpu.memory_space<vmem>>, vector<1x16xf32>,
        %get3A_1063 = arith.index_cast %scan3A_991 : i32 to index
        %get3A_1064 = arith.constant 48 : index
        %get3A_1065 = tpu.vector_load %arg10[%get3A_1063, %get3A_1064] {strides = array<i32>} : memref<96x128xf32, #tpu.memory_space<vmem>>, vector<1x16xf32>,
        %get3A_1066 = vector.shape_cast %get3A_1065 : vector<1x16xf32> to vector<16xf32>
        %add3A_1067 = arith.constant 48 : i32
        %add3A_1068 = arith.addi %add3A_1067, %scan3A_991 : i32
        %get3A_1069 = arith.index_cast %add3A_1068 : i32 to index
        %get3A_1070 = arith.constant 48 : index
        %get3A_1071 = tpu.vector_load %arg10[%get3A_1069, %get3A_1070] {strides = array<i32>} : memref<96x128xf32, #tpu.memory_space<vmem>>, vector<1x16xf32>,
        %get3A_1072 = vector.shape_cast %get3A_1071 : vector<1x16xf32> to vector<16xf32>
        %add3A_1073 = arith.addf %get3A_1066, %get3A_1072 : vector<16xf32>
        %get3A_1074 = arith.index_cast %scan3A_991 : i32 to index
        %get3A_1075 = arith.constant 48 : index
        %get3A_1076 = tpu.vector_load %arg12[%get3A_1074, %get3A_1075] {strides = array<i32>} : memref<48x128xf32, #tpu.memory_space<vmem>>, vector<1x16xf32>,
        %get3A_1077 = vector.shape_cast %get3A_1076 : vector<1x16xf32> to vector<16xf32>
        %add3A_1078 = arith.addf %add3A_1073, %get3A_1077 : vector<16xf32>
        %max3A_1079 = arith.constant 0.000000e+00 : f32
        %max3A_1080 = vector.broadcast %max3A_1079 : f32 to vector<16xf32>
        %max3A_1081 = arith.maximumf %add3A_1078, %max3A_1080 : vector<16xf32>
        %swap3A_1082 = arith.index_cast %scan3A_991 : i32 to index
        %swap3A_1083 = arith.constant 48 : index
        %swap3A_1084 = tpu.vector_load %arg14[%swap3A_1082, %swap3A_1083] {strides = array<i32>} : memref<48x128xf32, #tpu.memory_space<vmem>>, vector<1x16xf32>,
        %swap3A_1085 = vector.shape_cast %swap3A_1084 : vector<1x16xf32> to vector<16xf32>
        %swap3A_1086 = vector.shape_cast %max3A_1081 : vector<16xf32> to vector<1x16xf32>
        tpu.vector_store %arg14[%swap3A_1082, %swap3A_1083], %swap3A_1086 {strides = array<i32>} : memref<48x128xf32, #tpu.memory_space<vmem>>, vector<1x16xf32>,
        %get3A_1087 = arith.index_cast %scan3A_991 : i32 to index
        %get3A_1088 = arith.constant 64 : index
        %get3A_1089 = tpu.vector_load %arg10[%get3A_1087, %get3A_1088] {strides = array<i32>} : memref<96x128xf32, #tpu.memory_space<vmem>>, vector<1x16xf32>,
        %get3A_1090 = vector.shape_cast %get3A_1089 : vector<1x16xf32> to vector<16xf32>
        %add3A_1091 = arith.constant 48 : i32
        %add3A_1092 = arith.addi %add3A_1091, %scan3A_991 : i32
        %get3A_1093 = arith.index_cast %add3A_1092 : i32 to index
        %get3A_1094 = arith.constant 64 : index
        %get3A_1095 = tpu.vector_load %arg10[%get3A_1093, %get3A_1094] {strides = array<i32>} : memref<96x128xf32, #tpu.memory_space<vmem>>, vector<1x16xf32>,
        %get3A_1096 = vector.shape_cast %get3A_1095 : vector<1x16xf32> to vector<16xf32>
        %add3A_1097 = arith.addf %get3A_1090, %get3A_1096 : vector<16xf32>
        %get3A_1098 = arith.index_cast %scan3A_991 : i32 to index
        %get3A_1099 = arith.constant 64 : index
        %get3A_1100 = tpu.vector_load %arg12[%get3A_1098, %get3A_1099] {strides = array<i32>} : memref<48x128xf32, #tpu.memory_space<vmem>>, vector<1x16xf32>,
        %get3A_1101 = vector.shape_cast %get3A_1100 : vector<1x16xf32> to vector<16xf32>
        %add3A_1102 = arith.addf %add3A_1097, %get3A_1101 : vector<16xf32>
        %max3A_1103 = arith.constant 0.000000e+00 : f32
        %max3A_1104 = vector.broadcast %max3A_1103 : f32 to vector<16xf32>
        %max3A_1105 = arith.maximumf %add3A_1102, %max3A_1104 : vector<16xf32>
        %swap3A_1106 = arith.index_cast %scan3A_991 : i32 to index
        %swap3A_1107 = arith.constant 64 : index
        %swap3A_1108 = tpu.vector_load %arg14[%swap3A_1106, %swap3A_1107] {strides = array<i32>} : memref<48x128xf32, #tpu.memory_space<vmem>>, vector<1x16xf32>,
        %swap3A_1109 = vector.shape_cast %swap3A_1108 : vector<1x16xf32> to vector<16xf32>
        %swap3A_1110 = vector.shape_cast %max3A_1105 : vector<16xf32> to vector<1x16xf32>
        tpu.vector_store %arg14[%swap3A_1106, %swap3A_1107], %swap3A_1110 {strides = array<i32>} : memref<48x128xf32, #tpu.memory_space<vmem>>, vector<1x16xf32>,
        %get3A_1111 = arith.index_cast %scan3A_991 : i32 to index
        %get3A_1112 = arith.constant 80 : index
        %get3A_1113 = tpu.vector_load %arg10[%get3A_1111, %get3A_1112] {strides = array<i32>} : memref<96x128xf32, #tpu.memory_space<vmem>>, vector<1x16xf32>,
        %get3A_1114 = vector.shape_cast %get3A_1113 : vector<1x16xf32> to vector<16xf32>
        %add3A_1115 = arith.constant 48 : i32
        %add3A_1116 = arith.addi %add3A_1115, %scan3A_991 : i32
        %get3A_1117 = arith.index_cast %add3A_1116 : i32 to index
        %get3A_1118 = arith.constant 80 : index
        %get3A_1119 = tpu.vector_load %arg10[%get3A_1117, %get3A_1118] {strides = array<i32>} : memref<96x128xf32, #tpu.memory_space<vmem>>, vector<1x16xf32>,
        %get3A_1120 = vector.shape_cast %get3A_1119 : vector<1x16xf32> to vector<16xf32>
        %add3A_1121 = arith.addf %get3A_1114, %get3A_1120 : vector<16xf32>
        %get3A_1122 = arith.index_cast %scan3A_991 : i32 to index
        %get3A_1123 = arith.constant 80 : index
        %get3A_1124 = tpu.vector_load %arg12[%get3A_1122, %get3A_1123] {strides = array<i32>} : memref<48x128xf32, #tpu.memory_space<vmem>>, vector<1x16xf32>,
        %get3A_1125 = vector.shape_cast %get3A_1124 : vector<1x16xf32> to vector<16xf32>
        %add3A_1126 = arith.addf %add3A_1121, %get3A_1125 : vector<16xf32>
        %max3A_1127 = arith.constant 0.000000e+00 : f32
        %max3A_1128 = vector.broadcast %max3A_1127 : f32 to vector<16xf32>
        %max3A_1129 = arith.maximumf %add3A_1126, %max3A_1128 : vector<16xf32>
        %swap3A_1130 = arith.index_cast %scan3A_991 : i32 to index
        %swap3A_1131 = arith.constant 80 : index
        %swap3A_1132 = tpu.vector_load %arg14[%swap3A_1130, %swap3A_1131] {strides = array<i32>} : memref<48x128xf32, #tpu.memory_space<vmem>>, vector<1x16xf32>,
        %swap3A_1133 = vector.shape_cast %swap3A_1132 : vector<1x16xf32> to vector<16xf32>
        %swap3A_1134 = vector.shape_cast %max3A_1129 : vector<16xf32> to vector<1x16xf32>
        tpu.vector_store %arg14[%swap3A_1130, %swap3A_1131], %swap3A_1134 {strides = array<i32>} : memref<48x128xf32, #tpu.memory_space<vmem>>, vector<1x16xf32>,
        %get3A_1135 = arith.index_cast %scan3A_991 : i32 to index
        %get3A_1136 = arith.constant 96 : index
        %get3A_1137 = tpu.vector_load %arg10[%get3A_1135, %get3A_1136] {strides = array<i32>} : memref<96x128xf32, #tpu.memory_space<vmem>>, vector<1x16xf32>,
        %get3A_1138 = vector.shape_cast %get3A_1137 : vector<1x16xf32> to vector<16xf32>
        %add3A_1139 = arith.constant 48 : i32
        %add3A_1140 = arith.addi %add3A_1139, %scan3A_991 : i32
        %get3A_1141 = arith.index_cast %add3A_1140 : i32 to index
        %get3A_1142 = arith.constant 96 : index
        %get3A_1143 = tpu.vector_load %arg10[%get3A_1141, %get3A_1142] {strides = array<i32>} : memref<96x128xf32, #tpu.memory_space<vmem>>, vector<1x16xf32>,
        %get3A_1144 = vector.shape_cast %get3A_1143 : vector<1x16xf32> to vector<16xf32>
        %add3A_1145 = arith.addf %get3A_1138, %get3A_1144 : vector<16xf32>
        %get3A_1146 = arith.index_cast %scan3A_991 : i32 to index
        %get3A_1147 = arith.constant 96 : index
        %get3A_1148 = tpu.vector_load %arg12[%get3A_1146, %get3A_1147] {strides = array<i32>} : memref<48x128xf32, #tpu.memory_space<vmem>>, vector<1x16xf32>,
        %get3A_1149 = vector.shape_cast %get3A_1148 : vector<1x16xf32> to vector<16xf32>
        %add3A_1150 = arith.addf %add3A_1145, %get3A_1149 : vector<16xf32>
        %max3A_1151 = arith.constant 0.000000e+00 : f32
        %max3A_1152 = vector.broadcast %max3A_1151 : f32 to vector<16xf32>
        %max3A_1153 = arith.maximumf %add3A_1150, %max3A_1152 : vector<16xf32>
        %swap3A_1154 = arith.index_cast %scan3A_991 : i32 to index
        %swap3A_1155 = arith.constant 96 : index
        %swap3A_1156 = tpu.vector_load %arg14[%swap3A_1154, %swap3A_1155] {strides = array<i32>} : memref<48x128xf32, #tpu.memory_space<vmem>>, vector<1x16xf32>,
        %swap3A_1157 = vector.shape_cast %swap3A_1156 : vector<1x16xf32> to vector<16xf32>
        %swap3A_1158 = vector.shape_cast %max3A_1153 : vector<16xf32> to vector<1x16xf32>
        tpu.vector_store %arg14[%swap3A_1154, %swap3A_1155], %swap3A_1158 {strides = array<i32>} : memref<48x128xf32, #tpu.memory_space<vmem>>, vector<1x16xf32>,
        %get3A_1159 = arith.index_cast %scan3A_991 : i32 to index
        %get3A_1160 = arith.constant 112 : index
        %get3A_1161 = tpu.vector_load %arg10[%get3A_1159, %get3A_1160] {strides = array<i32>} : memref<96x128xf32, #tpu.memory_space<vmem>>, vector<1x16xf32>,
        %get3A_1162 = vector.shape_cast %get3A_1161 : vector<1x16xf32> to vector<16xf32>
        %add3A_1163 = arith.constant 48 : i32
        %add3A_1164 = arith.addi %add3A_1163, %scan3A_991 : i32
        %get3A_1165 = arith.index_cast %add3A_1164 : i32 to index
        %get3A_1166 = arith.constant 112 : index
        %get3A_1167 = tpu.vector_load %arg10[%get3A_1165, %get3A_1166] {strides = array<i32>} : memref<96x128xf32, #tpu.memory_space<vmem>>, vector<1x16xf32>,
        %get3A_1168 = vector.shape_cast %get3A_1167 : vector<1x16xf32> to vector<16xf32>
        %add3A_1169 = arith.addf %get3A_1162, %get3A_1168 : vector<16xf32>
        %get3A_1170 = arith.index_cast %scan3A_991 : i32 to index
        %get3A_1171 = arith.constant 112 : index
        %get3A_1172 = tpu.vector_load %arg12[%get3A_1170, %get3A_1171] {strides = array<i32>} : memref<48x128xf32, #tpu.memory_space<vmem>>, vector<1x16xf32>,
        %get3A_1173 = vector.shape_cast %get3A_1172 : vector<1x16xf32> to vector<16xf32>
        %add3A_1174 = arith.addf %add3A_1169, %get3A_1173 : vector<16xf32>
        %max3A_1175 = arith.constant 0.000000e+00 : f32
        %max3A_1176 = vector.broadcast %max3A_1175 : f32 to vector<16xf32>
        %max3A_1177 = arith.maximumf %add3A_1174, %max3A_1176 : vector<16xf32>
        %swap3A_1178 = arith.index_cast %scan3A_991 : i32 to index
        %swap3A_1179 = arith.constant 112 : index
        %swap3A_1180 = tpu.vector_load %arg14[%swap3A_1178, %swap3A_1179] {strides = array<i32>} : memref<48x128xf32, #tpu.memory_space<vmem>>, vector<1x16xf32>,
        %swap3A_1181 = vector.shape_cast %swap3A_1180 : vector<1x16xf32> to vector<16xf32>
        %swap3A_1182 = vector.shape_cast %max3A_1177 : vector<16xf32> to vector<1x16xf32>
        tpu.vector_store %arg14[%swap3A_1178, %swap3A_1179], %swap3A_1182 {strides = array<i32>} : memref<48x128xf32, #tpu.memory_space<vmem>>, vector<1x16xf32>,
      }
      %scan3A_818 = arith.constant 48 : i32
      %dma_start3A_819 = arith.constant 0 : i32
      %dma_start3A_820 = arith.constant 0 : i32
      %dma_start3A_821 = tpu.memref_slice %arg6[%dma_start3A_819, %dma_start3A_820] : memref<10112x128xf32, #tpu.memory_space<vmem_shared>> -> memref<10112x128xf32, #tpu.memory_space<vmem_shared>>
      tpu.enqueue_indirect_dma source(%arg14 : memref<48x128xf32, #tpu.memory_space<vmem>>) target(%dma_start3A_821 : memref<10112x128xf32, #tpu.memory_space<vmem_shared>>) offsets(%arg16 : memref<48xi32, #tpu.memory_space<vmem>>) semaphore(%arg22 : memref<!tpu.dma_semaphore, #tpu.memory_space<semaphore_mem>>) {add = true}
      %add3A_822 = arith.constant 7 : i32
      %add3A_823 = arith.addi %add3A_372, %add3A_822 : i32
      %dma_start3A_824 = arith.constant 96 : i32
      %dma_start3A_825 = tpu.memref_slice %arg7[%dma_start3A_824] : memref<384xi32, #tpu.memory_space<vmem>> -> memref<96xi32, #tpu.memory_space<vmem>>
      %dma_start3A_826 = arith.constant 0 : i32
      %dma_start3A_827 = arith.constant 0 : i32
      %dma_start3A_828 = tpu.memref_slice %arg2[%dma_start3A_826, %dma_start3A_827] : memref<20224x128xf32, #tpu.memory_space<hbm>> -> memref<20224x128xf32, #tpu.memory_space<hbm>>
      tpu.enqueue_indirect_dma source(%dma_start3A_828 : memref<20224x128xf32, #tpu.memory_space<hbm>>) target(%arg10 : memref<96x128xf32, #tpu.memory_space<vmem>>) offsets(%dma_start3A_825 : memref<96xi32, #tpu.memory_space<vmem>>) semaphore(%arg18 : memref<!tpu.dma_semaphore, #tpu.memory_space<semaphore_mem>>)
      %mul3A_829 = arith.constant 10176 : i32
      %mul3A_830 = arith.muli %add3A, %mul3A_829 : i32
      %mul3A_831 = arith.constant 48 : i32
      %mul3A_832 = arith.muli %add3A_823, %mul3A_831 : i32
      %add3A_833 = arith.addi %mul3A_830, %mul3A_832 : i32
      %multiple_of3A_834 = tpu.assume_multiple %add3A_833, 48 : i32
      %dma_start3A_835 = arith.constant 0 : i32
      %dma_start3A_836 = tpu.memref_slice %arg3[%multiple_of3A_834, %dma_start3A_835] : memref<325632x128xf32, #tpu.memory_space<hbm>> -> memref<48x128xf32, #tpu.memory_space<hbm>>
      %dma_start3A_837 = arith.constant 0 : i32
      %dma_start3A_838 = tpu.memref_slice %arg3[%multiple_of3A_834, %dma_start3A_837] : memref<325632x128xf32, #tpu.memory_space<hbm>> -> memref<48x128xf32, #tpu.memory_space<hbm>>
      tpu.enqueue_dma source(%dma_start3A_838 : memref<48x128xf32, #tpu.memory_space<hbm>>) target(%arg12 : memref<48x128xf32, #tpu.memory_space<vmem>>) target_semaphore(%arg20 : memref<!tpu.dma_semaphore, #tpu.memory_space<semaphore_mem>>)
      %dma_wait3A_839 = arith.constant 0 : i32
      %dma_wait3A_840 = arith.constant 0 : i32
      %dma_wait3A_841 = tpu.memref_slice %arg6[%dma_wait3A_839, %dma_wait3A_840] : memref<10112x128xf32, #tpu.memory_space<vmem_shared>> -> memref<10112x128xf32, #tpu.memory_space<vmem_shared>>
      tpu.wait_indirect_dma semaphore(%arg21 : memref<!tpu.dma_semaphore, #tpu.memory_space<semaphore_mem>>) src(%arg13 : memref<48x128xf32, #tpu.memory_space<vmem>>) dst(%dma_wait3A_841 : memref<10112x128xf32, #tpu.memory_space<vmem_shared>>)
      %add3A_842 = arith.constant 6 : i32
      %add3A_843 = arith.addi %add3A_372, %add3A_842 : i32
      %mul3A_844 = arith.constant 10176 : i32
      %mul3A_845 = arith.muli %add3A, %mul3A_844 : i32
      %mul3A_846 = arith.constant 48 : i32
      %mul3A_847 = arith.muli %add3A_843, %mul3A_846 : i32
      %add3A_848 = arith.addi %mul3A_845, %mul3A_847 : i32
      %multiple_of3A_849 = tpu.assume_multiple %add3A_848, 48 : i32
      %dma_wait3A_850 = arith.constant 0 : i32
      %dma_wait3A_851 = tpu.memref_slice %arg7[%dma_wait3A_850] : memref<384xi32, #tpu.memory_space<vmem>> -> memref<96xi32, #tpu.memory_space<vmem>>
      %dma_wait3A_852 = arith.constant 0 : i32
      %dma_wait3A_853 = arith.constant 0 : i32
      %dma_wait3A_854 = tpu.memref_slice %arg2[%dma_wait3A_852, %dma_wait3A_853] : memref<20224x128xf32, #tpu.memory_space<hbm>> -> memref<20224x128xf32, #tpu.memory_space<hbm>>
      tpu.wait_indirect_dma semaphore(%arg17 : memref<!tpu.dma_semaphore, #tpu.memory_space<semaphore_mem>>) src(%dma_wait3A_854 : memref<20224x128xf32, #tpu.memory_space<hbm>>) dst(%arg9 : memref<96x128xf32, #tpu.memory_space<vmem>>)
      %dma_wait3A_855 = arith.constant 0 : i32
      %dma_wait3A_856 = tpu.memref_slice %arg3[%multiple_of3A_849, %dma_wait3A_855] : memref<325632x128xf32, #tpu.memory_space<hbm>> -> memref<48x128xf32, #tpu.memory_space<hbm>>
      %dma_wait3A_857 = arith.constant 0 : i32
      %dma_wait3A_858 = tpu.memref_slice %arg3[%multiple_of3A_849, %dma_wait3A_857] : memref<325632x128xf32, #tpu.memory_space<hbm>> -> memref<48x128xf32, #tpu.memory_space<hbm>>
      tpu.wait_dma2 semaphore(%arg19 : memref<!tpu.dma_semaphore, #tpu.memory_space<semaphore_mem>>) src(%dma_wait3A_858 : memref<48x128xf32, #tpu.memory_space<hbm>>) dst(%arg11 : memref<48x128xf32, #tpu.memory_space<vmem>>)
      %get3A_859 = arith.constant 48 : index
      %get3A_860 = tpu.vector_load %arg7[%get3A_859] {strides = array<i32>} : memref<384xi32, #tpu.memory_space<vmem>>, vector<16xi32>,
      %get3A_861 = vector.shape_cast %get3A_860 : vector<16xi32> to vector<16xi32>
      %sub3A_862 = arith.constant 10112 : i32
      %sub3A_863 = vector.broadcast %sub3A_862 : i32 to vector<16xi32>
      %sub3A_864 = arith.subi %get3A_861, %sub3A_863 : vector<16xi32>
      %swap3A_865 = arith.constant 0 : index
      %swap3A_866 = tpu.vector_load %arg15[%swap3A_865] {strides = array<i32>} : memref<48xi32, #tpu.memory_space<vmem>>, vector<16xi32>,
      %swap3A_867 = vector.shape_cast %swap3A_866 : vector<16xi32> to vector<16xi32>
      %swap3A_868 = vector.shape_cast %sub3A_864 : vector<16xi32> to vector<16xi32>
      tpu.vector_store %arg15[%swap3A_865], %swap3A_868 {strides = array<i32>} : memref<48xi32, #tpu.memory_space<vmem>>, vector<16xi32>,
      %get3A_869 = arith.constant 64 : index
      %get3A_870 = tpu.vector_load %arg7[%get3A_869] {strides = array<i32>} : memref<384xi32, #tpu.memory_space<vmem>>, vector<16xi32>,
      %get3A_871 = vector.shape_cast %get3A_870 : vector<16xi32> to vector<16xi32>
      %sub3A_872 = arith.constant 10112 : i32
      %sub3A_873 = vector.broadcast %sub3A_872 : i32 to vector<16xi32>
      %sub3A_874 = arith.subi %get3A_871, %sub3A_873 : vector<16xi32>
      %swap3A_875 = arith.constant 16 : index
      %swap3A_876 = tpu.vector_load %arg15[%swap3A_875] {strides = array<i32>} : memref<48xi32, #tpu.memory_space<vmem>>, vector<16xi32>,
      %swap3A_877 = vector.shape_cast %swap3A_876 : vector<16xi32> to vector<16xi32>
      %swap3A_878 = vector.shape_cast %sub3A_874 : vector<16xi32> to vector<16xi32>
      tpu.vector_store %arg15[%swap3A_875], %swap3A_878 {strides = array<i32>} : memref<48xi32, #tpu.memory_space<vmem>>, vector<16xi32>,
      %get3A_879 = arith.constant 80 : index
      %get3A_880 = tpu.vector_load %arg7[%get3A_879] {strides = array<i32>} : memref<384xi32, #tpu.memory_space<vmem>>, vector<16xi32>,
      %get3A_881 = vector.shape_cast %get3A_880 : vector<16xi32> to vector<16xi32>
      %sub3A_882 = arith.constant 10112 : i32
      %sub3A_883 = vector.broadcast %sub3A_882 : i32 to vector<16xi32>
      %sub3A_884 = arith.subi %get3A_881, %sub3A_883 : vector<16xi32>
      %swap3A_885 = arith.constant 32 : index
      %swap3A_886 = tpu.vector_load %arg15[%swap3A_885] {strides = array<i32>} : memref<48xi32, #tpu.memory_space<vmem>>, vector<16xi32>,
      %swap3A_887 = vector.shape_cast %swap3A_886 : vector<16xi32> to vector<16xi32>
      %swap3A_888 = vector.shape_cast %sub3A_884 : vector<16xi32> to vector<16xi32>
      tpu.vector_store %arg15[%swap3A_885], %swap3A_888 {strides = array<i32>} : memref<48xi32, #tpu.memory_space<vmem>>, vector<16xi32>,
      %scan3A_889 = arith.constant 0 : i32
      %scan3A_890 = arith.constant 0 : i32
      %scan3A_891 = arith.constant 48 : i32
      %scan3A_892 = arith.addi %scan3A_890, %scan3A_891 : i32
      %scan3A_893 = arith.constant 1 : i32
      scf.for %scan3A_991 = %scan3A_890 to %scan3A_892 step %scan3A_893  : i32 {
        %get3A_992 = arith.index_cast %scan3A_991 : i32 to index
        %get3A_993 = arith.constant 0 : index
        %get3A_994 = tpu.vector_load %arg9[%get3A_992, %get3A_993] {strides = array<i32>} : memref<96x128xf32, #tpu.memory_space<vmem>>, vector<1x16xf32>,
        %get3A_995 = vector.shape_cast %get3A_994 : vector<1x16xf32> to vector<16xf32>
        %add3A_996 = arith.constant 48 : i32
        %add3A_997 = arith.addi %add3A_996, %scan3A_991 : i32
        %get3A_998 = arith.index_cast %add3A_997 : i32 to index
        %get3A_999 = arith.constant 0 : index
        %get3A_1000 = tpu.vector_load %arg9[%get3A_998, %get3A_999] {strides = array<i32>} : memref<96x128xf32, #tpu.memory_space<vmem>>, vector<1x16xf32>,
        %get3A_1001 = vector.shape_cast %get3A_1000 : vector<1x16xf32> to vector<16xf32>
        %add3A_1002 = arith.addf %get3A_995, %get3A_1001 : vector<16xf32>
        %get3A_1003 = arith.index_cast %scan3A_991 : i32 to index
        %get3A_1004 = arith.constant 0 : index
        %get3A_1005 = tpu.vector_load %arg11[%get3A_1003, %get3A_1004] {strides = array<i32>} : memref<48x128xf32, #tpu.memory_space<vmem>>, vector<1x16xf32>,
        %get3A_1006 = vector.shape_cast %get3A_1005 : vector<1x16xf32> to vector<16xf32>
        %add3A_1007 = arith.addf %add3A_1002, %get3A_1006 : vector<16xf32>
        %max3A = arith.constant 0.000000e+00 : f32
        %max3A_1008 = vector.broadcast %max3A : f32 to vector<16xf32>
        %max3A_1009 = arith.maximumf %add3A_1007, %max3A_1008 : vector<16xf32>
        %swap3A_1010 = arith.index_cast %scan3A_991 : i32 to index
        %swap3A_1011 = arith.constant 0 : index
        %swap3A_1012 = tpu.vector_load %arg13[%swap3A_1010, %swap3A_1011] {strides = array<i32>} : memref<48x128xf32, #tpu.memory_space<vmem>>, vector<1x16xf32>,
        %swap3A_1013 = vector.shape_cast %swap3A_1012 : vector<1x16xf32> to vector<16xf32>
        %swap3A_1014 = vector.shape_cast %max3A_1009 : vector<16xf32> to vector<1x16xf32>
        tpu.vector_store %arg13[%swap3A_1010, %swap3A_1011], %swap3A_1014 {strides = array<i32>} : memref<48x128xf32, #tpu.memory_space<vmem>>, vector<1x16xf32>,
        %get3A_1015 = arith.index_cast %scan3A_991 : i32 to index
        %get3A_1016 = arith.constant 16 : index
        %get3A_1017 = tpu.vector_load %arg9[%get3A_1015, %get3A_1016] {strides = array<i32>} : memref<96x128xf32, #tpu.memory_space<vmem>>, vector<1x16xf32>,
        %get3A_1018 = vector.shape_cast %get3A_1017 : vector<1x16xf32> to vector<16xf32>
        %add3A_1019 = arith.constant 48 : i32
        %add3A_1020 = arith.addi %add3A_1019, %scan3A_991 : i32
        %get3A_1021 = arith.index_cast %add3A_1020 : i32 to index
        %get3A_1022 = arith.constant 16 : index
        %get3A_1023 = tpu.vector_load %arg9[%get3A_1021, %get3A_1022] {strides = array<i32>} : memref<96x128xf32, #tpu.memory_space<vmem>>, vector<1x16xf32>,
        %get3A_1024 = vector.shape_cast %get3A_1023 : vector<1x16xf32> to vector<16xf32>
        %add3A_1025 = arith.addf %get3A_1018, %get3A_1024 : vector<16xf32>
        %get3A_1026 = arith.index_cast %scan3A_991 : i32 to index
        %get3A_1027 = arith.constant 16 : index
        %get3A_1028 = tpu.vector_load %arg11[%get3A_1026, %get3A_1027] {strides = array<i32>} : memref<48x128xf32, #tpu.memory_space<vmem>>, vector<1x16xf32>,
        %get3A_1029 = vector.shape_cast %get3A_1028 : vector<1x16xf32> to vector<16xf32>
        %add3A_1030 = arith.addf %add3A_1025, %get3A_1029 : vector<16xf32>
        %max3A_1031 = arith.constant 0.000000e+00 : f32
        %max3A_1032 = vector.broadcast %max3A_1031 : f32 to vector<16xf32>
        %max3A_1033 = arith.maximumf %add3A_1030, %max3A_1032 : vector<16xf32>
        %swap3A_1034 = arith.index_cast %scan3A_991 : i32 to index
        %swap3A_1035 = arith.constant 16 : index
        %swap3A_1036 = tpu.vector_load %arg13[%swap3A_1034, %swap3A_1035] {strides = array<i32>} : memref<48x128xf32, #tpu.memory_space<vmem>>, vector<1x16xf32>,
        %swap3A_1037 = vector.shape_cast %swap3A_1036 : vector<1x16xf32> to vector<16xf32>
        %swap3A_1038 = vector.shape_cast %max3A_1033 : vector<16xf32> to vector<1x16xf32>
        tpu.vector_store %arg13[%swap3A_1034, %swap3A_1035], %swap3A_1038 {strides = array<i32>} : memref<48x128xf32, #tpu.memory_space<vmem>>, vector<1x16xf32>,
        %get3A_1039 = arith.index_cast %scan3A_991 : i32 to index
        %get3A_1040 = arith.constant 32 : index
        %get3A_1041 = tpu.vector_load %arg9[%get3A_1039, %get3A_1040] {strides = array<i32>} : memref<96x128xf32, #tpu.memory_space<vmem>>, vector<1x16xf32>,
        %get3A_1042 = vector.shape_cast %get3A_1041 : vector<1x16xf32> to vector<16xf32>
        %add3A_1043 = arith.constant 48 : i32
        %add3A_1044 = arith.addi %add3A_1043, %scan3A_991 : i32
        %get3A_1045 = arith.index_cast %add3A_1044 : i32 to index
        %get3A_1046 = arith.constant 32 : index
        %get3A_1047 = tpu.vector_load %arg9[%get3A_1045, %get3A_1046] {strides = array<i32>} : memref<96x128xf32, #tpu.memory_space<vmem>>, vector<1x16xf32>,
        %get3A_1048 = vector.shape_cast %get3A_1047 : vector<1x16xf32> to vector<16xf32>
        %add3A_1049 = arith.addf %get3A_1042, %get3A_1048 : vector<16xf32>
        %get3A_1050 = arith.index_cast %scan3A_991 : i32 to index
        %get3A_1051 = arith.constant 32 : index
        %get3A_1052 = tpu.vector_load %arg11[%get3A_1050, %get3A_1051] {strides = array<i32>} : memref<48x128xf32, #tpu.memory_space<vmem>>, vector<1x16xf32>,
        %get3A_1053 = vector.shape_cast %get3A_1052 : vector<1x16xf32> to vector<16xf32>
        %add3A_1054 = arith.addf %add3A_1049, %get3A_1053 : vector<16xf32>
        %max3A_1055 = arith.constant 0.000000e+00 : f32
        %max3A_1056 = vector.broadcast %max3A_1055 : f32 to vector<16xf32>
        %max3A_1057 = arith.maximumf %add3A_1054, %max3A_1056 : vector<16xf32>
        %swap3A_1058 = arith.index_cast %scan3A_991 : i32 to index
        %swap3A_1059 = arith.constant 32 : index
        %swap3A_1060 = tpu.vector_load %arg13[%swap3A_1058, %swap3A_1059] {strides = array<i32>} : memref<48x128xf32, #tpu.memory_space<vmem>>, vector<1x16xf32>,
        %swap3A_1061 = vector.shape_cast %swap3A_1060 : vector<1x16xf32> to vector<16xf32>
        %swap3A_1062 = vector.shape_cast %max3A_1057 : vector<16xf32> to vector<1x16xf32>
        tpu.vector_store %arg13[%swap3A_1058, %swap3A_1059], %swap3A_1062 {strides = array<i32>} : memref<48x128xf32, #tpu.memory_space<vmem>>, vector<1x16xf32>,
        %get3A_1063 = arith.index_cast %scan3A_991 : i32 to index
        %get3A_1064 = arith.constant 48 : index
        %get3A_1065 = tpu.vector_load %arg9[%get3A_1063, %get3A_1064] {strides = array<i32>} : memref<96x128xf32, #tpu.memory_space<vmem>>, vector<1x16xf32>,
        %get3A_1066 = vector.shape_cast %get3A_1065 : vector<1x16xf32> to vector<16xf32>
        %add3A_1067 = arith.constant 48 : i32
        %add3A_1068 = arith.addi %add3A_1067, %scan3A_991 : i32
        %get3A_1069 = arith.index_cast %add3A_1068 : i32 to index
        %get3A_1070 = arith.constant 48 : index
        %get3A_1071 = tpu.vector_load %arg9[%get3A_1069, %get3A_1070] {strides = array<i32>} : memref<96x128xf32, #tpu.memory_space<vmem>>, vector<1x16xf32>,
        %get3A_1072 = vector.shape_cast %get3A_1071 : vector<1x16xf32> to vector<16xf32>
        %add3A_1073 = arith.addf %get3A_1066, %get3A_1072 : vector<16xf32>
        %get3A_1074 = arith.index_cast %scan3A_991 : i32 to index
        %get3A_1075 = arith.constant 48 : index
        %get3A_1076 = tpu.vector_load %arg11[%get3A_1074, %get3A_1075] {strides = array<i32>} : memref<48x128xf32, #tpu.memory_space<vmem>>, vector<1x16xf32>,
        %get3A_1077 = vector.shape_cast %get3A_1076 : vector<1x16xf32> to vector<16xf32>
        %add3A_1078 = arith.addf %add3A_1073, %get3A_1077 : vector<16xf32>
        %max3A_1079 = arith.constant 0.000000e+00 : f32
        %max3A_1080 = vector.broadcast %max3A_1079 : f32 to vector<16xf32>
        %max3A_1081 = arith.maximumf %add3A_1078, %max3A_1080 : vector<16xf32>
        %swap3A_1082 = arith.index_cast %scan3A_991 : i32 to index
        %swap3A_1083 = arith.constant 48 : index
        %swap3A_1084 = tpu.vector_load %arg13[%swap3A_1082, %swap3A_1083] {strides = array<i32>} : memref<48x128xf32, #tpu.memory_space<vmem>>, vector<1x16xf32>,
        %swap3A_1085 = vector.shape_cast %swap3A_1084 : vector<1x16xf32> to vector<16xf32>
        %swap3A_1086 = vector.shape_cast %max3A_1081 : vector<16xf32> to vector<1x16xf32>
        tpu.vector_store %arg13[%swap3A_1082, %swap3A_1083], %swap3A_1086 {strides = array<i32>} : memref<48x128xf32, #tpu.memory_space<vmem>>, vector<1x16xf32>,
        %get3A_1087 = arith.index_cast %scan3A_991 : i32 to index
        %get3A_1088 = arith.constant 64 : index
        %get3A_1089 = tpu.vector_load %arg9[%get3A_1087, %get3A_1088] {strides = array<i32>} : memref<96x128xf32, #tpu.memory_space<vmem>>, vector<1x16xf32>,
        %get3A_1090 = vector.shape_cast %get3A_1089 : vector<1x16xf32> to vector<16xf32>
        %add3A_1091 = arith.constant 48 : i32
        %add3A_1092 = arith.addi %add3A_1091, %scan3A_991 : i32
        %get3A_1093 = arith.index_cast %add3A_1092 : i32 to index
        %get3A_1094 = arith.constant 64 : index
        %get3A_1095 = tpu.vector_load %arg9[%get3A_1093, %get3A_1094] {strides = array<i32>} : memref<96x128xf32, #tpu.memory_space<vmem>>, vector<1x16xf32>,
        %get3A_1096 = vector.shape_cast %get3A_1095 : vector<1x16xf32> to vector<16xf32>
        %add3A_1097 = arith.addf %get3A_1090, %get3A_1096 : vector<16xf32>
        %get3A_1098 = arith.index_cast %scan3A_991 : i32 to index
        %get3A_1099 = arith.constant 64 : index
        %get3A_1100 = tpu.vector_load %arg11[%get3A_1098, %get3A_1099] {strides = array<i32>} : memref<48x128xf32, #tpu.memory_space<vmem>>, vector<1x16xf32>,
        %get3A_1101 = vector.shape_cast %get3A_1100 : vector<1x16xf32> to vector<16xf32>
        %add3A_1102 = arith.addf %add3A_1097, %get3A_1101 : vector<16xf32>
        %max3A_1103 = arith.constant 0.000000e+00 : f32
        %max3A_1104 = vector.broadcast %max3A_1103 : f32 to vector<16xf32>
        %max3A_1105 = arith.maximumf %add3A_1102, %max3A_1104 : vector<16xf32>
        %swap3A_1106 = arith.index_cast %scan3A_991 : i32 to index
        %swap3A_1107 = arith.constant 64 : index
        %swap3A_1108 = tpu.vector_load %arg13[%swap3A_1106, %swap3A_1107] {strides = array<i32>} : memref<48x128xf32, #tpu.memory_space<vmem>>, vector<1x16xf32>,
        %swap3A_1109 = vector.shape_cast %swap3A_1108 : vector<1x16xf32> to vector<16xf32>
        %swap3A_1110 = vector.shape_cast %max3A_1105 : vector<16xf32> to vector<1x16xf32>
        tpu.vector_store %arg13[%swap3A_1106, %swap3A_1107], %swap3A_1110 {strides = array<i32>} : memref<48x128xf32, #tpu.memory_space<vmem>>, vector<1x16xf32>,
        %get3A_1111 = arith.index_cast %scan3A_991 : i32 to index
        %get3A_1112 = arith.constant 80 : index
        %get3A_1113 = tpu.vector_load %arg9[%get3A_1111, %get3A_1112] {strides = array<i32>} : memref<96x128xf32, #tpu.memory_space<vmem>>, vector<1x16xf32>,
        %get3A_1114 = vector.shape_cast %get3A_1113 : vector<1x16xf32> to vector<16xf32>
        %add3A_1115 = arith.constant 48 : i32
        %add3A_1116 = arith.addi %add3A_1115, %scan3A_991 : i32
        %get3A_1117 = arith.index_cast %add3A_1116 : i32 to index
        %get3A_1118 = arith.constant 80 : index
        %get3A_1119 = tpu.vector_load %arg9[%get3A_1117, %get3A_1118] {strides = array<i32>} : memref<96x128xf32, #tpu.memory_space<vmem>>, vector<1x16xf32>,
        %get3A_1120 = vector.shape_cast %get3A_1119 : vector<1x16xf32> to vector<16xf32>
        %add3A_1121 = arith.addf %get3A_1114, %get3A_1120 : vector<16xf32>
        %get3A_1122 = arith.index_cast %scan3A_991 : i32 to index
        %get3A_1123 = arith.constant 80 : index
        %get3A_1124 = tpu.vector_load %arg11[%get3A_1122, %get3A_1123] {strides = array<i32>} : memref<48x128xf32, #tpu.memory_space<vmem>>, vector<1x16xf32>,
        %get3A_1125 = vector.shape_cast %get3A_1124 : vector<1x16xf32> to vector<16xf32>
        %add3A_1126 = arith.addf %add3A_1121, %get3A_1125 : vector<16xf32>
        %max3A_1127 = arith.constant 0.000000e+00 : f32
        %max3A_1128 = vector.broadcast %max3A_1127 : f32 to vector<16xf32>
        %max3A_1129 = arith.maximumf %add3A_1126, %max3A_1128 : vector<16xf32>
        %swap3A_1130 = arith.index_cast %scan3A_991 : i32 to index
        %swap3A_1131 = arith.constant 80 : index
        %swap3A_1132 = tpu.vector_load %arg13[%swap3A_1130, %swap3A_1131] {strides = array<i32>} : memref<48x128xf32, #tpu.memory_space<vmem>>, vector<1x16xf32>,
        %swap3A_1133 = vector.shape_cast %swap3A_1132 : vector<1x16xf32> to vector<16xf32>
        %swap3A_1134 = vector.shape_cast %max3A_1129 : vector<16xf32> to vector<1x16xf32>
        tpu.vector_store %arg13[%swap3A_1130, %swap3A_1131], %swap3A_1134 {strides = array<i32>} : memref<48x128xf32, #tpu.memory_space<vmem>>, vector<1x16xf32>,
        %get3A_1135 = arith.index_cast %scan3A_991 : i32 to index
        %get3A_1136 = arith.constant 96 : index
        %get3A_1137 = tpu.vector_load %arg9[%get3A_1135, %get3A_1136] {strides = array<i32>} : memref<96x128xf32, #tpu.memory_space<vmem>>, vector<1x16xf32>,
        %get3A_1138 = vector.shape_cast %get3A_1137 : vector<1x16xf32> to vector<16xf32>
        %add3A_1139 = arith.constant 48 : i32
        %add3A_1140 = arith.addi %add3A_1139, %scan3A_991 : i32
        %get3A_1141 = arith.index_cast %add3A_1140 : i32 to index
        %get3A_1142 = arith.constant 96 : index
        %get3A_1143 = tpu.vector_load %arg9[%get3A_1141, %get3A_1142] {strides = array<i32>} : memref<96x128xf32, #tpu.memory_space<vmem>>, vector<1x16xf32>,
        %get3A_1144 = vector.shape_cast %get3A_1143 : vector<1x16xf32> to vector<16xf32>
        %add3A_1145 = arith.addf %get3A_1138, %get3A_1144 : vector<16xf32>
        %get3A_1146 = arith.index_cast %scan3A_991 : i32 to index
        %get3A_1147 = arith.constant 96 : index
        %get3A_1148 = tpu.vector_load %arg11[%get3A_1146, %get3A_1147] {strides = array<i32>} : memref<48x128xf32, #tpu.memory_space<vmem>>, vector<1x16xf32>,
        %get3A_1149 = vector.shape_cast %get3A_1148 : vector<1x16xf32> to vector<16xf32>
        %add3A_1150 = arith.addf %add3A_1145, %get3A_1149 : vector<16xf32>
        %max3A_1151 = arith.constant 0.000000e+00 : f32
        %max3A_1152 = vector.broadcast %max3A_1151 : f32 to vector<16xf32>
        %max3A_1153 = arith.maximumf %add3A_1150, %max3A_1152 : vector<16xf32>
        %swap3A_1154 = arith.index_cast %scan3A_991 : i32 to index
        %swap3A_1155 = arith.constant 96 : index
        %swap3A_1156 = tpu.vector_load %arg13[%swap3A_1154, %swap3A_1155] {strides = array<i32>} : memref<48x128xf32, #tpu.memory_space<vmem>>, vector<1x16xf32>,
        %swap3A_1157 = vector.shape_cast %swap3A_1156 : vector<1x16xf32> to vector<16xf32>
        %swap3A_1158 = vector.shape_cast %max3A_1153 : vector<16xf32> to vector<1x16xf32>
        tpu.vector_store %arg13[%swap3A_1154, %swap3A_1155], %swap3A_1158 {strides = array<i32>} : memref<48x128xf32, #tpu.memory_space<vmem>>, vector<1x16xf32>,
        %get3A_1159 = arith.index_cast %scan3A_991 : i32 to index
        %get3A_1160 = arith.constant 112 : index
        %get3A_1161 = tpu.vector_load %arg9[%get3A_1159, %get3A_1160] {strides = array<i32>} : memref<96x128xf32, #tpu.memory_space<vmem>>, vector<1x16xf32>,
        %get3A_1162 = vector.shape_cast %get3A_1161 : vector<1x16xf32> to vector<16xf32>
        %add3A_1163 = arith.constant 48 : i32
        %add3A_1164 = arith.addi %add3A_1163, %scan3A_991 : i32
        %get3A_1165 = arith.index_cast %add3A_1164 : i32 to index
        %get3A_1166 = arith.constant 112 : index
        %get3A_1167 = tpu.vector_load %arg9[%get3A_1165, %get3A_1166] {strides = array<i32>} : memref<96x128xf32, #tpu.memory_space<vmem>>, vector<1x16xf32>,
        %get3A_1168 = vector.shape_cast %get3A_1167 : vector<1x16xf32> to vector<16xf32>
        %add3A_1169 = arith.addf %get3A_1162, %get3A_1168 : vector<16xf32>
        %get3A_1170 = arith.index_cast %scan3A_991 : i32 to index
        %get3A_1171 = arith.constant 112 : index
        %get3A_1172 = tpu.vector_load %arg11[%get3A_1170, %get3A_1171] {strides = array<i32>} : memref<48x128xf32, #tpu.memory_space<vmem>>, vector<1x16xf32>,
        %get3A_1173 = vector.shape_cast %get3A_1172 : vector<1x16xf32> to vector<16xf32>
        %add3A_1174 = arith.addf %add3A_1169, %get3A_1173 : vector<16xf32>
        %max3A_1175 = arith.constant 0.000000e+00 : f32
        %max3A_1176 = vector.broadcast %max3A_1175 : f32 to vector<16xf32>
        %max3A_1177 = arith.maximumf %add3A_1174, %max3A_1176 : vector<16xf32>
        %swap3A_1178 = arith.index_cast %scan3A_991 : i32 to index
        %swap3A_1179 = arith.constant 112 : index
        %swap3A_1180 = tpu.vector_load %arg13[%swap3A_1178, %swap3A_1179] {strides = array<i32>} : memref<48x128xf32, #tpu.memory_space<vmem>>, vector<1x16xf32>,
        %swap3A_1181 = vector.shape_cast %swap3A_1180 : vector<1x16xf32> to vector<16xf32>
        %swap3A_1182 = vector.shape_cast %max3A_1177 : vector<16xf32> to vector<1x16xf32>
        tpu.vector_store %arg13[%swap3A_1178, %swap3A_1179], %swap3A_1182 {strides = array<i32>} : memref<48x128xf32, #tpu.memory_space<vmem>>, vector<1x16xf32>,
      }
      %scan3A_894 = arith.constant 48 : i32
      %dma_start3A_895 = arith.constant 0 : i32
      %dma_start3A_896 = arith.constant 0 : i32
      %dma_start3A_897 = tpu.memref_slice %arg6[%dma_start3A_895, %dma_start3A_896] : memref<10112x128xf32, #tpu.memory_space<vmem_shared>> -> memref<10112x128xf32, #tpu.memory_space<vmem_shared>>
      tpu.enqueue_indirect_dma source(%arg13 : memref<48x128xf32, #tpu.memory_space<vmem>>) target(%dma_start3A_897 : memref<10112x128xf32, #tpu.memory_space<vmem_shared>>) offsets(%arg15 : memref<48xi32, #tpu.memory_space<vmem>>) semaphore(%arg21 : memref<!tpu.dma_semaphore, #tpu.memory_space<semaphore_mem>>) {add = true}
      %add3A_898 = arith.constant 8 : i32
      %add3A_899 = arith.addi %add3A_372, %add3A_898 : i32
      %dma_start3A_900 = arith.constant 192 : i32
      %dma_start3A_901 = tpu.memref_slice %arg7[%dma_start3A_900] : memref<384xi32, #tpu.memory_space<vmem>> -> memref<96xi32, #tpu.memory_space<vmem>>
      %dma_start3A_902 = arith.constant 0 : i32
      %dma_start3A_903 = arith.constant 0 : i32
      %dma_start3A_904 = tpu.memref_slice %arg2[%dma_start3A_902, %dma_start3A_903] : memref<20224x128xf32, #tpu.memory_space<hbm>> -> memref<20224x128xf32, #tpu.memory_space<hbm>>
      tpu.enqueue_indirect_dma source(%dma_start3A_904 : memref<20224x128xf32, #tpu.memory_space<hbm>>) target(%arg9 : memref<96x128xf32, #tpu.memory_space<vmem>>) offsets(%dma_start3A_901 : memref<96xi32, #tpu.memory_space<vmem>>) semaphore(%arg17 : memref<!tpu.dma_semaphore, #tpu.memory_space<semaphore_mem>>)
      %mul3A_905 = arith.constant 10176 : i32
      %mul3A_906 = arith.muli %add3A, %mul3A_905 : i32
      %mul3A_907 = arith.constant 48 : i32
      %mul3A_908 = arith.muli %add3A_899, %mul3A_907 : i32
      %add3A_909 = arith.addi %mul3A_906, %mul3A_908 : i32
      %multiple_of3A_910 = tpu.assume_multiple %add3A_909, 48 : i32
      %dma_start3A_911 = arith.constant 0 : i32
      %dma_start3A_912 = tpu.memref_slice %arg3[%multiple_of3A_910, %dma_start3A_911] : memref<325632x128xf32, #tpu.memory_space<hbm>> -> memref<48x128xf32, #tpu.memory_space<hbm>>
      %dma_start3A_913 = arith.constant 0 : i32
      %dma_start3A_914 = tpu.memref_slice %arg3[%multiple_of3A_910, %dma_start3A_913] : memref<325632x128xf32, #tpu.memory_space<hbm>> -> memref<48x128xf32, #tpu.memory_space<hbm>>
      tpu.enqueue_dma source(%dma_start3A_914 : memref<48x128xf32, #tpu.memory_space<hbm>>) target(%arg11 : memref<48x128xf32, #tpu.memory_space<vmem>>) target_semaphore(%arg19 : memref<!tpu.dma_semaphore, #tpu.memory_space<semaphore_mem>>)
      %dma_wait3A_915 = arith.constant 0 : i32
      %dma_wait3A_916 = arith.constant 0 : i32
      %dma_wait3A_917 = tpu.memref_slice %arg6[%dma_wait3A_915, %dma_wait3A_916] : memref<10112x128xf32, #tpu.memory_space<vmem_shared>> -> memref<10112x128xf32, #tpu.memory_space<vmem_shared>>
      tpu.wait_indirect_dma semaphore(%arg22 : memref<!tpu.dma_semaphore, #tpu.memory_space<semaphore_mem>>) src(%arg14 : memref<48x128xf32, #tpu.memory_space<vmem>>) dst(%dma_wait3A_917 : memref<10112x128xf32, #tpu.memory_space<vmem_shared>>)
      %add3A_918 = arith.constant 7 : i32
      %add3A_919 = arith.addi %add3A_372, %add3A_918 : i32
      %mul3A_920 = arith.constant 10176 : i32
      %mul3A_921 = arith.muli %add3A, %mul3A_920 : i32
      %mul3A_922 = arith.constant 48 : i32
      %mul3A_923 = arith.muli %add3A_919, %mul3A_922 : i32
      %add3A_924 = arith.addi %mul3A_921, %mul3A_923 : i32
      %multiple_of3A_925 = tpu.assume_multiple %add3A_924, 48 : i32
      %dma_wait3A_926 = arith.constant 96 : i32
      %dma_wait3A_927 = tpu.memref_slice %arg7[%dma_wait3A_926] : memref<384xi32, #tpu.memory_space<vmem>> -> memref<96xi32, #tpu.memory_space<vmem>>
      %dma_wait3A_928 = arith.constant 0 : i32
      %dma_wait3A_929 = arith.constant 0 : i32
      %dma_wait3A_930 = tpu.memref_slice %arg2[%dma_wait3A_928, %dma_wait3A_929] : memref<20224x128xf32, #tpu.memory_space<hbm>> -> memref<20224x128xf32, #tpu.memory_space<hbm>>
      tpu.wait_indirect_dma semaphore(%arg18 : memref<!tpu.dma_semaphore, #tpu.memory_space<semaphore_mem>>) src(%dma_wait3A_930 : memref<20224x128xf32, #tpu.memory_space<hbm>>) dst(%arg10 : memref<96x128xf32, #tpu.memory_space<vmem>>)
      %dma_wait3A_931 = arith.constant 0 : i32
      %dma_wait3A_932 = tpu.memref_slice %arg3[%multiple_of3A_925, %dma_wait3A_931] : memref<325632x128xf32, #tpu.memory_space<hbm>> -> memref<48x128xf32, #tpu.memory_space<hbm>>
      %dma_wait3A_933 = arith.constant 0 : i32
      %dma_wait3A_934 = tpu.memref_slice %arg3[%multiple_of3A_925, %dma_wait3A_933] : memref<325632x128xf32, #tpu.memory_space<hbm>> -> memref<48x128xf32, #tpu.memory_space<hbm>>
      tpu.wait_dma2 semaphore(%arg20 : memref<!tpu.dma_semaphore, #tpu.memory_space<semaphore_mem>>) src(%dma_wait3A_934 : memref<48x128xf32, #tpu.memory_space<hbm>>) dst(%arg12 : memref<48x128xf32, #tpu.memory_space<vmem>>)
      %get3A_935 = arith.constant 144 : index
      %get3A_936 = tpu.vector_load %arg7[%get3A_935] {strides = array<i32>} : memref<384xi32, #tpu.memory_space<vmem>>, vector<16xi32>,
      %get3A_937 = vector.shape_cast %get3A_936 : vector<16xi32> to vector<16xi32>
      %sub3A_938 = arith.constant 10112 : i32
      %sub3A_939 = vector.broadcast %sub3A_938 : i32 to vector<16xi32>
      %sub3A_940 = arith.subi %get3A_937, %sub3A_939 : vector<16xi32>
      %swap3A_941 = arith.constant 0 : index
      %swap3A_942 = tpu.vector_load %arg16[%swap3A_941] {strides = array<i32>} : memref<48xi32, #tpu.memory_space<vmem>>, vector<16xi32>,
      %swap3A_943 = vector.shape_cast %swap3A_942 : vector<16xi32> to vector<16xi32>
      %swap3A_944 = vector.shape_cast %sub3A_940 : vector<16xi32> to vector<16xi32>
      tpu.vector_store %arg16[%swap3A_941], %swap3A_944 {strides = array<i32>} : memref<48xi32, #tpu.memory_space<vmem>>, vector<16xi32>,
      %get3A_945 = arith.constant 160 : index
      %get3A_946 = tpu.vector_load %arg7[%get3A_945] {strides = array<i32>} : memref<384xi32, #tpu.memory_space<vmem>>, vector<16xi32>,
      %get3A_947 = vector.shape_cast %get3A_946 : vector<16xi32> to vector<16xi32>
      %sub3A_948 = arith.constant 10112 : i32
      %sub3A_949 = vector.broadcast %sub3A_948 : i32 to vector<16xi32>
      %sub3A_950 = arith.subi %get3A_947, %sub3A_949 : vector<16xi32>
      %swap3A_951 = arith.constant 16 : index
      %swap3A_952 = tpu.vector_load %arg16[%swap3A_951] {strides = array<i32>} : memref<48xi32, #tpu.memory_space<vmem>>, vector<16xi32>,
      %swap3A_953 = vector.shape_cast %swap3A_952 : vector<16xi32> to vector<16xi32>
      %swap3A_954 = vector.shape_cast %sub3A_950 : vector<16xi32> to vector<16xi32>
      tpu.vector_store %arg16[%swap3A_951], %swap3A_954 {strides = array<i32>} : memref<48xi32, #tpu.memory_space<vmem>>, vector<16xi32>,
      %get3A_955 = arith.constant 176 : index
      %get3A_956 = tpu.vector_load %arg7[%get3A_955] {strides = array<i32>} : memref<384xi32, #tpu.memory_space<vmem>>, vector<16xi32>,
      %get3A_957 = vector.shape_cast %get3A_956 : vector<16xi32> to vector<16xi32>
      %sub3A_958 = arith.constant 10112 : i32
      %sub3A_959 = vector.broadcast %sub3A_958 : i32 to vector<16xi32>
      %sub3A_960 = arith.subi %get3A_957, %sub3A_959 : vector<16xi32>
      %swap3A_961 = arith.constant 32 : index
      %swap3A_962 = tpu.vector_load %arg16[%swap3A_961] {strides = array<i32>} : memref<48xi32, #tpu.memory_space<vmem>>, vector<16xi32>,
      %swap3A_963 = vector.shape_cast %swap3A_962 : vector<16xi32> to vector<16xi32>
      %swap3A_964 = vector.shape_cast %sub3A_960 : vector<16xi32> to vector<16xi32>
      tpu.vector_store %arg16[%swap3A_961], %swap3A_964 {strides = array<i32>} : memref<48xi32, #tpu.memory_space<vmem>>, vector<16xi32>,
      %scan3A_965 = arith.constant 0 : i32
      %scan3A_966 = arith.constant 0 : i32
      %scan3A_967 = arith.constant 48 : i32
      %scan3A_968 = arith.addi %scan3A_966, %scan3A_967 : i32
      %scan3A_969 = arith.constant 1 : i32
      scf.for %scan3A_991 = %scan3A_966 to %scan3A_968 step %scan3A_969  : i32 {
        %get3A_992 = arith.index_cast %scan3A_991 : i32 to index
        %get3A_993 = arith.constant 0 : index
        %get3A_994 = tpu.vector_load %arg10[%get3A_992, %get3A_993] {strides = array<i32>} : memref<96x128xf32, #tpu.memory_space<vmem>>, vector<1x16xf32>,
        %get3A_995 = vector.shape_cast %get3A_994 : vector<1x16xf32> to vector<16xf32>
        %add3A_996 = arith.constant 48 : i32
        %add3A_997 = arith.addi %add3A_996, %scan3A_991 : i32
        %get3A_998 = arith.index_cast %add3A_997 : i32 to index
        %get3A_999 = arith.constant 0 : index
        %get3A_1000 = tpu.vector_load %arg10[%get3A_998, %get3A_999] {strides = array<i32>} : memref<96x128xf32, #tpu.memory_space<vmem>>, vector<1x16xf32>,
        %get3A_1001 = vector.shape_cast %get3A_1000 : vector<1x16xf32> to vector<16xf32>
        %add3A_1002 = arith.addf %get3A_995, %get3A_1001 : vector<16xf32>
        %get3A_1003 = arith.index_cast %scan3A_991 : i32 to index
        %get3A_1004 = arith.constant 0 : index
        %get3A_1005 = tpu.vector_load %arg12[%get3A_1003, %get3A_1004] {strides = array<i32>} : memref<48x128xf32, #tpu.memory_space<vmem>>, vector<1x16xf32>,
        %get3A_1006 = vector.shape_cast %get3A_1005 : vector<1x16xf32> to vector<16xf32>
        %add3A_1007 = arith.addf %add3A_1002, %get3A_1006 : vector<16xf32>
        %max3A = arith.constant 0.000000e+00 : f32
        %max3A_1008 = vector.broadcast %max3A : f32 to vector<16xf32>
        %max3A_1009 = arith.maximumf %add3A_1007, %max3A_1008 : vector<16xf32>
        %swap3A_1010 = arith.index_cast %scan3A_991 : i32 to index
        %swap3A_1011 = arith.constant 0 : index
        %swap3A_1012 = tpu.vector_load %arg14[%swap3A_1010, %swap3A_1011] {strides = array<i32>} : memref<48x128xf32, #tpu.memory_space<vmem>>, vector<1x16xf32>,
        %swap3A_1013 = vector.shape_cast %swap3A_1012 : vector<1x16xf32> to vector<16xf32>
        %swap3A_1014 = vector.shape_cast %max3A_1009 : vector<16xf32> to vector<1x16xf32>
        tpu.vector_store %arg14[%swap3A_1010, %swap3A_1011], %swap3A_1014 {strides = array<i32>} : memref<48x128xf32, #tpu.memory_space<vmem>>, vector<1x16xf32>,
        %get3A_1015 = arith.index_cast %scan3A_991 : i32 to index
        %get3A_1016 = arith.constant 16 : index
        %get3A_1017 = tpu.vector_load %arg10[%get3A_1015, %get3A_1016] {strides = array<i32>} : memref<96x128xf32, #tpu.memory_space<vmem>>, vector<1x16xf32>,
        %get3A_1018 = vector.shape_cast %get3A_1017 : vector<1x16xf32> to vector<16xf32>
        %add3A_1019 = arith.constant 48 : i32
        %add3A_1020 = arith.addi %add3A_1019, %scan3A_991 : i32
        %get3A_1021 = arith.index_cast %add3A_1020 : i32 to index
        %get3A_1022 = arith.constant 16 : index
        %get3A_1023 = tpu.vector_load %arg10[%get3A_1021, %get3A_1022] {strides = array<i32>} : memref<96x128xf32, #tpu.memory_space<vmem>>, vector<1x16xf32>,
        %get3A_1024 = vector.shape_cast %get3A_1023 : vector<1x16xf32> to vector<16xf32>
        %add3A_1025 = arith.addf %get3A_1018, %get3A_1024 : vector<16xf32>
        %get3A_1026 = arith.index_cast %scan3A_991 : i32 to index
        %get3A_1027 = arith.constant 16 : index
        %get3A_1028 = tpu.vector_load %arg12[%get3A_1026, %get3A_1027] {strides = array<i32>} : memref<48x128xf32, #tpu.memory_space<vmem>>, vector<1x16xf32>,
        %get3A_1029 = vector.shape_cast %get3A_1028 : vector<1x16xf32> to vector<16xf32>
        %add3A_1030 = arith.addf %add3A_1025, %get3A_1029 : vector<16xf32>
        %max3A_1031 = arith.constant 0.000000e+00 : f32
        %max3A_1032 = vector.broadcast %max3A_1031 : f32 to vector<16xf32>
        %max3A_1033 = arith.maximumf %add3A_1030, %max3A_1032 : vector<16xf32>
        %swap3A_1034 = arith.index_cast %scan3A_991 : i32 to index
        %swap3A_1035 = arith.constant 16 : index
        %swap3A_1036 = tpu.vector_load %arg14[%swap3A_1034, %swap3A_1035] {strides = array<i32>} : memref<48x128xf32, #tpu.memory_space<vmem>>, vector<1x16xf32>,
        %swap3A_1037 = vector.shape_cast %swap3A_1036 : vector<1x16xf32> to vector<16xf32>
        %swap3A_1038 = vector.shape_cast %max3A_1033 : vector<16xf32> to vector<1x16xf32>
        tpu.vector_store %arg14[%swap3A_1034, %swap3A_1035], %swap3A_1038 {strides = array<i32>} : memref<48x128xf32, #tpu.memory_space<vmem>>, vector<1x16xf32>,
        %get3A_1039 = arith.index_cast %scan3A_991 : i32 to index
        %get3A_1040 = arith.constant 32 : index
        %get3A_1041 = tpu.vector_load %arg10[%get3A_1039, %get3A_1040] {strides = array<i32>} : memref<96x128xf32, #tpu.memory_space<vmem>>, vector<1x16xf32>,
        %get3A_1042 = vector.shape_cast %get3A_1041 : vector<1x16xf32> to vector<16xf32>
        %add3A_1043 = arith.constant 48 : i32
        %add3A_1044 = arith.addi %add3A_1043, %scan3A_991 : i32
        %get3A_1045 = arith.index_cast %add3A_1044 : i32 to index
        %get3A_1046 = arith.constant 32 : index
        %get3A_1047 = tpu.vector_load %arg10[%get3A_1045, %get3A_1046] {strides = array<i32>} : memref<96x128xf32, #tpu.memory_space<vmem>>, vector<1x16xf32>,
        %get3A_1048 = vector.shape_cast %get3A_1047 : vector<1x16xf32> to vector<16xf32>
        %add3A_1049 = arith.addf %get3A_1042, %get3A_1048 : vector<16xf32>
        %get3A_1050 = arith.index_cast %scan3A_991 : i32 to index
        %get3A_1051 = arith.constant 32 : index
        %get3A_1052 = tpu.vector_load %arg12[%get3A_1050, %get3A_1051] {strides = array<i32>} : memref<48x128xf32, #tpu.memory_space<vmem>>, vector<1x16xf32>,
        %get3A_1053 = vector.shape_cast %get3A_1052 : vector<1x16xf32> to vector<16xf32>
        %add3A_1054 = arith.addf %add3A_1049, %get3A_1053 : vector<16xf32>
        %max3A_1055 = arith.constant 0.000000e+00 : f32
        %max3A_1056 = vector.broadcast %max3A_1055 : f32 to vector<16xf32>
        %max3A_1057 = arith.maximumf %add3A_1054, %max3A_1056 : vector<16xf32>
        %swap3A_1058 = arith.index_cast %scan3A_991 : i32 to index
        %swap3A_1059 = arith.constant 32 : index
        %swap3A_1060 = tpu.vector_load %arg14[%swap3A_1058, %swap3A_1059] {strides = array<i32>} : memref<48x128xf32, #tpu.memory_space<vmem>>, vector<1x16xf32>,
        %swap3A_1061 = vector.shape_cast %swap3A_1060 : vector<1x16xf32> to vector<16xf32>
        %swap3A_1062 = vector.shape_cast %max3A_1057 : vector<16xf32> to vector<1x16xf32>
        tpu.vector_store %arg14[%swap3A_1058, %swap3A_1059], %swap3A_1062 {strides = array<i32>} : memref<48x128xf32, #tpu.memory_space<vmem>>, vector<1x16xf32>,
        %get3A_1063 = arith.index_cast %scan3A_991 : i32 to index
        %get3A_1064 = arith.constant 48 : index
        %get3A_1065 = tpu.vector_load %arg10[%get3A_1063, %get3A_1064] {strides = array<i32>} : memref<96x128xf32, #tpu.memory_space<vmem>>, vector<1x16xf32>,
        %get3A_1066 = vector.shape_cast %get3A_1065 : vector<1x16xf32> to vector<16xf32>
        %add3A_1067 = arith.constant 48 : i32
        %add3A_1068 = arith.addi %add3A_1067, %scan3A_991 : i32
        %get3A_1069 = arith.index_cast %add3A_1068 : i32 to index
        %get3A_1070 = arith.constant 48 : index
        %get3A_1071 = tpu.vector_load %arg10[%get3A_1069, %get3A_1070] {strides = array<i32>} : memref<96x128xf32, #tpu.memory_space<vmem>>, vector<1x16xf32>,
        %get3A_1072 = vector.shape_cast %get3A_1071 : vector<1x16xf32> to vector<16xf32>
        %add3A_1073 = arith.addf %get3A_1066, %get3A_1072 : vector<16xf32>
        %get3A_1074 = arith.index_cast %scan3A_991 : i32 to index
        %get3A_1075 = arith.constant 48 : index
        %get3A_1076 = tpu.vector_load %arg12[%get3A_1074, %get3A_1075] {strides = array<i32>} : memref<48x128xf32, #tpu.memory_space<vmem>>, vector<1x16xf32>,
        %get3A_1077 = vector.shape_cast %get3A_1076 : vector<1x16xf32> to vector<16xf32>
        %add3A_1078 = arith.addf %add3A_1073, %get3A_1077 : vector<16xf32>
        %max3A_1079 = arith.constant 0.000000e+00 : f32
        %max3A_1080 = vector.broadcast %max3A_1079 : f32 to vector<16xf32>
        %max3A_1081 = arith.maximumf %add3A_1078, %max3A_1080 : vector<16xf32>
        %swap3A_1082 = arith.index_cast %scan3A_991 : i32 to index
        %swap3A_1083 = arith.constant 48 : index
        %swap3A_1084 = tpu.vector_load %arg14[%swap3A_1082, %swap3A_1083] {strides = array<i32>} : memref<48x128xf32, #tpu.memory_space<vmem>>, vector<1x16xf32>,
        %swap3A_1085 = vector.shape_cast %swap3A_1084 : vector<1x16xf32> to vector<16xf32>
        %swap3A_1086 = vector.shape_cast %max3A_1081 : vector<16xf32> to vector<1x16xf32>
        tpu.vector_store %arg14[%swap3A_1082, %swap3A_1083], %swap3A_1086 {strides = array<i32>} : memref<48x128xf32, #tpu.memory_space<vmem>>, vector<1x16xf32>,
        %get3A_1087 = arith.index_cast %scan3A_991 : i32 to index
        %get3A_1088 = arith.constant 64 : index
        %get3A_1089 = tpu.vector_load %arg10[%get3A_1087, %get3A_1088] {strides = array<i32>} : memref<96x128xf32, #tpu.memory_space<vmem>>, vector<1x16xf32>,
        %get3A_1090 = vector.shape_cast %get3A_1089 : vector<1x16xf32> to vector<16xf32>
        %add3A_1091 = arith.constant 48 : i32
        %add3A_1092 = arith.addi %add3A_1091, %scan3A_991 : i32
        %get3A_1093 = arith.index_cast %add3A_1092 : i32 to index
        %get3A_1094 = arith.constant 64 : index
        %get3A_1095 = tpu.vector_load %arg10[%get3A_1093, %get3A_1094] {strides = array<i32>} : memref<96x128xf32, #tpu.memory_space<vmem>>, vector<1x16xf32>,
        %get3A_1096 = vector.shape_cast %get3A_1095 : vector<1x16xf32> to vector<16xf32>
        %add3A_1097 = arith.addf %get3A_1090, %get3A_1096 : vector<16xf32>
        %get3A_1098 = arith.index_cast %scan3A_991 : i32 to index
        %get3A_1099 = arith.constant 64 : index
        %get3A_1100 = tpu.vector_load %arg12[%get3A_1098, %get3A_1099] {strides = array<i32>} : memref<48x128xf32, #tpu.memory_space<vmem>>, vector<1x16xf32>,
        %get3A_1101 = vector.shape_cast %get3A_1100 : vector<1x16xf32> to vector<16xf32>
        %add3A_1102 = arith.addf %add3A_1097, %get3A_1101 : vector<16xf32>
        %max3A_1103 = arith.constant 0.000000e+00 : f32
        %max3A_1104 = vector.broadcast %max3A_1103 : f32 to vector<16xf32>
        %max3A_1105 = arith.maximumf %add3A_1102, %max3A_1104 : vector<16xf32>
        %swap3A_1106 = arith.index_cast %scan3A_991 : i32 to index
        %swap3A_1107 = arith.constant 64 : index
        %swap3A_1108 = tpu.vector_load %arg14[%swap3A_1106, %swap3A_1107] {strides = array<i32>} : memref<48x128xf32, #tpu.memory_space<vmem>>, vector<1x16xf32>,
        %swap3A_1109 = vector.shape_cast %swap3A_1108 : vector<1x16xf32> to vector<16xf32>
        %swap3A_1110 = vector.shape_cast %max3A_1105 : vector<16xf32> to vector<1x16xf32>
        tpu.vector_store %arg14[%swap3A_1106, %swap3A_1107], %swap3A_1110 {strides = array<i32>} : memref<48x128xf32, #tpu.memory_space<vmem>>, vector<1x16xf32>,
        %get3A_1111 = arith.index_cast %scan3A_991 : i32 to index
        %get3A_1112 = arith.constant 80 : index
        %get3A_1113 = tpu.vector_load %arg10[%get3A_1111, %get3A_1112] {strides = array<i32>} : memref<96x128xf32, #tpu.memory_space<vmem>>, vector<1x16xf32>,
        %get3A_1114 = vector.shape_cast %get3A_1113 : vector<1x16xf32> to vector<16xf32>
        %add3A_1115 = arith.constant 48 : i32
        %add3A_1116 = arith.addi %add3A_1115, %scan3A_991 : i32
        %get3A_1117 = arith.index_cast %add3A_1116 : i32 to index
        %get3A_1118 = arith.constant 80 : index
        %get3A_1119 = tpu.vector_load %arg10[%get3A_1117, %get3A_1118] {strides = array<i32>} : memref<96x128xf32, #tpu.memory_space<vmem>>, vector<1x16xf32>,
        %get3A_1120 = vector.shape_cast %get3A_1119 : vector<1x16xf32> to vector<16xf32>
        %add3A_1121 = arith.addf %get3A_1114, %get3A_1120 : vector<16xf32>
        %get3A_1122 = arith.index_cast %scan3A_991 : i32 to index
        %get3A_1123 = arith.constant 80 : index
        %get3A_1124 = tpu.vector_load %arg12[%get3A_1122, %get3A_1123] {strides = array<i32>} : memref<48x128xf32, #tpu.memory_space<vmem>>, vector<1x16xf32>,
        %get3A_1125 = vector.shape_cast %get3A_1124 : vector<1x16xf32> to vector<16xf32>
        %add3A_1126 = arith.addf %add3A_1121, %get3A_1125 : vector<16xf32>
        %max3A_1127 = arith.constant 0.000000e+00 : f32
        %max3A_1128 = vector.broadcast %max3A_1127 : f32 to vector<16xf32>
        %max3A_1129 = arith.maximumf %add3A_1126, %max3A_1128 : vector<16xf32>
        %swap3A_1130 = arith.index_cast %scan3A_991 : i32 to index
        %swap3A_1131 = arith.constant 80 : index
        %swap3A_1132 = tpu.vector_load %arg14[%swap3A_1130, %swap3A_1131] {strides = array<i32>} : memref<48x128xf32, #tpu.memory_space<vmem>>, vector<1x16xf32>,
        %swap3A_1133 = vector.shape_cast %swap3A_1132 : vector<1x16xf32> to vector<16xf32>
        %swap3A_1134 = vector.shape_cast %max3A_1129 : vector<16xf32> to vector<1x16xf32>
        tpu.vector_store %arg14[%swap3A_1130, %swap3A_1131], %swap3A_1134 {strides = array<i32>} : memref<48x128xf32, #tpu.memory_space<vmem>>, vector<1x16xf32>,
        %get3A_1135 = arith.index_cast %scan3A_991 : i32 to index
        %get3A_1136 = arith.constant 96 : index
        %get3A_1137 = tpu.vector_load %arg10[%get3A_1135, %get3A_1136] {strides = array<i32>} : memref<96x128xf32, #tpu.memory_space<vmem>>, vector<1x16xf32>,
        %get3A_1138 = vector.shape_cast %get3A_1137 : vector<1x16xf32> to vector<16xf32>
        %add3A_1139 = arith.constant 48 : i32
        %add3A_1140 = arith.addi %add3A_1139, %scan3A_991 : i32
        %get3A_1141 = arith.index_cast %add3A_1140 : i32 to index
        %get3A_1142 = arith.constant 96 : index
        %get3A_1143 = tpu.vector_load %arg10[%get3A_1141, %get3A_1142] {strides = array<i32>} : memref<96x128xf32, #tpu.memory_space<vmem>>, vector<1x16xf32>,
        %get3A_1144 = vector.shape_cast %get3A_1143 : vector<1x16xf32> to vector<16xf32>
        %add3A_1145 = arith.addf %get3A_1138, %get3A_1144 : vector<16xf32>
        %get3A_1146 = arith.index_cast %scan3A_991 : i32 to index
        %get3A_1147 = arith.constant 96 : index
        %get3A_1148 = tpu.vector_load %arg12[%get3A_1146, %get3A_1147] {strides = array<i32>} : memref<48x128xf32, #tpu.memory_space<vmem>>, vector<1x16xf32>,
        %get3A_1149 = vector.shape_cast %get3A_1148 : vector<1x16xf32> to vector<16xf32>
        %add3A_1150 = arith.addf %add3A_1145, %get3A_1149 : vector<16xf32>
        %max3A_1151 = arith.constant 0.000000e+00 : f32
        %max3A_1152 = vector.broadcast %max3A_1151 : f32 to vector<16xf32>
        %max3A_1153 = arith.maximumf %add3A_1150, %max3A_1152 : vector<16xf32>
        %swap3A_1154 = arith.index_cast %scan3A_991 : i32 to index
        %swap3A_1155 = arith.constant 96 : index
        %swap3A_1156 = tpu.vector_load %arg14[%swap3A_1154, %swap3A_1155] {strides = array<i32>} : memref<48x128xf32, #tpu.memory_space<vmem>>, vector<1x16xf32>,
        %swap3A_1157 = vector.shape_cast %swap3A_1156 : vector<1x16xf32> to vector<16xf32>
        %swap3A_1158 = vector.shape_cast %max3A_1153 : vector<16xf32> to vector<1x16xf32>
        tpu.vector_store %arg14[%swap3A_1154, %swap3A_1155], %swap3A_1158 {strides = array<i32>} : memref<48x128xf32, #tpu.memory_space<vmem>>, vector<1x16xf32>,
        %get3A_1159 = arith.index_cast %scan3A_991 : i32 to index
        %get3A_1160 = arith.constant 112 : index
        %get3A_1161 = tpu.vector_load %arg10[%get3A_1159, %get3A_1160] {strides = array<i32>} : memref<96x128xf32, #tpu.memory_space<vmem>>, vector<1x16xf32>,
        %get3A_1162 = vector.shape_cast %get3A_1161 : vector<1x16xf32> to vector<16xf32>
        %add3A_1163 = arith.constant 48 : i32
        %add3A_1164 = arith.addi %add3A_1163, %scan3A_991 : i32
        %get3A_1165 = arith.index_cast %add3A_1164 : i32 to index
        %get3A_1166 = arith.constant 112 : index
        %get3A_1167 = tpu.vector_load %arg10[%get3A_1165, %get3A_1166] {strides = array<i32>} : memref<96x128xf32, #tpu.memory_space<vmem>>, vector<1x16xf32>,
        %get3A_1168 = vector.shape_cast %get3A_1167 : vector<1x16xf32> to vector<16xf32>
        %add3A_1169 = arith.addf %get3A_1162, %get3A_1168 : vector<16xf32>
        %get3A_1170 = arith.index_cast %scan3A_991 : i32 to index
        %get3A_1171 = arith.constant 112 : index
        %get3A_1172 = tpu.vector_load %arg12[%get3A_1170, %get3A_1171] {strides = array<i32>} : memref<48x128xf32, #tpu.memory_space<vmem>>, vector<1x16xf32>,
        %get3A_1173 = vector.shape_cast %get3A_1172 : vector<1x16xf32> to vector<16xf32>
        %add3A_1174 = arith.addf %add3A_1169, %get3A_1173 : vector<16xf32>
        %max3A_1175 = arith.constant 0.000000e+00 : f32
        %max3A_1176 = vector.broadcast %max3A_1175 : f32 to vector<16xf32>
        %max3A_1177 = arith.maximumf %add3A_1174, %max3A_1176 : vector<16xf32>
        %swap3A_1178 = arith.index_cast %scan3A_991 : i32 to index
        %swap3A_1179 = arith.constant 112 : index
        %swap3A_1180 = tpu.vector_load %arg14[%swap3A_1178, %swap3A_1179] {strides = array<i32>} : memref<48x128xf32, #tpu.memory_space<vmem>>, vector<1x16xf32>,
        %swap3A_1181 = vector.shape_cast %swap3A_1180 : vector<1x16xf32> to vector<16xf32>
        %swap3A_1182 = vector.shape_cast %max3A_1177 : vector<16xf32> to vector<1x16xf32>
        tpu.vector_store %arg14[%swap3A_1178, %swap3A_1179], %swap3A_1182 {strides = array<i32>} : memref<48x128xf32, #tpu.memory_space<vmem>>, vector<1x16xf32>,
      }
      %scan3A_970 = arith.constant 48 : i32
      %dma_start3A_971 = arith.constant 0 : i32
      %dma_start3A_972 = arith.constant 0 : i32
      %dma_start3A_973 = tpu.memref_slice %arg6[%dma_start3A_971, %dma_start3A_972] : memref<10112x128xf32, #tpu.memory_space<vmem_shared>> -> memref<10112x128xf32, #tpu.memory_space<vmem_shared>>
      tpu.enqueue_indirect_dma source(%arg14 : memref<48x128xf32, #tpu.memory_space<vmem>>) target(%dma_start3A_973 : memref<10112x128xf32, #tpu.memory_space<vmem_shared>>) offsets(%arg16 : memref<48xi32, #tpu.memory_space<vmem>>) semaphore(%arg22 : memref<!tpu.dma_semaphore, #tpu.memory_space<semaphore_mem>>) {add = true}
      %add3A_974 = arith.constant 9 : i32
      %add3A_975 = arith.addi %add3A_372, %add3A_974 : i32
      %dma_start3A_976 = arith.constant 288 : i32
      %dma_start3A_977 = tpu.memref_slice %arg7[%dma_start3A_976] : memref<384xi32, #tpu.memory_space<vmem>> -> memref<96xi32, #tpu.memory_space<vmem>>
      %dma_start3A_978 = arith.constant 0 : i32
      %dma_start3A_979 = arith.constant 0 : i32
      %dma_start3A_980 = tpu.memref_slice %arg2[%dma_start3A_978, %dma_start3A_979] : memref<20224x128xf32, #tpu.memory_space<hbm>> -> memref<20224x128xf32, #tpu.memory_space<hbm>>
      tpu.enqueue_indirect_dma source(%dma_start3A_980 : memref<20224x128xf32, #tpu.memory_space<hbm>>) target(%arg10 : memref<96x128xf32, #tpu.memory_space<vmem>>) offsets(%dma_start3A_977 : memref<96xi32, #tpu.memory_space<vmem>>) semaphore(%arg18 : memref<!tpu.dma_semaphore, #tpu.memory_space<semaphore_mem>>)
      %mul3A_981 = arith.constant 10176 : i32
      %mul3A_982 = arith.muli %add3A, %mul3A_981 : i32
      %mul3A_983 = arith.constant 48 : i32
      %mul3A_984 = arith.muli %add3A_975, %mul3A_983 : i32
      %add3A_985 = arith.addi %mul3A_982, %mul3A_984 : i32
      %multiple_of3A_986 = tpu.assume_multiple %add3A_985, 48 : i32
      %dma_start3A_987 = arith.constant 0 : i32
      %dma_start3A_988 = tpu.memref_slice %arg3[%multiple_of3A_986, %dma_start3A_987] : memref<325632x128xf32, #tpu.memory_space<hbm>> -> memref<48x128xf32, #tpu.memory_space<hbm>>
      %dma_start3A_989 = arith.constant 0 : i32
      %dma_start3A_990 = tpu.memref_slice %arg3[%multiple_of3A_986, %dma_start3A_989] : memref<325632x128xf32, #tpu.memory_space<hbm>> -> memref<48x128xf32, #tpu.memory_space<hbm>>
      tpu.enqueue_dma source(%dma_start3A_990 : memref<48x128xf32, #tpu.memory_space<hbm>>) target(%arg12 : memref<48x128xf32, #tpu.memory_space<vmem>>) target_semaphore(%arg20 : memref<!tpu.dma_semaphore, #tpu.memory_space<semaphore_mem>>)
    }
    %scan3A_201 = arith.constant 26 : i32
    %dma_wait3A_202 = arith.constant 0 : i32
    %dma_wait3A_203 = arith.constant 0 : i32
    %dma_wait3A_204 = tpu.memref_slice %arg6[%dma_wait3A_202, %dma_wait3A_203] : memref<10112x128xf32, #tpu.memory_space<vmem_shared>> -> memref<10112x128xf32, #tpu.memory_space<vmem_shared>>
    tpu.wait_indirect_dma semaphore(%arg21 : memref<!tpu.dma_semaphore, #tpu.memory_space<semaphore_mem>>) src(%arg13 : memref<48x128xf32, #tpu.memory_space<vmem>>) dst(%dma_wait3A_204 : memref<10112x128xf32, #tpu.memory_space<vmem_shared>>)
    %mul3A_205 = arith.constant 10176 : i32
    %mul3A_206 = arith.muli %add3A, %mul3A_205 : i32
    %add3A_207 = arith.constant 10080 : i32
    %add3A_208 = arith.addi %mul3A_206, %add3A_207 : i32
    %multiple_of3A_209 = tpu.assume_multiple %add3A_208, 48 : i32
    %dma_wait3A_210 = arith.constant 192 : i32
    %dma_wait3A_211 = tpu.memref_slice %arg7[%dma_wait3A_210] : memref<384xi32, #tpu.memory_space<vmem>> -> memref<96xi32, #tpu.memory_space<vmem>>
    %dma_wait3A_212 = arith.constant 0 : i32
    %dma_wait3A_213 = arith.constant 0 : i32
    %dma_wait3A_214 = tpu.memref_slice %arg2[%dma_wait3A_212, %dma_wait3A_213] : memref<20224x128xf32, #tpu.memory_space<hbm>> -> memref<20224x128xf32, #tpu.memory_space<hbm>>
    tpu.wait_indirect_dma semaphore(%arg17 : memref<!tpu.dma_semaphore, #tpu.memory_space<semaphore_mem>>) src(%dma_wait3A_214 : memref<20224x128xf32, #tpu.memory_space<hbm>>) dst(%arg9 : memref<96x128xf32, #tpu.memory_space<vmem>>)
    %dma_wait3A_215 = arith.constant 0 : i32
    %dma_wait3A_216 = tpu.memref_slice %arg3[%multiple_of3A_209, %dma_wait3A_215] : memref<325632x128xf32, #tpu.memory_space<hbm>> -> memref<48x128xf32, #tpu.memory_space<hbm>>
    %dma_wait3A_217 = arith.constant 0 : i32
    %dma_wait3A_218 = tpu.memref_slice %arg3[%multiple_of3A_209, %dma_wait3A_217] : memref<325632x128xf32, #tpu.memory_space<hbm>> -> memref<48x128xf32, #tpu.memory_space<hbm>>
    tpu.wait_dma2 semaphore(%arg19 : memref<!tpu.dma_semaphore, #tpu.memory_space<semaphore_mem>>) src(%dma_wait3A_218 : memref<48x128xf32, #tpu.memory_space<hbm>>) dst(%arg11 : memref<48x128xf32, #tpu.memory_space<vmem>>)
    %get3A_219 = arith.constant 240 : index
    %get3A_220 = tpu.vector_load %arg7[%get3A_219] {strides = array<i32>} : memref<384xi32, #tpu.memory_space<vmem>>, vector<16xi32>,
    %get3A_221 = vector.shape_cast %get3A_220 : vector<16xi32> to vector<16xi32>
    %sub3A_222 = arith.constant 10112 : i32
    %sub3A_223 = vector.broadcast %sub3A_222 : i32 to vector<16xi32>
    %sub3A_224 = arith.subi %get3A_221, %sub3A_223 : vector<16xi32>
    %swap3A_225 = arith.constant 0 : index
    %swap3A_226 = tpu.vector_load %arg15[%swap3A_225] {strides = array<i32>} : memref<48xi32, #tpu.memory_space<vmem>>, vector<16xi32>,
    %swap3A_227 = vector.shape_cast %swap3A_226 : vector<16xi32> to vector<16xi32>
    %swap3A_228 = vector.shape_cast %sub3A_224 : vector<16xi32> to vector<16xi32>
    tpu.vector_store %arg15[%swap3A_225], %swap3A_228 {strides = array<i32>} : memref<48xi32, #tpu.memory_space<vmem>>, vector<16xi32>,
    %get3A_229 = arith.constant 256 : index
    %get3A_230 = tpu.vector_load %arg7[%get3A_229] {strides = array<i32>} : memref<384xi32, #tpu.memory_space<vmem>>, vector<16xi32>,
    %get3A_231 = vector.shape_cast %get3A_230 : vector<16xi32> to vector<16xi32>
    %sub3A_232 = arith.constant 10112 : i32
    %sub3A_233 = vector.broadcast %sub3A_232 : i32 to vector<16xi32>
    %sub3A_234 = arith.subi %get3A_231, %sub3A_233 : vector<16xi32>
    %swap3A_235 = arith.constant 16 : index
    %swap3A_236 = tpu.vector_load %arg15[%swap3A_235] {strides = array<i32>} : memref<48xi32, #tpu.memory_space<vmem>>, vector<16xi32>,
    %swap3A_237 = vector.shape_cast %swap3A_236 : vector<16xi32> to vector<16xi32>
    %swap3A_238 = vector.shape_cast %sub3A_234 : vector<16xi32> to vector<16xi32>
    tpu.vector_store %arg15[%swap3A_235], %swap3A_238 {strides = array<i32>} : memref<48xi32, #tpu.memory_space<vmem>>, vector<16xi32>,
    %get3A_239 = arith.constant 272 : index
    %get3A_240 = tpu.vector_load %arg7[%get3A_239] {strides = array<i32>} : memref<384xi32, #tpu.memory_space<vmem>>, vector<16xi32>,
    %get3A_241 = vector.shape_cast %get3A_240 : vector<16xi32> to vector<16xi32>
    %sub3A_242 = arith.constant 10112 : i32
    %sub3A_243 = vector.broadcast %sub3A_242 : i32 to vector<16xi32>
    %sub3A_244 = arith.subi %get3A_241, %sub3A_243 : vector<16xi32>
    %swap3A_245 = arith.constant 32 : index
    %swap3A_246 = tpu.vector_load %arg15[%swap3A_245] {strides = array<i32>} : memref<48xi32, #tpu.memory_space<vmem>>, vector<16xi32>,
    %swap3A_247 = vector.shape_cast %swap3A_246 : vector<16xi32> to vector<16xi32>
    %swap3A_248 = vector.shape_cast %sub3A_244 : vector<16xi32> to vector<16xi32>
    tpu.vector_store %arg15[%swap3A_245], %swap3A_248 {strides = array<i32>} : memref<48xi32, #tpu.memory_space<vmem>>, vector<16xi32>,
    %scan3A_249 = arith.constant 0 : i32
    %scan3A_250 = arith.constant 0 : i32
    %scan3A_251 = arith.constant 48 : i32
    %scan3A_252 = arith.addi %scan3A_250, %scan3A_251 : i32
    %scan3A_253 = arith.constant 1 : i32
    scf.for %scan3A_368 = %scan3A_250 to %scan3A_252 step %scan3A_253  : i32 {
      %get3A_369 = arith.index_cast %scan3A_368 : i32 to index
      %get3A_370 = arith.constant 0 : index
      %get3A_371 = tpu.vector_load %arg9[%get3A_369, %get3A_370] {strides = array<i32>} : memref<96x128xf32, #tpu.memory_space<vmem>>, vector<1x16xf32>,
      %get3A_372 = vector.shape_cast %get3A_371 : vector<1x16xf32> to vector<16xf32>
      %add3A_373 = arith.constant 48 : i32
      %add3A_374 = arith.addi %add3A_373, %scan3A_368 : i32
      %get3A_375 = arith.index_cast %add3A_374 : i32 to index
      %get3A_376 = arith.constant 0 : index
      %get3A_377 = tpu.vector_load %arg9[%get3A_375, %get3A_376] {strides = array<i32>} : memref<96x128xf32, #tpu.memory_space<vmem>>, vector<1x16xf32>,
      %get3A_378 = vector.shape_cast %get3A_377 : vector<1x16xf32> to vector<16xf32>
      %add3A_379 = arith.addf %get3A_372, %get3A_378 : vector<16xf32>
      %get3A_380 = arith.index_cast %scan3A_368 : i32 to index
      %get3A_381 = arith.constant 0 : index
      %get3A_382 = tpu.vector_load %arg11[%get3A_380, %get3A_381] {strides = array<i32>} : memref<48x128xf32, #tpu.memory_space<vmem>>, vector<1x16xf32>,
      %get3A_383 = vector.shape_cast %get3A_382 : vector<1x16xf32> to vector<16xf32>
      %add3A_384 = arith.addf %add3A_379, %get3A_383 : vector<16xf32>
      %max3A = arith.constant 0.000000e+00 : f32
      %max3A_385 = vector.broadcast %max3A : f32 to vector<16xf32>
      %max3A_386 = arith.maximumf %add3A_384, %max3A_385 : vector<16xf32>
      %swap3A_387 = arith.index_cast %scan3A_368 : i32 to index
      %swap3A_388 = arith.constant 0 : index
      %swap3A_389 = tpu.vector_load %arg13[%swap3A_387, %swap3A_388] {strides = array<i32>} : memref<48x128xf32, #tpu.memory_space<vmem>>, vector<1x16xf32>,
      %swap3A_390 = vector.shape_cast %swap3A_389 : vector<1x16xf32> to vector<16xf32>
      %swap3A_391 = vector.shape_cast %max3A_386 : vector<16xf32> to vector<1x16xf32>
      tpu.vector_store %arg13[%swap3A_387, %swap3A_388], %swap3A_391 {strides = array<i32>} : memref<48x128xf32, #tpu.memory_space<vmem>>, vector<1x16xf32>,
      %get3A_392 = arith.index_cast %scan3A_368 : i32 to index
      %get3A_393 = arith.constant 16 : index
      %get3A_394 = tpu.vector_load %arg9[%get3A_392, %get3A_393] {strides = array<i32>} : memref<96x128xf32, #tpu.memory_space<vmem>>, vector<1x16xf32>,
      %get3A_395 = vector.shape_cast %get3A_394 : vector<1x16xf32> to vector<16xf32>
      %add3A_396 = arith.constant 48 : i32
      %add3A_397 = arith.addi %add3A_396, %scan3A_368 : i32
      %get3A_398 = arith.index_cast %add3A_397 : i32 to index
      %get3A_399 = arith.constant 16 : index
      %get3A_400 = tpu.vector_load %arg9[%get3A_398, %get3A_399] {strides = array<i32>} : memref<96x128xf32, #tpu.memory_space<vmem>>, vector<1x16xf32>,
      %get3A_401 = vector.shape_cast %get3A_400 : vector<1x16xf32> to vector<16xf32>
      %add3A_402 = arith.addf %get3A_395, %get3A_401 : vector<16xf32>
      %get3A_403 = arith.index_cast %scan3A_368 : i32 to index
      %get3A_404 = arith.constant 16 : index
      %get3A_405 = tpu.vector_load %arg11[%get3A_403, %get3A_404] {strides = array<i32>} : memref<48x128xf32, #tpu.memory_space<vmem>>, vector<1x16xf32>,
      %get3A_406 = vector.shape_cast %get3A_405 : vector<1x16xf32> to vector<16xf32>
      %add3A_407 = arith.addf %add3A_402, %get3A_406 : vector<16xf32>
      %max3A_408 = arith.constant 0.000000e+00 : f32
      %max3A_409 = vector.broadcast %max3A_408 : f32 to vector<16xf32>
      %max3A_410 = arith.maximumf %add3A_407, %max3A_409 : vector<16xf32>
      %swap3A_411 = arith.index_cast %scan3A_368 : i32 to index
      %swap3A_412 = arith.constant 16 : index
      %swap3A_413 = tpu.vector_load %arg13[%swap3A_411, %swap3A_412] {strides = array<i32>} : memref<48x128xf32, #tpu.memory_space<vmem>>, vector<1x16xf32>,
      %swap3A_414 = vector.shape_cast %swap3A_413 : vector<1x16xf32> to vector<16xf32>
      %swap3A_415 = vector.shape_cast %max3A_410 : vector<16xf32> to vector<1x16xf32>
      tpu.vector_store %arg13[%swap3A_411, %swap3A_412], %swap3A_415 {strides = array<i32>} : memref<48x128xf32, #tpu.memory_space<vmem>>, vector<1x16xf32>,
      %get3A_416 = arith.index_cast %scan3A_368 : i32 to index
      %get3A_417 = arith.constant 32 : index
      %get3A_418 = tpu.vector_load %arg9[%get3A_416, %get3A_417] {strides = array<i32>} : memref<96x128xf32, #tpu.memory_space<vmem>>, vector<1x16xf32>,
      %get3A_419 = vector.shape_cast %get3A_418 : vector<1x16xf32> to vector<16xf32>
      %add3A_420 = arith.constant 48 : i32
      %add3A_421 = arith.addi %add3A_420, %scan3A_368 : i32
      %get3A_422 = arith.index_cast %add3A_421 : i32 to index
      %get3A_423 = arith.constant 32 : index
      %get3A_424 = tpu.vector_load %arg9[%get3A_422, %get3A_423] {strides = array<i32>} : memref<96x128xf32, #tpu.memory_space<vmem>>, vector<1x16xf32>,
      %get3A_425 = vector.shape_cast %get3A_424 : vector<1x16xf32> to vector<16xf32>
      %add3A_426 = arith.addf %get3A_419, %get3A_425 : vector<16xf32>
      %get3A_427 = arith.index_cast %scan3A_368 : i32 to index
      %get3A_428 = arith.constant 32 : index
      %get3A_429 = tpu.vector_load %arg11[%get3A_427, %get3A_428] {strides = array<i32>} : memref<48x128xf32, #tpu.memory_space<vmem>>, vector<1x16xf32>,
      %get3A_430 = vector.shape_cast %get3A_429 : vector<1x16xf32> to vector<16xf32>
      %add3A_431 = arith.addf %add3A_426, %get3A_430 : vector<16xf32>
      %max3A_432 = arith.constant 0.000000e+00 : f32
      %max3A_433 = vector.broadcast %max3A_432 : f32 to vector<16xf32>
      %max3A_434 = arith.maximumf %add3A_431, %max3A_433 : vector<16xf32>
      %swap3A_435 = arith.index_cast %scan3A_368 : i32 to index
      %swap3A_436 = arith.constant 32 : index
      %swap3A_437 = tpu.vector_load %arg13[%swap3A_435, %swap3A_436] {strides = array<i32>} : memref<48x128xf32, #tpu.memory_space<vmem>>, vector<1x16xf32>,
      %swap3A_438 = vector.shape_cast %swap3A_437 : vector<1x16xf32> to vector<16xf32>
      %swap3A_439 = vector.shape_cast %max3A_434 : vector<16xf32> to vector<1x16xf32>
      tpu.vector_store %arg13[%swap3A_435, %swap3A_436], %swap3A_439 {strides = array<i32>} : memref<48x128xf32, #tpu.memory_space<vmem>>, vector<1x16xf32>,
      %get3A_440 = arith.index_cast %scan3A_368 : i32 to index
      %get3A_441 = arith.constant 48 : index
      %get3A_442 = tpu.vector_load %arg9[%get3A_440, %get3A_441] {strides = array<i32>} : memref<96x128xf32, #tpu.memory_space<vmem>>, vector<1x16xf32>,
      %get3A_443 = vector.shape_cast %get3A_442 : vector<1x16xf32> to vector<16xf32>
      %add3A_444 = arith.constant 48 : i32
      %add3A_445 = arith.addi %add3A_444, %scan3A_368 : i32
      %get3A_446 = arith.index_cast %add3A_445 : i32 to index
      %get3A_447 = arith.constant 48 : index
      %get3A_448 = tpu.vector_load %arg9[%get3A_446, %get3A_447] {strides = array<i32>} : memref<96x128xf32, #tpu.memory_space<vmem>>, vector<1x16xf32>,
      %get3A_449 = vector.shape_cast %get3A_448 : vector<1x16xf32> to vector<16xf32>
      %add3A_450 = arith.addf %get3A_443, %get3A_449 : vector<16xf32>
      %get3A_451 = arith.index_cast %scan3A_368 : i32 to index
      %get3A_452 = arith.constant 48 : index
      %get3A_453 = tpu.vector_load %arg11[%get3A_451, %get3A_452] {strides = array<i32>} : memref<48x128xf32, #tpu.memory_space<vmem>>, vector<1x16xf32>,
      %get3A_454 = vector.shape_cast %get3A_453 : vector<1x16xf32> to vector<16xf32>
      %add3A_455 = arith.addf %add3A_450, %get3A_454 : vector<16xf32>
      %max3A_456 = arith.constant 0.000000e+00 : f32
      %max3A_457 = vector.broadcast %max3A_456 : f32 to vector<16xf32>
      %max3A_458 = arith.maximumf %add3A_455, %max3A_457 : vector<16xf32>
      %swap3A_459 = arith.index_cast %scan3A_368 : i32 to index
      %swap3A_460 = arith.constant 48 : index
      %swap3A_461 = tpu.vector_load %arg13[%swap3A_459, %swap3A_460] {strides = array<i32>} : memref<48x128xf32, #tpu.memory_space<vmem>>, vector<1x16xf32>,
      %swap3A_462 = vector.shape_cast %swap3A_461 : vector<1x16xf32> to vector<16xf32>
      %swap3A_463 = vector.shape_cast %max3A_458 : vector<16xf32> to vector<1x16xf32>
      tpu.vector_store %arg13[%swap3A_459, %swap3A_460], %swap3A_463 {strides = array<i32>} : memref<48x128xf32, #tpu.memory_space<vmem>>, vector<1x16xf32>,
      %get3A_464 = arith.index_cast %scan3A_368 : i32 to index
      %get3A_465 = arith.constant 64 : index
      %get3A_466 = tpu.vector_load %arg9[%get3A_464, %get3A_465] {strides = array<i32>} : memref<96x128xf32, #tpu.memory_space<vmem>>, vector<1x16xf32>,
      %get3A_467 = vector.shape_cast %get3A_466 : vector<1x16xf32> to vector<16xf32>
      %add3A_468 = arith.constant 48 : i32
      %add3A_469 = arith.addi %add3A_468, %scan3A_368 : i32
      %get3A_470 = arith.index_cast %add3A_469 : i32 to index
      %get3A_471 = arith.constant 64 : index
      %get3A_472 = tpu.vector_load %arg9[%get3A_470, %get3A_471] {strides = array<i32>} : memref<96x128xf32, #tpu.memory_space<vmem>>, vector<1x16xf32>,
      %get3A_473 = vector.shape_cast %get3A_472 : vector<1x16xf32> to vector<16xf32>
      %add3A_474 = arith.addf %get3A_467, %get3A_473 : vector<16xf32>
      %get3A_475 = arith.index_cast %scan3A_368 : i32 to index
      %get3A_476 = arith.constant 64 : index
      %get3A_477 = tpu.vector_load %arg11[%get3A_475, %get3A_476] {strides = array<i32>} : memref<48x128xf32, #tpu.memory_space<vmem>>, vector<1x16xf32>,
      %get3A_478 = vector.shape_cast %get3A_477 : vector<1x16xf32> to vector<16xf32>
      %add3A_479 = arith.addf %add3A_474, %get3A_478 : vector<16xf32>
      %max3A_480 = arith.constant 0.000000e+00 : f32
      %max3A_481 = vector.broadcast %max3A_480 : f32 to vector<16xf32>
      %max3A_482 = arith.maximumf %add3A_479, %max3A_481 : vector<16xf32>
      %swap3A_483 = arith.index_cast %scan3A_368 : i32 to index
      %swap3A_484 = arith.constant 64 : index
      %swap3A_485 = tpu.vector_load %arg13[%swap3A_483, %swap3A_484] {strides = array<i32>} : memref<48x128xf32, #tpu.memory_space<vmem>>, vector<1x16xf32>,
      %swap3A_486 = vector.shape_cast %swap3A_485 : vector<1x16xf32> to vector<16xf32>
      %swap3A_487 = vector.shape_cast %max3A_482 : vector<16xf32> to vector<1x16xf32>
      tpu.vector_store %arg13[%swap3A_483, %swap3A_484], %swap3A_487 {strides = array<i32>} : memref<48x128xf32, #tpu.memory_space<vmem>>, vector<1x16xf32>,
      %get3A_488 = arith.index_cast %scan3A_368 : i32 to index
      %get3A_489 = arith.constant 80 : index
      %get3A_490 = tpu.vector_load %arg9[%get3A_488, %get3A_489] {strides = array<i32>} : memref<96x128xf32, #tpu.memory_space<vmem>>, vector<1x16xf32>,
      %get3A_491 = vector.shape_cast %get3A_490 : vector<1x16xf32> to vector<16xf32>
      %add3A_492 = arith.constant 48 : i32
      %add3A_493 = arith.addi %add3A_492, %scan3A_368 : i32
      %get3A_494 = arith.index_cast %add3A_493 : i32 to index
      %get3A_495 = arith.constant 80 : index
      %get3A_496 = tpu.vector_load %arg9[%get3A_494, %get3A_495] {strides = array<i32>} : memref<96x128xf32, #tpu.memory_space<vmem>>, vector<1x16xf32>,
      %get3A_497 = vector.shape_cast %get3A_496 : vector<1x16xf32> to vector<16xf32>
      %add3A_498 = arith.addf %get3A_491, %get3A_497 : vector<16xf32>
      %get3A_499 = arith.index_cast %scan3A_368 : i32 to index
      %get3A_500 = arith.constant 80 : index
      %get3A_501 = tpu.vector_load %arg11[%get3A_499, %get3A_500] {strides = array<i32>} : memref<48x128xf32, #tpu.memory_space<vmem>>, vector<1x16xf32>,
      %get3A_502 = vector.shape_cast %get3A_501 : vector<1x16xf32> to vector<16xf32>
      %add3A_503 = arith.addf %add3A_498, %get3A_502 : vector<16xf32>
      %max3A_504 = arith.constant 0.000000e+00 : f32
      %max3A_505 = vector.broadcast %max3A_504 : f32 to vector<16xf32>
      %max3A_506 = arith.maximumf %add3A_503, %max3A_505 : vector<16xf32>
      %swap3A_507 = arith.index_cast %scan3A_368 : i32 to index
      %swap3A_508 = arith.constant 80 : index
      %swap3A_509 = tpu.vector_load %arg13[%swap3A_507, %swap3A_508] {strides = array<i32>} : memref<48x128xf32, #tpu.memory_space<vmem>>, vector<1x16xf32>,
      %swap3A_510 = vector.shape_cast %swap3A_509 : vector<1x16xf32> to vector<16xf32>
      %swap3A_511 = vector.shape_cast %max3A_506 : vector<16xf32> to vector<1x16xf32>
      tpu.vector_store %arg13[%swap3A_507, %swap3A_508], %swap3A_511 {strides = array<i32>} : memref<48x128xf32, #tpu.memory_space<vmem>>, vector<1x16xf32>,
      %get3A_512 = arith.index_cast %scan3A_368 : i32 to index
      %get3A_513 = arith.constant 96 : index
      %get3A_514 = tpu.vector_load %arg9[%get3A_512, %get3A_513] {strides = array<i32>} : memref<96x128xf32, #tpu.memory_space<vmem>>, vector<1x16xf32>,
      %get3A_515 = vector.shape_cast %get3A_514 : vector<1x16xf32> to vector<16xf32>
      %add3A_516 = arith.constant 48 : i32
      %add3A_517 = arith.addi %add3A_516, %scan3A_368 : i32
      %get3A_518 = arith.index_cast %add3A_517 : i32 to index
      %get3A_519 = arith.constant 96 : index
      %get3A_520 = tpu.vector_load %arg9[%get3A_518, %get3A_519] {strides = array<i32>} : memref<96x128xf32, #tpu.memory_space<vmem>>, vector<1x16xf32>,
      %get3A_521 = vector.shape_cast %get3A_520 : vector<1x16xf32> to vector<16xf32>
      %add3A_522 = arith.addf %get3A_515, %get3A_521 : vector<16xf32>
      %get3A_523 = arith.index_cast %scan3A_368 : i32 to index
      %get3A_524 = arith.constant 96 : index
      %get3A_525 = tpu.vector_load %arg11[%get3A_523, %get3A_524] {strides = array<i32>} : memref<48x128xf32, #tpu.memory_space<vmem>>, vector<1x16xf32>,
      %get3A_526 = vector.shape_cast %get3A_525 : vector<1x16xf32> to vector<16xf32>
      %add3A_527 = arith.addf %add3A_522, %get3A_526 : vector<16xf32>
      %max3A_528 = arith.constant 0.000000e+00 : f32
      %max3A_529 = vector.broadcast %max3A_528 : f32 to vector<16xf32>
      %max3A_530 = arith.maximumf %add3A_527, %max3A_529 : vector<16xf32>
      %swap3A_531 = arith.index_cast %scan3A_368 : i32 to index
      %swap3A_532 = arith.constant 96 : index
      %swap3A_533 = tpu.vector_load %arg13[%swap3A_531, %swap3A_532] {strides = array<i32>} : memref<48x128xf32, #tpu.memory_space<vmem>>, vector<1x16xf32>,
      %swap3A_534 = vector.shape_cast %swap3A_533 : vector<1x16xf32> to vector<16xf32>
      %swap3A_535 = vector.shape_cast %max3A_530 : vector<16xf32> to vector<1x16xf32>
      tpu.vector_store %arg13[%swap3A_531, %swap3A_532], %swap3A_535 {strides = array<i32>} : memref<48x128xf32, #tpu.memory_space<vmem>>, vector<1x16xf32>,
      %get3A_536 = arith.index_cast %scan3A_368 : i32 to index
      %get3A_537 = arith.constant 112 : index
      %get3A_538 = tpu.vector_load %arg9[%get3A_536, %get3A_537] {strides = array<i32>} : memref<96x128xf32, #tpu.memory_space<vmem>>, vector<1x16xf32>,
      %get3A_539 = vector.shape_cast %get3A_538 : vector<1x16xf32> to vector<16xf32>
      %add3A_540 = arith.constant 48 : i32
      %add3A_541 = arith.addi %add3A_540, %scan3A_368 : i32
      %get3A_542 = arith.index_cast %add3A_541 : i32 to index
      %get3A_543 = arith.constant 112 : index
      %get3A_544 = tpu.vector_load %arg9[%get3A_542, %get3A_543] {strides = array<i32>} : memref<96x128xf32, #tpu.memory_space<vmem>>, vector<1x16xf32>,
      %get3A_545 = vector.shape_cast %get3A_544 : vector<1x16xf32> to vector<16xf32>
      %add3A_546 = arith.addf %get3A_539, %get3A_545 : vector<16xf32>
      %get3A_547 = arith.index_cast %scan3A_368 : i32 to index
      %get3A_548 = arith.constant 112 : index
      %get3A_549 = tpu.vector_load %arg11[%get3A_547, %get3A_548] {strides = array<i32>} : memref<48x128xf32, #tpu.memory_space<vmem>>, vector<1x16xf32>,
      %get3A_550 = vector.shape_cast %get3A_549 : vector<1x16xf32> to vector<16xf32>
      %add3A_551 = arith.addf %add3A_546, %get3A_550 : vector<16xf32>
      %max3A_552 = arith.constant 0.000000e+00 : f32
      %max3A_553 = vector.broadcast %max3A_552 : f32 to vector<16xf32>
      %max3A_554 = arith.maximumf %add3A_551, %max3A_553 : vector<16xf32>
      %swap3A_555 = arith.index_cast %scan3A_368 : i32 to index
      %swap3A_556 = arith.constant 112 : index
      %swap3A_557 = tpu.vector_load %arg13[%swap3A_555, %swap3A_556] {strides = array<i32>} : memref<48x128xf32, #tpu.memory_space<vmem>>, vector<1x16xf32>,
      %swap3A_558 = vector.shape_cast %swap3A_557 : vector<1x16xf32> to vector<16xf32>
      %swap3A_559 = vector.shape_cast %max3A_554 : vector<16xf32> to vector<1x16xf32>
      tpu.vector_store %arg13[%swap3A_555, %swap3A_556], %swap3A_559 {strides = array<i32>} : memref<48x128xf32, #tpu.memory_space<vmem>>, vector<1x16xf32>,
    }
    %scan3A_254 = arith.constant 48 : i32
    %dma_start3A_255 = arith.constant 0 : i32
    %dma_start3A_256 = arith.constant 0 : i32
    %dma_start3A_257 = tpu.memref_slice %arg6[%dma_start3A_255, %dma_start3A_256] : memref<10112x128xf32, #tpu.memory_space<vmem_shared>> -> memref<10112x128xf32, #tpu.memory_space<vmem_shared>>
    tpu.enqueue_indirect_dma source(%arg13 : memref<48x128xf32, #tpu.memory_space<vmem>>) target(%dma_start3A_257 : memref<10112x128xf32, #tpu.memory_space<vmem_shared>>) offsets(%arg15 : memref<48xi32, #tpu.memory_space<vmem>>) semaphore(%arg21 : memref<!tpu.dma_semaphore, #tpu.memory_space<semaphore_mem>>) {add = true}
    %dma_wait3A_258 = arith.constant 0 : i32
    %dma_wait3A_259 = arith.constant 0 : i32
    %dma_wait3A_260 = tpu.memref_slice %arg6[%dma_wait3A_258, %dma_wait3A_259] : memref<10112x128xf32, #tpu.memory_space<vmem_shared>> -> memref<10112x128xf32, #tpu.memory_space<vmem_shared>>
    tpu.wait_indirect_dma semaphore(%arg22 : memref<!tpu.dma_semaphore, #tpu.memory_space<semaphore_mem>>) src(%arg14 : memref<48x128xf32, #tpu.memory_space<vmem>>) dst(%dma_wait3A_260 : memref<10112x128xf32, #tpu.memory_space<vmem_shared>>)
    %mul3A_261 = arith.constant 10176 : i32
    %mul3A_262 = arith.muli %add3A, %mul3A_261 : i32
    %add3A_263 = arith.constant 10128 : i32
    %add3A_264 = arith.addi %mul3A_262, %add3A_263 : i32
    %multiple_of3A_265 = tpu.assume_multiple %add3A_264, 48 : i32
    %dma_wait3A_266 = arith.constant 288 : i32
    %dma_wait3A_267 = tpu.memref_slice %arg7[%dma_wait3A_266] : memref<384xi32, #tpu.memory_space<vmem>> -> memref<96xi32, #tpu.memory_space<vmem>>
    %dma_wait3A_268 = arith.constant 0 : i32
    %dma_wait3A_269 = arith.constant 0 : i32
    %dma_wait3A_270 = tpu.memref_slice %arg2[%dma_wait3A_268, %dma_wait3A_269] : memref<20224x128xf32, #tpu.memory_space<hbm>> -> memref<20224x128xf32, #tpu.memory_space<hbm>>
    tpu.wait_indirect_dma semaphore(%arg18 : memref<!tpu.dma_semaphore, #tpu.memory_space<semaphore_mem>>) src(%dma_wait3A_270 : memref<20224x128xf32, #tpu.memory_space<hbm>>) dst(%arg10 : memref<96x128xf32, #tpu.memory_space<vmem>>)
    %dma_wait3A_271 = arith.constant 0 : i32
    %dma_wait3A_272 = tpu.memref_slice %arg3[%multiple_of3A_265, %dma_wait3A_271] : memref<325632x128xf32, #tpu.memory_space<hbm>> -> memref<48x128xf32, #tpu.memory_space<hbm>>
    %dma_wait3A_273 = arith.constant 0 : i32
    %dma_wait3A_274 = tpu.memref_slice %arg3[%multiple_of3A_265, %dma_wait3A_273] : memref<325632x128xf32, #tpu.memory_space<hbm>> -> memref<48x128xf32, #tpu.memory_space<hbm>>
    tpu.wait_dma2 semaphore(%arg20 : memref<!tpu.dma_semaphore, #tpu.memory_space<semaphore_mem>>) src(%dma_wait3A_274 : memref<48x128xf32, #tpu.memory_space<hbm>>) dst(%arg12 : memref<48x128xf32, #tpu.memory_space<vmem>>)
    %get3A_275 = arith.constant 336 : index
    %get3A_276 = tpu.vector_load %arg7[%get3A_275] {strides = array<i32>} : memref<384xi32, #tpu.memory_space<vmem>>, vector<16xi32>,
    %get3A_277 = vector.shape_cast %get3A_276 : vector<16xi32> to vector<16xi32>
    %sub3A_278 = arith.constant 10112 : i32
    %sub3A_279 = vector.broadcast %sub3A_278 : i32 to vector<16xi32>
    %sub3A_280 = arith.subi %get3A_277, %sub3A_279 : vector<16xi32>
    %swap3A_281 = arith.constant 0 : index
    %swap3A_282 = tpu.vector_load %arg16[%swap3A_281] {strides = array<i32>} : memref<48xi32, #tpu.memory_space<vmem>>, vector<16xi32>,
    %swap3A_283 = vector.shape_cast %swap3A_282 : vector<16xi32> to vector<16xi32>
    %swap3A_284 = vector.shape_cast %sub3A_280 : vector<16xi32> to vector<16xi32>
    tpu.vector_store %arg16[%swap3A_281], %swap3A_284 {strides = array<i32>} : memref<48xi32, #tpu.memory_space<vmem>>, vector<16xi32>,
    %get3A_285 = arith.constant 352 : index
    %get3A_286 = tpu.vector_load %arg7[%get3A_285] {strides = array<i32>} : memref<384xi32, #tpu.memory_space<vmem>>, vector<16xi32>,
    %get3A_287 = vector.shape_cast %get3A_286 : vector<16xi32> to vector<16xi32>
    %sub3A_288 = arith.constant 10112 : i32
    %sub3A_289 = vector.broadcast %sub3A_288 : i32 to vector<16xi32>
    %sub3A_290 = arith.subi %get3A_287, %sub3A_289 : vector<16xi32>
    %swap3A_291 = arith.constant 16 : index
    %swap3A_292 = tpu.vector_load %arg16[%swap3A_291] {strides = array<i32>} : memref<48xi32, #tpu.memory_space<vmem>>, vector<16xi32>,
    %swap3A_293 = vector.shape_cast %swap3A_292 : vector<16xi32> to vector<16xi32>
    %swap3A_294 = vector.shape_cast %sub3A_290 : vector<16xi32> to vector<16xi32>
    tpu.vector_store %arg16[%swap3A_291], %swap3A_294 {strides = array<i32>} : memref<48xi32, #tpu.memory_space<vmem>>, vector<16xi32>,
    %get3A_295 = arith.constant 368 : index
    %get3A_296 = tpu.vector_load %arg7[%get3A_295] {strides = array<i32>} : memref<384xi32, #tpu.memory_space<vmem>>, vector<16xi32>,
    %get3A_297 = vector.shape_cast %get3A_296 : vector<16xi32> to vector<16xi32>
    %sub3A_298 = arith.constant 10112 : i32
    %sub3A_299 = vector.broadcast %sub3A_298 : i32 to vector<16xi32>
    %sub3A_300 = arith.subi %get3A_297, %sub3A_299 : vector<16xi32>
    %swap3A_301 = arith.constant 32 : index
    %swap3A_302 = tpu.vector_load %arg16[%swap3A_301] {strides = array<i32>} : memref<48xi32, #tpu.memory_space<vmem>>, vector<16xi32>,
    %swap3A_303 = vector.shape_cast %swap3A_302 : vector<16xi32> to vector<16xi32>
    %swap3A_304 = vector.shape_cast %sub3A_300 : vector<16xi32> to vector<16xi32>
    tpu.vector_store %arg16[%swap3A_301], %swap3A_304 {strides = array<i32>} : memref<48xi32, #tpu.memory_space<vmem>>, vector<16xi32>,
    %scan3A_305 = arith.constant 0 : i32
    %scan3A_306 = arith.constant 0 : i32
    %scan3A_307 = arith.constant 48 : i32
    %scan3A_308 = arith.addi %scan3A_306, %scan3A_307 : i32
    %scan3A_309 = arith.constant 1 : i32
    scf.for %scan3A_368 = %scan3A_306 to %scan3A_308 step %scan3A_309  : i32 {
      %get3A_369 = arith.index_cast %scan3A_368 : i32 to index
      %get3A_370 = arith.constant 0 : index
      %get3A_371 = tpu.vector_load %arg10[%get3A_369, %get3A_370] {strides = array<i32>} : memref<96x128xf32, #tpu.memory_space<vmem>>, vector<1x16xf32>,
      %get3A_372 = vector.shape_cast %get3A_371 : vector<1x16xf32> to vector<16xf32>
      %add3A_373 = arith.constant 48 : i32
      %add3A_374 = arith.addi %add3A_373, %scan3A_368 : i32
      %get3A_375 = arith.index_cast %add3A_374 : i32 to index
      %get3A_376 = arith.constant 0 : index
      %get3A_377 = tpu.vector_load %arg10[%get3A_375, %get3A_376] {strides = array<i32>} : memref<96x128xf32, #tpu.memory_space<vmem>>, vector<1x16xf32>,
      %get3A_378 = vector.shape_cast %get3A_377 : vector<1x16xf32> to vector<16xf32>
      %add3A_379 = arith.addf %get3A_372, %get3A_378 : vector<16xf32>
      %get3A_380 = arith.index_cast %scan3A_368 : i32 to index
      %get3A_381 = arith.constant 0 : index
      %get3A_382 = tpu.vector_load %arg12[%get3A_380, %get3A_381] {strides = array<i32>} : memref<48x128xf32, #tpu.memory_space<vmem>>, vector<1x16xf32>,
      %get3A_383 = vector.shape_cast %get3A_382 : vector<1x16xf32> to vector<16xf32>
      %add3A_384 = arith.addf %add3A_379, %get3A_383 : vector<16xf32>
      %max3A = arith.constant 0.000000e+00 : f32
      %max3A_385 = vector.broadcast %max3A : f32 to vector<16xf32>
      %max3A_386 = arith.maximumf %add3A_384, %max3A_385 : vector<16xf32>
      %swap3A_387 = arith.index_cast %scan3A_368 : i32 to index
      %swap3A_388 = arith.constant 0 : index
      %swap3A_389 = tpu.vector_load %arg14[%swap3A_387, %swap3A_388] {strides = array<i32>} : memref<48x128xf32, #tpu.memory_space<vmem>>, vector<1x16xf32>,
      %swap3A_390 = vector.shape_cast %swap3A_389 : vector<1x16xf32> to vector<16xf32>
      %swap3A_391 = vector.shape_cast %max3A_386 : vector<16xf32> to vector<1x16xf32>
      tpu.vector_store %arg14[%swap3A_387, %swap3A_388], %swap3A_391 {strides = array<i32>} : memref<48x128xf32, #tpu.memory_space<vmem>>, vector<1x16xf32>,
      %get3A_392 = arith.index_cast %scan3A_368 : i32 to index
      %get3A_393 = arith.constant 16 : index
      %get3A_394 = tpu.vector_load %arg10[%get3A_392, %get3A_393] {strides = array<i32>} : memref<96x128xf32, #tpu.memory_space<vmem>>, vector<1x16xf32>,
      %get3A_395 = vector.shape_cast %get3A_394 : vector<1x16xf32> to vector<16xf32>
      %add3A_396 = arith.constant 48 : i32
      %add3A_397 = arith.addi %add3A_396, %scan3A_368 : i32
      %get3A_398 = arith.index_cast %add3A_397 : i32 to index
      %get3A_399 = arith.constant 16 : index
      %get3A_400 = tpu.vector_load %arg10[%get3A_398, %get3A_399] {strides = array<i32>} : memref<96x128xf32, #tpu.memory_space<vmem>>, vector<1x16xf32>,
      %get3A_401 = vector.shape_cast %get3A_400 : vector<1x16xf32> to vector<16xf32>
      %add3A_402 = arith.addf %get3A_395, %get3A_401 : vector<16xf32>
      %get3A_403 = arith.index_cast %scan3A_368 : i32 to index
      %get3A_404 = arith.constant 16 : index
      %get3A_405 = tpu.vector_load %arg12[%get3A_403, %get3A_404] {strides = array<i32>} : memref<48x128xf32, #tpu.memory_space<vmem>>, vector<1x16xf32>,
      %get3A_406 = vector.shape_cast %get3A_405 : vector<1x16xf32> to vector<16xf32>
      %add3A_407 = arith.addf %add3A_402, %get3A_406 : vector<16xf32>
      %max3A_408 = arith.constant 0.000000e+00 : f32
      %max3A_409 = vector.broadcast %max3A_408 : f32 to vector<16xf32>
      %max3A_410 = arith.maximumf %add3A_407, %max3A_409 : vector<16xf32>
      %swap3A_411 = arith.index_cast %scan3A_368 : i32 to index
      %swap3A_412 = arith.constant 16 : index
      %swap3A_413 = tpu.vector_load %arg14[%swap3A_411, %swap3A_412] {strides = array<i32>} : memref<48x128xf32, #tpu.memory_space<vmem>>, vector<1x16xf32>,
      %swap3A_414 = vector.shape_cast %swap3A_413 : vector<1x16xf32> to vector<16xf32>
      %swap3A_415 = vector.shape_cast %max3A_410 : vector<16xf32> to vector<1x16xf32>
      tpu.vector_store %arg14[%swap3A_411, %swap3A_412], %swap3A_415 {strides = array<i32>} : memref<48x128xf32, #tpu.memory_space<vmem>>, vector<1x16xf32>,
      %get3A_416 = arith.index_cast %scan3A_368 : i32 to index
      %get3A_417 = arith.constant 32 : index
      %get3A_418 = tpu.vector_load %arg10[%get3A_416, %get3A_417] {strides = array<i32>} : memref<96x128xf32, #tpu.memory_space<vmem>>, vector<1x16xf32>,
      %get3A_419 = vector.shape_cast %get3A_418 : vector<1x16xf32> to vector<16xf32>
      %add3A_420 = arith.constant 48 : i32
      %add3A_421 = arith.addi %add3A_420, %scan3A_368 : i32
      %get3A_422 = arith.index_cast %add3A_421 : i32 to index
      %get3A_423 = arith.constant 32 : index
      %get3A_424 = tpu.vector_load %arg10[%get3A_422, %get3A_423] {strides = array<i32>} : memref<96x128xf32, #tpu.memory_space<vmem>>, vector<1x16xf32>,
      %get3A_425 = vector.shape_cast %get3A_424 : vector<1x16xf32> to vector<16xf32>
      %add3A_426 = arith.addf %get3A_419, %get3A_425 : vector<16xf32>
      %get3A_427 = arith.index_cast %scan3A_368 : i32 to index
      %get3A_428 = arith.constant 32 : index
      %get3A_429 = tpu.vector_load %arg12[%get3A_427, %get3A_428] {strides = array<i32>} : memref<48x128xf32, #tpu.memory_space<vmem>>, vector<1x16xf32>,
      %get3A_430 = vector.shape_cast %get3A_429 : vector<1x16xf32> to vector<16xf32>
      %add3A_431 = arith.addf %add3A_426, %get3A_430 : vector<16xf32>
      %max3A_432 = arith.constant 0.000000e+00 : f32
      %max3A_433 = vector.broadcast %max3A_432 : f32 to vector<16xf32>
      %max3A_434 = arith.maximumf %add3A_431, %max3A_433 : vector<16xf32>
      %swap3A_435 = arith.index_cast %scan3A_368 : i32 to index
      %swap3A_436 = arith.constant 32 : index
      %swap3A_437 = tpu.vector_load %arg14[%swap3A_435, %swap3A_436] {strides = array<i32>} : memref<48x128xf32, #tpu.memory_space<vmem>>, vector<1x16xf32>,
      %swap3A_438 = vector.shape_cast %swap3A_437 : vector<1x16xf32> to vector<16xf32>
      %swap3A_439 = vector.shape_cast %max3A_434 : vector<16xf32> to vector<1x16xf32>
      tpu.vector_store %arg14[%swap3A_435, %swap3A_436], %swap3A_439 {strides = array<i32>} : memref<48x128xf32, #tpu.memory_space<vmem>>, vector<1x16xf32>,
      %get3A_440 = arith.index_cast %scan3A_368 : i32 to index
      %get3A_441 = arith.constant 48 : index
      %get3A_442 = tpu.vector_load %arg10[%get3A_440, %get3A_441] {strides = array<i32>} : memref<96x128xf32, #tpu.memory_space<vmem>>, vector<1x16xf32>,
      %get3A_443 = vector.shape_cast %get3A_442 : vector<1x16xf32> to vector<16xf32>
      %add3A_444 = arith.constant 48 : i32
      %add3A_445 = arith.addi %add3A_444, %scan3A_368 : i32
      %get3A_446 = arith.index_cast %add3A_445 : i32 to index
      %get3A_447 = arith.constant 48 : index
      %get3A_448 = tpu.vector_load %arg10[%get3A_446, %get3A_447] {strides = array<i32>} : memref<96x128xf32, #tpu.memory_space<vmem>>, vector<1x16xf32>,
      %get3A_449 = vector.shape_cast %get3A_448 : vector<1x16xf32> to vector<16xf32>
      %add3A_450 = arith.addf %get3A_443, %get3A_449 : vector<16xf32>
      %get3A_451 = arith.index_cast %scan3A_368 : i32 to index
      %get3A_452 = arith.constant 48 : index
      %get3A_453 = tpu.vector_load %arg12[%get3A_451, %get3A_452] {strides = array<i32>} : memref<48x128xf32, #tpu.memory_space<vmem>>, vector<1x16xf32>,
      %get3A_454 = vector.shape_cast %get3A_453 : vector<1x16xf32> to vector<16xf32>
      %add3A_455 = arith.addf %add3A_450, %get3A_454 : vector<16xf32>
      %max3A_456 = arith.constant 0.000000e+00 : f32
      %max3A_457 = vector.broadcast %max3A_456 : f32 to vector<16xf32>
      %max3A_458 = arith.maximumf %add3A_455, %max3A_457 : vector<16xf32>
      %swap3A_459 = arith.index_cast %scan3A_368 : i32 to index
      %swap3A_460 = arith.constant 48 : index
      %swap3A_461 = tpu.vector_load %arg14[%swap3A_459, %swap3A_460] {strides = array<i32>} : memref<48x128xf32, #tpu.memory_space<vmem>>, vector<1x16xf32>,
      %swap3A_462 = vector.shape_cast %swap3A_461 : vector<1x16xf32> to vector<16xf32>
      %swap3A_463 = vector.shape_cast %max3A_458 : vector<16xf32> to vector<1x16xf32>
      tpu.vector_store %arg14[%swap3A_459, %swap3A_460], %swap3A_463 {strides = array<i32>} : memref<48x128xf32, #tpu.memory_space<vmem>>, vector<1x16xf32>,
      %get3A_464 = arith.index_cast %scan3A_368 : i32 to index
      %get3A_465 = arith.constant 64 : index
      %get3A_466 = tpu.vector_load %arg10[%get3A_464, %get3A_465] {strides = array<i32>} : memref<96x128xf32, #tpu.memory_space<vmem>>, vector<1x16xf32>,
      %get3A_467 = vector.shape_cast %get3A_466 : vector<1x16xf32> to vector<16xf32>
      %add3A_468 = arith.constant 48 : i32
      %add3A_469 = arith.addi %add3A_468, %scan3A_368 : i32
      %get3A_470 = arith.index_cast %add3A_469 : i32 to index
      %get3A_471 = arith.constant 64 : index
      %get3A_472 = tpu.vector_load %arg10[%get3A_470, %get3A_471] {strides = array<i32>} : memref<96x128xf32, #tpu.memory_space<vmem>>, vector<1x16xf32>,
      %get3A_473 = vector.shape_cast %get3A_472 : vector<1x16xf32> to vector<16xf32>
      %add3A_474 = arith.addf %get3A_467, %get3A_473 : vector<16xf32>
      %get3A_475 = arith.index_cast %scan3A_368 : i32 to index
      %get3A_476 = arith.constant 64 : index
      %get3A_477 = tpu.vector_load %arg12[%get3A_475, %get3A_476] {strides = array<i32>} : memref<48x128xf32, #tpu.memory_space<vmem>>, vector<1x16xf32>,
      %get3A_478 = vector.shape_cast %get3A_477 : vector<1x16xf32> to vector<16xf32>
      %add3A_479 = arith.addf %add3A_474, %get3A_478 : vector<16xf32>
      %max3A_480 = arith.constant 0.000000e+00 : f32
      %max3A_481 = vector.broadcast %max3A_480 : f32 to vector<16xf32>
      %max3A_482 = arith.maximumf %add3A_479, %max3A_481 : vector<16xf32>
      %swap3A_483 = arith.index_cast %scan3A_368 : i32 to index
      %swap3A_484 = arith.constant 64 : index
      %swap3A_485 = tpu.vector_load %arg14[%swap3A_483, %swap3A_484] {strides = array<i32>} : memref<48x128xf32, #tpu.memory_space<vmem>>, vector<1x16xf32>,
      %swap3A_486 = vector.shape_cast %swap3A_485 : vector<1x16xf32> to vector<16xf32>
      %swap3A_487 = vector.shape_cast %max3A_482 : vector<16xf32> to vector<1x16xf32>
      tpu.vector_store %arg14[%swap3A_483, %swap3A_484], %swap3A_487 {strides = array<i32>} : memref<48x128xf32, #tpu.memory_space<vmem>>, vector<1x16xf32>,
      %get3A_488 = arith.index_cast %scan3A_368 : i32 to index
      %get3A_489 = arith.constant 80 : index
      %get3A_490 = tpu.vector_load %arg10[%get3A_488, %get3A_489] {strides = array<i32>} : memref<96x128xf32, #tpu.memory_space<vmem>>, vector<1x16xf32>,
      %get3A_491 = vector.shape_cast %get3A_490 : vector<1x16xf32> to vector<16xf32>
      %add3A_492 = arith.constant 48 : i32
      %add3A_493 = arith.addi %add3A_492, %scan3A_368 : i32
      %get3A_494 = arith.index_cast %add3A_493 : i32 to index
      %get3A_495 = arith.constant 80 : index
      %get3A_496 = tpu.vector_load %arg10[%get3A_494, %get3A_495] {strides = array<i32>} : memref<96x128xf32, #tpu.memory_space<vmem>>, vector<1x16xf32>,
      %get3A_497 = vector.shape_cast %get3A_496 : vector<1x16xf32> to vector<16xf32>
      %add3A_498 = arith.addf %get3A_491, %get3A_497 : vector<16xf32>
      %get3A_499 = arith.index_cast %scan3A_368 : i32 to index
      %get3A_500 = arith.constant 80 : index
      %get3A_501 = tpu.vector_load %arg12[%get3A_499, %get3A_500] {strides = array<i32>} : memref<48x128xf32, #tpu.memory_space<vmem>>, vector<1x16xf32>,
      %get3A_502 = vector.shape_cast %get3A_501 : vector<1x16xf32> to vector<16xf32>
      %add3A_503 = arith.addf %add3A_498, %get3A_502 : vector<16xf32>
      %max3A_504 = arith.constant 0.000000e+00 : f32
      %max3A_505 = vector.broadcast %max3A_504 : f32 to vector<16xf32>
      %max3A_506 = arith.maximumf %add3A_503, %max3A_505 : vector<16xf32>
      %swap3A_507 = arith.index_cast %scan3A_368 : i32 to index
      %swap3A_508 = arith.constant 80 : index
      %swap3A_509 = tpu.vector_load %arg14[%swap3A_507, %swap3A_508] {strides = array<i32>} : memref<48x128xf32, #tpu.memory_space<vmem>>, vector<1x16xf32>,
      %swap3A_510 = vector.shape_cast %swap3A_509 : vector<1x16xf32> to vector<16xf32>
      %swap3A_511 = vector.shape_cast %max3A_506 : vector<16xf32> to vector<1x16xf32>
      tpu.vector_store %arg14[%swap3A_507, %swap3A_508], %swap3A_511 {strides = array<i32>} : memref<48x128xf32, #tpu.memory_space<vmem>>, vector<1x16xf32>,
      %get3A_512 = arith.index_cast %scan3A_368 : i32 to index
      %get3A_513 = arith.constant 96 : index
      %get3A_514 = tpu.vector_load %arg10[%get3A_512, %get3A_513] {strides = array<i32>} : memref<96x128xf32, #tpu.memory_space<vmem>>, vector<1x16xf32>,
      %get3A_515 = vector.shape_cast %get3A_514 : vector<1x16xf32> to vector<16xf32>
      %add3A_516 = arith.constant 48 : i32
      %add3A_517 = arith.addi %add3A_516, %scan3A_368 : i32
      %get3A_518 = arith.index_cast %add3A_517 : i32 to index
      %get3A_519 = arith.constant 96 : index
      %get3A_520 = tpu.vector_load %arg10[%get3A_518, %get3A_519] {strides = array<i32>} : memref<96x128xf32, #tpu.memory_space<vmem>>, vector<1x16xf32>,
      %get3A_521 = vector.shape_cast %get3A_520 : vector<1x16xf32> to vector<16xf32>
      %add3A_522 = arith.addf %get3A_515, %get3A_521 : vector<16xf32>
      %get3A_523 = arith.index_cast %scan3A_368 : i32 to index
      %get3A_524 = arith.constant 96 : index
      %get3A_525 = tpu.vector_load %arg12[%get3A_523, %get3A_524] {strides = array<i32>} : memref<48x128xf32, #tpu.memory_space<vmem>>, vector<1x16xf32>,
      %get3A_526 = vector.shape_cast %get3A_525 : vector<1x16xf32> to vector<16xf32>
      %add3A_527 = arith.addf %add3A_522, %get3A_526 : vector<16xf32>
      %max3A_528 = arith.constant 0.000000e+00 : f32
      %max3A_529 = vector.broadcast %max3A_528 : f32 to vector<16xf32>
      %max3A_530 = arith.maximumf %add3A_527, %max3A_529 : vector<16xf32>
      %swap3A_531 = arith.index_cast %scan3A_368 : i32 to index
      %swap3A_532 = arith.constant 96 : index
      %swap3A_533 = tpu.vector_load %arg14[%swap3A_531, %swap3A_532] {strides = array<i32>} : memref<48x128xf32, #tpu.memory_space<vmem>>, vector<1x16xf32>,
      %swap3A_534 = vector.shape_cast %swap3A_533 : vector<1x16xf32> to vector<16xf32>
      %swap3A_535 = vector.shape_cast %max3A_530 : vector<16xf32> to vector<1x16xf32>
      tpu.vector_store %arg14[%swap3A_531, %swap3A_532], %swap3A_535 {strides = array<i32>} : memref<48x128xf32, #tpu.memory_space<vmem>>, vector<1x16xf32>,
      %get3A_536 = arith.index_cast %scan3A_368 : i32 to index
      %get3A_537 = arith.constant 112 : index
      %get3A_538 = tpu.vector_load %arg10[%get3A_536, %get3A_537] {strides = array<i32>} : memref<96x128xf32, #tpu.memory_space<vmem>>, vector<1x16xf32>,
      %get3A_539 = vector.shape_cast %get3A_538 : vector<1x16xf32> to vector<16xf32>
      %add3A_540 = arith.constant 48 : i32
      %add3A_541 = arith.addi %add3A_540, %scan3A_368 : i32
      %get3A_542 = arith.index_cast %add3A_541 : i32 to index
      %get3A_543 = arith.constant 112 : index
      %get3A_544 = tpu.vector_load %arg10[%get3A_542, %get3A_543] {strides = array<i32>} : memref<96x128xf32, #tpu.memory_space<vmem>>, vector<1x16xf32>,
      %get3A_545 = vector.shape_cast %get3A_544 : vector<1x16xf32> to vector<16xf32>
      %add3A_546 = arith.addf %get3A_539, %get3A_545 : vector<16xf32>
      %get3A_547 = arith.index_cast %scan3A_368 : i32 to index
      %get3A_548 = arith.constant 112 : index
      %get3A_549 = tpu.vector_load %arg12[%get3A_547, %get3A_548] {strides = array<i32>} : memref<48x128xf32, #tpu.memory_space<vmem>>, vector<1x16xf32>,
      %get3A_550 = vector.shape_cast %get3A_549 : vector<1x16xf32> to vector<16xf32>
      %add3A_551 = arith.addf %add3A_546, %get3A_550 : vector<16xf32>
      %max3A_552 = arith.constant 0.000000e+00 : f32
      %max3A_553 = vector.broadcast %max3A_552 : f32 to vector<16xf32>
      %max3A_554 = arith.maximumf %add3A_551, %max3A_553 : vector<16xf32>
      %swap3A_555 = arith.index_cast %scan3A_368 : i32 to index
      %swap3A_556 = arith.constant 112 : index
      %swap3A_557 = tpu.vector_load %arg14[%swap3A_555, %swap3A_556] {strides = array<i32>} : memref<48x128xf32, #tpu.memory_space<vmem>>, vector<1x16xf32>,
      %swap3A_558 = vector.shape_cast %swap3A_557 : vector<1x16xf32> to vector<16xf32>
      %swap3A_559 = vector.shape_cast %max3A_554 : vector<16xf32> to vector<1x16xf32>
      tpu.vector_store %arg14[%swap3A_555, %swap3A_556], %swap3A_559 {strides = array<i32>} : memref<48x128xf32, #tpu.memory_space<vmem>>, vector<1x16xf32>,
    }
    %scan3A_310 = arith.constant 48 : i32
    %dma_start3A_311 = arith.constant 0 : i32
    %dma_start3A_312 = arith.constant 0 : i32
    %dma_start3A_313 = tpu.memref_slice %arg6[%dma_start3A_311, %dma_start3A_312] : memref<10112x128xf32, #tpu.memory_space<vmem_shared>> -> memref<10112x128xf32, #tpu.memory_space<vmem_shared>>
    tpu.enqueue_indirect_dma source(%arg14 : memref<48x128xf32, #tpu.memory_space<vmem>>) target(%dma_start3A_313 : memref<10112x128xf32, #tpu.memory_space<vmem_shared>>) offsets(%arg16 : memref<48xi32, #tpu.memory_space<vmem>>) semaphore(%arg22 : memref<!tpu.dma_semaphore, #tpu.memory_space<semaphore_mem>>) {add = true}
    %dma_wait3A_314 = arith.constant 0 : i32
    %dma_wait3A_315 = arith.constant 0 : i32
    %dma_wait3A_316 = tpu.memref_slice %arg6[%dma_wait3A_314, %dma_wait3A_315] : memref<10112x128xf32, #tpu.memory_space<vmem_shared>> -> memref<10112x128xf32, #tpu.memory_space<vmem_shared>>
    tpu.wait_indirect_dma semaphore(%arg21 : memref<!tpu.dma_semaphore, #tpu.memory_space<semaphore_mem>>) src(%arg13 : memref<48x128xf32, #tpu.memory_space<vmem>>) dst(%dma_wait3A_316 : memref<10112x128xf32, #tpu.memory_space<vmem_shared>>)
    %dma_wait3A_317 = arith.constant 0 : i32
    %dma_wait3A_318 = arith.constant 0 : i32
    %dma_wait3A_319 = tpu.memref_slice %arg6[%dma_wait3A_317, %dma_wait3A_318] : memref<10112x128xf32, #tpu.memory_space<vmem_shared>> -> memref<10112x128xf32, #tpu.memory_space<vmem_shared>>
    tpu.wait_indirect_dma semaphore(%arg22 : memref<!tpu.dma_semaphore, #tpu.memory_space<semaphore_mem>>) src(%arg14 : memref<48x128xf32, #tpu.memory_space<vmem>>) dst(%dma_wait3A_319 : memref<10112x128xf32, #tpu.memory_space<vmem_shared>>)
    %barrier3A_320 = arith.constant 0 : index
    tpu.barrier barrier_id(%barrier3A_320)
    %mul3A_321 = arith.constant 10112 : i32
    %mul3A_322 = arith.muli %arg0, %mul3A_321 : i32
    %mul3A_323 = arith.constant 632 : i32
    %mul3A_324 = arith.muli %arg1, %mul3A_323 : i32
    %add3A_325 = arith.addi %mul3A_322, %mul3A_324 : i32
    %mul3A_326 = arith.constant 632 : i32
    %mul3A_327 = arith.muli %arg1, %mul3A_326 : i32
    %add3A_328 = arith.constant 0 : i32
    %add3A_329 = arith.addi %mul3A_327, %add3A_328 : i32
    "tpu.region"() ({
      %run_scoped3A = tpu.sem_alloc : memref<!tpu.dma_semaphore, #tpu.memory_space<semaphore_mem>>
      %dma_start3A_368 = arith.constant 0 : i32
      %dma_start3A_369 = arith.constant 0 : i32
      %dma_start3A_370 = tpu.memref_slice %arg9[%dma_start3A_368, %dma_start3A_369] : memref<96x128xf32, #tpu.memory_space<vmem>> -> memref<96x128xf32, #tpu.memory_space<vmem>>
      %dma_start3A_371 = arith.constant 0 : i32
      %dma_start3A_372 = tpu.memref_slice %arg6[%add3A_329, %dma_start3A_371] : memref<10112x128xf32, #tpu.memory_space<vmem_shared>> -> memref<96x128xf32, #tpu.memory_space<vmem_shared>>
      %dma_start3A_373 = arith.constant 0 : i32
      %dma_start3A_374 = arith.constant 0 : i32
      %dma_start3A_375 = tpu.memref_slice %arg9[%dma_start3A_373, %dma_start3A_374] : memref<96x128xf32, #tpu.memory_space<vmem>> -> memref<96x128xf32, #tpu.memory_space<vmem>>
      %dma_start3A_376 = arith.constant 0 : i32
      %dma_start3A_377 = tpu.memref_slice %arg6[%add3A_329, %dma_start3A_376] : memref<10112x128xf32, #tpu.memory_space<vmem_shared>> -> memref<96x128xf32, #tpu.memory_space<vmem_shared>>
      tpu.enqueue_dma source(%dma_start3A_377 : memref<96x128xf32, #tpu.memory_space<vmem_shared>>) target(%dma_start3A_375 : memref<96x128xf32, #tpu.memory_space<vmem>>) target_semaphore(%run_scoped3A : memref<!tpu.dma_semaphore, #tpu.memory_space<semaphore_mem>>)
      %dma_wait3A_378 = arith.constant 0 : i32
      %dma_wait3A_379 = arith.constant 0 : i32
      %dma_wait3A_380 = tpu.memref_slice %arg9[%dma_wait3A_378, %dma_wait3A_379] : memref<96x128xf32, #tpu.memory_space<vmem>> -> memref<96x128xf32, #tpu.memory_space<vmem>>
      %dma_wait3A_381 = arith.constant 0 : i32
      %dma_wait3A_382 = tpu.memref_slice %arg6[%add3A_329, %dma_wait3A_381] : memref<10112x128xf32, #tpu.memory_space<vmem_shared>> -> memref<96x128xf32, #tpu.memory_space<vmem_shared>>
      %dma_wait3A_383 = arith.constant 0 : i32
      %dma_wait3A_384 = arith.constant 0 : i32
      %dma_wait3A_385 = tpu.memref_slice %arg9[%dma_wait3A_383, %dma_wait3A_384] : memref<96x128xf32, #tpu.memory_space<vmem>> -> memref<96x128xf32, #tpu.memory_space<vmem>>
      %dma_wait3A_386 = arith.constant 0 : i32
      %dma_wait3A_387 = tpu.memref_slice %arg6[%add3A_329, %dma_wait3A_386] : memref<10112x128xf32, #tpu.memory_space<vmem_shared>> -> memref<96x128xf32, #tpu.memory_space<vmem_shared>>
      tpu.wait_dma2 semaphore(%run_scoped3A : memref<!tpu.dma_semaphore, #tpu.memory_space<semaphore_mem>>) src(%dma_wait3A_387 : memref<96x128xf32, #tpu.memory_space<vmem_shared>>) dst(%dma_wait3A_385 : memref<96x128xf32, #tpu.memory_space<vmem>>)
      tpu.yield
    }) : () -> ()
    %add3A_330 = arith.constant 0 : i32
    %add3A_331 = arith.addi %add3A_325, %add3A_330 : i32
    "tpu.region"() ({
      %run_scoped3A = tpu.sem_alloc : memref<!tpu.dma_semaphore, #tpu.memory_space<semaphore_mem>>
      %dma_start3A_368 = arith.constant 0 : i32
      %dma_start3A_369 = arith.constant 0 : i32
      %dma_start3A_370 = tpu.memref_slice %arg9[%dma_start3A_368, %dma_start3A_369] : memref<96x128xf32, #tpu.memory_space<vmem>> -> memref<96x128xf32, #tpu.memory_space<vmem>>
      %dma_start3A_371 = arith.constant 0 : i32
      %dma_start3A_372 = tpu.memref_slice %arg5[%add3A_331, %dma_start3A_371] : memref<20224x128xf32, #tpu.memory_space<hbm>> -> memref<96x128xf32, #tpu.memory_space<hbm>>
      %dma_start3A_373 = arith.constant 0 : i32
      %dma_start3A_374 = tpu.memref_slice %arg5[%add3A_331, %dma_start3A_373] : memref<20224x128xf32, #tpu.memory_space<hbm>> -> memref<96x128xf32, #tpu.memory_space<hbm>>
      %dma_start3A_375 = arith.constant 0 : i32
      %dma_start3A_376 = arith.constant 0 : i32
      %dma_start3A_377 = tpu.memref_slice %arg9[%dma_start3A_375, %dma_start3A_376] : memref<96x128xf32, #tpu.memory_space<vmem>> -> memref<96x128xf32, #tpu.memory_space<vmem>>
      tpu.enqueue_dma source(%dma_start3A_377 : memref<96x128xf32, #tpu.memory_space<vmem>>) target(%dma_start3A_374 : memref<96x128xf32, #tpu.memory_space<hbm>>) target_semaphore(%run_scoped3A : memref<!tpu.dma_semaphore, #tpu.memory_space<semaphore_mem>>)
      %dma_wait3A_378 = arith.constant 0 : i32
      %dma_wait3A_379 = arith.constant 0 : i32
      %dma_wait3A_380 = tpu.memref_slice %arg9[%dma_wait3A_378, %dma_wait3A_379] : memref<96x128xf32, #tpu.memory_space<vmem>> -> memref<96x128xf32, #tpu.memory_space<vmem>>
      %dma_wait3A_381 = arith.constant 0 : i32
      %dma_wait3A_382 = tpu.memref_slice %arg5[%add3A_331, %dma_wait3A_381] : memref<20224x128xf32, #tpu.memory_space<hbm>> -> memref<96x128xf32, #tpu.memory_space<hbm>>
      %dma_wait3A_383 = arith.constant 0 : i32
      %dma_wait3A_384 = tpu.memref_slice %arg5[%add3A_331, %dma_wait3A_383] : memref<20224x128xf32, #tpu.memory_space<hbm>> -> memref<96x128xf32, #tpu.memory_space<hbm>>
      %dma_wait3A_385 = arith.constant 0 : i32
      %dma_wait3A_386 = arith.constant 0 : i32
      %dma_wait3A_387 = tpu.memref_slice %arg9[%dma_wait3A_385, %dma_wait3A_386] : memref<96x128xf32, #tpu.memory_space<vmem>> -> memref<96x128xf32, #tpu.memory_space<vmem>>
      tpu.wait_dma2 semaphore(%run_scoped3A : memref<!tpu.dma_semaphore, #tpu.memory_space<semaphore_mem>>) src(%dma_wait3A_387 : memref<96x128xf32, #tpu.memory_space<vmem>>) dst(%dma_wait3A_384 : memref<96x128xf32, #tpu.memory_space<hbm>>)
      tpu.yield
    }) : () -> ()
    %mul3A_332 = arith.constant 632 : i32
    %mul3A_333 = arith.muli %arg1, %mul3A_332 : i32
    %add3A_334 = arith.constant 96 : i32
    %add3A_335 = arith.addi %mul3A_333, %add3A_334 : i32
    "tpu.region"() ({
      %run_scoped3A = tpu.sem_alloc : memref<!tpu.dma_semaphore, #tpu.memory_space<semaphore_mem>>
      %dma_start3A_368 = arith.constant 0 : i32
      %dma_start3A_369 = arith.constant 0 : i32
      %dma_start3A_370 = tpu.memref_slice %arg9[%dma_start3A_368, %dma_start3A_369] : memref<96x128xf32, #tpu.memory_space<vmem>> -> memref<96x128xf32, #tpu.memory_space<vmem>>
      %dma_start3A_371 = arith.constant 0 : i32
      %dma_start3A_372 = tpu.memref_slice %arg6[%add3A_335, %dma_start3A_371] : memref<10112x128xf32, #tpu.memory_space<vmem_shared>> -> memref<96x128xf32, #tpu.memory_space<vmem_shared>>
      %dma_start3A_373 = arith.constant 0 : i32
      %dma_start3A_374 = arith.constant 0 : i32
      %dma_start3A_375 = tpu.memref_slice %arg9[%dma_start3A_373, %dma_start3A_374] : memref<96x128xf32, #tpu.memory_space<vmem>> -> memref<96x128xf32, #tpu.memory_space<vmem>>
      %dma_start3A_376 = arith.constant 0 : i32
      %dma_start3A_377 = tpu.memref_slice %arg6[%add3A_335, %dma_start3A_376] : memref<10112x128xf32, #tpu.memory_space<vmem_shared>> -> memref<96x128xf32, #tpu.memory_space<vmem_shared>>
      tpu.enqueue_dma source(%dma_start3A_377 : memref<96x128xf32, #tpu.memory_space<vmem_shared>>) target(%dma_start3A_375 : memref<96x128xf32, #tpu.memory_space<vmem>>) target_semaphore(%run_scoped3A : memref<!tpu.dma_semaphore, #tpu.memory_space<semaphore_mem>>)
      %dma_wait3A_378 = arith.constant 0 : i32
      %dma_wait3A_379 = arith.constant 0 : i32
      %dma_wait3A_380 = tpu.memref_slice %arg9[%dma_wait3A_378, %dma_wait3A_379] : memref<96x128xf32, #tpu.memory_space<vmem>> -> memref<96x128xf32, #tpu.memory_space<vmem>>
      %dma_wait3A_381 = arith.constant 0 : i32
      %dma_wait3A_382 = tpu.memref_slice %arg6[%add3A_335, %dma_wait3A_381] : memref<10112x128xf32, #tpu.memory_space<vmem_shared>> -> memref<96x128xf32, #tpu.memory_space<vmem_shared>>
      %dma_wait3A_383 = arith.constant 0 : i32
      %dma_wait3A_384 = arith.constant 0 : i32
      %dma_wait3A_385 = tpu.memref_slice %arg9[%dma_wait3A_383, %dma_wait3A_384] : memref<96x128xf32, #tpu.memory_space<vmem>> -> memref<96x128xf32, #tpu.memory_space<vmem>>
      %dma_wait3A_386 = arith.constant 0 : i32
      %dma_wait3A_387 = tpu.memref_slice %arg6[%add3A_335, %dma_wait3A_386] : memref<10112x128xf32, #tpu.memory_space<vmem_shared>> -> memref<96x128xf32, #tpu.memory_space<vmem_shared>>
      tpu.wait_dma2 semaphore(%run_scoped3A : memref<!tpu.dma_semaphore, #tpu.memory_space<semaphore_mem>>) src(%dma_wait3A_387 : memref<96x128xf32, #tpu.memory_space<vmem_shared>>) dst(%dma_wait3A_385 : memref<96x128xf32, #tpu.memory_space<vmem>>)
      tpu.yield
    }) : () -> ()
    %add3A_336 = arith.constant 96 : i32
    %add3A_337 = arith.addi %add3A_325, %add3A_336 : i32
    "tpu.region"() ({
      %run_scoped3A = tpu.sem_alloc : memref<!tpu.dma_semaphore, #tpu.memory_space<semaphore_mem>>
      %dma_start3A_368 = arith.constant 0 : i32
      %dma_start3A_369 = arith.constant 0 : i32
      %dma_start3A_370 = tpu.memref_slice %arg9[%dma_start3A_368, %dma_start3A_369] : memref<96x128xf32, #tpu.memory_space<vmem>> -> memref<96x128xf32, #tpu.memory_space<vmem>>
      %dma_start3A_371 = arith.constant 0 : i32
      %dma_start3A_372 = tpu.memref_slice %arg5[%add3A_337, %dma_start3A_371] : memref<20224x128xf32, #tpu.memory_space<hbm>> -> memref<96x128xf32, #tpu.memory_space<hbm>>
      %dma_start3A_373 = arith.constant 0 : i32
      %dma_start3A_374 = tpu.memref_slice %arg5[%add3A_337, %dma_start3A_373] : memref<20224x128xf32, #tpu.memory_space<hbm>> -> memref<96x128xf32, #tpu.memory_space<hbm>>
      %dma_start3A_375 = arith.constant 0 : i32
      %dma_start3A_376 = arith.constant 0 : i32
      %dma_start3A_377 = tpu.memref_slice %arg9[%dma_start3A_375, %dma_start3A_376] : memref<96x128xf32, #tpu.memory_space<vmem>> -> memref<96x128xf32, #tpu.memory_space<vmem>>
      tpu.enqueue_dma source(%dma_start3A_377 : memref<96x128xf32, #tpu.memory_space<vmem>>) target(%dma_start3A_374 : memref<96x128xf32, #tpu.memory_space<hbm>>) target_semaphore(%run_scoped3A : memref<!tpu.dma_semaphore, #tpu.memory_space<semaphore_mem>>)
      %dma_wait3A_378 = arith.constant 0 : i32
      %dma_wait3A_379 = arith.constant 0 : i32
      %dma_wait3A_380 = tpu.memref_slice %arg9[%dma_wait3A_378, %dma_wait3A_379] : memref<96x128xf32, #tpu.memory_space<vmem>> -> memref<96x128xf32, #tpu.memory_space<vmem>>
      %dma_wait3A_381 = arith.constant 0 : i32
      %dma_wait3A_382 = tpu.memref_slice %arg5[%add3A_337, %dma_wait3A_381] : memref<20224x128xf32, #tpu.memory_space<hbm>> -> memref<96x128xf32, #tpu.memory_space<hbm>>
      %dma_wait3A_383 = arith.constant 0 : i32
      %dma_wait3A_384 = tpu.memref_slice %arg5[%add3A_337, %dma_wait3A_383] : memref<20224x128xf32, #tpu.memory_space<hbm>> -> memref<96x128xf32, #tpu.memory_space<hbm>>
      %dma_wait3A_385 = arith.constant 0 : i32
      %dma_wait3A_386 = arith.constant 0 : i32
      %dma_wait3A_387 = tpu.memref_slice %arg9[%dma_wait3A_385, %dma_wait3A_386] : memref<96x128xf32, #tpu.memory_space<vmem>> -> memref<96x128xf32, #tpu.memory_space<vmem>>
      tpu.wait_dma2 semaphore(%run_scoped3A : memref<!tpu.dma_semaphore, #tpu.memory_space<semaphore_mem>>) src(%dma_wait3A_387 : memref<96x128xf32, #tpu.memory_space<vmem>>) dst(%dma_wait3A_384 : memref<96x128xf32, #tpu.memory_space<hbm>>)
      tpu.yield
    }) : () -> ()
    %mul3A_338 = arith.constant 632 : i32
    %mul3A_339 = arith.muli %arg1, %mul3A_338 : i32
    %add3A_340 = arith.constant 192 : i32
    %add3A_341 = arith.addi %mul3A_339, %add3A_340 : i32
    "tpu.region"() ({
      %run_scoped3A = tpu.sem_alloc : memref<!tpu.dma_semaphore, #tpu.memory_space<semaphore_mem>>
      %dma_start3A_368 = arith.constant 0 : i32
      %dma_start3A_369 = arith.constant 0 : i32
      %dma_start3A_370 = tpu.memref_slice %arg9[%dma_start3A_368, %dma_start3A_369] : memref<96x128xf32, #tpu.memory_space<vmem>> -> memref<96x128xf32, #tpu.memory_space<vmem>>
      %dma_start3A_371 = arith.constant 0 : i32
      %dma_start3A_372 = tpu.memref_slice %arg6[%add3A_341, %dma_start3A_371] : memref<10112x128xf32, #tpu.memory_space<vmem_shared>> -> memref<96x128xf32, #tpu.memory_space<vmem_shared>>
      %dma_start3A_373 = arith.constant 0 : i32
      %dma_start3A_374 = arith.constant 0 : i32
      %dma_start3A_375 = tpu.memref_slice %arg9[%dma_start3A_373, %dma_start3A_374] : memref<96x128xf32, #tpu.memory_space<vmem>> -> memref<96x128xf32, #tpu.memory_space<vmem>>
      %dma_start3A_376 = arith.constant 0 : i32
      %dma_start3A_377 = tpu.memref_slice %arg6[%add3A_341, %dma_start3A_376] : memref<10112x128xf32, #tpu.memory_space<vmem_shared>> -> memref<96x128xf32, #tpu.memory_space<vmem_shared>>
      tpu.enqueue_dma source(%dma_start3A_377 : memref<96x128xf32, #tpu.memory_space<vmem_shared>>) target(%dma_start3A_375 : memref<96x128xf32, #tpu.memory_space<vmem>>) target_semaphore(%run_scoped3A : memref<!tpu.dma_semaphore, #tpu.memory_space<semaphore_mem>>)
      %dma_wait3A_378 = arith.constant 0 : i32
      %dma_wait3A_379 = arith.constant 0 : i32
      %dma_wait3A_380 = tpu.memref_slice %arg9[%dma_wait3A_378, %dma_wait3A_379] : memref<96x128xf32, #tpu.memory_space<vmem>> -> memref<96x128xf32, #tpu.memory_space<vmem>>
      %dma_wait3A_381 = arith.constant 0 : i32
      %dma_wait3A_382 = tpu.memref_slice %arg6[%add3A_341, %dma_wait3A_381] : memref<10112x128xf32, #tpu.memory_space<vmem_shared>> -> memref<96x128xf32, #tpu.memory_space<vmem_shared>>
      %dma_wait3A_383 = arith.constant 0 : i32
      %dma_wait3A_384 = arith.constant 0 : i32
      %dma_wait3A_385 = tpu.memref_slice %arg9[%dma_wait3A_383, %dma_wait3A_384] : memref<96x128xf32, #tpu.memory_space<vmem>> -> memref<96x128xf32, #tpu.memory_space<vmem>>
      %dma_wait3A_386 = arith.constant 0 : i32
      %dma_wait3A_387 = tpu.memref_slice %arg6[%add3A_341, %dma_wait3A_386] : memref<10112x128xf32, #tpu.memory_space<vmem_shared>> -> memref<96x128xf32, #tpu.memory_space<vmem_shared>>
      tpu.wait_dma2 semaphore(%run_scoped3A : memref<!tpu.dma_semaphore, #tpu.memory_space<semaphore_mem>>) src(%dma_wait3A_387 : memref<96x128xf32, #tpu.memory_space<vmem_shared>>) dst(%dma_wait3A_385 : memref<96x128xf32, #tpu.memory_space<vmem>>)
      tpu.yield
    }) : () -> ()
    %add3A_342 = arith.constant 192 : i32
    %add3A_343 = arith.addi %add3A_325, %add3A_342 : i32
    "tpu.region"() ({
      %run_scoped3A = tpu.sem_alloc : memref<!tpu.dma_semaphore, #tpu.memory_space<semaphore_mem>>
      %dma_start3A_368 = arith.constant 0 : i32
      %dma_start3A_369 = arith.constant 0 : i32
      %dma_start3A_370 = tpu.memref_slice %arg9[%dma_start3A_368, %dma_start3A_369] : memref<96x128xf32, #tpu.memory_space<vmem>> -> memref<96x128xf32, #tpu.memory_space<vmem>>
      %dma_start3A_371 = arith.constant 0 : i32
      %dma_start3A_372 = tpu.memref_slice %arg5[%add3A_343, %dma_start3A_371] : memref<20224x128xf32, #tpu.memory_space<hbm>> -> memref<96x128xf32, #tpu.memory_space<hbm>>
      %dma_start3A_373 = arith.constant 0 : i32
      %dma_start3A_374 = tpu.memref_slice %arg5[%add3A_343, %dma_start3A_373] : memref<20224x128xf32, #tpu.memory_space<hbm>> -> memref<96x128xf32, #tpu.memory_space<hbm>>
      %dma_start3A_375 = arith.constant 0 : i32
      %dma_start3A_376 = arith.constant 0 : i32
      %dma_start3A_377 = tpu.memref_slice %arg9[%dma_start3A_375, %dma_start3A_376] : memref<96x128xf32, #tpu.memory_space<vmem>> -> memref<96x128xf32, #tpu.memory_space<vmem>>
      tpu.enqueue_dma source(%dma_start3A_377 : memref<96x128xf32, #tpu.memory_space<vmem>>) target(%dma_start3A_374 : memref<96x128xf32, #tpu.memory_space<hbm>>) target_semaphore(%run_scoped3A : memref<!tpu.dma_semaphore, #tpu.memory_space<semaphore_mem>>)
      %dma_wait3A_378 = arith.constant 0 : i32
      %dma_wait3A_379 = arith.constant 0 : i32
      %dma_wait3A_380 = tpu.memref_slice %arg9[%dma_wait3A_378, %dma_wait3A_379] : memref<96x128xf32, #tpu.memory_space<vmem>> -> memref<96x128xf32, #tpu.memory_space<vmem>>
      %dma_wait3A_381 = arith.constant 0 : i32
      %dma_wait3A_382 = tpu.memref_slice %arg5[%add3A_343, %dma_wait3A_381] : memref<20224x128xf32, #tpu.memory_space<hbm>> -> memref<96x128xf32, #tpu.memory_space<hbm>>
      %dma_wait3A_383 = arith.constant 0 : i32
      %dma_wait3A_384 = tpu.memref_slice %arg5[%add3A_343, %dma_wait3A_383] : memref<20224x128xf32, #tpu.memory_space<hbm>> -> memref<96x128xf32, #tpu.memory_space<hbm>>
      %dma_wait3A_385 = arith.constant 0 : i32
      %dma_wait3A_386 = arith.constant 0 : i32
      %dma_wait3A_387 = tpu.memref_slice %arg9[%dma_wait3A_385, %dma_wait3A_386] : memref<96x128xf32, #tpu.memory_space<vmem>> -> memref<96x128xf32, #tpu.memory_space<vmem>>
      tpu.wait_dma2 semaphore(%run_scoped3A : memref<!tpu.dma_semaphore, #tpu.memory_space<semaphore_mem>>) src(%dma_wait3A_387 : memref<96x128xf32, #tpu.memory_space<vmem>>) dst(%dma_wait3A_384 : memref<96x128xf32, #tpu.memory_space<hbm>>)
      tpu.yield
    }) : () -> ()
    %mul3A_344 = arith.constant 632 : i32
    %mul3A_345 = arith.muli %arg1, %mul3A_344 : i32
    %add3A_346 = arith.constant 288 : i32
    %add3A_347 = arith.addi %mul3A_345, %add3A_346 : i32
    "tpu.region"() ({
      %run_scoped3A = tpu.sem_alloc : memref<!tpu.dma_semaphore, #tpu.memory_space<semaphore_mem>>
      %dma_start3A_368 = arith.constant 0 : i32
      %dma_start3A_369 = arith.constant 0 : i32
      %dma_start3A_370 = tpu.memref_slice %arg9[%dma_start3A_368, %dma_start3A_369] : memref<96x128xf32, #tpu.memory_space<vmem>> -> memref<96x128xf32, #tpu.memory_space<vmem>>
      %dma_start3A_371 = arith.constant 0 : i32
      %dma_start3A_372 = tpu.memref_slice %arg6[%add3A_347, %dma_start3A_371] : memref<10112x128xf32, #tpu.memory_space<vmem_shared>> -> memref<96x128xf32, #tpu.memory_space<vmem_shared>>
      %dma_start3A_373 = arith.constant 0 : i32
      %dma_start3A_374 = arith.constant 0 : i32
      %dma_start3A_375 = tpu.memref_slice %arg9[%dma_start3A_373, %dma_start3A_374] : memref<96x128xf32, #tpu.memory_space<vmem>> -> memref<96x128xf32, #tpu.memory_space<vmem>>
      %dma_start3A_376 = arith.constant 0 : i32
      %dma_start3A_377 = tpu.memref_slice %arg6[%add3A_347, %dma_start3A_376] : memref<10112x128xf32, #tpu.memory_space<vmem_shared>> -> memref<96x128xf32, #tpu.memory_space<vmem_shared>>
      tpu.enqueue_dma source(%dma_start3A_377 : memref<96x128xf32, #tpu.memory_space<vmem_shared>>) target(%dma_start3A_375 : memref<96x128xf32, #tpu.memory_space<vmem>>) target_semaphore(%run_scoped3A : memref<!tpu.dma_semaphore, #tpu.memory_space<semaphore_mem>>)
      %dma_wait3A_378 = arith.constant 0 : i32
      %dma_wait3A_379 = arith.constant 0 : i32
      %dma_wait3A_380 = tpu.memref_slice %arg9[%dma_wait3A_378, %dma_wait3A_379] : memref<96x128xf32, #tpu.memory_space<vmem>> -> memref<96x128xf32, #tpu.memory_space<vmem>>
      %dma_wait3A_381 = arith.constant 0 : i32
      %dma_wait3A_382 = tpu.memref_slice %arg6[%add3A_347, %dma_wait3A_381] : memref<10112x128xf32, #tpu.memory_space<vmem_shared>> -> memref<96x128xf32, #tpu.memory_space<vmem_shared>>
      %dma_wait3A_383 = arith.constant 0 : i32
      %dma_wait3A_384 = arith.constant 0 : i32
      %dma_wait3A_385 = tpu.memref_slice %arg9[%dma_wait3A_383, %dma_wait3A_384] : memref<96x128xf32, #tpu.memory_space<vmem>> -> memref<96x128xf32, #tpu.memory_space<vmem>>
      %dma_wait3A_386 = arith.constant 0 : i32
      %dma_wait3A_387 = tpu.memref_slice %arg6[%add3A_347, %dma_wait3A_386] : memref<10112x128xf32, #tpu.memory_space<vmem_shared>> -> memref<96x128xf32, #tpu.memory_space<vmem_shared>>
      tpu.wait_dma2 semaphore(%run_scoped3A : memref<!tpu.dma_semaphore, #tpu.memory_space<semaphore_mem>>) src(%dma_wait3A_387 : memref<96x128xf32, #tpu.memory_space<vmem_shared>>) dst(%dma_wait3A_385 : memref<96x128xf32, #tpu.memory_space<vmem>>)
      tpu.yield
    }) : () -> ()
    %add3A_348 = arith.constant 288 : i32
    %add3A_349 = arith.addi %add3A_325, %add3A_348 : i32
    "tpu.region"() ({
      %run_scoped3A = tpu.sem_alloc : memref<!tpu.dma_semaphore, #tpu.memory_space<semaphore_mem>>
      %dma_start3A_368 = arith.constant 0 : i32
      %dma_start3A_369 = arith.constant 0 : i32
      %dma_start3A_370 = tpu.memref_slice %arg9[%dma_start3A_368, %dma_start3A_369] : memref<96x128xf32, #tpu.memory_space<vmem>> -> memref<96x128xf32, #tpu.memory_space<vmem>>
      %dma_start3A_371 = arith.constant 0 : i32
      %dma_start3A_372 = tpu.memref_slice %arg5[%add3A_349, %dma_start3A_371] : memref<20224x128xf32, #tpu.memory_space<hbm>> -> memref<96x128xf32, #tpu.memory_space<hbm>>
      %dma_start3A_373 = arith.constant 0 : i32
      %dma_start3A_374 = tpu.memref_slice %arg5[%add3A_349, %dma_start3A_373] : memref<20224x128xf32, #tpu.memory_space<hbm>> -> memref<96x128xf32, #tpu.memory_space<hbm>>
      %dma_start3A_375 = arith.constant 0 : i32
      %dma_start3A_376 = arith.constant 0 : i32
      %dma_start3A_377 = tpu.memref_slice %arg9[%dma_start3A_375, %dma_start3A_376] : memref<96x128xf32, #tpu.memory_space<vmem>> -> memref<96x128xf32, #tpu.memory_space<vmem>>
      tpu.enqueue_dma source(%dma_start3A_377 : memref<96x128xf32, #tpu.memory_space<vmem>>) target(%dma_start3A_374 : memref<96x128xf32, #tpu.memory_space<hbm>>) target_semaphore(%run_scoped3A : memref<!tpu.dma_semaphore, #tpu.memory_space<semaphore_mem>>)
      %dma_wait3A_378 = arith.constant 0 : i32
      %dma_wait3A_379 = arith.constant 0 : i32
      %dma_wait3A_380 = tpu.memref_slice %arg9[%dma_wait3A_378, %dma_wait3A_379] : memref<96x128xf32, #tpu.memory_space<vmem>> -> memref<96x128xf32, #tpu.memory_space<vmem>>
      %dma_wait3A_381 = arith.constant 0 : i32
      %dma_wait3A_382 = tpu.memref_slice %arg5[%add3A_349, %dma_wait3A_381] : memref<20224x128xf32, #tpu.memory_space<hbm>> -> memref<96x128xf32, #tpu.memory_space<hbm>>
      %dma_wait3A_383 = arith.constant 0 : i32
      %dma_wait3A_384 = tpu.memref_slice %arg5[%add3A_349, %dma_wait3A_383] : memref<20224x128xf32, #tpu.memory_space<hbm>> -> memref<96x128xf32, #tpu.memory_space<hbm>>
      %dma_wait3A_385 = arith.constant 0 : i32
      %dma_wait3A_386 = arith.constant 0 : i32
      %dma_wait3A_387 = tpu.memref_slice %arg9[%dma_wait3A_385, %dma_wait3A_386] : memref<96x128xf32, #tpu.memory_space<vmem>> -> memref<96x128xf32, #tpu.memory_space<vmem>>
      tpu.wait_dma2 semaphore(%run_scoped3A : memref<!tpu.dma_semaphore, #tpu.memory_space<semaphore_mem>>) src(%dma_wait3A_387 : memref<96x128xf32, #tpu.memory_space<vmem>>) dst(%dma_wait3A_384 : memref<96x128xf32, #tpu.memory_space<hbm>>)
      tpu.yield
    }) : () -> ()
    %mul3A_350 = arith.constant 632 : i32
    %mul3A_351 = arith.muli %arg1, %mul3A_350 : i32
    %add3A_352 = arith.constant 384 : i32
    %add3A_353 = arith.addi %mul3A_351, %add3A_352 : i32
    "tpu.region"() ({
      %run_scoped3A = tpu.sem_alloc : memref<!tpu.dma_semaphore, #tpu.memory_space<semaphore_mem>>
      %dma_start3A_368 = arith.constant 0 : i32
      %dma_start3A_369 = arith.constant 0 : i32
      %dma_start3A_370 = tpu.memref_slice %arg9[%dma_start3A_368, %dma_start3A_369] : memref<96x128xf32, #tpu.memory_space<vmem>> -> memref<96x128xf32, #tpu.memory_space<vmem>>
      %dma_start3A_371 = arith.constant 0 : i32
      %dma_start3A_372 = tpu.memref_slice %arg6[%add3A_353, %dma_start3A_371] : memref<10112x128xf32, #tpu.memory_space<vmem_shared>> -> memref<96x128xf32, #tpu.memory_space<vmem_shared>>
      %dma_start3A_373 = arith.constant 0 : i32
      %dma_start3A_374 = arith.constant 0 : i32
      %dma_start3A_375 = tpu.memref_slice %arg9[%dma_start3A_373, %dma_start3A_374] : memref<96x128xf32, #tpu.memory_space<vmem>> -> memref<96x128xf32, #tpu.memory_space<vmem>>
      %dma_start3A_376 = arith.constant 0 : i32
      %dma_start3A_377 = tpu.memref_slice %arg6[%add3A_353, %dma_start3A_376] : memref<10112x128xf32, #tpu.memory_space<vmem_shared>> -> memref<96x128xf32, #tpu.memory_space<vmem_shared>>
      tpu.enqueue_dma source(%dma_start3A_377 : memref<96x128xf32, #tpu.memory_space<vmem_shared>>) target(%dma_start3A_375 : memref<96x128xf32, #tpu.memory_space<vmem>>) target_semaphore(%run_scoped3A : memref<!tpu.dma_semaphore, #tpu.memory_space<semaphore_mem>>)
      %dma_wait3A_378 = arith.constant 0 : i32
      %dma_wait3A_379 = arith.constant 0 : i32
      %dma_wait3A_380 = tpu.memref_slice %arg9[%dma_wait3A_378, %dma_wait3A_379] : memref<96x128xf32, #tpu.memory_space<vmem>> -> memref<96x128xf32, #tpu.memory_space<vmem>>
      %dma_wait3A_381 = arith.constant 0 : i32
      %dma_wait3A_382 = tpu.memref_slice %arg6[%add3A_353, %dma_wait3A_381] : memref<10112x128xf32, #tpu.memory_space<vmem_shared>> -> memref<96x128xf32, #tpu.memory_space<vmem_shared>>
      %dma_wait3A_383 = arith.constant 0 : i32
      %dma_wait3A_384 = arith.constant 0 : i32
      %dma_wait3A_385 = tpu.memref_slice %arg9[%dma_wait3A_383, %dma_wait3A_384] : memref<96x128xf32, #tpu.memory_space<vmem>> -> memref<96x128xf32, #tpu.memory_space<vmem>>
      %dma_wait3A_386 = arith.constant 0 : i32
      %dma_wait3A_387 = tpu.memref_slice %arg6[%add3A_353, %dma_wait3A_386] : memref<10112x128xf32, #tpu.memory_space<vmem_shared>> -> memref<96x128xf32, #tpu.memory_space<vmem_shared>>
      tpu.wait_dma2 semaphore(%run_scoped3A : memref<!tpu.dma_semaphore, #tpu.memory_space<semaphore_mem>>) src(%dma_wait3A_387 : memref<96x128xf32, #tpu.memory_space<vmem_shared>>) dst(%dma_wait3A_385 : memref<96x128xf32, #tpu.memory_space<vmem>>)
      tpu.yield
    }) : () -> ()
    %add3A_354 = arith.constant 384 : i32
    %add3A_355 = arith.addi %add3A_325, %add3A_354 : i32
    "tpu.region"() ({
      %run_scoped3A = tpu.sem_alloc : memref<!tpu.dma_semaphore, #tpu.memory_space<semaphore_mem>>
      %dma_start3A_368 = arith.constant 0 : i32
      %dma_start3A_369 = arith.constant 0 : i32
      %dma_start3A_370 = tpu.memref_slice %arg9[%dma_start3A_368, %dma_start3A_369] : memref<96x128xf32, #tpu.memory_space<vmem>> -> memref<96x128xf32, #tpu.memory_space<vmem>>
      %dma_start3A_371 = arith.constant 0 : i32
      %dma_start3A_372 = tpu.memref_slice %arg5[%add3A_355, %dma_start3A_371] : memref<20224x128xf32, #tpu.memory_space<hbm>> -> memref<96x128xf32, #tpu.memory_space<hbm>>
      %dma_start3A_373 = arith.constant 0 : i32
      %dma_start3A_374 = tpu.memref_slice %arg5[%add3A_355, %dma_start3A_373] : memref<20224x128xf32, #tpu.memory_space<hbm>> -> memref<96x128xf32, #tpu.memory_space<hbm>>
      %dma_start3A_375 = arith.constant 0 : i32
      %dma_start3A_376 = arith.constant 0 : i32
      %dma_start3A_377 = tpu.memref_slice %arg9[%dma_start3A_375, %dma_start3A_376] : memref<96x128xf32, #tpu.memory_space<vmem>> -> memref<96x128xf32, #tpu.memory_space<vmem>>
      tpu.enqueue_dma source(%dma_start3A_377 : memref<96x128xf32, #tpu.memory_space<vmem>>) target(%dma_start3A_374 : memref<96x128xf32, #tpu.memory_space<hbm>>) target_semaphore(%run_scoped3A : memref<!tpu.dma_semaphore, #tpu.memory_space<semaphore_mem>>)
      %dma_wait3A_378 = arith.constant 0 : i32
      %dma_wait3A_379 = arith.constant 0 : i32
      %dma_wait3A_380 = tpu.memref_slice %arg9[%dma_wait3A_378, %dma_wait3A_379] : memref<96x128xf32, #tpu.memory_space<vmem>> -> memref<96x128xf32, #tpu.memory_space<vmem>>
      %dma_wait3A_381 = arith.constant 0 : i32
      %dma_wait3A_382 = tpu.memref_slice %arg5[%add3A_355, %dma_wait3A_381] : memref<20224x128xf32, #tpu.memory_space<hbm>> -> memref<96x128xf32, #tpu.memory_space<hbm>>
      %dma_wait3A_383 = arith.constant 0 : i32
      %dma_wait3A_384 = tpu.memref_slice %arg5[%add3A_355, %dma_wait3A_383] : memref<20224x128xf32, #tpu.memory_space<hbm>> -> memref<96x128xf32, #tpu.memory_space<hbm>>
      %dma_wait3A_385 = arith.constant 0 : i32
      %dma_wait3A_386 = arith.constant 0 : i32
      %dma_wait3A_387 = tpu.memref_slice %arg9[%dma_wait3A_385, %dma_wait3A_386] : memref<96x128xf32, #tpu.memory_space<vmem>> -> memref<96x128xf32, #tpu.memory_space<vmem>>
      tpu.wait_dma2 semaphore(%run_scoped3A : memref<!tpu.dma_semaphore, #tpu.memory_space<semaphore_mem>>) src(%dma_wait3A_387 : memref<96x128xf32, #tpu.memory_space<vmem>>) dst(%dma_wait3A_384 : memref<96x128xf32, #tpu.memory_space<hbm>>)
      tpu.yield
    }) : () -> ()
    %mul3A_356 = arith.constant 632 : i32
    %mul3A_357 = arith.muli %arg1, %mul3A_356 : i32
    %add3A_358 = arith.constant 480 : i32
    %add3A_359 = arith.addi %mul3A_357, %add3A_358 : i32
    "tpu.region"() ({
      %run_scoped3A = tpu.sem_alloc : memref<!tpu.dma_semaphore, #tpu.memory_space<semaphore_mem>>
      %dma_start3A_368 = arith.constant 0 : i32
      %dma_start3A_369 = arith.constant 0 : i32
      %dma_start3A_370 = tpu.memref_slice %arg9[%dma_start3A_368, %dma_start3A_369] : memref<96x128xf32, #tpu.memory_space<vmem>> -> memref<96x128xf32, #tpu.memory_space<vmem>>
      %dma_start3A_371 = arith.constant 0 : i32
      %dma_start3A_372 = tpu.memref_slice %arg6[%add3A_359, %dma_start3A_371] : memref<10112x128xf32, #tpu.memory_space<vmem_shared>> -> memref<96x128xf32, #tpu.memory_space<vmem_shared>>
      %dma_start3A_373 = arith.constant 0 : i32
      %dma_start3A_374 = arith.constant 0 : i32
      %dma_start3A_375 = tpu.memref_slice %arg9[%dma_start3A_373, %dma_start3A_374] : memref<96x128xf32, #tpu.memory_space<vmem>> -> memref<96x128xf32, #tpu.memory_space<vmem>>
      %dma_start3A_376 = arith.constant 0 : i32
      %dma_start3A_377 = tpu.memref_slice %arg6[%add3A_359, %dma_start3A_376] : memref<10112x128xf32, #tpu.memory_space<vmem_shared>> -> memref<96x128xf32, #tpu.memory_space<vmem_shared>>
      tpu.enqueue_dma source(%dma_start3A_377 : memref<96x128xf32, #tpu.memory_space<vmem_shared>>) target(%dma_start3A_375 : memref<96x128xf32, #tpu.memory_space<vmem>>) target_semaphore(%run_scoped3A : memref<!tpu.dma_semaphore, #tpu.memory_space<semaphore_mem>>)
      %dma_wait3A_378 = arith.constant 0 : i32
      %dma_wait3A_379 = arith.constant 0 : i32
      %dma_wait3A_380 = tpu.memref_slice %arg9[%dma_wait3A_378, %dma_wait3A_379] : memref<96x128xf32, #tpu.memory_space<vmem>> -> memref<96x128xf32, #tpu.memory_space<vmem>>
      %dma_wait3A_381 = arith.constant 0 : i32
      %dma_wait3A_382 = tpu.memref_slice %arg6[%add3A_359, %dma_wait3A_381] : memref<10112x128xf32, #tpu.memory_space<vmem_shared>> -> memref<96x128xf32, #tpu.memory_space<vmem_shared>>
      %dma_wait3A_383 = arith.constant 0 : i32
      %dma_wait3A_384 = arith.constant 0 : i32
      %dma_wait3A_385 = tpu.memref_slice %arg9[%dma_wait3A_383, %dma_wait3A_384] : memref<96x128xf32, #tpu.memory_space<vmem>> -> memref<96x128xf32, #tpu.memory_space<vmem>>
      %dma_wait3A_386 = arith.constant 0 : i32
      %dma_wait3A_387 = tpu.memref_slice %arg6[%add3A_359, %dma_wait3A_386] : memref<10112x128xf32, #tpu.memory_space<vmem_shared>> -> memref<96x128xf32, #tpu.memory_space<vmem_shared>>
      tpu.wait_dma2 semaphore(%run_scoped3A : memref<!tpu.dma_semaphore, #tpu.memory_space<semaphore_mem>>) src(%dma_wait3A_387 : memref<96x128xf32, #tpu.memory_space<vmem_shared>>) dst(%dma_wait3A_385 : memref<96x128xf32, #tpu.memory_space<vmem>>)
      tpu.yield
    }) : () -> ()
    %add3A_360 = arith.constant 480 : i32
    %add3A_361 = arith.addi %add3A_325, %add3A_360 : i32
    "tpu.region"() ({
      %run_scoped3A = tpu.sem_alloc : memref<!tpu.dma_semaphore, #tpu.memory_space<semaphore_mem>>
      %dma_start3A_368 = arith.constant 0 : i32
      %dma_start3A_369 = arith.constant 0 : i32
      %dma_start3A_370 = tpu.memref_slice %arg9[%dma_start3A_368, %dma_start3A_369] : memref<96x128xf32, #tpu.memory_space<vmem>> -> memref<96x128xf32, #tpu.memory_space<vmem>>
      %dma_start3A_371 = arith.constant 0 : i32
      %dma_start3A_372 = tpu.memref_slice %arg5[%add3A_361, %dma_start3A_371] : memref<20224x128xf32, #tpu.memory_space<hbm>> -> memref<96x128xf32, #tpu.memory_space<hbm>>
      %dma_start3A_373 = arith.constant 0 : i32
      %dma_start3A_374 = tpu.memref_slice %arg5[%add3A_361, %dma_start3A_373] : memref<20224x128xf32, #tpu.memory_space<hbm>> -> memref<96x128xf32, #tpu.memory_space<hbm>>
      %dma_start3A_375 = arith.constant 0 : i32
      %dma_start3A_376 = arith.constant 0 : i32
      %dma_start3A_377 = tpu.memref_slice %arg9[%dma_start3A_375, %dma_start3A_376] : memref<96x128xf32, #tpu.memory_space<vmem>> -> memref<96x128xf32, #tpu.memory_space<vmem>>
      tpu.enqueue_dma source(%dma_start3A_377 : memref<96x128xf32, #tpu.memory_space<vmem>>) target(%dma_start3A_374 : memref<96x128xf32, #tpu.memory_space<hbm>>) target_semaphore(%run_scoped3A : memref<!tpu.dma_semaphore, #tpu.memory_space<semaphore_mem>>)
      %dma_wait3A_378 = arith.constant 0 : i32
      %dma_wait3A_379 = arith.constant 0 : i32
      %dma_wait3A_380 = tpu.memref_slice %arg9[%dma_wait3A_378, %dma_wait3A_379] : memref<96x128xf32, #tpu.memory_space<vmem>> -> memref<96x128xf32, #tpu.memory_space<vmem>>
      %dma_wait3A_381 = arith.constant 0 : i32
      %dma_wait3A_382 = tpu.memref_slice %arg5[%add3A_361, %dma_wait3A_381] : memref<20224x128xf32, #tpu.memory_space<hbm>> -> memref<96x128xf32, #tpu.memory_space<hbm>>
      %dma_wait3A_383 = arith.constant 0 : i32
      %dma_wait3A_384 = tpu.memref_slice %arg5[%add3A_361, %dma_wait3A_383] : memref<20224x128xf32, #tpu.memory_space<hbm>> -> memref<96x128xf32, #tpu.memory_space<hbm>>
      %dma_wait3A_385 = arith.constant 0 : i32
      %dma_wait3A_386 = arith.constant 0 : i32
      %dma_wait3A_387 = tpu.memref_slice %arg9[%dma_wait3A_385, %dma_wait3A_386] : memref<96x128xf32, #tpu.memory_space<vmem>> -> memref<96x128xf32, #tpu.memory_space<vmem>>
      tpu.wait_dma2 semaphore(%run_scoped3A : memref<!tpu.dma_semaphore, #tpu.memory_space<semaphore_mem>>) src(%dma_wait3A_387 : memref<96x128xf32, #tpu.memory_space<vmem>>) dst(%dma_wait3A_384 : memref<96x128xf32, #tpu.memory_space<hbm>>)
      tpu.yield
    }) : () -> ()
    %mul3A_362 = arith.constant 632 : i32
    %mul3A_363 = arith.muli %arg1, %mul3A_362 : i32
    %add3A_364 = arith.constant 576 : i32
    %add3A_365 = arith.addi %mul3A_363, %add3A_364 : i32
    "tpu.region"() ({
      %run_scoped3A = tpu.sem_alloc : memref<!tpu.dma_semaphore, #tpu.memory_space<semaphore_mem>>
      %dma_start3A_368 = arith.constant 0 : i32
      %dma_start3A_369 = arith.constant 0 : i32
      %dma_start3A_370 = tpu.memref_slice %arg9[%dma_start3A_368, %dma_start3A_369] : memref<96x128xf32, #tpu.memory_space<vmem>> -> memref<56x128xf32, #tpu.memory_space<vmem>>
      %dma_start3A_371 = arith.constant 0 : i32
      %dma_start3A_372 = tpu.memref_slice %arg6[%add3A_365, %dma_start3A_371] : memref<10112x128xf32, #tpu.memory_space<vmem_shared>> -> memref<56x128xf32, #tpu.memory_space<vmem_shared>>
      %dma_start3A_373 = arith.constant 0 : i32
      %dma_start3A_374 = arith.constant 0 : i32
      %dma_start3A_375 = tpu.memref_slice %arg9[%dma_start3A_373, %dma_start3A_374] : memref<96x128xf32, #tpu.memory_space<vmem>> -> memref<56x128xf32, #tpu.memory_space<vmem>>
      %dma_start3A_376 = arith.constant 0 : i32
      %dma_start3A_377 = tpu.memref_slice %arg6[%add3A_365, %dma_start3A_376] : memref<10112x128xf32, #tpu.memory_space<vmem_shared>> -> memref<56x128xf32, #tpu.memory_space<vmem_shared>>
      tpu.enqueue_dma source(%dma_start3A_377 : memref<56x128xf32, #tpu.memory_space<vmem_shared>>) target(%dma_start3A_375 : memref<56x128xf32, #tpu.memory_space<vmem>>) target_semaphore(%run_scoped3A : memref<!tpu.dma_semaphore, #tpu.memory_space<semaphore_mem>>)
      %dma_wait3A_378 = arith.constant 0 : i32
      %dma_wait3A_379 = arith.constant 0 : i32
      %dma_wait3A_380 = tpu.memref_slice %arg9[%dma_wait3A_378, %dma_wait3A_379] : memref<96x128xf32, #tpu.memory_space<vmem>> -> memref<56x128xf32, #tpu.memory_space<vmem>>
      %dma_wait3A_381 = arith.constant 0 : i32
      %dma_wait3A_382 = tpu.memref_slice %arg6[%add3A_365, %dma_wait3A_381] : memref<10112x128xf32, #tpu.memory_space<vmem_shared>> -> memref<56x128xf32, #tpu.memory_space<vmem_shared>>
      %dma_wait3A_383 = arith.constant 0 : i32
      %dma_wait3A_384 = arith.constant 0 : i32
      %dma_wait3A_385 = tpu.memref_slice %arg9[%dma_wait3A_383, %dma_wait3A_384] : memref<96x128xf32, #tpu.memory_space<vmem>> -> memref<56x128xf32, #tpu.memory_space<vmem>>
      %dma_wait3A_386 = arith.constant 0 : i32
      %dma_wait3A_387 = tpu.memref_slice %arg6[%add3A_365, %dma_wait3A_386] : memref<10112x128xf32, #tpu.memory_space<vmem_shared>> -> memref<56x128xf32, #tpu.memory_space<vmem_shared>>
      tpu.wait_dma2 semaphore(%run_scoped3A : memref<!tpu.dma_semaphore, #tpu.memory_space<semaphore_mem>>) src(%dma_wait3A_387 : memref<56x128xf32, #tpu.memory_space<vmem_shared>>) dst(%dma_wait3A_385 : memref<56x128xf32, #tpu.memory_space<vmem>>)
      tpu.yield
    }) : () -> ()
    %add3A_366 = arith.constant 576 : i32
    %add3A_367 = arith.addi %add3A_325, %add3A_366 : i32
    "tpu.region"() ({
      %run_scoped3A = tpu.sem_alloc : memref<!tpu.dma_semaphore, #tpu.memory_space<semaphore_mem>>
      %dma_start3A_368 = arith.constant 0 : i32
      %dma_start3A_369 = arith.constant 0 : i32
      %dma_start3A_370 = tpu.memref_slice %arg9[%dma_start3A_368, %dma_start3A_369] : memref<96x128xf32, #tpu.memory_space<vmem>> -> memref<56x128xf32, #tpu.memory_space<vmem>>
      %dma_start3A_371 = arith.constant 0 : i32
      %dma_start3A_372 = tpu.memref_slice %arg5[%add3A_367, %dma_start3A_371] : memref<20224x128xf32, #tpu.memory_space<hbm>> -> memref<56x128xf32, #tpu.memory_space<hbm>>
      %dma_start3A_373 = arith.constant 0 : i32
      %dma_start3A_374 = tpu.memref_slice %arg5[%add3A_367, %dma_start3A_373] : memref<20224x128xf32, #tpu.memory_space<hbm>> -> memref<56x128xf32, #tpu.memory_space<hbm>>
      %dma_start3A_375 = arith.constant 0 : i32
      %dma_start3A_376 = arith.constant 0 : i32
      %dma_start3A_377 = tpu.memref_slice %arg9[%dma_start3A_375, %dma_start3A_376] : memref<96x128xf32, #tpu.memory_space<vmem>> -> memref<56x128xf32, #tpu.memory_space<vmem>>
      tpu.enqueue_dma source(%dma_start3A_377 : memref<56x128xf32, #tpu.memory_space<vmem>>) target(%dma_start3A_374 : memref<56x128xf32, #tpu.memory_space<hbm>>) target_semaphore(%run_scoped3A : memref<!tpu.dma_semaphore, #tpu.memory_space<semaphore_mem>>)
      %dma_wait3A_378 = arith.constant 0 : i32
      %dma_wait3A_379 = arith.constant 0 : i32
      %dma_wait3A_380 = tpu.memref_slice %arg9[%dma_wait3A_378, %dma_wait3A_379] : memref<96x128xf32, #tpu.memory_space<vmem>> -> memref<56x128xf32, #tpu.memory_space<vmem>>
      %dma_wait3A_381 = arith.constant 0 : i32
      %dma_wait3A_382 = tpu.memref_slice %arg5[%add3A_367, %dma_wait3A_381] : memref<20224x128xf32, #tpu.memory_space<hbm>> -> memref<56x128xf32, #tpu.memory_space<hbm>>
      %dma_wait3A_383 = arith.constant 0 : i32
      %dma_wait3A_384 = tpu.memref_slice %arg5[%add3A_367, %dma_wait3A_383] : memref<20224x128xf32, #tpu.memory_space<hbm>> -> memref<56x128xf32, #tpu.memory_space<hbm>>
      %dma_wait3A_385 = arith.constant 0 : i32
      %dma_wait3A_386 = arith.constant 0 : i32
      %dma_wait3A_387 = tpu.memref_slice %arg9[%dma_wait3A_385, %dma_wait3A_386] : memref<96x128xf32, #tpu.memory_space<vmem>> -> memref<56x128xf32, #tpu.memory_space<vmem>>
      tpu.wait_dma2 semaphore(%run_scoped3A : memref<!tpu.dma_semaphore, #tpu.memory_space<semaphore_mem>>) src(%dma_wait3A_387 : memref<56x128xf32, #tpu.memory_space<vmem>>) dst(%dma_wait3A_384 : memref<56x128xf32, #tpu.memory_space<hbm>>)
      tpu.yield
    }) : () -> ()
    return
  }
}

module attributes {stable_mosaic.version = 14 : i64} {
  func.func @_pre_body(%arg0: memref<10112x128xf32, #tpu.memory_space<vmem>>, %arg1: memref<128x128xf32, #tpu.memory_space<vmem>>, %arg2: memref<128x128xf32, #tpu.memory_space<vmem>>, %arg3: memref<20224x128xf32, #tpu.memory_space<vmem>>) attributes {dimension_semantics = [], scalar_prefetch = 0 : i64, scratch_operands = 0 : i64, tpu.core_type = #tpu.core_type<tc>} {
    %get3A = arith.constant 0 : index
    %get3A_0 = arith.constant 0 : index
    %get3A_1 = vector.load %arg0[%get3A, %get3A_0] : memref<10112x128xf32, #tpu.memory_space<vmem>>, vector<10112x128xf32>
    %get3A_2 = arith.constant 0 : index
    %get3A_3 = arith.constant 0 : index
    %get3A_4 = vector.load %arg1[%get3A_2, %get3A_3] : memref<128x128xf32, #tpu.memory_space<vmem>>, vector<128x128xf32>
    %dot_general3A = arith.constant dense<0.000000e+00> : vector<10112x128xf32>
    %dot_general3A_5 = tpu.matmul %get3A_1, %get3A_4, %dot_general3A {dimension_numbers = #tpu.dot_dimension_numbers<[1], [0], [0], [1], [0, 0, 1, 1], [], []>, transpose_lhs_hint = false} : vector<10112x128xf32>, vector<128x128xf32>, vector<10112x128xf32> -> vector<10112x128xf32>
    %swap3A = arith.constant 0 : index
    %swap3A_6 = arith.constant 0 : index
    %swap3A_7 = vector.load %arg3[%swap3A, %swap3A_6] : memref<20224x128xf32, #tpu.memory_space<vmem>>, vector<10112x128xf32>
    tpu.vector_store %arg3[%swap3A, %swap3A_6], %dot_general3A_5 {strides = array<i32>} : memref<20224x128xf32, #tpu.memory_space<vmem>>, vector<10112x128xf32>,
    %get3A_8 = arith.constant 0 : index
    %get3A_9 = arith.constant 0 : index
    %get3A_10 = vector.load %arg2[%get3A_8, %get3A_9] : memref<128x128xf32, #tpu.memory_space<vmem>>, vector<128x128xf32>
    %dot_general3A_11 = arith.constant dense<0.000000e+00> : vector<10112x128xf32>
    %dot_general3A_12 = tpu.matmul %get3A_1, %get3A_10, %dot_general3A_11 {dimension_numbers = #tpu.dot_dimension_numbers<[1], [0], [0], [1], [0, 0, 1, 1], [], []>, transpose_lhs_hint = false} : vector<10112x128xf32>, vector<128x128xf32>, vector<10112x128xf32> -> vector<10112x128xf32>
    %swap3A_13 = arith.constant 10112 : index
    %swap3A_14 = arith.constant 0 : index
    %swap3A_15 = vector.load %arg3[%swap3A_13, %swap3A_14] : memref<20224x128xf32, #tpu.memory_space<vmem>>, vector<10112x128xf32>
    tpu.vector_store %arg3[%swap3A_13, %swap3A_14], %dot_general3A_12 {strides = array<i32>} : memref<20224x128xf32, #tpu.memory_space<vmem>>, vector<10112x128xf32>,
    return
  }
}

module attributes {stable_mosaic.version = 14 : i64} {
  func.func @_eproj_body(%arg0: i32, %arg1: memref<8192x16xf32, #tpu.memory_space<vmem>>, %arg2: memref<16x128xf32, #tpu.memory_space<vmem>>, %arg3: memref<1x128xf32, #tpu.memory_space<vmem>>, %arg4: memref<8192x128xf32, #tpu.memory_space<vmem>>) attributes {dimension_semantics = [#tpu.dimension_semantics<arbitrary>], iteration_bounds = array<i64: 40>, scalar_prefetch = 0 : i64, scratch_operands = 0 : i64, tpu.core_type = #tpu.core_type<tc>, window_params = [{transform_indices = @transform_0, window_bounds = array<i64: 8192, 16>}, {pipeline_mode = #tpu.pipeline_mode<synchronous>, transform_indices = @transform_1, window_bounds = array<i64: 16, 128>}, {pipeline_mode = #tpu.pipeline_mode<synchronous>, transform_indices = @transform_2, window_bounds = array<i64: 1, 128>}, {transform_indices = @transform_3, window_bounds = array<i64: 8192, 128>}]} {
    %get3A = arith.constant 0 : index
    %get3A_0 = arith.constant 0 : index
    %get3A_1 = vector.load %arg1[%get3A, %get3A_0] : memref<8192x16xf32, #tpu.memory_space<vmem>>, vector<8192x16xf32>
    %get3A_2 = arith.constant 0 : index
    %get3A_3 = arith.constant 0 : index
    %get3A_4 = vector.load %arg2[%get3A_2, %get3A_3] : memref<16x128xf32, #tpu.memory_space<vmem>>, vector<16x128xf32>
    %dot_general3A = arith.constant dense<0.000000e+00> : vector<8192x128xf32>
    %dot_general3A_5 = tpu.matmul %get3A_1, %get3A_4, %dot_general3A {dimension_numbers = #tpu.dot_dimension_numbers<[1], [0], [0], [1], [0, 0, 1, 1], [], []>, transpose_lhs_hint = false} : vector<8192x16xf32>, vector<16x128xf32>, vector<8192x128xf32> -> vector<8192x128xf32>
    %get3A_6 = arith.constant 0 : index
    %get3A_7 = arith.constant 0 : index
    %get3A_8 = vector.load %arg3[%get3A_6, %get3A_7] : memref<1x128xf32, #tpu.memory_space<vmem>>, vector<1x128xf32>
    %add3A = vector.broadcast %get3A_8 : vector<1x128xf32> to vector<8192x128xf32>
    %add3A_9 = arith.addf %dot_general3A_5, %add3A : vector<8192x128xf32>
    %swap3A = arith.constant 0 : index
    %swap3A_10 = arith.constant 0 : index
    %swap3A_11 = vector.load %arg4[%swap3A, %swap3A_10] : memref<8192x128xf32, #tpu.memory_space<vmem>>, vector<8192x128xf32>
    tpu.vector_store %arg4[%swap3A, %swap3A_10], %add3A_9 {strides = array<i32>} : memref<8192x128xf32, #tpu.memory_space<vmem>>, vector<8192x128xf32>,
    return
  }
  func.func @transform_0(%arg0: i32) -> (i32, i32) {
    %c0_i32 = arith.constant 0 : i32
    %c0_i32_0 = arith.constant 0 : i32
    return %arg0, %c0_i32 : i32, i32
  }
  func.func @transform_1(%arg0: i32) -> (i32, i32) {
    %c0_i32 = arith.constant 0 : i32
    %c0_i32_0 = arith.constant 0 : i32
    %c0_i32_1 = arith.constant 0 : i32
    return %c0_i32, %c0_i32_0 : i32, i32
  }
  func.func @transform_2(%arg0: i32) -> (i32, i32) {
    %c0_i32 = arith.constant 0 : i32
    %c0_i32_0 = arith.constant 0 : i32
    %c0_i32_1 = arith.constant 0 : i32
    return %c0_i32, %c0_i32_0 : i32, i32
  }
  func.func @transform_3(%arg0: i32) -> (i32, i32) {
    %c0_i32 = arith.constant 0 : i32
    %c0_i32_0 = arith.constant 0 : i32
    return %arg0, %c0_i32 : i32, i32
  }
}

module attributes {stable_mosaic.version = 14 : i64} {
  func.func @_post_body(%arg0: i32, %arg1: memref<1000x128xf32, #tpu.memory_space<vmem>>, %arg2: memref<1x1000x128xf32, #tpu.memory_space<vmem>>, %arg3: memref<1x1000x128xf32, #tpu.memory_space<vmem>>, %arg4: memref<128x128xf32, #tpu.memory_space<vmem>>, %arg5: memref<128x128xf32, #tpu.memory_space<vmem>>, %arg6: memref<128x128xf32, #tpu.memory_space<vmem>>, %arg7: memref<128x128xf32, #tpu.memory_space<vmem>>, %arg8: memref<1x128xf32, #tpu.memory_space<vmem>>, %arg9: memref<1x128xf32, #tpu.memory_space<vmem>>, %arg10: memref<1x128xf32, #tpu.memory_space<vmem>>, %arg11: memref<1x128xf32, #tpu.memory_space<vmem>>, %arg12: memref<1000x128xf32, #tpu.memory_space<vmem>>) attributes {dimension_semantics = [#tpu.dimension_semantics<arbitrary>], iteration_bounds = array<i64: 10>, scalar_prefetch = 0 : i64, scratch_operands = 0 : i64, tpu.core_type = #tpu.core_type<tc>, window_params = [{transform_indices = @transform_0, window_bounds = array<i64: 1000, 128>}, {transform_indices = @transform_1, window_bounds = array<i64: 1, 1000, 128>}, {transform_indices = @transform_2, window_bounds = array<i64: 1, 1000, 128>}, {pipeline_mode = #tpu.pipeline_mode<synchronous>, transform_indices = @transform_3, window_bounds = array<i64: 128, 128>}, {pipeline_mode = #tpu.pipeline_mode<synchronous>, transform_indices = @transform_4, window_bounds = array<i64: 128, 128>}, {pipeline_mode = #tpu.pipeline_mode<synchronous>, transform_indices = @transform_5, window_bounds = array<i64: 128, 128>}, {pipeline_mode = #tpu.pipeline_mode<synchronous>, transform_indices = @transform_6, window_bounds = array<i64: 128, 128>}, {pipeline_mode = #tpu.pipeline_mode<synchronous>, transform_indices = @transform_7, window_bounds = array<i64: 1, 128>}, {pipeline_mode = #tpu.pipeline_mode<synchronous>, transform_indices = @transform_8, window_bounds = array<i64: 1, 128>}, {pipeline_mode = #tpu.pipeline_mode<synchronous>, transform_indices = @transform_9, window_bounds = array<i64: 1, 128>}, {pipeline_mode = #tpu.pipeline_mode<synchronous>, transform_indices = @transform_10, window_bounds = array<i64: 1, 128>}, {transform_indices = @transform_11, window_bounds = array<i64: 1000, 128>}]} {
    %get3A = arith.constant 0 : index
    %get3A_0 = arith.constant 0 : index
    %get3A_1 = vector.load %arg1[%get3A, %get3A_0] : memref<1000x128xf32, #tpu.memory_space<vmem>>, vector<1000x128xf32>
    %get3A_2 = arith.constant 0 : index
    %get3A_3 = arith.constant 0 : index
    %get3A_4 = arith.constant 0 : index
    %get3A_5 = vector.load %arg2[%get3A_2, %get3A_3, %get3A_4] : memref<1x1000x128xf32, #tpu.memory_space<vmem>>, vector<1x1000x128xf32>
    %get3A_6 = vector.shape_cast %get3A_5 : vector<1x1000x128xf32> to vector<1000x128xf32>
    %get3A_7 = arith.constant 0 : index
    %get3A_8 = arith.constant 0 : index
    %get3A_9 = arith.constant 0 : index
    %get3A_10 = vector.load %arg3[%get3A_7, %get3A_8, %get3A_9] : memref<1x1000x128xf32, #tpu.memory_space<vmem>>, vector<1x1000x128xf32>
    %get3A_11 = vector.shape_cast %get3A_10 : vector<1x1000x128xf32> to vector<1000x128xf32>
    %add3A = arith.addf %get3A_6, %get3A_11 : vector<1000x128xf32>
    %get3A_12 = arith.constant 0 : index
    %get3A_13 = arith.constant 0 : index
    %get3A_14 = vector.load %arg4[%get3A_12, %get3A_13] : memref<128x128xf32, #tpu.memory_space<vmem>>, vector<128x128xf32>
    %dot_general3A = arith.constant dense<0.000000e+00> : vector<1000x128xf32>
    %dot_general3A_15 = tpu.matmul %add3A, %get3A_14, %dot_general3A {dimension_numbers = #tpu.dot_dimension_numbers<[1], [0], [0], [1], [0, 0, 1, 1], [], []>, transpose_lhs_hint = false} : vector<1000x128xf32>, vector<128x128xf32>, vector<1000x128xf32> -> vector<1000x128xf32>
    %get3A_16 = arith.constant 0 : index
    %get3A_17 = arith.constant 0 : index
    %get3A_18 = vector.load %arg5[%get3A_16, %get3A_17] : memref<128x128xf32, #tpu.memory_space<vmem>>, vector<128x128xf32>
    %dot_general3A_19 = arith.constant dense<0.000000e+00> : vector<1000x128xf32>
    %dot_general3A_20 = tpu.matmul %get3A_1, %get3A_18, %dot_general3A_19 {dimension_numbers = #tpu.dot_dimension_numbers<[1], [0], [0], [1], [0, 0, 1, 1], [], []>, transpose_lhs_hint = false} : vector<1000x128xf32>, vector<128x128xf32>, vector<1000x128xf32> -> vector<1000x128xf32>
    %get3A_21 = arith.constant 0 : index
    %get3A_22 = arith.constant 0 : index
    %get3A_23 = vector.load %arg6[%get3A_21, %get3A_22] : memref<128x128xf32, #tpu.memory_space<vmem>>, vector<128x128xf32>
    %dot_general3A_24 = arith.constant dense<0.000000e+00> : vector<1000x128xf32>
    %dot_general3A_25 = tpu.matmul %dot_general3A_15, %get3A_23, %dot_general3A_24 {dimension_numbers = #tpu.dot_dimension_numbers<[1], [0], [0], [1], [0, 0, 1, 1], [], []>, transpose_lhs_hint = false} : vector<1000x128xf32>, vector<128x128xf32>, vector<1000x128xf32> -> vector<1000x128xf32>
    %add3A_26 = arith.addf %dot_general3A_20, %dot_general3A_25 : vector<1000x128xf32>
    %get3A_27 = arith.constant 0 : index
    %get3A_28 = arith.constant 0 : index
    %get3A_29 = vector.load %arg8[%get3A_27, %get3A_28] : memref<1x128xf32, #tpu.memory_space<vmem>>, vector<1x128xf32>
    %add3A_30 = vector.broadcast %get3A_29 : vector<1x128xf32> to vector<1000x128xf32>
    %add3A_31 = arith.addf %add3A_26, %add3A_30 : vector<1000x128xf32>
    %max3A = arith.constant 0.000000e+00 : f32
    %max3A_32 = vector.broadcast %max3A : f32 to vector<1000x128xf32>
    %max3A_33 = arith.maximumf %add3A_31, %max3A_32 : vector<1000x128xf32>
    %get3A_34 = arith.constant 0 : index
    %get3A_35 = arith.constant 0 : index
    %get3A_36 = vector.load %arg7[%get3A_34, %get3A_35] : memref<128x128xf32, #tpu.memory_space<vmem>>, vector<128x128xf32>
    %dot_general3A_37 = arith.constant dense<0.000000e+00> : vector<1000x128xf32>
    %dot_general3A_38 = tpu.matmul %max3A_33, %get3A_36, %dot_general3A_37 {dimension_numbers = #tpu.dot_dimension_numbers<[1], [0], [0], [1], [0, 0, 1, 1], [], []>, transpose_lhs_hint = false} : vector<1000x128xf32>, vector<128x128xf32>, vector<1000x128xf32> -> vector<1000x128xf32>
    %get3A_39 = arith.constant 0 : index
    %get3A_40 = arith.constant 0 : index
    %get3A_41 = vector.load %arg9[%get3A_39, %get3A_40] : memref<1x128xf32, #tpu.memory_space<vmem>>, vector<1x128xf32>
    %add3A_42 = vector.broadcast %get3A_41 : vector<1x128xf32> to vector<1000x128xf32>
    %add3A_43 = arith.addf %dot_general3A_38, %add3A_42 : vector<1000x128xf32>
    %neg3A = arith.constant 0.000000e+00 : f32
    %neg3A_44 = vector.broadcast %neg3A : f32 to vector<1000x128xf32>
    %neg3A_45 = arith.subf %neg3A_44, %add3A_43 : vector<1000x128xf32>
    %exp3A = math.exp %neg3A_45 : vector<1000x128xf32>
    %add3A_46 = arith.constant 1.000000e+00 : f32
    %add3A_47 = vector.broadcast %add3A_46 : f32 to vector<1000x128xf32>
    %add3A_48 = arith.addf %add3A_47, %exp3A : vector<1000x128xf32>
    %div3A = arith.constant 1.000000e+00 : f32
    %div3A_49 = vector.broadcast %div3A : f32 to vector<1000x128xf32>
    %div3A_50 = arith.divf %div3A_49, %add3A_48 : vector<1000x128xf32>
    %mul3A = arith.mulf %add3A_43, %div3A_50 : vector<1000x128xf32>
    %add3A_51 = arith.addf %get3A_1, %mul3A : vector<1000x128xf32>
    %reduce_sum3A = arith.constant dense<0.000000e+00> : vector<1000xf32>
    %reduce_sum3A_52 = vector.multi_reduction <add>, %add3A_51, %reduce_sum3A [1] : vector<1000x128xf32> to vector<1000xf32>
    %broadcast_in_dim3A = vector.shape_cast %reduce_sum3A_52 : vector<1000xf32> to vector<1000x1xf32>
    %div3A_53 = arith.constant 1.280000e+02 : f32
    %div3A_54 = vector.broadcast %div3A_53 : f32 to vector<1000x1xf32>
    %div3A_55 = arith.divf %broadcast_in_dim3A, %div3A_54 : vector<1000x1xf32>
    %sub3A = vector.broadcast %div3A_55 : vector<1000x1xf32> to vector<1000x128xf32>
    %sub3A_56 = arith.subf %add3A_51, %sub3A : vector<1000x128xf32>
    %mul3A_57 = arith.mulf %sub3A_56, %sub3A_56 : vector<1000x128xf32>
    %reduce_sum3A_58 = arith.constant dense<0.000000e+00> : vector<1000xf32>
    %reduce_sum3A_59 = vector.multi_reduction <add>, %mul3A_57, %reduce_sum3A_58 [1] : vector<1000x128xf32> to vector<1000xf32>
    %broadcast_in_dim3A_60 = vector.shape_cast %reduce_sum3A_59 : vector<1000xf32> to vector<1000x1xf32>
    %div3A_61 = arith.constant 1.280000e+02 : f32
    %div3A_62 = vector.broadcast %div3A_61 : f32 to vector<1000x1xf32>
    %div3A_63 = arith.divf %broadcast_in_dim3A_60, %div3A_62 : vector<1000x1xf32>
    %add3A_64 = arith.constant 9.99999974E-6 : f32
    %add3A_65 = vector.broadcast %add3A_64 : f32 to vector<1000x1xf32>
    %add3A_66 = arith.addf %div3A_63, %add3A_65 : vector<1000x1xf32>
    %rsqrt3A = math.rsqrt %add3A_66 : vector<1000x1xf32>
    %mul3A_67 = vector.broadcast %rsqrt3A : vector<1000x1xf32> to vector<1000x128xf32>
    %mul3A_68 = arith.mulf %sub3A_56, %mul3A_67 : vector<1000x128xf32>
    %get3A_69 = arith.constant 0 : index
    %get3A_70 = arith.constant 0 : index
    %get3A_71 = vector.load %arg10[%get3A_69, %get3A_70] : memref<1x128xf32, #tpu.memory_space<vmem>>, vector<1x128xf32>
    %mul3A_72 = vector.broadcast %get3A_71 : vector<1x128xf32> to vector<1000x128xf32>
    %mul3A_73 = arith.mulf %mul3A_68, %mul3A_72 : vector<1000x128xf32>
    %get3A_74 = arith.constant 0 : index
    %get3A_75 = arith.constant 0 : index
    %get3A_76 = vector.load %arg11[%get3A_74, %get3A_75] : memref<1x128xf32, #tpu.memory_space<vmem>>, vector<1x128xf32>
    %add3A_77 = vector.broadcast %get3A_76 : vector<1x128xf32> to vector<1000x128xf32>
    %add3A_78 = arith.addf %mul3A_73, %add3A_77 : vector<1000x128xf32>
    %swap3A = arith.constant 0 : index
    %swap3A_79 = arith.constant 0 : index
    %swap3A_80 = vector.load %arg12[%swap3A, %swap3A_79] : memref<1000x128xf32, #tpu.memory_space<vmem>>, vector<1000x128xf32>
    tpu.vector_store %arg12[%swap3A, %swap3A_79], %add3A_78 {strides = array<i32>} : memref<1000x128xf32, #tpu.memory_space<vmem>>, vector<1000x128xf32>,
    return
  }
  func.func @transform_0(%arg0: i32) -> (i32, i32) {
    %c0_i32 = arith.constant 0 : i32
    %c0_i32_0 = arith.constant 0 : i32
    return %arg0, %c0_i32 : i32, i32
  }
  func.func @transform_1(%arg0: i32) -> (i32, i32, i32) {
    %c0_i32 = arith.constant 0 : i32
    %c0_i32_0 = arith.constant 0 : i32
    %c0_i32_1 = arith.constant 0 : i32
    return %c0_i32, %arg0, %c0_i32_0 : i32, i32, i32
  }
  func.func @transform_2(%arg0: i32) -> (i32, i32, i32) {
    %c1_i32 = arith.constant 1 : i32
    %c0_i32 = arith.constant 0 : i32
    %c0_i32_0 = arith.constant 0 : i32
    return %c1_i32, %arg0, %c0_i32 : i32, i32, i32
  }
  func.func @transform_3(%arg0: i32) -> (i32, i32) {
    %c0_i32 = arith.constant 0 : i32
    %c0_i32_0 = arith.constant 0 : i32
    %c0_i32_1 = arith.constant 0 : i32
    return %c0_i32, %c0_i32_0 : i32, i32
  }
  func.func @transform_4(%arg0: i32) -> (i32, i32) {
    %c0_i32 = arith.constant 0 : i32
    %c0_i32_0 = arith.constant 0 : i32
    %c0_i32_1 = arith.constant 0 : i32
    return %c0_i32, %c0_i32_0 : i32, i32
  }
  func.func @transform_5(%arg0: i32) -> (i32, i32) {
    %c0_i32 = arith.constant 0 : i32
    %c0_i32_0 = arith.constant 0 : i32
    %c0_i32_1 = arith.constant 0 : i32
    return %c0_i32, %c0_i32_0 : i32, i32
  }
  func.func @transform_6(%arg0: i32) -> (i32, i32) {
    %c0_i32 = arith.constant 0 : i32
    %c0_i32_0 = arith.constant 0 : i32
    %c0_i32_1 = arith.constant 0 : i32
    return %c0_i32, %c0_i32_0 : i32, i32
  }
  func.func @transform_7(%arg0: i32) -> (i32, i32) {
    %c0_i32 = arith.constant 0 : i32
    %c0_i32_0 = arith.constant 0 : i32
    %c0_i32_1 = arith.constant 0 : i32
    return %c0_i32, %c0_i32_0 : i32, i32
  }
  func.func @transform_8(%arg0: i32) -> (i32, i32) {
    %c0_i32 = arith.constant 0 : i32
    %c0_i32_0 = arith.constant 0 : i32
    %c0_i32_1 = arith.constant 0 : i32
    return %c0_i32, %c0_i32_0 : i32, i32
  }
  func.func @transform_9(%arg0: i32) -> (i32, i32) {
    %c0_i32 = arith.constant 0 : i32
    %c0_i32_0 = arith.constant 0 : i32
    %c0_i32_1 = arith.constant 0 : i32
    return %c0_i32, %c0_i32_0 : i32, i32
  }
  func.func @transform_10(%arg0: i32) -> (i32, i32) {
    %c0_i32 = arith.constant 0 : i32
    %c0_i32_0 = arith.constant 0 : i32
    %c0_i32_1 = arith.constant 0 : i32
    return %c0_i32, %c0_i32_0 : i32, i32
  }
  func.func @transform_11(%arg0: i32) -> (i32, i32) {
    %c0_i32 = arith.constant 0 : i32
    %c0_i32_0 = arith.constant 0 : i32
    return %arg0, %c0_i32 : i32, i32
  }
}

</mosaic_0001>

<sc_bundles>
// kernel: kernel.6.cloned.1.call-start
scs
__scs_entry_jumppad:
0x0: {  	(pc) =	sbr.rel $0x88, $3  }
0x1: {  	(tag) =	ssettag $0x0;
	lr =	simm.s32 $0x1  }
0x2: {  	[smem:$0x3F95] =	sst lr;
	_ =	strace $0xD0000000  }
0x3: {  	_ = 	snop  }
0x4: {  	_ = 	snop  }
0x5: {  	_ = 	snop  }
0x6: {  	_ = 	snop  }
0x7: {  	_ = 	snop  }
__scs_overlays_trampoline_lowered:
0x8: {  	[smem:$0x3FA4] =	sst s0  }
0x9: {  	[smem:$0x3FA5] =	sst s1  }
0xa: {  	[smem:$0x3FA6] =	sst s2  }
0xb: {  	[smem:$0x3FA7] =	sst s3  }
0xc: {  	[smem:$0x3FA8] =	sst s4  }
0xd: {  	[smem:$0x3FA9] =	sst s5  }
0xe: {  	[smem:$0x3FAA] =	sst s6  }
0xf: {  	[smem:$0x3FAB] =	sst s7  }
0x10: {  	[smem:$0x3FAC] =	sst s8  }
0x11: {  	[smem:$0x3FAD] =	sst s9;
	s0 =	simm.s32 @!p0 $0x0  }
0x12: {  	s1 =	sld [smem:$0x3F93];
	s0 =	simm.s32 @p0 $0x1  }
0x13: {  	[smem:$0x3FAE] =	sst s0;
	s0 =	simm.s32 @!p1 $0x0  }
0x14: {  	s2 =	sld [smem:$0x3F92];
	s0 =	simm.s32 @p1 $0x1  }
0x15: {  	[smem:$0x3FAF] =	sst s0;
	s0 =	simm.s32 @!p2 $0x0  }
0x16: {  	s3 =	sld [smem:$0x3FDB];
	s0 =	simm.s32 @p2 $0x1  }
0x17: {  	s4 =	simm.s32 $0x1BF5;
	[smem:$0x3FB1] =	sst s0  }
0x18: {  	s0 =	sld [smem:$0x3F94];
	_ =	swait.ge [sflag:s4], $0x0  }
0x19: {  	s7 =	sld [smem:$0x3F95]  }
0x1a: {  	s8 =	sadd.s32 $0xFFFFE003, lr  }
0x1b: {  	s9 =	sadd.s32 $0xFFFFFEF7, lr;
	s5 =	simm.s32 $0xFFFFFFFF;
	p2 =	slt.u32 s8, $0xFFFFF086  }
0x1c: {  	p1 =	slt.u32 s9, $0xF7A;
	s5 =	simm.s32 @!p2 $0x0  }
0x1d: {  	s5 =	simm.s32 @p1 $0x1;
	p0 =	seq.s32 s7, s2  }
0x1e: {  	s7 =	smul.u32 @!p0 $0xF7A, s2;
	p2 =	seq.s32 @!p0 s5, $0x0  }
0x1f: {  	s9 =	smul.u32 $0xF7A, s1;
	s8 =	simm.s32 @!p0 $0x1BF5;
	p2 =	por !p2, p0  }
0x20: {  	[sflag:s8] =	ssyncset.s32 @!p0 $0xFFFFF086;
	s6 =	sadd.s32 @!p0 s3, s7;
	s7 =	simm.s32 @!p0 $0x108  }
0x21: {  	s3 =	sadd.s32 s3, s9;
	s6 =	sadd.s32 @!p0 $0x88, s6;
	s7 =	simm.s32 @p2 $0x1082  }
0x22: {  	[simem:s7], [sflag:s8] =	dma.local @!p0 [hbm:s6], $0xF7A  }
0x23: {  	s9 =	sor.u32 $0xD0000000, s2;
	s6 =	simm.s32 $0x108;
	_ =	swait.ge @!p0 [sflag:s8], $0x0  }
0x24: {  	s3 =	sadd.s32 $0x88, s3;
	s6 =	simm.s32 @!p1 $0x1082;
	[sflag:s4] =	ssyncset.s32 $0xFFFFF086  }
0x25: {  	[simem:s6], [sflag:s4] =	dma.local [hbm:s3], $0xF7A  }
0x26: {  	[smem:$0x3F95] =	sst s1;
	(tag) =	ssettag s2;
	_ =	strace s9  }
0x27: {  	s1 =	sld [smem:$0x3FA5]  }
0x28: {  	s2 =	sld [smem:$0x3FA6]  }
0x29: {  	s4 =	sld [smem:$0x3FA8]  }
0x2a: {  	p0 =	seq.s32 s5, $0x0;
	s5 =	sld [smem:$0x3FA9]  }
0x2b: {  	s6 =	sld [smem:$0x3FAA]  }
0x2c: {  	s7 =	sld [smem:$0x3FAB]  }
0x2d: {  	s3 =	simm.s32 $0x108;
	s8 =	sld [smem:$0x3FAC]  }
0x2e: {  	s3 =	simm.s32 @!p0 $0x1082;
	s9 =	sld [smem:$0x3FAD]  }
0x2f: {  	lr =	sadd.s32 s0, s3;
	s0 =	sld [smem:$0x3FA4]  }
0x30: {  	s3 =	sld [smem:$0x3FA7]  }
0x31: {  	[smem:$0x3FB0] =	sst s10  }
0x32: {  	s10 =	sld [smem:$0x3FAE];
	_ =	sdelay $0x3  }
0x33: {  	p0 =	seq.s32 s10, $0x1;
	s10 =	sld [smem:$0x3FB0];
	_ =	sdelay $0x3  }
0x34: {  	[smem:$0x3FB0] =	sst s10  }
0x35: {  	s10 =	sld [smem:$0x3FAF];
	_ =	sdelay $0x3  }
0x36: {  	p1 =	seq.s32 s10, $0x1;
	s10 =	sld [smem:$0x3FB0];
	_ =	sdelay $0x3  }
0x37: {  	[smem:$0x3FB0] =	sst s10  }
0x38: {  	s10 =	sld [smem:$0x3FB1]  }
0x39: {  	_ = 	snop;
	(pc) =	sbr.ind lr, $3  }
0x3a: {  	_ = 	snop  }
0x3b: {  	_ = 	snop  }
0x3c: {  	p2 =	seq.s32 s10, $0x1;
	s10 =	sld [smem:$0x3FB0]  }
0x3d: {  	_ =	shalt  }
0x3e: {  	_ =	shalt  }
0x3f: {  	_ =	shalt  }
0x40: {  	_ =	shalt  }
0x41: {  	_ =	shalt  }
0x42: {  	_ =	shalt  }
0x43: {  	_ =	shalt  }
0x44: {  	_ =	shalt  }
0x45: {  	_ =	shalt  }
0x46: {  	_ =	shalt  }
0x47: {  	_ =	shalt  }
0x48: {  	_ =	shalt  }
0x49: {  	_ =	shalt  }
0x4a: {  	_ =	shalt  }
0x4b: {  	_ =	shalt  }
0x4c: {  	_ =	shalt  }
0x4d: {  	_ =	shalt  }
0x4e: {  	_ =	shalt  }
0x4f: {  	_ =	shalt  }
0x50: {  	_ =	shalt  }
0x51: {  	_ =	shalt  }
0x52: {  	_ =	shalt  }
0x53: {  	_ =	shalt  }
0x54: {  	_ =	shalt  }
0x55: {  	_ =	shalt  }
0x56: {  	_ =	shalt  }
0x57: {  	_ =	shalt  }
0x58: {  	_ =	shalt  }
0x59: {  	_ =	shalt  }
0x5a: {  	_ =	shalt  }
0x5b: {  	_ =	shalt  }
0x5c: {  	_ =	shalt  }
0x5d: {  	_ =	shalt  }
0x5e: {  	_ =	shalt  }
0x5f: {  	_ =	shalt  }
0x60: {  	_ =	shalt  }
0x61: {  	_ =	shalt  }
0x62: {  	_ =	shalt  }
0x63: {  	_ =	shalt  }
0x64: {  	_ =	shalt  }
0x65: {  	_ =	shalt  }
0x66: {  	_ =	shalt  }
0x67: {  	_ =	shalt  }
0x68: {  	_ =	shalt  }
0x69: {  	_ =	shalt  }
0x6a: {  	_ =	shalt  }
0x6b: {  	_ =	shalt  }
0x6c: {  	_ =	shalt  }
0x6d: {  	_ =	shalt  }
0x6e: {  	_ =	shalt  }
0x6f: {  	_ =	shalt  }
0x70: {  	_ =	shalt  }
0x71: {  	_ =	shalt  }
0x72: {  	_ =	shalt  }
0x73: {  	_ =	shalt  }
0x74: {  	_ =	shalt  }
0x75: {  	_ =	shalt  }
0x76: {  	_ =	shalt  }
0x77: {  	_ =	shalt  }
0x78: {  	_ =	shalt  }
0x79: {  	_ =	shalt  }
0x7a: {  	_ =	shalt  }
0x7b: {  	_ =	shalt  }
0x7c: {  	_ =	shalt  }
0x7d: {  	_ =	shalt  }
0x7e: {  	_ =	shalt  }
0x7f: {  	_ =	shalt  }
0x80: {  	_ =	shalt  }
0x81: {  	_ =	shalt  }
0x82: {  	_ =	shalt  }
0x83: {  	_ =	shalt  }
0x84: {  	_ =	shalt  }
0x85: {  	_ =	shalt  }
0x86: {  	_ =	shalt  }
0x87: {  	_ =	shalt  }
.Lfunc_end0:
.L_simem_size_0:
called_computation_lowered:
.L_overlay_start_0:
0x88: {  	s2 =	sld [smem:$0x3FD9]  }
0x89: {  	s3 =	sld [smem:$0x3FFE];
	_ =	sdelay $0x1  }
0x8a: {  	s1 =	srdreg.scid  }
0x8b: {  	s0 =	sand.u32 $0x1, s1  }
0x8c: {  	s17 =	sshll.u32 s0, $0xA;
	s2 =	sadd.s32 s3, s2  }
0x8d: {  	s2 =	sadd.s32 s2, s17  }
0x8e: {  	[smem:$0x3FBC] =	sst s2  }
0x8f: {  	_ = 	snop  }
0x90: {  	s2 =	sld [smem:$0x3FD0];
	(tm) =	ssettm $0x1  }
0x91: {  	s18 =	sld [smem:$0x3FFB];
	_ =	sdelay $0x3  }
0x92: {  	_ =	strace s18  }
0x93: {  	s3 =	sld [smem:$0x3FFC];
	_ =	sdelay $0x3  }
0x94: {  	_ =	strace s3  }
0x95: {  	s3 =	sld [smem:$0x3FFD];
	_ =	sdelay $0x3  }
0x96: {  	_ =	strace s3  }
0x97: {  	_ =	strace $0x8FFFFFFF  }
0x98: {  	s19 =	sld [smem:$0x3FDB];
	_ =	sdelay $0x1  }
0x99: {  	s4 =	simm.s32 $_scs_section_size  }
0x9a: {  	s5 =	simm.s32 $_size__tile_overlayer_lowered;
	s6 =	simm.s32 $_tile_overlayer_lowered  }
0x9b: {  	s22 =	simm.s32 $0x1BFF;
	s21 =	sshll.u32 s6, $0x1;
	s3 =	sadd.s32 s4, s19  }
0x9c: {  	s7 =	simm.s32 $0x0;
	s20 =	sshll.u32 s5, $0x1;
	s5 =	sadd.s32 s21, s3  }
0x9d: {  	[timem:s7], [sflag:s22] =	dma.local [hbm:s5], s20  }
0x9e: {  	_ =	swait.ge [sflag:s22], s20  }
0x9f: {  	s4 =	ssub.s32 $0x0, s20;
	[sflag:s22] =	ssyncset.done $0x0  }
0xa0: {  	[sflag:s22] =	ssyncadd.s32 s4;
	_ =	sdelay $0x1  }
0xa1: {  	s23 =	simm.s32 $0x1B8B  }
0xa2: {  	_ =	swait.ge [sflag:s23], $0x1  }
0xa3: {  	[sflag:s23] =	ssyncset.done $0x0  }
0xa4: {  	s25 =	simm.s32 $0x1B8E;
	s24 =	sld [smem:$0x3FFE];
	[sflag:s23] =	ssyncadd.s32 $0xFFFFFFFF  }
0xa5: {  	s26 =	simm.s32 $execute0_lowered;
	[smem:$0x3FD2] =	sst s25  }
0xa6: {  	s5 =	sshll.u32 s26, $0x1;
	_ =	strace $0x80000046;
	[dreg:$0x1] =	wrdreg $0xFFFFFFFF  }
0xa7: {  	s28 =	simm.s32 $_size_execute0_lowered;
	s3 =	sadd.s32 s3, s5;
	[dreg:$0x0] =	wrdreg $0x0  }
0xa8: {  	s5 =	sshll.u32 s28, $0x1;
	[dreg:$0x2] =	wrdreg s3  }
0xa9: {  	[dreg:$0x3] =	wrdreg s5  }
0xaa: {  	[dreg:$0x4] =	wrdreg $0xC0  }
0xab: {  	_ =	task [dreg:s7], $0x5FFFF  }
0xac: {  	[dreg:$0x1] =	wrdreg $0xFFFFFFFF  }
0xad: {  	[dreg:$0x0] =	wrdreg $0x60  }
0xae: {  	[dreg:$0x2] =	wrdreg s24  }
0xaf: {  	[dreg:$0x3] =	wrdreg s2  }
0xb0: {  	[dreg:$0x4] =	wrdreg $0x0  }
0xb1: {  	[dreg:$0x5] =	wrdreg $0x9  }
0xb2: {  	_ =	task.clear_ibuf [dreg:s7], $0x6FFFF;
	_ =	strace $0x90000046  }
0xb3: {  	s29 =	simm.s32 $0x9;
	_ =	strace $0x80000048  }
0xb4: {  	_ =	swait.ge [sflag:s29], $0x1  }
0xb5: {  	[sflag:s29] =	ssyncadd.s32 $0xFFFFFFFF  }
0xb6: {  	_ =	strace $0x90000048  }
0xb7: {  	_ =	sfence  }
0xb8: {  	s30 =	sld [smem:$0x0];
	_ =	sdelay $0x2  }
0xb9: {  	s31 =	sshll.u32 s1, $0xD;
	s1 =	sshrl.u32 s1, $0x2  }
0xba: {  	s3 =	sand.u32 $0x4000, s31;
	s1 =	sadd.s32 s1, s30  }
0xbb: {  	s0 =	sor.u32 s3, s0;
	s1 =	sshll.u32 s1, $0x11  }
0xbc: {  	s0 =	sor.u32 s1, s0  }
0xbd: {  	s0 =	sadd.s32 $0x8F2B, s0  }
0xbe: {  	[sflag:s0] =	ssyncadd.remote.s32 $0x1  }
0xbf: {  	_ =	sfence.sel $0xFFFF  }
0xc0: {  	[dreg:$0x0] =	wrdreg $0xFFFFFFFF;
	(pc) =	sbr.abs _section_cstart, $3  }
0xc1: {  	[dreg:$0x1] =	wrdreg $0xFFFFFFFF  }
0xc2: {  	_ =	task.clear_ibuf [dreg:s7], $0x2FFFF;
	_ =	strace $0x9FFFFFFF  }
0xc3: {  	(tm) =	ssettm $0x7FFFFFFF  }
tec
execute0_lowered:
.L_overlay_start_1:
0x0: {  	(tag) =	ssettag $0x1  }
0x1: {  	s0 =	rddreg [dreg:$0x0]  }
0x2: {  	s9 =	rddreg [dreg:$0x1]  }
0x3: {  	s1 =	srdreg.scid;
	s8 =	stileid.u32  }
0x4: {  	s3 =	rddreg [dreg:$0x2];
	s2 =	smul.u32 $0x278, s8  }
0x5: {  	s5 =	simm.s32 $0x0;
	s1 =	sand.u32 $0x1, s1;
	s20 =	smul.u32 $0x4F000, s8  }
0x6: {  	[smem:$0x7FF] =	sst s5;
	s4 =	smul.u32 $0x2780, s1  }
0x7: {  	s5 =	sadd.s32 $0x4E4000, s0;
	s6 =	sadd.s32 $0x533000, s0;
	_ =	strace $0x80000047  }
0x8: {  	s21 =	ssub.s32 $0x2, s1;
	s2 =	sadd.s32 s2, s4;
	s4 =	sshrl.u32 s20, $0x2  }
0x9: {  	s1 =	sshll.u32 s1, $0x4;
	s7 =	sshrl.u32 s21, $0x1;
	s14 =	sadd.s32 s4, s3  }
0xa: {  	s1 =	sor.u32 s8, s1;
	s4 =	sadd.s32 $0x6000, s14;
	[dreg:$0x4] =	wrdreg s14  }
0xb: {  	s26 =	smul.u32 $0x27C00, s1;
	s22 =	sadd.s32 $0x9000, s14;
	[dreg:$0x6] =	wrdreg s4  }
0xc: {  	s15 =	smul.u32 $0x27C0, s1;
	s24 =	sadd.s32 $0xC000, s14;
	[dreg:$0x7] =	wrdreg s22  }
0xd: {  	s2 =	sshll.u32 s2, $0x4;
	s25 =	sadd.s32 $0xF000, s14;
	[dreg:$0x8] =	wrdreg s24  }
0xe: {  	s0 =	sadd.s32 s2, s0;
	s31 =	sadd.s32 $0x12000, s14;
	[dreg:$0x9] =	wrdreg s25  }
0xf: {  	s2 =	ssub.s32 s21, s7;
	s7 =	sadd.s32 s6, s26;
	[dreg:$0xa] =	wrdreg s31  }
0x10: {  	s23 =	smul.u32 $0x9F0, s1;
	s26 =	sadd.s32 $0x1E0, s15;
	[dreg:$0xc] =	wrdreg s7  }
0x11: {  	s30 =	sadd.s32 $0x3000, s14;
	[dreg:$0x1c] =	wrdreg s26  }
0x12: {  	s4 =	sadd.s32 s9, s23;
	[dreg:$0x5] =	wrdreg s30  }
0x13: {  	s8 =	sadd.s32 $0x2000, s0;
	[dreg:$0xb] =	wrdreg s4  }
0x14: {  	s9 =	sadd.s32 $0x2600, s0;
	[dreg:$0xd] =	wrdreg s8  }
0x15: {  	s10 =	sadd.s32 $0x2C00, s0;
	[dreg:$0xe] =	wrdreg s9  }
0x16: {  	s11 =	sadd.s32 $0x3200, s0;
	[dreg:$0xf] =	wrdreg s10  }
0x17: {  	s12 =	sadd.s32 $0x3800, s0;
	[dreg:$0x10] =	wrdreg s11  }
0x18: {  	s13 =	sadd.s32 $0x3E00, s0;
	[dreg:$0x11] =	wrdreg s12  }
0x19: {  	s0 =	sadd.s32 $0x4400, s0;
	[dreg:$0x12] =	wrdreg s13  }
0x1a: {  	s16 =	smax.u32 s2, $0x1;
	[dreg:$0x13] =	wrdreg s0  }
0x1b: {  	s19 =	sadd.s32 $0x300, s7;
	[dreg:$0x14] =	wrdreg s16  }
0x1c: {  	s20 =	sadd.s32 $0x600, s7;
	[dreg:$0x15] =	wrdreg s19  }
0x1d: {  	s21 =	sadd.s32 $0x900, s7;
	[dreg:$0x16] =	wrdreg s20  }
0x1e: {  	s18 =	simm.s32 $0x0;
	s22 =	sadd.s32 $0xF0, s15;
	[dreg:$0x17] =	wrdreg s21  }
0x1f: {  	s28 =	simm.s32 $0x1;
	s23 =	sadd.s32 $0x120, s15;
	[dreg:$0x18] =	wrdreg s22  }
0x20: {  	s29 =	simm.s32 $0x3;
	s24 =	sadd.s32 $0x150, s15;
	[dreg:$0x19] =	wrdreg s23  }
0x21: {  	s17 =	smul.u32 $0xD4, s1;
	s25 =	sadd.s32 $0x1B0, s15;
	[dreg:$0x1a] =	wrdreg s24  }
0x22: {  	s1 =	simm.s32 $0x0;
	s31 =	sadd.s32 $0x210, s15;
	[dreg:$0x1b] =	wrdreg s25  }
0x23: {  	s26 =	simm.s32 $0x1B700;
	s7 =	simm.s32 $0x1E700;
	[dreg:$0x1d] =	wrdreg s31  }
0x24: {  	s19 =	simm.s32 $0x13F00;
	s20 =	simm.s32 $0x7;
	s21 =	simm.s32 $0x13C00  }
0x25: {  	s22 =	simm.s32 $0x60;
	s23 =	simm.s32 $0x19F00;
	s25 =	simm.s32 $0x16F00  }
0x26: {  	s16 =	simm.s32 $0x30;
	s8 =	simm.s32 $0x1FF00;
	s9 =	simm.s32 $0x1CF00  }
0x27: {  	s11 =	simm.s32 $0x2;
	s12 =	simm.s32 $0x4;
	s13 =	simm.s32 $0x1FF80  }
0x28: {  	v0 =	vimm.f32 $0.0e+00;
	s10 =	simm.s32 $0x5;
	s24 =	simm.s32 $0x13D80;
	s4 =	simm.s32 $0x6  }
.LBB2_1:
0x29: {  	[dreg:$0x1e] =	wrdreg s1;
	s0 =	simm.s32 $0x0;
	s1 =	simm.s32 $0x200  }
.LBB2_2:
0x2a: {  	p0 =	sne.s32 s1, $0xBE00;
	[tilespmem:s0+$0x13F70] =	vst v0  }
0x2b: {  	[tilespmem:s0+$0x13F00] =	vst v0  }
0x2c: {  	[tilespmem:s0+$0x13F10] =	vst v0  }
.Ltmp0:
0x2d: {  	[tilespmem:s0+$0x13F20] =	vst v0;
	(pc) =	sbr.rel @p0 .LBB2_2-.Ltmp0, $4  }
0x2e: {  	[tilespmem:s0+$0x13F30] =	vst v0  }
0x2f: {  	[tilespmem:s0+$0x13F40] =	vst v0  }
0x30: {  	[tilespmem:s0+$0x13F50] =	vst v0  }
0x31: {  	[tilespmem:s0+$0x13F60] =	vst v0;
	s0 =	sshra.s32 s1, $0x2;
	s1 =	sadd.s32 $0x200, s1  }
0x32: {  	[tilespmem:s0+$0x13F70] =	vst v0  }
0x33: {  	[tilespmem:s0+$0x13F00] =	vst v0  }
0x34: {  	[tilespmem:s0+$0x13F10] =	vst v0  }
0x35: {  	[tilespmem:s0+$0x13F20] =	vst v0  }
0x36: {  	[tilespmem:s0+$0x13F30] =	vst v0  }
0x37: {  	[tilespmem:s0+$0x13F40] =	vst v0  }
0x38: {  	[tilespmem:s0+$0x13F50] =	vst v0  }
0x39: {  	[tilespmem:s0+$0x13F60] =	vst v0  }
0x3a: {  	[spmem:s14] =	stream.linear.scatter [tilespmem:s19], [sflag:$0x7], $0x3000, $0x38;
	v63 =	vld [tilespmem:$0x0]  }
0x3b: {  	_ =	swait.ge [sflag:s20], $0x3000  }
0x3c: {  	[sflag:s20] =	ssyncset.done $0x0  }
0x3d: {  	[sflag:s20] =	ssyncadd.s32 $0xFFFFD000  }
0x3e: {  	[spmem:s30] =	stream.linear.scatter [tilespmem:s19], [sflag:$0x7], $0x3000, $0x38;
	v63 =	vld [tilespmem:$0x0]  }
0x3f: {  	_ =	swait.ge [sflag:s20], $0x3000  }
0x40: {  	[sflag:s20] =	ssyncset.done $0x0  }
0x41: {  	s2 =	rddreg [dreg:$0x6];
	[sflag:s20] =	ssyncadd.s32 $0xFFFFD000  }
0x42: {  	[spmem:s2] =	stream.linear.scatter [tilespmem:s19], [sflag:$0x7], $0x3000, $0x38;
	v63 =	vld [tilespmem:$0x0]  }
0x43: {  	_ =	swait.ge [sflag:s20], $0x3000  }
0x44: {  	[sflag:s20] =	ssyncset.done $0x0  }
0x45: {  	s14 =	rddreg [dreg:$0x7];
	[sflag:s20] =	ssyncadd.s32 $0xFFFFD000  }
0x46: {  	[spmem:s14] =	stream.linear.scatter [tilespmem:s19], [sflag:$0x7], $0x3000, $0x38;
	v63 =	vld [tilespmem:$0x0]  }
0x47: {  	_ =	swait.ge [sflag:s20], $0x3000  }
0x48: {  	[sflag:s20] =	ssyncset.done $0x0  }
0x49: {  	s30 =	rddreg [dreg:$0x8];
	[sflag:s20] =	ssyncadd.s32 $0xFFFFD000  }
0x4a: {  	[spmem:s30] =	stream.linear.scatter [tilespmem:s19], [sflag:$0x7], $0x3000, $0x38;
	v63 =	vld [tilespmem:$0x0]  }
0x4b: {  	_ =	swait.ge [sflag:s20], $0x3000  }
0x4c: {  	[sflag:s20] =	ssyncset.done $0x0  }
0x4d: {  	s31 =	rddreg [dreg:$0x9];
	[sflag:s20] =	ssyncadd.s32 $0xFFFFD000  }
0x4e: {  	[spmem:s31] =	stream.linear.scatter [tilespmem:s19], [sflag:$0x7], $0x3000, $0x38;
	v63 =	vld [tilespmem:$0x0]  }
0x4f: {  	_ =	swait.ge [sflag:s20], $0x3000  }
0x50: {  	[sflag:s20] =	ssyncset.done $0x0  }
0x51: {  	s1 =	rddreg [dreg:$0xa];
	[sflag:s20] =	ssyncadd.s32 $0xFFFFD000  }
0x52: {  	[spmem:s1] =	stream.linear.scatter [tilespmem:s19], [sflag:$0x7], $0x1C00, $0x38;
	v63 =	vld [tilespmem:$0x0]  }
0x53: {  	_ =	swait.ge [sflag:s20], $0x1C00  }
0x54: {  	[sflag:s20] =	ssyncset.done $0x0  }
0x55: {  	[sflag:s20] =	ssyncadd.s32 $0xFFFFE400  }
0x56: {  	[bflag:$0x0] =	sbarrier.arrive $0xFFFF  }
0x57: {  	s2 =	simm.s32 $0x0;
	s1 =	rddreg [dreg:$0xb]  }
0x58: {  	[tilespmem:s21], [sflag:$0x7] =	stream.linear.gather [hbm4b:s1+s2], $0x180, $0x38;
	v63 =	vld [tilespmem:$0x0]  }
0x59: {  	_ =	swait.ge [sflag:s20], $0x180  }
0x5a: {  	[sflag:s20] =	ssyncset.done $0x0  }
0x5b: {  	[sflag:s20] =	ssyncadd.s32 $0xFFFFFE80  }
0x5c: {  	[tilespmem:s19], [sflag:$0x1] =	stream.indirect.gather [hbm4b:s5+s22], $0x80, s21, s22, $0xb8;
	v63 =	vld [tilespmem:$0x0]  }
0x5d: {  	s14 =	rddreg [dreg:$0xc]  }
0x5e: {  	[tilespmem:s23], [sflag:$0x3] =	stream.linear.gather [hbm4b:s14+s2], $0x1800, $0x38;
	v63 =	vld [tilespmem:$0x0]  }
0x5f: {  	s30 =	simm.s32 $0x13C60  }
0x60: {  	[tilespmem:s25], [sflag:$0x2] =	stream.indirect.gather [hbm4b:s5+s22], $0x80, s30, s22, $0xb8;
	v63 =	vld [tilespmem:$0x0]  }
0x61: {  	s31 =	rddreg [dreg:$0x15]  }
0x62: {  	[tilespmem:s26], [sflag:$0x4] =	stream.linear.gather [hbm4b:s31+s2], $0x1800, $0x38;
	v63 =	vld [tilespmem:$0x0]  }
0x63: {  	_ =	swait.ge [sflag:s28], $0x3000  }
0x64: {  	[sflag:s28] =	ssyncset.done $0x0  }
0x65: {  	[sflag:s28] =	ssyncadd.s32 $0xFFFFD000  }
0x66: {  	_ =	swait.ge [sflag:s29], $0x1800  }
0x67: {  	[sflag:s29] =	ssyncset.done $0x0  }
0x68: {  	[sflag:s29] =	ssyncadd.s32 $0xFFFFE800  }
0x69: {  	v1 =	vld [tilespmem:$0x13C30]  }
0x6a: {  	v2 =	vld [tilespmem:$0x13C40]  }
0x6b: {  	v3 =	vld [tilespmem:$0x13C50];
	_ =	sdelay $0x2  }
0x6c: {  	v1 =	vadd.s32 $0xFFFFD880, v1  }
0x6d: {  	[tilespmem:$0x1FF00] =	vst v1;
	v1 =	vadd.s32 $0xFFFFD880, v2  }
0x6e: {  	[tilespmem:$0x1FF10] =	vst v1;
	v1 =	vadd.s32 $0xFFFFD880, v3  }
0x6f: {  	s2 =	simm.s32 $0x0;
	[tilespmem:$0x1FF20] =	vst v1  }
0x70: {  	v1 =	vld [tilespmem:s2+$0x13F70]  }
0x71: {  	v2 =	vld [tilespmem:s2+$0x15770]  }
0x72: {  	v3 =	vld [tilespmem:s2+$0x13F00]  }
0x73: {  	v4 =	vld [tilespmem:s2+$0x19F70]  }
0x74: {  	v5 =	vld [tilespmem:s2+$0x15700]  }
0x75: {  	v6 =	vld [tilespmem:s2+$0x13F10]  }
0x76: {  	v7 =	vld [tilespmem:s2+$0x15710]  }
0x77: {  	v8 =	vld [tilespmem:s2+$0x15720]  }
0x78: {  	v10 =	vld [tilespmem:s2+$0x15730]  }
0x79: {  	v11 =	vld [tilespmem:s2+$0x13F40]  }
0x7a: {  	v12 =	vld [tilespmem:s2+$0x13F50]  }
0x7b: {  	v13 =	vld [tilespmem:s2+$0x15750]  }
0x7c: {  	v14 =	vld [tilespmem:s2+$0x13F60];
	v1 =	vadd.f32 v2, v1  }
0x7d: {  	v15 =	vld [tilespmem:s2+$0x15760]  }
0x7e: {  	v16 =	vld [tilespmem:s2+$0x19F00];
	v1 =	vadd.f32 v4, v1  }
0x7f: {  	v2 =	vld [tilespmem:s2+$0x13F20]  }
0x80: {  	v4 =	vld [tilespmem:s2+$0x13F30];
	v1 =	vmax.f32 v1, $0.0e+00  }
0x81: {  	[tilespmem:s2+$0x1CF70] =	vst v1;
	v1 =	vld [tilespmem:s2+$0x15740]  }
0x82: {  	v17 =	vld [tilespmem:s2+$0x19F10]  }
0x83: {  	v18 =	vld [tilespmem:s2+$0x19F20]  }
0x84: {  	v9 =	vld [tilespmem:s2+$0x19F30];
	v3 =	vadd.f32 v5, v3;
	v19 =	vadd.f32 v7, v6  }
0x85: {  	v20 =	vadd.f32 v8, v2;
	v8 =	vld [tilespmem:s2+$0x19F40];
	v5 =	vadd.f32 v10, v4  }
0x86: {  	v7 =	vld [tilespmem:s2+$0x19F50];
	v4 =	vadd.f32 v1, v11;
	v11 =	vadd.f32 v16, v3  }
0x87: {  	s0 =	simm.s32 $0x80;
	v6 =	vld [tilespmem:s2+$0x19F60];
	v10 =	vadd.f32 v17, v19;
	v3 =	vadd.f32 v13, v12  }
0x88: {  	s1 =	simm.s32 $0x400;
	v2 =	vld [tilespmem:s0+$0x13F70];
	v1 =	vadd.f32 v15, v14;
	v12 =	vmax.f32 v11, $0.0e+00;
	v11 =	vadd.f32 v18, v20  }
.LBB2_4:
0x89: {  	p0 =	sne.s32 s1, $0x5E00;
	v13 =	vld [tilespmem:s0+$0x15770];
	[tilespmem:s2+$0x1CF00] =	vst v12;
	v10 =	vmax.f32 v10, $0.0e+00;
	v5 =	vadd.f32 v9, v5  }
0x8a: {  	v9 =	vld [tilespmem:s0+$0x13F00];
	[tilespmem:s2+$0x1CF10] =	vst v10;
	v10 =	vmax.f32 v11, $0.0e+00;
	v4 =	vadd.f32 v8, v4  }
0x8b: {  	v8 =	vld [tilespmem:s0+$0x19F70];
	[tilespmem:s2+$0x1CF20] =	vst v10;
	v5 =	vmax.f32 v5, $0.0e+00;
	v3 =	vadd.f32 v7, v3  }
0x8c: {  	v7 =	vld [tilespmem:s0+$0x15700];
	[tilespmem:s2+$0x1CF30] =	vst v5;
	v4 =	vmax.f32 v4, $0.0e+00;
	v1 =	vadd.f32 v6, v1  }
0x8d: {  	v5 =	vld [tilespmem:s0+$0x13F10];
	[tilespmem:s2+$0x1CF40] =	vst v4;
	v3 =	vmax.f32 v3, $0.0e+00  }
0x8e: {  	v4 =	vld [tilespmem:s0+$0x15710];
	v2 =	vadd.f32 v13, v2;
	[tilespmem:s2+$0x1CF50] =	vst v3;
	v1 =	vmax.f32 v1, $0.0e+00  }
0x8f: {  	v3 =	vld [tilespmem:s0+$0x13F20];
	[tilespmem:s2+$0x1CF60] =	vst v1;
	s2 =	smov.u32 s0  }
0x90: {  	v1 =	vld [tilespmem:s2+$0x15720];
	v2 =	vadd.f32 v8, v2  }
0x91: {  	v6 =	vadd.f32 v7, v9;
	v7 =	vld [tilespmem:s2+$0x13F30]  }
0x92: {  	v8 =	vld [tilespmem:s2+$0x15730];
	v2 =	vmax.f32 v2, $0.0e+00  }
0x93: {  	v10 =	vadd.f32 v4, v5;
	v4 =	vld [tilespmem:s2+$0x13F40];
	[tilespmem:s2+$0x1CF70] =	vst v2  }
0x94: {  	v2 =	vld [tilespmem:s2+$0x15740]  }
0x95: {  	v11 =	vadd.f32 v1, v3;
	v1 =	vld [tilespmem:s2+$0x13F50]  }
0x96: {  	v3 =	vld [tilespmem:s2+$0x15750]  }
0x97: {  	v5 =	vadd.f32 v8, v7;
	v7 =	vld [tilespmem:s2+$0x13F60]  }
0x98: {  	v12 =	vld [tilespmem:s2+$0x15760]  }
0x99: {  	v13 =	vld [tilespmem:s2+$0x19F00];
	v4 =	vadd.f32 v2, v4  }
0x9a: {  	v2 =	vld [tilespmem:s2+$0x19F10]  }
0x9b: {  	v14 =	vld [tilespmem:s2+$0x19F20];
	v3 =	vadd.f32 v3, v1  }
.Ltmp1:
0x9c: {  	v9 =	vld [tilespmem:s2+$0x19F30];
	(pc) =	sbr.rel @p0 .LBB2_4-.Ltmp1, $4  }
0x9d: {  	v8 =	vld [tilespmem:s2+$0x19F40];
	v1 =	vadd.f32 v12, v7  }
0x9e: {  	v12 =	vadd.f32 v13, v6;
	v7 =	vld [tilespmem:s2+$0x19F50]  }
0x9f: {  	s0 =	sshra.s32 s1, $0x2;
	v10 =	vadd.f32 v2, v10;
	v6 =	vld [tilespmem:s2+$0x19F60]  }
0xa0: {  	s1 =	sadd.s32 $0x200, s1;
	v2 =	vld [tilespmem:s0+$0x13F70];
	v12 =	vmax.f32 v12, $0.0e+00;
	v11 =	vadd.f32 v14, v11  }
0xa1: {  	v13 =	vld [tilespmem:s0+$0x15770];
	[tilespmem:s2+$0x1CF00] =	vst v12;
	v10 =	vmax.f32 v10, $0.0e+00;
	v5 =	vadd.f32 v9, v5  }
0xa2: {  	v12 =	vld [tilespmem:s0+$0x13F00];
	[tilespmem:s2+$0x1CF10] =	vst v10;
	v9 =	vmax.f32 v11, $0.0e+00;
	v4 =	vadd.f32 v8, v4  }
0xa3: {  	v10 =	vld [tilespmem:s0+$0x19F70];
	[tilespmem:s2+$0x1CF20] =	vst v9;
	v5 =	vmax.f32 v5, $0.0e+00;
	v3 =	vadd.f32 v7, v3  }
0xa4: {  	v8 =	vld [tilespmem:s0+$0x15700];
	[tilespmem:s2+$0x1CF30] =	vst v5;
	v4 =	vmax.f32 v4, $0.0e+00;
	v1 =	vadd.f32 v6, v1  }
0xa5: {  	v5 =	vld [tilespmem:s0+$0x13F10];
	[tilespmem:s2+$0x1CF40] =	vst v4;
	v3 =	vmax.f32 v3, $0.0e+00  }
0xa6: {  	v4 =	vld [tilespmem:s0+$0x15710];
	[tilespmem:s2+$0x1CF50] =	vst v3;
	v1 =	vmax.f32 v1, $0.0e+00  }
0xa7: {  	v3 =	vld [tilespmem:s0+$0x13F20];
	[tilespmem:s2+$0x1CF60] =	vst v1  }
0xa8: {  	v1 =	vld [tilespmem:s0+$0x15720]  }
0xa9: {  	v6 =	vld [tilespmem:s0+$0x13F30]  }
0xaa: {  	v2 =	vadd.f32 v13, v2;
	v7 =	vld [tilespmem:s0+$0x15730]  }
0xab: {  	v9 =	vld [tilespmem:s0+$0x13F40]  }
0xac: {  	v2 =	vadd.f32 v10, v2;
	v10 =	vld [tilespmem:s0+$0x13F50]  }
0xad: {  	v11 =	vld [tilespmem:s0+$0x15750]  }
0xae: {  	v13 =	vld [tilespmem:s0+$0x13F60]  }
0xaf: {  	v14 =	vld [tilespmem:s0+$0x15760]  }
0xb0: {  	v15 =	vld [tilespmem:s0+$0x19F00]  }
0xb1: {  	v16 =	vld [tilespmem:s0+$0x19F10]  }
0xb2: {  	v17 =	vld [tilespmem:s0+$0x19F20];
	v2 =	vmax.f32 v2, $0.0e+00  }
0xb3: {  	[tilespmem:s0+$0x1CF70] =	vst v2;
	v2 =	vld [tilespmem:s0+$0x15740]  }
0xb4: {  	v8 =	vadd.f32 v8, v12;
	v12 =	vld [tilespmem:s0+$0x19F30]  }
0xb5: {  	v4 =	vadd.f32 v4, v5;
	v5 =	vld [tilespmem:s0+$0x19F40]  }
0xb6: {  	v1 =	vadd.f32 v1, v3;
	v3 =	vadd.f32 v15, v8;
	v8 =	vld [tilespmem:s0+$0x19F50]  }
0xb7: {  	v6 =	vadd.f32 v7, v6;
	v4 =	vadd.f32 v16, v4;
	v7 =	vld [tilespmem:s0+$0x19F60]  }
0xb8: {  	v3 =	vmax.f32 v3, $0.0e+00;
	v1 =	vadd.f32 v17, v1;
	v2 =	vadd.f32 v2, v9  }
0xb9: {  	v9 =	vadd.f32 v11, v10;
	[tilespmem:s0+$0x1CF00] =	vst v3;
	v3 =	vmax.f32 v4, $0.0e+00;
	v4 =	vadd.f32 v12, v6  }
0xba: {  	v6 =	vadd.f32 v14, v13;
	[tilespmem:s0+$0x1CF10] =	vst v3;
	v1 =	vmax.f32 v1, $0.0e+00;
	v2 =	vadd.f32 v5, v2  }
0xbb: {  	[tilespmem:s0+$0x1CF20] =	vst v1;
	v1 =	vmax.f32 v4, $0.0e+00;
	v3 =	vadd.f32 v8, v9  }
0xbc: {  	[tilespmem:s0+$0x1CF30] =	vst v1;
	v1 =	vmax.f32 v2, $0.0e+00;
	v2 =	vadd.f32 v7, v6  }
0xbd: {  	[tilespmem:s0+$0x1CF40] =	vst v1;
	v1 =	vmax.f32 v3, $0.0e+00  }
0xbe: {  	[tilespmem:s0+$0x1CF50] =	vst v1;
	v1 =	vmax.f32 v2, $0.0e+00  }
0xbf: {  	[tilespmem:s0+$0x1CF60] =	vst v1  }
0xc0: {  	[spmem:s3] =	stream.indirect.scatter.add.f32 [tilespmem:s9], [sflag:$0x5], $0x80, s8, s16, $0xb8;
	v63 =	vld [tilespmem:$0x0]  }
0xc1: {  	s30 =	simm.s32 $0x13CC0  }
0xc2: {  	[tilespmem:s19], [sflag:$0x1] =	stream.indirect.gather [hbm4b:s5+s22], $0x80, s30, s22, $0xb8;
	v63 =	vld [tilespmem:$0x0]  }
0xc3: {  	s31 =	simm.s32 $0x0;
	s1 =	rddreg [dreg:$0x16]  }
0xc4: {  	[tilespmem:s23], [sflag:$0x3] =	stream.linear.gather [hbm4b:s1+s31], $0x1800, $0x38;
	v63 =	vld [tilespmem:$0x0]  }
0xc5: {  	_ =	swait.ge [sflag:s11], $0x3000  }
0xc6: {  	[sflag:s11] =	ssyncset.done $0x0  }
0xc7: {  	[sflag:s11] =	ssyncadd.s32 $0xFFFFD000  }
0xc8: {  	_ =	swait.ge [sflag:s12], $0x1800  }
0xc9: {  	[sflag:s12] =	ssyncset.done $0x0  }
0xca: {  	[sflag:s12] =	ssyncadd.s32 $0xFFFFE800  }
0xcb: {  	v1 =	vld [tilespmem:$0x13C90]  }
0xcc: {  	v2 =	vld [tilespmem:$0x13CA0]  }
0xcd: {  	v3 =	vld [tilespmem:$0x13CB0];
	_ =	sdelay $0x2  }
0xce: {  	v1 =	vadd.s32 $0xFFFFD880, v1  }
0xcf: {  	[tilespmem:$0x1FF80] =	vst v1;
	v1 =	vadd.s32 $0xFFFFD880, v2  }
0xd0: {  	[tilespmem:$0x1FF90] =	vst v1;
	v1 =	vadd.s32 $0xFFFFD880, v3  }
0xd1: {  	s2 =	simm.s32 $0x0;
	[tilespmem:$0x1FFA0] =	vst v1  }
0xd2: {  	v1 =	vld [tilespmem:s2+$0x16F70]  }
0xd3: {  	v2 =	vld [tilespmem:s2+$0x18770]  }
0xd4: {  	v3 =	vld [tilespmem:s2+$0x16F00]  }
0xd5: {  	v4 =	vld [tilespmem:s2+$0x1B770]  }
0xd6: {  	v5 =	vld [tilespmem:s2+$0x18700]  }
0xd7: {  	v6 =	vld [tilespmem:s2+$0x16F10]  }
0xd8: {  	v7 =	vld [tilespmem:s2+$0x18710]  }
0xd9: {  	v8 =	vld [tilespmem:s2+$0x18720]  }
0xda: {  	v10 =	vld [tilespmem:s2+$0x18730]  }
0xdb: {  	v11 =	vld [tilespmem:s2+$0x16F40]  }
0xdc: {  	v12 =	vld [tilespmem:s2+$0x16F50]  }
0xdd: {  	v13 =	vld [tilespmem:s2+$0x18750]  }
0xde: {  	v14 =	vld [tilespmem:s2+$0x16F60];
	v1 =	vadd.f32 v2, v1  }
0xdf: {  	v15 =	vld [tilespmem:s2+$0x18760]  }
0xe0: {  	v61 =	vld [tilespmem:s2+$0x1B700];
	v1 =	vadd.f32 v4, v1  }
0xe1: {  	v2 =	vld [tilespmem:s2+$0x16F20]  }
0xe2: {  	v4 =	vld [tilespmem:s2+$0x16F30];
	v1 =	vmax.f32 v1, $0.0e+00  }
0xe3: {  	[tilespmem:s2+$0x1E770] =	vst v1;
	v1 =	vld [tilespmem:s2+$0x18740]  }
0xe4: {  	v62 =	vld [tilespmem:s2+$0x1B710]  }
0xe5: {  	v18 =	vld [tilespmem:s2+$0x1B720]  }
0xe6: {  	v9 =	vld [tilespmem:s2+$0x1B730];
	v3 =	vadd.f32 v5, v3;
	v19 =	vadd.f32 v7, v6  }
0xe7: {  	v20 =	vadd.f32 v8, v2;
	v8 =	vld [tilespmem:s2+$0x1B740];
	v5 =	vadd.f32 v10, v4  }
0xe8: {  	v7 =	vld [tilespmem:s2+$0x1B750];
	v4 =	vadd.f32 v1, v11;
	v11 =	vadd.f32 v61, v3  }
0xe9: {  	s0 =	simm.s32 $0x80;
	v6 =	vld [tilespmem:s2+$0x1B760];
	v10 =	vadd.f32 v62, v19;
	v3 =	vadd.f32 v13, v12  }
0xea: {  	s1 =	simm.s32 $0x400;
	v2 =	vld [tilespmem:s0+$0x16F70];
	v1 =	vadd.f32 v15, v14;
	v12 =	vmax.f32 v11, $0.0e+00;
	v11 =	vadd.f32 v18, v20  }
.LBB2_6:
0xeb: {  	p0 =	sne.s32 s1, $0x5E00;
	v13 =	vld [tilespmem:s0+$0x18770];
	[tilespmem:s2+$0x1E700] =	vst v12;
	v10 =	vmax.f32 v10, $0.0e+00;
	v5 =	vadd.f32 v9, v5  }
0xec: {  	v9 =	vld [tilespmem:s0+$0x16F00];
	[tilespmem:s2+$0x1E710] =	vst v10;
	v10 =	vmax.f32 v11, $0.0e+00;
	v4 =	vadd.f32 v8, v4  }
0xed: {  	v8 =	vld [tilespmem:s0+$0x1B770];
	[tilespmem:s2+$0x1E720] =	vst v10;
	v5 =	vmax.f32 v5, $0.0e+00;
	v3 =	vadd.f32 v7, v3  }
0xee: {  	v7 =	vld [tilespmem:s0+$0x18700];
	[tilespmem:s2+$0x1E730] =	vst v5;
	v4 =	vmax.f32 v4, $0.0e+00;
	v1 =	vadd.f32 v6, v1  }
0xef: {  	v5 =	vld [tilespmem:s0+$0x16F10];
	[tilespmem:s2+$0x1E740] =	vst v4;
	v3 =	vmax.f32 v3, $0.0e+00  }
0xf0: {  	v4 =	vld [tilespmem:s0+$0x18710];
	v2 =	vadd.f32 v13, v2;
	[tilespmem:s2+$0x1E750] =	vst v3;
	v1 =	vmax.f32 v1, $0.0e+00  }
0xf1: {  	v3 =	vld [tilespmem:s0+$0x16F20];
	[tilespmem:s2+$0x1E760] =	vst v1;
	s2 =	smov.u32 s0  }
0xf2: {  	v1 =	vld [tilespmem:s2+$0x18720];
	v2 =	vadd.f32 v8, v2  }
0xf3: {  	v6 =	vadd.f32 v7, v9;
	v7 =	vld [tilespmem:s2+$0x16F30]  }
0xf4: {  	v8 =	vld [tilespmem:s2+$0x18730];
	v2 =	vmax.f32 v2, $0.0e+00  }
0xf5: {  	v10 =	vadd.f32 v4, v5;
	v4 =	vld [tilespmem:s2+$0x16F40];
	[tilespmem:s2+$0x1E770] =	vst v2  }
0xf6: {  	v2 =	vld [tilespmem:s2+$0x18740]  }
0xf7: {  	v11 =	vadd.f32 v1, v3;
	v1 =	vld [tilespmem:s2+$0x16F50]  }
0xf8: {  	v3 =	vld [tilespmem:s2+$0x18750]  }
0xf9: {  	v5 =	vadd.f32 v8, v7;
	v7 =	vld [tilespmem:s2+$0x16F60]  }
0xfa: {  	v12 =	vld [tilespmem:s2+$0x18760]  }
0xfb: {  	v13 =	vld [tilespmem:s2+$0x1B700];
	v4 =	vadd.f32 v2, v4  }
0xfc: {  	v2 =	vld [tilespmem:s2+$0x1B710]  }
0xfd: {  	v14 =	vld [tilespmem:s2+$0x1B720];
	v3 =	vadd.f32 v3, v1  }
.Ltmp2:
0xfe: {  	v9 =	vld [tilespmem:s2+$0x1B730];
	(pc) =	sbr.rel @p0 .LBB2_6-.Ltmp2, $4  }
0xff: {  	v8 =	vld [tilespmem:s2+$0x1B740];
	v1 =	vadd.f32 v12, v7  }
0x100: {  	v12 =	vadd.f32 v13, v6;
	v7 =	vld [tilespmem:s2+$0x1B750]  }
0x101: {  	s0 =	sshra.s32 s1, $0x2;
	v10 =	vadd.f32 v2, v10;
	v6 =	vld [tilespmem:s2+$0x1B760]  }
0x102: {  	s1 =	sadd.s32 $0x200, s1;
	v2 =	vld [tilespmem:s0+$0x16F70];
	v12 =	vmax.f32 v12, $0.0e+00;
	v11 =	vadd.f32 v14, v11  }
0x103: {  	v13 =	vld [tilespmem:s0+$0x18770];
	[tilespmem:s2+$0x1E700] =	vst v12;
	v10 =	vmax.f32 v10, $0.0e+00;
	v5 =	vadd.f32 v9, v5  }
0x104: {  	v12 =	vld [tilespmem:s0+$0x16F00];
	[tilespmem:s2+$0x1E710] =	vst v10;
	v49 =	vmax.f32 v11, $0.0e+00;
	v4 =	vadd.f32 v8, v4  }
0x105: {  	v10 =	vld [tilespmem:s0+$0x1B770];
	[tilespmem:s2+$0x1E720] =	vst v49;
	v5 =	vmax.f32 v5, $0.0e+00;
	v3 =	vadd.f32 v7, v3  }
0x106: {  	v50 =	vld [tilespmem:s0+$0x18700];
	[tilespmem:s2+$0x1E730] =	vst v5;
	v4 =	vmax.f32 v4, $0.0e+00;
	v1 =	vadd.f32 v6, v1  }
0x107: {  	v5 =	vld [tilespmem:s0+$0x16F10];
	[tilespmem:s2+$0x1E740] =	vst v4;
	v3 =	vmax.f32 v3, $0.0e+00  }
0x108: {  	v4 =	vld [tilespmem:s0+$0x18710];
	[tilespmem:s2+$0x1E750] =	vst v3;
	v1 =	vmax.f32 v1, $0.0e+00  }
0x109: {  	v3 =	vld [tilespmem:s0+$0x16F20];
	[tilespmem:s2+$0x1E760] =	vst v1  }
0x10a: {  	v1 =	vld [tilespmem:s0+$0x18720]  }
0x10b: {  	v51 =	vld [tilespmem:s0+$0x16F30]  }
0x10c: {  	v52 =	vld [tilespmem:s0+$0x18730]  }
0x10d: {  	v9 =	vld [tilespmem:s0+$0x16F40]  }
0x10e: {  	v53 =	vld [tilespmem:s0+$0x16F50]  }
0x10f: {  	v54 =	vld [tilespmem:s0+$0x18750]  }
0x110: {  	v2 =	vadd.f32 v13, v2;
	v55 =	vld [tilespmem:s0+$0x16F60]  }
0x111: {  	v14 =	vld [tilespmem:s0+$0x18760]  }
0x112: {  	v2 =	vadd.f32 v10, v2;
	v15 =	vld [tilespmem:s0+$0x1B700]  }
0x113: {  	v16 =	vld [tilespmem:s0+$0x1B710]  }
0x114: {  	v17 =	vld [tilespmem:s0+$0x1B720];
	v2 =	vmax.f32 v2, $0.0e+00  }
0x115: {  	[tilespmem:s0+$0x1E770] =	vst v2;
	v2 =	vld [tilespmem:s0+$0x18740]  }
0x116: {  	v56 =	vld [tilespmem:s0+$0x1B730];
	v8 =	vadd.f32 v50, v12  }
0x117: {  	v57 =	vld [tilespmem:s0+$0x1B740];
	v4 =	vadd.f32 v4, v5  }
0x118: {  	v58 =	vld [tilespmem:s0+$0x1B750];
	v1 =	vadd.f32 v1, v3;
	v3 =	vadd.f32 v15, v8  }
0x119: {  	v59 =	vld [tilespmem:s0+$0x1B760];
	v6 =	vadd.f32 v52, v51;
	v4 =	vadd.f32 v16, v4  }
0x11a: {  	v1 =	vadd.f32 v17, v1;
	v3 =	vmax.f32 v3, $0.0e+00;
	v2 =	vadd.f32 v2, v9  }
0x11b: {  	v60 =	vadd.f32 v54, v53;
	v61 =	vadd.f32 v56, v6;
	[tilespmem:s0+$0x1E700] =	vst v3;
	v3 =	vmax.f32 v4, $0.0e+00  }
0x11c: {  	v62 =	vadd.f32 v14, v55;
	[tilespmem:s0+$0x1E710] =	vst v3;
	v1 =	vmax.f32 v1, $0.0e+00;
	v2 =	vadd.f32 v57, v2  }
0x11d: {  	v3 =	vadd.f32 v58, v60;
	[tilespmem:s0+$0x1E720] =	vst v1;
	v1 =	vmax.f32 v61, $0.0e+00  }
0x11e: {  	[tilespmem:s0+$0x1E730] =	vst v1;
	v1 =	vmax.f32 v2, $0.0e+00;
	v2 =	vadd.f32 v59, v62  }
0x11f: {  	[tilespmem:s0+$0x1E740] =	vst v1;
	v1 =	vmax.f32 v3, $0.0e+00  }
0x120: {  	[tilespmem:s0+$0x1E750] =	vst v1;
	v1 =	vmax.f32 v2, $0.0e+00  }
0x121: {  	[tilespmem:s0+$0x1E760] =	vst v1  }
0x122: {  	[spmem:s3] =	stream.indirect.scatter.add.f32 [tilespmem:s7], [sflag:$0x6], $0x80, s13, s16, $0xb8;
	v63 =	vld [tilespmem:$0x0]  }
0x123: {  	s30 =	simm.s32 $0x13D20  }
0x124: {  	[tilespmem:s25], [sflag:$0x2] =	stream.indirect.gather [hbm4b:s5+s22], $0x80, s30, s22, $0xb8;
	v63 =	vld [tilespmem:$0x0]  }
0x125: {  	s31 =	rddreg [dreg:$0x17];
	s2 =	simm.s32 $0x0  }
0x126: {  	[tilespmem:s26], [sflag:$0x4] =	stream.linear.gather [hbm4b:s31+s2], $0x1800, $0x38;
	v63 =	vld [tilespmem:$0x0]  }
.LBB2_8:
0x127: {  	_ =	swait.ge [sflag:s10], $0x1800  }
0x128: {  	[sflag:s10] =	ssyncset.done $0x0  }
0x129: {  	[sflag:s10] =	ssyncadd.s32 $0xFFFFE800  }
0x12a: {  	_ =	swait.ge [sflag:s28], $0x3000  }
0x12b: {  	[sflag:s28] =	ssyncset.done $0x0  }
0x12c: {  	[sflag:s28] =	ssyncadd.s32 $0xFFFFD000  }
0x12d: {  	_ =	swait.ge [sflag:s29], $0x1800  }
0x12e: {  	[sflag:s29] =	ssyncset.done $0x0  }
0x12f: {  	[sflag:s29] =	ssyncadd.s32 $0xFFFFE800  }
0x130: {  	v1 =	vld [tilespmem:$0x13CF0]  }
0x131: {  	v2 =	vld [tilespmem:$0x13D00]  }
0x132: {  	v3 =	vld [tilespmem:$0x13D10];
	_ =	sdelay $0x2  }
0x133: {  	v1 =	vadd.s32 $0xFFFFD880, v1  }
0x134: {  	[tilespmem:$0x1FF00] =	vst v1;
	v1 =	vadd.s32 $0xFFFFD880, v2  }
0x135: {  	[tilespmem:$0x1FF10] =	vst v1;
	v1 =	vadd.s32 $0xFFFFD880, v3  }
0x136: {  	s30 =	simm.s32 $0x0;
	[tilespmem:$0x1FF20] =	vst v1  }
0x137: {  	v1 =	vld [tilespmem:s30+$0x13F70]  }
0x138: {  	v2 =	vld [tilespmem:s30+$0x15770]  }
0x139: {  	v3 =	vld [tilespmem:s30+$0x13F00]  }
0x13a: {  	v4 =	vld [tilespmem:s30+$0x19F70]  }
0x13b: {  	v5 =	vld [tilespmem:s30+$0x15700]  }
0x13c: {  	v6 =	vld [tilespmem:s30+$0x13F10]  }
0x13d: {  	v7 =	vld [tilespmem:s30+$0x15710]  }
0x13e: {  	v8 =	vld [tilespmem:s30+$0x15720]  }
0x13f: {  	v10 =	vld [tilespmem:s30+$0x15730]  }
0x140: {  	v11 =	vld [tilespmem:s30+$0x13F40]  }
0x141: {  	v12 =	vld [tilespmem:s30+$0x13F50]  }
0x142: {  	v13 =	vld [tilespmem:s30+$0x15750]  }
0x143: {  	v14 =	vld [tilespmem:s30+$0x13F60];
	v1 =	vadd.f32 v2, v1  }
0x144: {  	v15 =	vld [tilespmem:s30+$0x15760]  }
0x145: {  	v16 =	vld [tilespmem:s30+$0x19F00];
	v1 =	vadd.f32 v4, v1  }
0x146: {  	v2 =	vld [tilespmem:s30+$0x13F20]  }
0x147: {  	v4 =	vld [tilespmem:s30+$0x13F30];
	v1 =	vmax.f32 v1, $0.0e+00  }
0x148: {  	[tilespmem:s30+$0x1CF70] =	vst v1;
	v1 =	vld [tilespmem:s30+$0x15740]  }
0x149: {  	v17 =	vld [tilespmem:s30+$0x19F10]  }
0x14a: {  	v18 =	vld [tilespmem:s30+$0x19F20]  }
0x14b: {  	v9 =	vld [tilespmem:s30+$0x19F30];
	v3 =	vadd.f32 v5, v3;
	v19 =	vadd.f32 v7, v6  }
0x14c: {  	v20 =	vadd.f32 v8, v2;
	v8 =	vld [tilespmem:s30+$0x19F40];
	v5 =	vadd.f32 v10, v4  }
0x14d: {  	v7 =	vld [tilespmem:s30+$0x19F50];
	v4 =	vadd.f32 v1, v11;
	v11 =	vadd.f32 v16, v3  }
0x14e: {  	s1 =	simm.s32 $0x80;
	v6 =	vld [tilespmem:s30+$0x19F60];
	v10 =	vadd.f32 v17, v19;
	v3 =	vadd.f32 v13, v12  }
0x14f: {  	s0 =	simm.s32 $0x400;
	v2 =	vld [tilespmem:s1+$0x13F70];
	v1 =	vadd.f32 v15, v14;
	v12 =	vmax.f32 v11, $0.0e+00;
	v11 =	vadd.f32 v18, v20  }
.LBB2_9:
0x150: {  	p0 =	sne.s32 s0, $0x5E00;
	v13 =	vld [tilespmem:s1+$0x15770];
	[tilespmem:s30+$0x1CF00] =	vst v12;
	v10 =	vmax.f32 v10, $0.0e+00;
	v5 =	vadd.f32 v9, v5  }
0x151: {  	v9 =	vld [tilespmem:s1+$0x13F00];
	[tilespmem:s30+$0x1CF10] =	vst v10;
	v10 =	vmax.f32 v11, $0.0e+00;
	v4 =	vadd.f32 v8, v4  }
0x152: {  	v8 =	vld [tilespmem:s1+$0x19F70];
	[tilespmem:s30+$0x1CF20] =	vst v10;
	v5 =	vmax.f32 v5, $0.0e+00;
	v3 =	vadd.f32 v7, v3  }
0x153: {  	v7 =	vld [tilespmem:s1+$0x15700];
	[tilespmem:s30+$0x1CF30] =	vst v5;
	v4 =	vmax.f32 v4, $0.0e+00;
	v1 =	vadd.f32 v6, v1  }
0x154: {  	v5 =	vld [tilespmem:s1+$0x13F10];
	[tilespmem:s30+$0x1CF40] =	vst v4;
	v3 =	vmax.f32 v3, $0.0e+00  }
0x155: {  	v4 =	vld [tilespmem:s1+$0x15710];
	v2 =	vadd.f32 v13, v2;
	[tilespmem:s30+$0x1CF50] =	vst v3;
	v1 =	vmax.f32 v1, $0.0e+00  }
0x156: {  	v3 =	vld [tilespmem:s1+$0x13F20];
	[tilespmem:s30+$0x1CF60] =	vst v1;
	s30 =	smov.u32 s1  }
0x157: {  	v1 =	vld [tilespmem:s30+$0x15720];
	v2 =	vadd.f32 v8, v2  }
0x158: {  	v6 =	vadd.f32 v7, v9;
	v7 =	vld [tilespmem:s30+$0x13F30]  }
0x159: {  	v8 =	vld [tilespmem:s30+$0x15730];
	v2 =	vmax.f32 v2, $0.0e+00  }
0x15a: {  	v10 =	vadd.f32 v4, v5;
	v4 =	vld [tilespmem:s30+$0x13F40];
	[tilespmem:s30+$0x1CF70] =	vst v2  }
0x15b: {  	v2 =	vld [tilespmem:s30+$0x15740]  }
0x15c: {  	v11 =	vadd.f32 v1, v3;
	v1 =	vld [tilespmem:s30+$0x13F50]  }
0x15d: {  	v3 =	vld [tilespmem:s30+$0x15750]  }
0x15e: {  	v5 =	vadd.f32 v8, v7;
	v7 =	vld [tilespmem:s30+$0x13F60]  }
0x15f: {  	v12 =	vld [tilespmem:s30+$0x15760]  }
0x160: {  	v13 =	vld [tilespmem:s30+$0x19F00];
	v4 =	vadd.f32 v2, v4  }
0x161: {  	v2 =	vld [tilespmem:s30+$0x19F10]  }
0x162: {  	v14 =	vld [tilespmem:s30+$0x19F20];
	v3 =	vadd.f32 v3, v1  }
.Ltmp3:
0x163: {  	v9 =	vld [tilespmem:s30+$0x19F30];
	(pc) =	sbr.rel @p0 .LBB2_9-.Ltmp3, $4  }
0x164: {  	v8 =	vld [tilespmem:s30+$0x19F40];
	v1 =	vadd.f32 v12, v7  }
0x165: {  	v12 =	vadd.f32 v13, v6;
	v7 =	vld [tilespmem:s30+$0x19F50]  }
0x166: {  	s1 =	sshra.s32 s0, $0x2;
	v10 =	vadd.f32 v2, v10;
	v6 =	vld [tilespmem:s30+$0x19F60]  }
0x167: {  	s0 =	sadd.s32 $0x200, s0;
	v2 =	vld [tilespmem:s1+$0x13F70];
	v12 =	vmax.f32 v12, $0.0e+00;
	v11 =	vadd.f32 v14, v11  }
0x168: {  	v13 =	vld [tilespmem:s1+$0x15770];
	[tilespmem:s30+$0x1CF00] =	vst v12;
	v10 =	vmax.f32 v10, $0.0e+00;
	v5 =	vadd.f32 v9, v5  }
0x169: {  	v12 =	vld [tilespmem:s1+$0x13F00];
	[tilespmem:s30+$0x1CF10] =	vst v10;
	v9 =	vmax.f32 v11, $0.0e+00;
	v4 =	vadd.f32 v8, v4  }
0x16a: {  	v10 =	vld [tilespmem:s1+$0x19F70];
	[tilespmem:s30+$0x1CF20] =	vst v9;
	v5 =	vmax.f32 v5, $0.0e+00;
	v3 =	vadd.f32 v7, v3  }
0x16b: {  	v8 =	vld [tilespmem:s1+$0x15700];
	[tilespmem:s30+$0x1CF30] =	vst v5;
	v4 =	vmax.f32 v4, $0.0e+00;
	v1 =	vadd.f32 v6, v1  }
0x16c: {  	v5 =	vld [tilespmem:s1+$0x13F10];
	[tilespmem:s30+$0x1CF40] =	vst v4;
	v3 =	vmax.f32 v3, $0.0e+00  }
0x16d: {  	v4 =	vld [tilespmem:s1+$0x15710];
	[tilespmem:s30+$0x1CF50] =	vst v3;
	v1 =	vmax.f32 v1, $0.0e+00  }
0x16e: {  	v3 =	vld [tilespmem:s1+$0x13F20];
	[tilespmem:s30+$0x1CF60] =	vst v1  }
0x16f: {  	v1 =	vld [tilespmem:s1+$0x15720]  }
0x170: {  	v6 =	vld [tilespmem:s1+$0x13F30]  }
0x171: {  	v2 =	vadd.f32 v13, v2;
	v7 =	vld [tilespmem:s1+$0x15730]  }
0x172: {  	v9 =	vld [tilespmem:s1+$0x13F40]  }
0x173: {  	v2 =	vadd.f32 v10, v2;
	v10 =	vld [tilespmem:s1+$0x13F50]  }
0x174: {  	v11 =	vld [tilespmem:s1+$0x15750]  }
0x175: {  	v13 =	vld [tilespmem:s1+$0x13F60]  }
0x176: {  	v14 =	vld [tilespmem:s1+$0x15760]  }
0x177: {  	v15 =	vld [tilespmem:s1+$0x19F00]  }
0x178: {  	v16 =	vld [tilespmem:s1+$0x19F10]  }
0x179: {  	v17 =	vld [tilespmem:s1+$0x19F20];
	v2 =	vmax.f32 v2, $0.0e+00  }
0x17a: {  	[tilespmem:s1+$0x1CF70] =	vst v2;
	v2 =	vld [tilespmem:s1+$0x15740]  }
0x17b: {  	v8 =	vadd.f32 v8, v12;
	v12 =	vld [tilespmem:s1+$0x19F30]  }
0x17c: {  	v4 =	vadd.f32 v4, v5;
	v5 =	vld [tilespmem:s1+$0x19F40]  }
0x17d: {  	v1 =	vadd.f32 v1, v3;
	v3 =	vadd.f32 v15, v8;
	v8 =	vld [tilespmem:s1+$0x19F50]  }
0x17e: {  	v6 =	vadd.f32 v7, v6;
	v4 =	vadd.f32 v16, v4;
	v7 =	vld [tilespmem:s1+$0x19F60]  }
0x17f: {  	v3 =	vmax.f32 v3, $0.0e+00;
	v1 =	vadd.f32 v17, v1;
	v2 =	vadd.f32 v2, v9  }
0x180: {  	v9 =	vadd.f32 v11, v10;
	[tilespmem:s1+$0x1CF00] =	vst v3;
	v3 =	vmax.f32 v4, $0.0e+00;
	v4 =	vadd.f32 v12, v6  }
0x181: {  	v6 =	vadd.f32 v14, v13;
	[tilespmem:s1+$0x1CF10] =	vst v3;
	v1 =	vmax.f32 v1, $0.0e+00;
	v2 =	vadd.f32 v5, v2  }
0x182: {  	[tilespmem:s1+$0x1CF20] =	vst v1;
	v1 =	vmax.f32 v4, $0.0e+00;
	v3 =	vadd.f32 v8, v9  }
0x183: {  	s31 =	sshll.u32 s2, $0x3;
	[tilespmem:s1+$0x1CF30] =	vst v1;
	v1 =	vmax.f32 v2, $0.0e+00;
	v2 =	vadd.f32 v7, v6  }
0x184: {  	s0 =	sor.u32 $0x4, s31;
	[tilespmem:s1+$0x1CF40] =	vst v1;
	v1 =	vmax.f32 v3, $0.0e+00  }
0x185: {  	s14 =	sadd.s32 s17, s0;
	[tilespmem:s1+$0x1CF50] =	vst v1;
	v1 =	vmax.f32 v2, $0.0e+00  }
0x186: {  	[tilespmem:s1+$0x1CF60] =	vst v1;
	s1 =	smul.u32 $0xC, s14;
	s14 =	rddreg [dreg:$0x1]  }
0x187: {  	[spmem:s3] =	stream.indirect.scatter.add.f32 [tilespmem:s9], [sflag:$0x5], $0x80, s8, s16, $0xb8;
	v63 =	vld [tilespmem:$0x0]  }
0x188: {  	s0 =	smul.u32 $0x30, s0;
	s1 =	sadd.s32 s14, s1;
	s14 =	simm.s32 $0x0  }
0x189: {  	[tilespmem:s24], [sflag:$0x7] =	stream.linear.gather [hbm4b:s1+s14], $0x180, $0x38;
	v63 =	vld [tilespmem:$0x0]  }
0x18a: {  	_ =	swait.ge [sflag:s20], $0x180  }
0x18b: {  	s0 =	sadd.s32 s15, s0;
	[sflag:s20] =	ssyncset.done $0x0  }
0x18c: {  	s0 =	sshll.u32 s0, $0x4;
	[sflag:s20] =	ssyncadd.s32 $0xFFFFFE80  }
0x18d: {  	[tilespmem:s19], [sflag:$0x1] =	stream.indirect.gather [hbm4b:s5+s22], $0x80, s24, s22, $0xb8;
	v63 =	vld [tilespmem:$0x0]  }
0x18e: {  	s0 =	sadd.s32 s6, s0  }
0x18f: {  	[tilespmem:s23], [sflag:$0x3] =	stream.linear.gather [hbm4b:s0+s14], $0x1800, $0x38;
	v63 =	vld [tilespmem:$0x0]  }
0x190: {  	_ =	swait.ge [sflag:s4], $0x1800  }
0x191: {  	[sflag:s4] =	ssyncset.done $0x0  }
0x192: {  	[sflag:s4] =	ssyncadd.s32 $0xFFFFE800  }
0x193: {  	_ =	swait.ge [sflag:s11], $0x3000  }
0x194: {  	[sflag:s11] =	ssyncset.done $0x0  }
0x195: {  	[sflag:s11] =	ssyncadd.s32 $0xFFFFD000  }
0x196: {  	_ =	swait.ge [sflag:s12], $0x1800  }
0x197: {  	[sflag:s12] =	ssyncset.done $0x0  }
0x198: {  	[sflag:s12] =	ssyncadd.s32 $0xFFFFE800  }
0x199: {  	v1 =	vld [tilespmem:$0x13D50]  }
0x19a: {  	v2 =	vld [tilespmem:$0x13D60]  }
0x19b: {  	v3 =	vld [tilespmem:$0x13D70];
	_ =	sdelay $0x2  }
0x19c: {  	v1 =	vadd.s32 $0xFFFFD880, v1  }
0x19d: {  	[tilespmem:$0x1FF80] =	vst v1;
	v1 =	vadd.s32 $0xFFFFD880, v2  }
0x19e: {  	[tilespmem:$0x1FF90] =	vst v1;
	v1 =	vadd.s32 $0xFFFFD880, v3  }
0x19f: {  	s30 =	simm.s32 $0x0;
	[tilespmem:$0x1FFA0] =	vst v1  }
0x1a0: {  	v1 =	vld [tilespmem:s30+$0x16F70]  }
0x1a1: {  	v2 =	vld [tilespmem:s30+$0x18770]  }
0x1a2: {  	v3 =	vld [tilespmem:s30+$0x16F00]  }
0x1a3: {  	v4 =	vld [tilespmem:s30+$0x1B770]  }
0x1a4: {  	v5 =	vld [tilespmem:s30+$0x18700]  }
0x1a5: {  	v6 =	vld [tilespmem:s30+$0x16F10]  }
0x1a6: {  	v7 =	vld [tilespmem:s30+$0x18710]  }
0x1a7: {  	v8 =	vld [tilespmem:s30+$0x18720]  }
0x1a8: {  	v10 =	vld [tilespmem:s30+$0x18730]  }
0x1a9: {  	v11 =	vld [tilespmem:s30+$0x16F40]  }
0x1aa: {  	v12 =	vld [tilespmem:s30+$0x16F50]  }
0x1ab: {  	v13 =	vld [tilespmem:s30+$0x18750]  }
0x1ac: {  	v14 =	vld [tilespmem:s30+$0x16F60];
	v1 =	vadd.f32 v2, v1  }
0x1ad: {  	v15 =	vld [tilespmem:s30+$0x18760]  }
0x1ae: {  	v61 =	vld [tilespmem:s30+$0x1B700];
	v1 =	vadd.f32 v4, v1  }
0x1af: {  	v2 =	vld [tilespmem:s30+$0x16F20]  }
0x1b0: {  	v4 =	vld [tilespmem:s30+$0x16F30];
	v1 =	vmax.f32 v1, $0.0e+00  }
0x1b1: {  	[tilespmem:s30+$0x1E770] =	vst v1;
	v1 =	vld [tilespmem:s30+$0x18740]  }
0x1b2: {  	v62 =	vld [tilespmem:s30+$0x1B710]  }
0x1b3: {  	v18 =	vld [tilespmem:s30+$0x1B720]  }
0x1b4: {  	v9 =	vld [tilespmem:s30+$0x1B730];
	v3 =	vadd.f32 v5, v3;
	v19 =	vadd.f32 v7, v6  }
0x1b5: {  	v20 =	vadd.f32 v8, v2;
	v8 =	vld [tilespmem:s30+$0x1B740];
	v5 =	vadd.f32 v10, v4  }
0x1b6: {  	v7 =	vld [tilespmem:s30+$0x1B750];
	v4 =	vadd.f32 v1, v11;
	v11 =	vadd.f32 v61, v3  }
0x1b7: {  	s0 =	simm.s32 $0x80;
	v6 =	vld [tilespmem:s30+$0x1B760];
	v10 =	vadd.f32 v62, v19;
	v3 =	vadd.f32 v13, v12  }
0x1b8: {  	s1 =	simm.s32 $0x400;
	v2 =	vld [tilespmem:s0+$0x16F70];
	v1 =	vadd.f32 v15, v14;
	v12 =	vmax.f32 v11, $0.0e+00;
	v11 =	vadd.f32 v18, v20  }
.LBB2_11:
0x1b9: {  	p0 =	sne.s32 s1, $0x5E00;
	v13 =	vld [tilespmem:s0+$0x18770];
	[tilespmem:s30+$0x1E700] =	vst v12;
	v10 =	vmax.f32 v10, $0.0e+00;
	v5 =	vadd.f32 v9, v5  }
0x1ba: {  	v9 =	vld [tilespmem:s0+$0x16F00];
	[tilespmem:s30+$0x1E710] =	vst v10;
	v10 =	vmax.f32 v11, $0.0e+00;
	v4 =	vadd.f32 v8, v4  }
0x1bb: {  	v8 =	vld [tilespmem:s0+$0x1B770];
	[tilespmem:s30+$0x1E720] =	vst v10;
	v5 =	vmax.f32 v5, $0.0e+00;
	v3 =	vadd.f32 v7, v3  }
0x1bc: {  	v7 =	vld [tilespmem:s0+$0x18700];
	[tilespmem:s30+$0x1E730] =	vst v5;
	v4 =	vmax.f32 v4, $0.0e+00;
	v1 =	vadd.f32 v6, v1  }
0x1bd: {  	v5 =	vld [tilespmem:s0+$0x16F10];
	[tilespmem:s30+$0x1E740] =	vst v4;
	v3 =	vmax.f32 v3, $0.0e+00  }
0x1be: {  	v4 =	vld [tilespmem:s0+$0x18710];
	v2 =	vadd.f32 v13, v2;
	[tilespmem:s30+$0x1E750] =	vst v3;
	v1 =	vmax.f32 v1, $0.0e+00  }
0x1bf: {  	v3 =	vld [tilespmem:s0+$0x16F20];
	[tilespmem:s30+$0x1E760] =	vst v1;
	s30 =	smov.u32 s0  }
0x1c0: {  	v1 =	vld [tilespmem:s30+$0x18720];
	v2 =	vadd.f32 v8, v2  }
0x1c1: {  	v6 =	vadd.f32 v7, v9;
	v7 =	vld [tilespmem:s30+$0x16F30]  }
0x1c2: {  	v8 =	vld [tilespmem:s30+$0x18730];
	v2 =	vmax.f32 v2, $0.0e+00  }
0x1c3: {  	v10 =	vadd.f32 v4, v5;
	v4 =	vld [tilespmem:s30+$0x16F40];
	[tilespmem:s30+$0x1E770] =	vst v2  }
0x1c4: {  	v2 =	vld [tilespmem:s30+$0x18740]  }
0x1c5: {  	v11 =	vadd.f32 v1, v3;
	v1 =	vld [tilespmem:s30+$0x16F50]  }
0x1c6: {  	v3 =	vld [tilespmem:s30+$0x18750]  }
0x1c7: {  	v5 =	vadd.f32 v8, v7;
	v7 =	vld [tilespmem:s30+$0x16F60]  }
0x1c8: {  	v12 =	vld [tilespmem:s30+$0x18760]  }
0x1c9: {  	v13 =	vld [tilespmem:s30+$0x1B700];
	v4 =	vadd.f32 v2, v4  }
0x1ca: {  	v2 =	vld [tilespmem:s30+$0x1B710]  }
0x1cb: {  	v14 =	vld [tilespmem:s30+$0x1B720];
	v3 =	vadd.f32 v3, v1  }
.Ltmp4:
0x1cc: {  	v9 =	vld [tilespmem:s30+$0x1B730];
	(pc) =	sbr.rel @p0 .LBB2_11-.Ltmp4, $4  }
0x1cd: {  	v8 =	vld [tilespmem:s30+$0x1B740];
	v1 =	vadd.f32 v12, v7  }
0x1ce: {  	v12 =	vadd.f32 v13, v6;
	v7 =	vld [tilespmem:s30+$0x1B750]  }
0x1cf: {  	s0 =	sshra.s32 s1, $0x2;
	v10 =	vadd.f32 v2, v10;
	v6 =	vld [tilespmem:s30+$0x1B760]  }
0x1d0: {  	s1 =	sadd.s32 $0x200, s1;
	v2 =	vld [tilespmem:s0+$0x16F70];
	v12 =	vmax.f32 v12, $0.0e+00;
	v11 =	vadd.f32 v14, v11  }
0x1d1: {  	v13 =	vld [tilespmem:s0+$0x18770];
	[tilespmem:s30+$0x1E700] =	vst v12;
	v10 =	vmax.f32 v10, $0.0e+00;
	v5 =	vadd.f32 v9, v5  }
0x1d2: {  	v12 =	vld [tilespmem:s0+$0x16F00];
	[tilespmem:s30+$0x1E710] =	vst v10;
	v9 =	vmax.f32 v11, $0.0e+00;
	v4 =	vadd.f32 v8, v4  }
0x1d3: {  	v10 =	vld [tilespmem:s0+$0x1B770];
	[tilespmem:s30+$0x1E720] =	vst v9;
	v5 =	vmax.f32 v5, $0.0e+00;
	v3 =	vadd.f32 v7, v3  }
0x1d4: {  	v8 =	vld [tilespmem:s0+$0x18700];
	[tilespmem:s30+$0x1E730] =	vst v5;
	v4 =	vmax.f32 v4, $0.0e+00;
	v1 =	vadd.f32 v6, v1  }
0x1d5: {  	v5 =	vld [tilespmem:s0+$0x16F10];
	[tilespmem:s30+$0x1E740] =	vst v4;
	v3 =	vmax.f32 v3, $0.0e+00  }
0x1d6: {  	v4 =	vld [tilespmem:s0+$0x18710];
	[tilespmem:s30+$0x1E750] =	vst v3;
	v1 =	vmax.f32 v1, $0.0e+00  }
0x1d7: {  	v3 =	vld [tilespmem:s0+$0x16F20];
	[tilespmem:s30+$0x1E760] =	vst v1  }
0x1d8: {  	v1 =	vld [tilespmem:s0+$0x18720]  }
0x1d9: {  	v6 =	vld [tilespmem:s0+$0x16F30]  }
0x1da: {  	v2 =	vadd.f32 v13, v2;
	v7 =	vld [tilespmem:s0+$0x18730]  }
0x1db: {  	v9 =	vld [tilespmem:s0+$0x16F40]  }
0x1dc: {  	v2 =	vadd.f32 v10, v2;
	v10 =	vld [tilespmem:s0+$0x16F50]  }
0x1dd: {  	v11 =	vld [tilespmem:s0+$0x18750]  }
0x1de: {  	v13 =	vld [tilespmem:s0+$0x16F60]  }
0x1df: {  	v14 =	vld [tilespmem:s0+$0x18760]  }
0x1e0: {  	v15 =	vld [tilespmem:s0+$0x1B700]  }
0x1e1: {  	v16 =	vld [tilespmem:s0+$0x1B710]  }
0x1e2: {  	v17 =	vld [tilespmem:s0+$0x1B720];
	v2 =	vmax.f32 v2, $0.0e+00  }
0x1e3: {  	[tilespmem:s0+$0x1E770] =	vst v2;
	v2 =	vld [tilespmem:s0+$0x18740]  }
0x1e4: {  	v8 =	vadd.f32 v8, v12;
	v12 =	vld [tilespmem:s0+$0x1B730]  }
0x1e5: {  	v4 =	vadd.f32 v4, v5;
	v5 =	vld [tilespmem:s0+$0x1B740]  }
0x1e6: {  	v1 =	vadd.f32 v1, v3;
	v3 =	vadd.f32 v15, v8;
	v8 =	vld [tilespmem:s0+$0x1B750]  }
0x1e7: {  	v6 =	vadd.f32 v7, v6;
	v4 =	vadd.f32 v16, v4;
	v7 =	vld [tilespmem:s0+$0x1B760]  }
0x1e8: {  	v3 =	vmax.f32 v3, $0.0e+00;
	v1 =	vadd.f32 v17, v1;
	v2 =	vadd.f32 v2, v9  }
0x1e9: {  	v9 =	vadd.f32 v11, v10;
	[tilespmem:s0+$0x1E700] =	vst v3;
	v3 =	vmax.f32 v4, $0.0e+00;
	v4 =	vadd.f32 v12, v6  }
0x1ea: {  	v6 =	vadd.f32 v14, v13;
	[tilespmem:s0+$0x1E710] =	vst v3;
	v1 =	vmax.f32 v1, $0.0e+00;
	v2 =	vadd.f32 v5, v2  }
0x1eb: {  	[tilespmem:s0+$0x1E720] =	vst v1;
	v1 =	vmax.f32 v4, $0.0e+00;
	v3 =	vadd.f32 v8, v9  }
0x1ec: {  	[tilespmem:s0+$0x1E730] =	vst v1;
	v1 =	vmax.f32 v2, $0.0e+00;
	v2 =	vadd.f32 v7, v6  }
0x1ed: {  	s30 =	smul.u32 $0x180, s2;
	[tilespmem:s0+$0x1E740] =	vst v1;
	v1 =	vmax.f32 v3, $0.0e+00  }
0x1ee: {  	s14 =	rddreg [dreg:$0x18];
	[tilespmem:s0+$0x1E750] =	vst v1;
	v1 =	vmax.f32 v2, $0.0e+00  }
0x1ef: {  	[tilespmem:s0+$0x1E760] =	vst v1;
	s0 =	sadd.s32 s30, s14  }
0x1f0: {  	[spmem:s3] =	stream.indirect.scatter.add.f32 [tilespmem:s7], [sflag:$0x6], $0x80, s13, s16, $0xb8;
	v63 =	vld [tilespmem:$0x0]  }
0x1f1: {  	s1 =	simm.s32 $0x13DE0;
	s0 =	sshll.u32 s0, $0x4  }
0x1f2: {  	[tilespmem:s25], [sflag:$0x2] =	stream.indirect.gather [hbm4b:s5+s22], $0x80, s1, s22, $0xb8;
	v63 =	vld [tilespmem:$0x0]  }
0x1f3: {  	s0 =	sadd.s32 s6, s0;
	s1 =	simm.s32 $0x0  }
0x1f4: {  	[tilespmem:s26], [sflag:$0x4] =	stream.linear.gather [hbm4b:s0+s1], $0x1800, $0x38;
	v63 =	vld [tilespmem:$0x0]  }
0x1f5: {  	_ =	swait.ge [sflag:s10], $0x1800  }
0x1f6: {  	[sflag:s10] =	ssyncset.done $0x0  }
0x1f7: {  	[sflag:s10] =	ssyncadd.s32 $0xFFFFE800  }
0x1f8: {  	_ =	swait.ge [sflag:s28], $0x3000  }
0x1f9: {  	[sflag:s28] =	ssyncset.done $0x0  }
0x1fa: {  	[sflag:s28] =	ssyncadd.s32 $0xFFFFD000  }
0x1fb: {  	_ =	swait.ge [sflag:s29], $0x1800  }
0x1fc: {  	[sflag:s29] =	ssyncset.done $0x0  }
0x1fd: {  	[sflag:s29] =	ssyncadd.s32 $0xFFFFE800  }
0x1fe: {  	v1 =	vld [tilespmem:$0x13DB0]  }
0x1ff: {  	v2 =	vld [tilespmem:$0x13DC0]  }
0x200: {  	v3 =	vld [tilespmem:$0x13DD0];
	_ =	sdelay $0x2  }
0x201: {  	v1 =	vadd.s32 $0xFFFFD880, v1  }
0x202: {  	[tilespmem:$0x1FF00] =	vst v1;
	v1 =	vadd.s32 $0xFFFFD880, v2  }
0x203: {  	[tilespmem:$0x1FF10] =	vst v1;
	v1 =	vadd.s32 $0xFFFFD880, v3  }
0x204: {  	s1 =	simm.s32 $0x0;
	[tilespmem:$0x1FF20] =	vst v1  }
0x205: {  	v1 =	vld [tilespmem:s1+$0x13F70]  }
0x206: {  	v2 =	vld [tilespmem:s1+$0x15770]  }
0x207: {  	v3 =	vld [tilespmem:s1+$0x13F00]  }
0x208: {  	v4 =	vld [tilespmem:s1+$0x19F70]  }
0x209: {  	v5 =	vld [tilespmem:s1+$0x15700]  }
0x20a: {  	v6 =	vld [tilespmem:s1+$0x13F10]  }
0x20b: {  	v7 =	vld [tilespmem:s1+$0x15710]  }
0x20c: {  	v8 =	vld [tilespmem:s1+$0x15720]  }
0x20d: {  	v10 =	vld [tilespmem:s1+$0x15730]  }
0x20e: {  	v11 =	vld [tilespmem:s1+$0x13F40]  }
0x20f: {  	v12 =	vld [tilespmem:s1+$0x13F50]  }
0x210: {  	v13 =	vld [tilespmem:s1+$0x15750]  }
0x211: {  	v14 =	vld [tilespmem:s1+$0x13F60];
	v1 =	vadd.f32 v2, v1  }
0x212: {  	v15 =	vld [tilespmem:s1+$0x15760]  }
0x213: {  	v61 =	vld [tilespmem:s1+$0x19F00];
	v1 =	vadd.f32 v4, v1  }
0x214: {  	v2 =	vld [tilespmem:s1+$0x13F20]  }
0x215: {  	v4 =	vld [tilespmem:s1+$0x13F30];
	v1 =	vmax.f32 v1, $0.0e+00  }
0x216: {  	[tilespmem:s1+$0x1CF70] =	vst v1;
	v1 =	vld [tilespmem:s1+$0x15740]  }
0x217: {  	v62 =	vld [tilespmem:s1+$0x19F10]  }
0x218: {  	v18 =	vld [tilespmem:s1+$0x19F20]  }
0x219: {  	v9 =	vld [tilespmem:s1+$0x19F30];
	v3 =	vadd.f32 v5, v3;
	v19 =	vadd.f32 v7, v6  }
0x21a: {  	v20 =	vadd.f32 v8, v2;
	v8 =	vld [tilespmem:s1+$0x19F40];
	v5 =	vadd.f32 v10, v4  }
0x21b: {  	v7 =	vld [tilespmem:s1+$0x19F50];
	v4 =	vadd.f32 v1, v11;
	v11 =	vadd.f32 v61, v3  }
0x21c: {  	s0 =	simm.s32 $0x80;
	v6 =	vld [tilespmem:s1+$0x19F60];
	v10 =	vadd.f32 v62, v19;
	v3 =	vadd.f32 v13, v12  }
0x21d: {  	s14 =	simm.s32 $0x400;
	v2 =	vld [tilespmem:s0+$0x13F70];
	v1 =	vadd.f32 v15, v14;
	v12 =	vmax.f32 v11, $0.0e+00;
	v11 =	vadd.f32 v18, v20  }
.LBB2_13:
0x21e: {  	p0 =	sne.s32 s14, $0x5E00;
	v13 =	vld [tilespmem:s0+$0x15770];
	[tilespmem:s1+$0x1CF00] =	vst v12;
	v10 =	vmax.f32 v10, $0.0e+00;
	v5 =	vadd.f32 v9, v5  }
0x21f: {  	v9 =	vld [tilespmem:s0+$0x13F00];
	[tilespmem:s1+$0x1CF10] =	vst v10;
	v10 =	vmax.f32 v11, $0.0e+00;
	v4 =	vadd.f32 v8, v4  }
0x220: {  	v8 =	vld [tilespmem:s0+$0x19F70];
	[tilespmem:s1+$0x1CF20] =	vst v10;
	v5 =	vmax.f32 v5, $0.0e+00;
	v3 =	vadd.f32 v7, v3  }
0x221: {  	v7 =	vld [tilespmem:s0+$0x15700];
	[tilespmem:s1+$0x1CF30] =	vst v5;
	v4 =	vmax.f32 v4, $0.0e+00;
	v1 =	vadd.f32 v6, v1  }
0x222: {  	v5 =	vld [tilespmem:s0+$0x13F10];
	[tilespmem:s1+$0x1CF40] =	vst v4;
	v3 =	vmax.f32 v3, $0.0e+00  }
0x223: {  	v4 =	vld [tilespmem:s0+$0x15710];
	v2 =	vadd.f32 v13, v2;
	[tilespmem:s1+$0x1CF50] =	vst v3;
	v1 =	vmax.f32 v1, $0.0e+00  }
0x224: {  	v3 =	vld [tilespmem:s0+$0x13F20];
	[tilespmem:s1+$0x1CF60] =	vst v1;
	s1 =	smov.u32 s0  }
0x225: {  	v1 =	vld [tilespmem:s1+$0x15720];
	v2 =	vadd.f32 v8, v2  }
0x226: {  	v6 =	vadd.f32 v7, v9;
	v7 =	vld [tilespmem:s1+$0x13F30]  }
0x227: {  	v8 =	vld [tilespmem:s1+$0x15730];
	v2 =	vmax.f32 v2, $0.0e+00  }
0x228: {  	v10 =	vadd.f32 v4, v5;
	v4 =	vld [tilespmem:s1+$0x13F40];
	[tilespmem:s1+$0x1CF70] =	vst v2  }
0x229: {  	v2 =	vld [tilespmem:s1+$0x15740]  }
0x22a: {  	v11 =	vadd.f32 v1, v3;
	v1 =	vld [tilespmem:s1+$0x13F50]  }
0x22b: {  	v3 =	vld [tilespmem:s1+$0x15750]  }
0x22c: {  	v5 =	vadd.f32 v8, v7;
	v7 =	vld [tilespmem:s1+$0x13F60]  }
0x22d: {  	v12 =	vld [tilespmem:s1+$0x15760]  }
0x22e: {  	v13 =	vld [tilespmem:s1+$0x19F00];
	v4 =	vadd.f32 v2, v4  }
0x22f: {  	v2 =	vld [tilespmem:s1+$0x19F10]  }
0x230: {  	v14 =	vld [tilespmem:s1+$0x19F20];
	v3 =	vadd.f32 v3, v1  }
.Ltmp5:
0x231: {  	v9 =	vld [tilespmem:s1+$0x19F30];
	(pc) =	sbr.rel @p0 .LBB2_13-.Ltmp5, $4  }
0x232: {  	v8 =	vld [tilespmem:s1+$0x19F40];
	v1 =	vadd.f32 v12, v7  }
0x233: {  	v12 =	vadd.f32 v13, v6;
	v7 =	vld [tilespmem:s1+$0x19F50]  }
0x234: {  	s0 =	sshra.s32 s14, $0x2;
	v10 =	vadd.f32 v2, v10;
	v6 =	vld [tilespmem:s1+$0x19F60]  }
0x235: {  	s14 =	sadd.s32 $0x200, s14;
	v2 =	vld [tilespmem:s0+$0x13F70];
	v12 =	vmax.f32 v12, $0.0e+00;
	v11 =	vadd.f32 v14, v11  }
0x236: {  	v13 =	vld [tilespmem:s0+$0x15770];
	[tilespmem:s1+$0x1CF00] =	vst v12;
	v10 =	vmax.f32 v10, $0.0e+00;
	v5 =	vadd.f32 v9, v5  }
0x237: {  	v12 =	vld [tilespmem:s0+$0x13F00];
	[tilespmem:s1+$0x1CF10] =	vst v10;
	v9 =	vmax.f32 v11, $0.0e+00;
	v4 =	vadd.f32 v8, v4  }
0x238: {  	v10 =	vld [tilespmem:s0+$0x19F70];
	[tilespmem:s1+$0x1CF20] =	vst v9;
	v5 =	vmax.f32 v5, $0.0e+00;
	v3 =	vadd.f32 v7, v3  }
0x239: {  	v8 =	vld [tilespmem:s0+$0x15700];
	[tilespmem:s1+$0x1CF30] =	vst v5;
	v4 =	vmax.f32 v4, $0.0e+00;
	v1 =	vadd.f32 v6, v1  }
0x23a: {  	v5 =	vld [tilespmem:s0+$0x13F10];
	[tilespmem:s1+$0x1CF40] =	vst v4;
	v3 =	vmax.f32 v3, $0.0e+00  }
0x23b: {  	v4 =	vld [tilespmem:s0+$0x15710];
	[tilespmem:s1+$0x1CF50] =	vst v3;
	v1 =	vmax.f32 v1, $0.0e+00  }
0x23c: {  	v3 =	vld [tilespmem:s0+$0x13F20];
	[tilespmem:s1+$0x1CF60] =	vst v1  }
0x23d: {  	v1 =	vld [tilespmem:s0+$0x15720]  }
0x23e: {  	v6 =	vld [tilespmem:s0+$0x13F30]  }
0x23f: {  	v2 =	vadd.f32 v13, v2;
	v7 =	vld [tilespmem:s0+$0x15730]  }
0x240: {  	v9 =	vld [tilespmem:s0+$0x13F40]  }
0x241: {  	v2 =	vadd.f32 v10, v2;
	v10 =	vld [tilespmem:s0+$0x13F50]  }
0x242: {  	v11 =	vld [tilespmem:s0+$0x15750]  }
0x243: {  	v13 =	vld [tilespmem:s0+$0x13F60]  }
0x244: {  	v14 =	vld [tilespmem:s0+$0x15760]  }
0x245: {  	v15 =	vld [tilespmem:s0+$0x19F00]  }
0x246: {  	v16 =	vld [tilespmem:s0+$0x19F10]  }
0x247: {  	v17 =	vld [tilespmem:s0+$0x19F20];
	v2 =	vmax.f32 v2, $0.0e+00  }
0x248: {  	[tilespmem:s0+$0x1CF70] =	vst v2;
	v2 =	vld [tilespmem:s0+$0x15740]  }
0x249: {  	v8 =	vadd.f32 v8, v12;
	v12 =	vld [tilespmem:s0+$0x19F30]  }
0x24a: {  	v4 =	vadd.f32 v4, v5;
	v5 =	vld [tilespmem:s0+$0x19F40]  }
0x24b: {  	v1 =	vadd.f32 v1, v3;
	v3 =	vadd.f32 v15, v8;
	v8 =	vld [tilespmem:s0+$0x19F50]  }
0x24c: {  	v6 =	vadd.f32 v7, v6;
	v4 =	vadd.f32 v16, v4;
	v7 =	vld [tilespmem:s0+$0x19F60]  }
0x24d: {  	v3 =	vmax.f32 v3, $0.0e+00;
	v1 =	vadd.f32 v17, v1;
	v2 =	vadd.f32 v2, v9  }
0x24e: {  	v9 =	vadd.f32 v11, v10;
	[tilespmem:s0+$0x1CF00] =	vst v3;
	v3 =	vmax.f32 v4, $0.0e+00;
	v4 =	vadd.f32 v12, v6  }
0x24f: {  	v6 =	vadd.f32 v14, v13;
	[tilespmem:s0+$0x1CF10] =	vst v3;
	v1 =	vmax.f32 v1, $0.0e+00;
	v2 =	vadd.f32 v5, v2  }
0x250: {  	[tilespmem:s0+$0x1CF20] =	vst v1;
	v1 =	vmax.f32 v4, $0.0e+00;
	v3 =	vadd.f32 v8, v9  }
0x251: {  	[tilespmem:s0+$0x1CF30] =	vst v1;
	v1 =	vmax.f32 v2, $0.0e+00;
	v2 =	vadd.f32 v7, v6  }
0x252: {  	[tilespmem:s0+$0x1CF40] =	vst v1;
	v1 =	vmax.f32 v3, $0.0e+00  }
0x253: {  	s1 =	rddreg [dreg:$0x19];
	[tilespmem:s0+$0x1CF50] =	vst v1;
	v1 =	vmax.f32 v2, $0.0e+00  }
0x254: {  	[tilespmem:s0+$0x1CF60] =	vst v1;
	s0 =	sadd.s32 s30, s1  }
0x255: {  	[spmem:s3] =	stream.indirect.scatter.add.f32 [tilespmem:s9], [sflag:$0x5], $0x80, s8, s16, $0xb8;
	v63 =	vld [tilespmem:$0x0]  }
0x256: {  	s14 =	simm.s32 $0x13E40;
	s0 =	sshll.u32 s0, $0x4  }
0x257: {  	[tilespmem:s19], [sflag:$0x1] =	stream.indirect.gather [hbm4b:s5+s22], $0x80, s14, s22, $0xb8;
	v63 =	vld [tilespmem:$0x0]  }
0x258: {  	s0 =	sadd.s32 s6, s0;
	s14 =	simm.s32 $0x0  }
0x259: {  	[tilespmem:s23], [sflag:$0x3] =	stream.linear.gather [hbm4b:s0+s14], $0x1800, $0x38;
	v63 =	vld [tilespmem:$0x0]  }
0x25a: {  	_ =	swait.ge [sflag:s4], $0x1800  }
0x25b: {  	[sflag:s4] =	ssyncset.done $0x0  }
0x25c: {  	[sflag:s4] =	ssyncadd.s32 $0xFFFFE800  }
0x25d: {  	_ =	swait.ge [sflag:s11], $0x3000  }
0x25e: {  	[sflag:s11] =	ssyncset.done $0x0  }
0x25f: {  	[sflag:s11] =	ssyncadd.s32 $0xFFFFD000  }
0x260: {  	_ =	swait.ge [sflag:s12], $0x1800  }
0x261: {  	[sflag:s12] =	ssyncset.done $0x0  }
0x262: {  	[sflag:s12] =	ssyncadd.s32 $0xFFFFE800  }
0x263: {  	v1 =	vld [tilespmem:$0x13E10]  }
0x264: {  	v2 =	vld [tilespmem:$0x13E20]  }
0x265: {  	v3 =	vld [tilespmem:$0x13E30];
	_ =	sdelay $0x2  }
0x266: {  	v1 =	vadd.s32 $0xFFFFD880, v1  }
0x267: {  	[tilespmem:$0x1FF80] =	vst v1;
	v1 =	vadd.s32 $0xFFFFD880, v2  }
0x268: {  	[tilespmem:$0x1FF90] =	vst v1;
	v1 =	vadd.s32 $0xFFFFD880, v3  }
0x269: {  	s1 =	simm.s32 $0x0;
	[tilespmem:$0x1FFA0] =	vst v1  }
0x26a: {  	v1 =	vld [tilespmem:s1+$0x16F70]  }
0x26b: {  	v2 =	vld [tilespmem:s1+$0x18770]  }
0x26c: {  	v3 =	vld [tilespmem:s1+$0x16F00]  }
0x26d: {  	v4 =	vld [tilespmem:s1+$0x1B770]  }
0x26e: {  	v5 =	vld [tilespmem:s1+$0x18700]  }
0x26f: {  	v6 =	vld [tilespmem:s1+$0x16F10]  }
0x270: {  	v7 =	vld [tilespmem:s1+$0x18710]  }
0x271: {  	v8 =	vld [tilespmem:s1+$0x18720]  }
0x272: {  	v10 =	vld [tilespmem:s1+$0x18730]  }
0x273: {  	v11 =	vld [tilespmem:s1+$0x16F40]  }
0x274: {  	v12 =	vld [tilespmem:s1+$0x16F50]  }
0x275: {  	v13 =	vld [tilespmem:s1+$0x18750]  }
0x276: {  	v14 =	vld [tilespmem:s1+$0x16F60];
	v1 =	vadd.f32 v2, v1  }
0x277: {  	v15 =	vld [tilespmem:s1+$0x18760]  }
0x278: {  	v61 =	vld [tilespmem:s1+$0x1B700];
	v1 =	vadd.f32 v4, v1  }
0x279: {  	v2 =	vld [tilespmem:s1+$0x16F20]  }
0x27a: {  	v4 =	vld [tilespmem:s1+$0x16F30];
	v1 =	vmax.f32 v1, $0.0e+00  }
0x27b: {  	[tilespmem:s1+$0x1E770] =	vst v1;
	v1 =	vld [tilespmem:s1+$0x18740]  }
0x27c: {  	v62 =	vld [tilespmem:s1+$0x1B710]  }
0x27d: {  	v18 =	vld [tilespmem:s1+$0x1B720]  }
0x27e: {  	v9 =	vld [tilespmem:s1+$0x1B730];
	v3 =	vadd.f32 v5, v3;
	v19 =	vadd.f32 v7, v6  }
0x27f: {  	v20 =	vadd.f32 v8, v2;
	v8 =	vld [tilespmem:s1+$0x1B740];
	v5 =	vadd.f32 v10, v4  }
0x280: {  	v7 =	vld [tilespmem:s1+$0x1B750];
	v4 =	vadd.f32 v1, v11;
	v11 =	vadd.f32 v61, v3  }
0x281: {  	s0 =	simm.s32 $0x80;
	v6 =	vld [tilespmem:s1+$0x1B760];
	v10 =	vadd.f32 v62, v19;
	v3 =	vadd.f32 v13, v12  }
0x282: {  	s14 =	simm.s32 $0x400;
	v2 =	vld [tilespmem:s0+$0x16F70];
	v1 =	vadd.f32 v15, v14;
	v12 =	vmax.f32 v11, $0.0e+00;
	v11 =	vadd.f32 v18, v20  }
.LBB2_15:
0x283: {  	p0 =	sne.s32 s14, $0x5E00;
	v13 =	vld [tilespmem:s0+$0x18770];
	[tilespmem:s1+$0x1E700] =	vst v12;
	v10 =	vmax.f32 v10, $0.0e+00;
	v5 =	vadd.f32 v9, v5  }
0x284: {  	v9 =	vld [tilespmem:s0+$0x16F00];
	[tilespmem:s1+$0x1E710] =	vst v10;
	v10 =	vmax.f32 v11, $0.0e+00;
	v4 =	vadd.f32 v8, v4  }
0x285: {  	v8 =	vld [tilespmem:s0+$0x1B770];
	[tilespmem:s1+$0x1E720] =	vst v10;
	v5 =	vmax.f32 v5, $0.0e+00;
	v3 =	vadd.f32 v7, v3  }
0x286: {  	v7 =	vld [tilespmem:s0+$0x18700];
	[tilespmem:s1+$0x1E730] =	vst v5;
	v4 =	vmax.f32 v4, $0.0e+00;
	v1 =	vadd.f32 v6, v1  }
0x287: {  	v5 =	vld [tilespmem:s0+$0x16F10];
	[tilespmem:s1+$0x1E740] =	vst v4;
	v3 =	vmax.f32 v3, $0.0e+00  }
0x288: {  	v4 =	vld [tilespmem:s0+$0x18710];
	v2 =	vadd.f32 v13, v2;
	[tilespmem:s1+$0x1E750] =	vst v3;
	v1 =	vmax.f32 v1, $0.0e+00  }
0x289: {  	v3 =	vld [tilespmem:s0+$0x16F20];
	[tilespmem:s1+$0x1E760] =	vst v1;
	s1 =	smov.u32 s0  }
0x28a: {  	v1 =	vld [tilespmem:s1+$0x18720];
	v2 =	vadd.f32 v8, v2  }
0x28b: {  	v6 =	vadd.f32 v7, v9;
	v7 =	vld [tilespmem:s1+$0x16F30]  }
0x28c: {  	v8 =	vld [tilespmem:s1+$0x18730];
	v2 =	vmax.f32 v2, $0.0e+00  }
0x28d: {  	v10 =	vadd.f32 v4, v5;
	v4 =	vld [tilespmem:s1+$0x16F40];
	[tilespmem:s1+$0x1E770] =	vst v2  }
0x28e: {  	v2 =	vld [tilespmem:s1+$0x18740]  }
0x28f: {  	v11 =	vadd.f32 v1, v3;
	v1 =	vld [tilespmem:s1+$0x16F50]  }
0x290: {  	v3 =	vld [tilespmem:s1+$0x18750]  }
0x291: {  	v5 =	vadd.f32 v8, v7;
	v7 =	vld [tilespmem:s1+$0x16F60]  }
0x292: {  	v12 =	vld [tilespmem:s1+$0x18760]  }
0x293: {  	v13 =	vld [tilespmem:s1+$0x1B700];
	v4 =	vadd.f32 v2, v4  }
0x294: {  	v2 =	vld [tilespmem:s1+$0x1B710]  }
0x295: {  	v14 =	vld [tilespmem:s1+$0x1B720];
	v3 =	vadd.f32 v3, v1  }
.Ltmp6:
0x296: {  	v9 =	vld [tilespmem:s1+$0x1B730];
	(pc) =	sbr.rel @p0 .LBB2_15-.Ltmp6, $4  }
0x297: {  	v8 =	vld [tilespmem:s1+$0x1B740];
	v1 =	vadd.f32 v12, v7  }
0x298: {  	v12 =	vadd.f32 v13, v6;
	v7 =	vld [tilespmem:s1+$0x1B750]  }
0x299: {  	s0 =	sshra.s32 s14, $0x2;
	v10 =	vadd.f32 v2, v10;
	v6 =	vld [tilespmem:s1+$0x1B760]  }
0x29a: {  	s14 =	sadd.s32 $0x200, s14;
	v2 =	vld [tilespmem:s0+$0x16F70];
	v12 =	vmax.f32 v12, $0.0e+00;
	v11 =	vadd.f32 v14, v11  }
0x29b: {  	v13 =	vld [tilespmem:s0+$0x18770];
	[tilespmem:s1+$0x1E700] =	vst v12;
	v10 =	vmax.f32 v10, $0.0e+00;
	v5 =	vadd.f32 v9, v5  }
0x29c: {  	v12 =	vld [tilespmem:s0+$0x16F00];
	[tilespmem:s1+$0x1E710] =	vst v10;
	v9 =	vmax.f32 v11, $0.0e+00;
	v4 =	vadd.f32 v8, v4  }
0x29d: {  	v10 =	vld [tilespmem:s0+$0x1B770];
	[tilespmem:s1+$0x1E720] =	vst v9;
	v5 =	vmax.f32 v5, $0.0e+00;
	v3 =	vadd.f32 v7, v3  }
0x29e: {  	v8 =	vld [tilespmem:s0+$0x18700];
	[tilespmem:s1+$0x1E730] =	vst v5;
	v4 =	vmax.f32 v4, $0.0e+00;
	v1 =	vadd.f32 v6, v1  }
0x29f: {  	v5 =	vld [tilespmem:s0+$0x16F10];
	[tilespmem:s1+$0x1E740] =	vst v4;
	v3 =	vmax.f32 v3, $0.0e+00  }
0x2a0: {  	v4 =	vld [tilespmem:s0+$0x18710];
	[tilespmem:s1+$0x1E750] =	vst v3;
	v1 =	vmax.f32 v1, $0.0e+00  }
0x2a1: {  	v3 =	vld [tilespmem:s0+$0x16F20];
	[tilespmem:s1+$0x1E760] =	vst v1  }
0x2a2: {  	v1 =	vld [tilespmem:s0+$0x18720]  }
0x2a3: {  	v6 =	vld [tilespmem:s0+$0x16F30]  }
0x2a4: {  	v2 =	vadd.f32 v13, v2;
	v7 =	vld [tilespmem:s0+$0x18730]  }
0x2a5: {  	v9 =	vld [tilespmem:s0+$0x16F40]  }
0x2a6: {  	v2 =	vadd.f32 v10, v2;
	v10 =	vld [tilespmem:s0+$0x16F50]  }
0x2a7: {  	v11 =	vld [tilespmem:s0+$0x18750]  }
0x2a8: {  	v13 =	vld [tilespmem:s0+$0x16F60]  }
0x2a9: {  	v14 =	vld [tilespmem:s0+$0x18760]  }
0x2aa: {  	v15 =	vld [tilespmem:s0+$0x1B700]  }
0x2ab: {  	v16 =	vld [tilespmem:s0+$0x1B710]  }
0x2ac: {  	v17 =	vld [tilespmem:s0+$0x1B720];
	v2 =	vmax.f32 v2, $0.0e+00  }
0x2ad: {  	[tilespmem:s0+$0x1E770] =	vst v2;
	v2 =	vld [tilespmem:s0+$0x18740]  }
0x2ae: {  	v8 =	vadd.f32 v8, v12;
	v12 =	vld [tilespmem:s0+$0x1B730]  }
0x2af: {  	v4 =	vadd.f32 v4, v5;
	v5 =	vld [tilespmem:s0+$0x1B740]  }
0x2b0: {  	v1 =	vadd.f32 v1, v3;
	v3 =	vadd.f32 v15, v8;
	v8 =	vld [tilespmem:s0+$0x1B750]  }
0x2b1: {  	v6 =	vadd.f32 v7, v6;
	v4 =	vadd.f32 v16, v4;
	v7 =	vld [tilespmem:s0+$0x1B760]  }
0x2b2: {  	v3 =	vmax.f32 v3, $0.0e+00;
	v1 =	vadd.f32 v17, v1;
	v2 =	vadd.f32 v2, v9  }
0x2b3: {  	v9 =	vadd.f32 v11, v10;
	[tilespmem:s0+$0x1E700] =	vst v3;
	v3 =	vmax.f32 v4, $0.0e+00;
	v4 =	vadd.f32 v12, v6  }
0x2b4: {  	v6 =	vadd.f32 v14, v13;
	[tilespmem:s0+$0x1E710] =	vst v3;
	v1 =	vmax.f32 v1, $0.0e+00;
	v2 =	vadd.f32 v5, v2  }
0x2b5: {  	[tilespmem:s0+$0x1E720] =	vst v1;
	v1 =	vmax.f32 v4, $0.0e+00;
	v3 =	vadd.f32 v8, v9  }
0x2b6: {  	[tilespmem:s0+$0x1E730] =	vst v1;
	v1 =	vmax.f32 v2, $0.0e+00;
	v2 =	vadd.f32 v7, v6  }
0x2b7: {  	[tilespmem:s0+$0x1E740] =	vst v1;
	v1 =	vmax.f32 v3, $0.0e+00  }
0x2b8: {  	s1 =	rddreg [dreg:$0x1a];
	[tilespmem:s0+$0x1E750] =	vst v1;
	v1 =	vmax.f32 v2, $0.0e+00  }
0x2b9: {  	[tilespmem:s0+$0x1E760] =	vst v1;
	s0 =	sadd.s32 s30, s1  }
0x2ba: {  	[spmem:s3] =	stream.indirect.scatter.add.f32 [tilespmem:s7], [sflag:$0x6], $0x80, s13, s16, $0xb8;
	v63 =	vld [tilespmem:$0x0]  }
0x2bb: {  	s14 =	simm.s32 $0x13EA0;
	s0 =	sshll.u32 s0, $0x4  }
0x2bc: {  	[tilespmem:s25], [sflag:$0x2] =	stream.indirect.gather [hbm4b:s5+s22], $0x80, s14, s22, $0xb8;
	v63 =	vld [tilespmem:$0x0]  }
0x2bd: {  	s0 =	sadd.s32 s6, s0;
	s14 =	simm.s32 $0x0  }
0x2be: {  	[tilespmem:s26], [sflag:$0x4] =	stream.linear.gather [hbm4b:s0+s14], $0x1800, $0x38;
	v63 =	vld [tilespmem:$0x0]  }
0x2bf: {  	_ =	swait.ge [sflag:s10], $0x1800  }
0x2c0: {  	[sflag:s10] =	ssyncset.done $0x0  }
0x2c1: {  	[sflag:s10] =	ssyncadd.s32 $0xFFFFE800  }
0x2c2: {  	_ =	swait.ge [sflag:s28], $0x3000  }
0x2c3: {  	[sflag:s28] =	ssyncset.done $0x0  }
0x2c4: {  	[sflag:s28] =	ssyncadd.s32 $0xFFFFD000  }
0x2c5: {  	_ =	swait.ge [sflag:s29], $0x1800  }
0x2c6: {  	[sflag:s29] =	ssyncset.done $0x0  }
0x2c7: {  	[sflag:s29] =	ssyncadd.s32 $0xFFFFE800  }
0x2c8: {  	v1 =	vld [tilespmem:$0x13E70]  }
0x2c9: {  	v2 =	vld [tilespmem:$0x13E80]  }
0x2ca: {  	v3 =	vld [tilespmem:$0x13E90];
	_ =	sdelay $0x2  }
0x2cb: {  	v1 =	vadd.s32 $0xFFFFD880, v1  }
0x2cc: {  	[tilespmem:$0x1FF00] =	vst v1;
	v1 =	vadd.s32 $0xFFFFD880, v2  }
0x2cd: {  	[tilespmem:$0x1FF10] =	vst v1;
	v1 =	vadd.s32 $0xFFFFD880, v3  }
0x2ce: {  	s1 =	simm.s32 $0x0;
	[tilespmem:$0x1FF20] =	vst v1  }
0x2cf: {  	v1 =	vld [tilespmem:s1+$0x13F70]  }
0x2d0: {  	v2 =	vld [tilespmem:s1+$0x15770]  }
0x2d1: {  	v3 =	vld [tilespmem:s1+$0x13F00]  }
0x2d2: {  	v4 =	vld [tilespmem:s1+$0x19F70]  }
0x2d3: {  	v5 =	vld [tilespmem:s1+$0x15700]  }
0x2d4: {  	v6 =	vld [tilespmem:s1+$0x13F10]  }
0x2d5: {  	v7 =	vld [tilespmem:s1+$0x15710]  }
0x2d6: {  	v8 =	vld [tilespmem:s1+$0x15720]  }
0x2d7: {  	v10 =	vld [tilespmem:s1+$0x15730]  }
0x2d8: {  	v11 =	vld [tilespmem:s1+$0x13F40]  }
0x2d9: {  	v12 =	vld [tilespmem:s1+$0x13F50]  }
0x2da: {  	v13 =	vld [tilespmem:s1+$0x15750]  }
0x2db: {  	v14 =	vld [tilespmem:s1+$0x13F60];
	v1 =	vadd.f32 v2, v1  }
0x2dc: {  	v15 =	vld [tilespmem:s1+$0x15760]  }
0x2dd: {  	v61 =	vld [tilespmem:s1+$0x19F00];
	v1 =	vadd.f32 v4, v1  }
0x2de: {  	v2 =	vld [tilespmem:s1+$0x13F20]  }
0x2df: {  	v4 =	vld [tilespmem:s1+$0x13F30];
	v1 =	vmax.f32 v1, $0.0e+00  }
0x2e0: {  	[tilespmem:s1+$0x1CF70] =	vst v1;
	v1 =	vld [tilespmem:s1+$0x15740]  }
0x2e1: {  	v62 =	vld [tilespmem:s1+$0x19F10]  }
0x2e2: {  	v18 =	vld [tilespmem:s1+$0x19F20]  }
0x2e3: {  	v9 =	vld [tilespmem:s1+$0x19F30];
	v3 =	vadd.f32 v5, v3;
	v19 =	vadd.f32 v7, v6  }
0x2e4: {  	v20 =	vadd.f32 v8, v2;
	v8 =	vld [tilespmem:s1+$0x19F40];
	v5 =	vadd.f32 v10, v4  }
0x2e5: {  	v7 =	vld [tilespmem:s1+$0x19F50];
	v4 =	vadd.f32 v1, v11;
	v11 =	vadd.f32 v61, v3  }
0x2e6: {  	s0 =	simm.s32 $0x80;
	v6 =	vld [tilespmem:s1+$0x19F60];
	v10 =	vadd.f32 v62, v19;
	v3 =	vadd.f32 v13, v12  }
0x2e7: {  	s14 =	simm.s32 $0x400;
	v2 =	vld [tilespmem:s0+$0x13F70];
	v1 =	vadd.f32 v15, v14;
	v12 =	vmax.f32 v11, $0.0e+00;
	v11 =	vadd.f32 v18, v20  }
.LBB2_17:
0x2e8: {  	p0 =	sne.s32 s14, $0x5E00;
	v13 =	vld [tilespmem:s0+$0x15770];
	[tilespmem:s1+$0x1CF00] =	vst v12;
	v10 =	vmax.f32 v10, $0.0e+00;
	v5 =	vadd.f32 v9, v5  }
0x2e9: {  	v9 =	vld [tilespmem:s0+$0x13F00];
	[tilespmem:s1+$0x1CF10] =	vst v10;
	v10 =	vmax.f32 v11, $0.0e+00;
	v4 =	vadd.f32 v8, v4  }
0x2ea: {  	v8 =	vld [tilespmem:s0+$0x19F70];
	[tilespmem:s1+$0x1CF20] =	vst v10;
	v5 =	vmax.f32 v5, $0.0e+00;
	v3 =	vadd.f32 v7, v3  }
0x2eb: {  	v7 =	vld [tilespmem:s0+$0x15700];
	[tilespmem:s1+$0x1CF30] =	vst v5;
	v4 =	vmax.f32 v4, $0.0e+00;
	v1 =	vadd.f32 v6, v1  }
0x2ec: {  	v5 =	vld [tilespmem:s0+$0x13F10];
	[tilespmem:s1+$0x1CF40] =	vst v4;
	v3 =	vmax.f32 v3, $0.0e+00  }
0x2ed: {  	v4 =	vld [tilespmem:s0+$0x15710];
	v2 =	vadd.f32 v13, v2;
	[tilespmem:s1+$0x1CF50] =	vst v3;
	v1 =	vmax.f32 v1, $0.0e+00  }
0x2ee: {  	v3 =	vld [tilespmem:s0+$0x13F20];
	[tilespmem:s1+$0x1CF60] =	vst v1;
	s1 =	smov.u32 s0  }
0x2ef: {  	v1 =	vld [tilespmem:s1+$0x15720];
	v2 =	vadd.f32 v8, v2  }
0x2f0: {  	v6 =	vadd.f32 v7, v9;
	v7 =	vld [tilespmem:s1+$0x13F30]  }
0x2f1: {  	v8 =	vld [tilespmem:s1+$0x15730];
	v2 =	vmax.f32 v2, $0.0e+00  }
0x2f2: {  	v10 =	vadd.f32 v4, v5;
	v4 =	vld [tilespmem:s1+$0x13F40];
	[tilespmem:s1+$0x1CF70] =	vst v2  }
0x2f3: {  	v2 =	vld [tilespmem:s1+$0x15740]  }
0x2f4: {  	v11 =	vadd.f32 v1, v3;
	v1 =	vld [tilespmem:s1+$0x13F50]  }
0x2f5: {  	v3 =	vld [tilespmem:s1+$0x15750]  }
0x2f6: {  	v5 =	vadd.f32 v8, v7;
	v7 =	vld [tilespmem:s1+$0x13F60]  }
0x2f7: {  	v12 =	vld [tilespmem:s1+$0x15760]  }
0x2f8: {  	v13 =	vld [tilespmem:s1+$0x19F00];
	v4 =	vadd.f32 v2, v4  }
0x2f9: {  	v2 =	vld [tilespmem:s1+$0x19F10]  }
0x2fa: {  	v14 =	vld [tilespmem:s1+$0x19F20];
	v3 =	vadd.f32 v3, v1  }
.Ltmp7:
0x2fb: {  	v9 =	vld [tilespmem:s1+$0x19F30];
	(pc) =	sbr.rel @p0 .LBB2_17-.Ltmp7, $4  }
0x2fc: {  	v8 =	vld [tilespmem:s1+$0x19F40];
	v1 =	vadd.f32 v12, v7  }
0x2fd: {  	v12 =	vadd.f32 v13, v6;
	v7 =	vld [tilespmem:s1+$0x19F50]  }
0x2fe: {  	s0 =	sshra.s32 s14, $0x2;
	v10 =	vadd.f32 v2, v10;
	v6 =	vld [tilespmem:s1+$0x19F60]  }
0x2ff: {  	s14 =	sadd.s32 $0x200, s14;
	v2 =	vld [tilespmem:s0+$0x13F70];
	v12 =	vmax.f32 v12, $0.0e+00;
	v11 =	vadd.f32 v14, v11  }
0x300: {  	v13 =	vld [tilespmem:s0+$0x15770];
	[tilespmem:s1+$0x1CF00] =	vst v12;
	v10 =	vmax.f32 v10, $0.0e+00;
	v5 =	vadd.f32 v9, v5  }
0x301: {  	v12 =	vld [tilespmem:s0+$0x13F00];
	[tilespmem:s1+$0x1CF10] =	vst v10;
	v9 =	vmax.f32 v11, $0.0e+00;
	v4 =	vadd.f32 v8, v4  }
0x302: {  	v10 =	vld [tilespmem:s0+$0x19F70];
	[tilespmem:s1+$0x1CF20] =	vst v9;
	v5 =	vmax.f32 v5, $0.0e+00;
	v3 =	vadd.f32 v7, v3  }
0x303: {  	v8 =	vld [tilespmem:s0+$0x15700];
	[tilespmem:s1+$0x1CF30] =	vst v5;
	v4 =	vmax.f32 v4, $0.0e+00;
	v1 =	vadd.f32 v6, v1  }
0x304: {  	v5 =	vld [tilespmem:s0+$0x13F10];
	[tilespmem:s1+$0x1CF40] =	vst v4;
	v3 =	vmax.f32 v3, $0.0e+00  }
0x305: {  	v4 =	vld [tilespmem:s0+$0x15710];
	[tilespmem:s1+$0x1CF50] =	vst v3;
	v1 =	vmax.f32 v1, $0.0e+00  }
0x306: {  	v3 =	vld [tilespmem:s0+$0x13F20];
	[tilespmem:s1+$0x1CF60] =	vst v1  }
0x307: {  	v1 =	vld [tilespmem:s0+$0x15720]  }
0x308: {  	v6 =	vld [tilespmem:s0+$0x13F30]  }
0x309: {  	v2 =	vadd.f32 v13, v2;
	v7 =	vld [tilespmem:s0+$0x15730]  }
0x30a: {  	v9 =	vld [tilespmem:s0+$0x13F40]  }
0x30b: {  	v2 =	vadd.f32 v10, v2;
	v10 =	vld [tilespmem:s0+$0x13F50]  }
0x30c: {  	v11 =	vld [tilespmem:s0+$0x15750]  }
0x30d: {  	v13 =	vld [tilespmem:s0+$0x13F60]  }
0x30e: {  	v14 =	vld [tilespmem:s0+$0x15760]  }
0x30f: {  	v15 =	vld [tilespmem:s0+$0x19F00]  }
0x310: {  	v16 =	vld [tilespmem:s0+$0x19F10]  }
0x311: {  	v17 =	vld [tilespmem:s0+$0x19F20];
	v2 =	vmax.f32 v2, $0.0e+00  }
0x312: {  	[tilespmem:s0+$0x1CF70] =	vst v2;
	v2 =	vld [tilespmem:s0+$0x15740]  }
0x313: {  	v8 =	vadd.f32 v8, v12;
	v12 =	vld [tilespmem:s0+$0x19F30]  }
0x314: {  	v4 =	vadd.f32 v4, v5;
	v5 =	vld [tilespmem:s0+$0x19F40]  }
0x315: {  	v1 =	vadd.f32 v1, v3;
	v3 =	vadd.f32 v15, v8;
	v8 =	vld [tilespmem:s0+$0x19F50]  }
0x316: {  	v6 =	vadd.f32 v7, v6;
	v4 =	vadd.f32 v16, v4;
	v7 =	vld [tilespmem:s0+$0x19F60]  }
0x317: {  	v3 =	vmax.f32 v3, $0.0e+00;
	v1 =	vadd.f32 v17, v1;
	v2 =	vadd.f32 v2, v9  }
0x318: {  	v9 =	vadd.f32 v11, v10;
	[tilespmem:s0+$0x1CF00] =	vst v3;
	v3 =	vmax.f32 v4, $0.0e+00;
	v4 =	vadd.f32 v12, v6  }
0x319: {  	v6 =	vadd.f32 v14, v13;
	[tilespmem:s0+$0x1CF10] =	vst v3;
	v1 =	vmax.f32 v1, $0.0e+00;
	v2 =	vadd.f32 v5, v2  }
0x31a: {  	[tilespmem:s0+$0x1CF20] =	vst v1;
	v1 =	vmax.f32 v4, $0.0e+00;
	v3 =	vadd.f32 v8, v9  }
0x31b: {  	[tilespmem:s0+$0x1CF30] =	vst v1;
	v1 =	vmax.f32 v2, $0.0e+00;
	v2 =	vadd.f32 v7, v6  }
0x31c: {  	s1 =	sadd.s32 $0x8, s31;
	[tilespmem:s0+$0x1CF40] =	vst v1;
	v1 =	vmax.f32 v3, $0.0e+00  }
0x31d: {  	s14 =	sadd.s32 s17, s1;
	[tilespmem:s0+$0x1CF50] =	vst v1;
	v1 =	vmax.f32 v2, $0.0e+00  }
0x31e: {  	s31 =	rddreg [dreg:$0x1];
	s14 =	smul.u32 $0xC, s14;
	[tilespmem:s0+$0x1CF60] =	vst v1  }
0x31f: {  	[spmem:s3] =	stream.indirect.scatter.add.f32 [tilespmem:s9], [sflag:$0x5], $0x80, s8, s16, $0xb8;
	v63 =	vld [tilespmem:$0x0]  }
0x320: {  	s0 =	sadd.s32 s31, s14;
	s14 =	simm.s32 $0x0;
	s31 =	smul.u32 $0x30, s1  }
0x321: {  	[tilespmem:s21], [sflag:$0x7] =	stream.linear.gather [hbm4b:s0+s14], $0x180, $0x38;
	v63 =	vld [tilespmem:$0x0]  }
0x322: {  	_ =	swait.ge [sflag:s20], $0x180  }
0x323: {  	s0 =	sadd.s32 s15, s31;
	[sflag:s20] =	ssyncset.done $0x0  }
0x324: {  	s0 =	sshll.u32 s0, $0x4;
	[sflag:s20] =	ssyncadd.s32 $0xFFFFFE80  }
0x325: {  	[tilespmem:s19], [sflag:$0x1] =	stream.indirect.gather [hbm4b:s5+s22], $0x80, s21, s22, $0xb8;
	v63 =	vld [tilespmem:$0x0]  }
0x326: {  	s0 =	sadd.s32 s6, s0  }
0x327: {  	[tilespmem:s23], [sflag:$0x3] =	stream.linear.gather [hbm4b:s0+s14], $0x1800, $0x38;
	v63 =	vld [tilespmem:$0x0]  }
0x328: {  	_ =	swait.ge [sflag:s4], $0x1800  }
0x329: {  	[sflag:s4] =	ssyncset.done $0x0  }
0x32a: {  	[sflag:s4] =	ssyncadd.s32 $0xFFFFE800  }
0x32b: {  	_ =	swait.ge [sflag:s11], $0x3000  }
0x32c: {  	[sflag:s11] =	ssyncset.done $0x0  }
0x32d: {  	[sflag:s11] =	ssyncadd.s32 $0xFFFFD000  }
0x32e: {  	_ =	swait.ge [sflag:s12], $0x1800  }
0x32f: {  	[sflag:s12] =	ssyncset.done $0x0  }
0x330: {  	[sflag:s12] =	ssyncadd.s32 $0xFFFFE800  }
0x331: {  	v1 =	vld [tilespmem:$0x13ED0]  }
0x332: {  	v2 =	vld [tilespmem:$0x13EE0]  }
0x333: {  	v3 =	vld [tilespmem:$0x13EF0];
	_ =	sdelay $0x2  }
0x334: {  	v1 =	vadd.s32 $0xFFFFD880, v1  }
0x335: {  	[tilespmem:$0x1FF80] =	vst v1;
	v1 =	vadd.s32 $0xFFFFD880, v2  }
0x336: {  	[tilespmem:$0x1FF90] =	vst v1;
	v1 =	vadd.s32 $0xFFFFD880, v3  }
0x337: {  	s1 =	simm.s32 $0x0;
	[tilespmem:$0x1FFA0] =	vst v1  }
0x338: {  	v1 =	vld [tilespmem:s1+$0x16F70]  }
0x339: {  	v2 =	vld [tilespmem:s1+$0x18770]  }
0x33a: {  	v3 =	vld [tilespmem:s1+$0x16F00]  }
0x33b: {  	v4 =	vld [tilespmem:s1+$0x1B770]  }
0x33c: {  	v5 =	vld [tilespmem:s1+$0x18700]  }
0x33d: {  	v6 =	vld [tilespmem:s1+$0x16F10]  }
0x33e: {  	v7 =	vld [tilespmem:s1+$0x18710]  }
0x33f: {  	v8 =	vld [tilespmem:s1+$0x18720]  }
0x340: {  	v10 =	vld [tilespmem:s1+$0x18730]  }
0x341: {  	v11 =	vld [tilespmem:s1+$0x16F40]  }
0x342: {  	v12 =	vld [tilespmem:s1+$0x16F50]  }
0x343: {  	v13 =	vld [tilespmem:s1+$0x18750]  }
0x344: {  	v14 =	vld [tilespmem:s1+$0x16F60];
	v1 =	vadd.f32 v2, v1  }
0x345: {  	v15 =	vld [tilespmem:s1+$0x18760]  }
0x346: {  	v61 =	vld [tilespmem:s1+$0x1B700];
	v1 =	vadd.f32 v4, v1  }
0x347: {  	v2 =	vld [tilespmem:s1+$0x16F20]  }
0x348: {  	v4 =	vld [tilespmem:s1+$0x16F30];
	v1 =	vmax.f32 v1, $0.0e+00  }
0x349: {  	[tilespmem:s1+$0x1E770] =	vst v1;
	v1 =	vld [tilespmem:s1+$0x18740]  }
0x34a: {  	v62 =	vld [tilespmem:s1+$0x1B710]  }
0x34b: {  	v18 =	vld [tilespmem:s1+$0x1B720]  }
0x34c: {  	v9 =	vld [tilespmem:s1+$0x1B730];
	v3 =	vadd.f32 v5, v3;
	v19 =	vadd.f32 v7, v6  }
0x34d: {  	v20 =	vadd.f32 v8, v2;
	v8 =	vld [tilespmem:s1+$0x1B740];
	v5 =	vadd.f32 v10, v4  }
0x34e: {  	v7 =	vld [tilespmem:s1+$0x1B750];
	v4 =	vadd.f32 v1, v11;
	v11 =	vadd.f32 v61, v3  }
0x34f: {  	s0 =	simm.s32 $0x80;
	v6 =	vld [tilespmem:s1+$0x1B760];
	v10 =	vadd.f32 v62, v19;
	v3 =	vadd.f32 v13, v12  }
0x350: {  	s14 =	simm.s32 $0x400;
	v2 =	vld [tilespmem:s0+$0x16F70];
	v1 =	vadd.f32 v15, v14;
	v12 =	vmax.f32 v11, $0.0e+00;
	v11 =	vadd.f32 v18, v20  }
.LBB2_19:
0x351: {  	p0 =	sne.s32 s14, $0x5E00;
	v13 =	vld [tilespmem:s0+$0x18770];
	[tilespmem:s1+$0x1E700] =	vst v12;
	v10 =	vmax.f32 v10, $0.0e+00;
	v5 =	vadd.f32 v9, v5  }
0x352: {  	v9 =	vld [tilespmem:s0+$0x16F00];
	[tilespmem:s1+$0x1E710] =	vst v10;
	v10 =	vmax.f32 v11, $0.0e+00;
	v4 =	vadd.f32 v8, v4  }
0x353: {  	v8 =	vld [tilespmem:s0+$0x1B770];
	[tilespmem:s1+$0x1E720] =	vst v10;
	v5 =	vmax.f32 v5, $0.0e+00;
	v3 =	vadd.f32 v7, v3  }
0x354: {  	v7 =	vld [tilespmem:s0+$0x18700];
	[tilespmem:s1+$0x1E730] =	vst v5;
	v4 =	vmax.f32 v4, $0.0e+00;
	v1 =	vadd.f32 v6, v1  }
0x355: {  	v5 =	vld [tilespmem:s0+$0x16F10];
	[tilespmem:s1+$0x1E740] =	vst v4;
	v3 =	vmax.f32 v3, $0.0e+00  }
0x356: {  	v4 =	vld [tilespmem:s0+$0x18710];
	v2 =	vadd.f32 v13, v2;
	[tilespmem:s1+$0x1E750] =	vst v3;
	v1 =	vmax.f32 v1, $0.0e+00  }
0x357: {  	v3 =	vld [tilespmem:s0+$0x16F20];
	[tilespmem:s1+$0x1E760] =	vst v1;
	s1 =	smov.u32 s0  }
0x358: {  	v1 =	vld [tilespmem:s1+$0x18720];
	v2 =	vadd.f32 v8, v2  }
0x359: {  	v6 =	vadd.f32 v7, v9;
	v7 =	vld [tilespmem:s1+$0x16F30]  }
0x35a: {  	v8 =	vld [tilespmem:s1+$0x18730];
	v2 =	vmax.f32 v2, $0.0e+00  }
0x35b: {  	v10 =	vadd.f32 v4, v5;
	v4 =	vld [tilespmem:s1+$0x16F40];
	[tilespmem:s1+$0x1E770] =	vst v2  }
0x35c: {  	v2 =	vld [tilespmem:s1+$0x18740]  }
0x35d: {  	v11 =	vadd.f32 v1, v3;
	v1 =	vld [tilespmem:s1+$0x16F50]  }
0x35e: {  	v3 =	vld [tilespmem:s1+$0x18750]  }
0x35f: {  	v5 =	vadd.f32 v8, v7;
	v7 =	vld [tilespmem:s1+$0x16F60]  }
0x360: {  	v12 =	vld [tilespmem:s1+$0x18760]  }
0x361: {  	v13 =	vld [tilespmem:s1+$0x1B700];
	v4 =	vadd.f32 v2, v4  }
0x362: {  	v2 =	vld [tilespmem:s1+$0x1B710]  }
0x363: {  	v14 =	vld [tilespmem:s1+$0x1B720];
	v3 =	vadd.f32 v3, v1  }
.Ltmp8:
0x364: {  	v9 =	vld [tilespmem:s1+$0x1B730];
	(pc) =	sbr.rel @p0 .LBB2_19-.Ltmp8, $4  }
0x365: {  	v8 =	vld [tilespmem:s1+$0x1B740];
	v1 =	vadd.f32 v12, v7  }
0x366: {  	v12 =	vadd.f32 v13, v6;
	v7 =	vld [tilespmem:s1+$0x1B750]  }
0x367: {  	s0 =	sshra.s32 s14, $0x2;
	v10 =	vadd.f32 v2, v10;
	v6 =	vld [tilespmem:s1+$0x1B760]  }
0x368: {  	s14 =	sadd.s32 $0x200, s14;
	v2 =	vld [tilespmem:s0+$0x16F70];
	v12 =	vmax.f32 v12, $0.0e+00;
	v11 =	vadd.f32 v14, v11  }
0x369: {  	v13 =	vld [tilespmem:s0+$0x18770];
	[tilespmem:s1+$0x1E700] =	vst v12;
	v10 =	vmax.f32 v10, $0.0e+00;
	v5 =	vadd.f32 v9, v5  }
0x36a: {  	v12 =	vld [tilespmem:s0+$0x16F00];
	[tilespmem:s1+$0x1E710] =	vst v10;
	v9 =	vmax.f32 v11, $0.0e+00;
	v4 =	vadd.f32 v8, v4  }
0x36b: {  	v10 =	vld [tilespmem:s0+$0x1B770];
	[tilespmem:s1+$0x1E720] =	vst v9;
	v5 =	vmax.f32 v5, $0.0e+00;
	v3 =	vadd.f32 v7, v3  }
0x36c: {  	v8 =	vld [tilespmem:s0+$0x18700];
	[tilespmem:s1+$0x1E730] =	vst v5;
	v4 =	vmax.f32 v4, $0.0e+00;
	v1 =	vadd.f32 v6, v1  }
0x36d: {  	v5 =	vld [tilespmem:s0+$0x16F10];
	[tilespmem:s1+$0x1E740] =	vst v4;
	v3 =	vmax.f32 v3, $0.0e+00  }
0x36e: {  	v4 =	vld [tilespmem:s0+$0x18710];
	[tilespmem:s1+$0x1E750] =	vst v3;
	v1 =	vmax.f32 v1, $0.0e+00  }
0x36f: {  	v3 =	vld [tilespmem:s0+$0x16F20];
	[tilespmem:s1+$0x1E760] =	vst v1  }
0x370: {  	v1 =	vld [tilespmem:s0+$0x18720]  }
0x371: {  	v6 =	vld [tilespmem:s0+$0x16F30]  }
0x372: {  	v2 =	vadd.f32 v13, v2;
	v7 =	vld [tilespmem:s0+$0x18730]  }
0x373: {  	v9 =	vld [tilespmem:s0+$0x16F40]  }
0x374: {  	v2 =	vadd.f32 v10, v2;
	v10 =	vld [tilespmem:s0+$0x16F50]  }
0x375: {  	v11 =	vld [tilespmem:s0+$0x18750]  }
0x376: {  	v13 =	vld [tilespmem:s0+$0x16F60]  }
0x377: {  	v14 =	vld [tilespmem:s0+$0x18760]  }
0x378: {  	v15 =	vld [tilespmem:s0+$0x1B700]  }
0x379: {  	v16 =	vld [tilespmem:s0+$0x1B710]  }
0x37a: {  	v17 =	vld [tilespmem:s0+$0x1B720];
	v2 =	vmax.f32 v2, $0.0e+00  }
0x37b: {  	[tilespmem:s0+$0x1E770] =	vst v2;
	v2 =	vld [tilespmem:s0+$0x18740]  }
0x37c: {  	v8 =	vadd.f32 v8, v12;
	v12 =	vld [tilespmem:s0+$0x1B730]  }
0x37d: {  	v4 =	vadd.f32 v4, v5;
	v5 =	vld [tilespmem:s0+$0x1B740]  }
0x37e: {  	v1 =	vadd.f32 v1, v3;
	v3 =	vadd.f32 v15, v8;
	v8 =	vld [tilespmem:s0+$0x1B750]  }
0x37f: {  	v6 =	vadd.f32 v7, v6;
	v4 =	vadd.f32 v16, v4;
	v7 =	vld [tilespmem:s0+$0x1B760]  }
0x380: {  	v3 =	vmax.f32 v3, $0.0e+00;
	v1 =	vadd.f32 v17, v1;
	v2 =	vadd.f32 v2, v9  }
0x381: {  	v9 =	vadd.f32 v11, v10;
	[tilespmem:s0+$0x1E700] =	vst v3;
	v3 =	vmax.f32 v4, $0.0e+00;
	v4 =	vadd.f32 v12, v6  }
0x382: {  	v6 =	vadd.f32 v14, v13;
	[tilespmem:s0+$0x1E710] =	vst v3;
	v1 =	vmax.f32 v1, $0.0e+00;
	v2 =	vadd.f32 v5, v2  }
0x383: {  	[tilespmem:s0+$0x1E720] =	vst v1;
	v1 =	vmax.f32 v4, $0.0e+00;
	v3 =	vadd.f32 v8, v9  }
0x384: {  	[tilespmem:s0+$0x1E730] =	vst v1;
	v1 =	vmax.f32 v2, $0.0e+00;
	v2 =	vadd.f32 v7, v6  }
0x385: {  	[tilespmem:s0+$0x1E740] =	vst v1;
	v1 =	vmax.f32 v3, $0.0e+00  }
0x386: {  	s14 =	rddreg [dreg:$0x1b];
	[tilespmem:s0+$0x1E750] =	vst v1;
	v1 =	vmax.f32 v2, $0.0e+00  }
0x387: {  	[tilespmem:s0+$0x1E760] =	vst v1;
	s0 =	sadd.s32 s30, s14  }
0x388: {  	[spmem:s3] =	stream.indirect.scatter.add.f32 [tilespmem:s7], [sflag:$0x6], $0x80, s13, s16, $0xb8;
	v63 =	vld [tilespmem:$0x0]  }
0x389: {  	s1 =	simm.s32 $0x13C60;
	s0 =	sshll.u32 s0, $0x4  }
0x38a: {  	[tilespmem:s25], [sflag:$0x2] =	stream.indirect.gather [hbm4b:s5+s22], $0x80, s1, s22, $0xb8;
	v63 =	vld [tilespmem:$0x0]  }
0x38b: {  	s31 =	simm.s32 $0x0;
	s0 =	sadd.s32 s6, s0  }
0x38c: {  	[tilespmem:s26], [sflag:$0x4] =	stream.linear.gather [hbm4b:s0+s31], $0x1800, $0x38;
	v63 =	vld [tilespmem:$0x0]  }
0x38d: {  	_ =	swait.ge [sflag:s10], $0x1800  }
0x38e: {  	[sflag:s10] =	ssyncset.done $0x0  }
0x38f: {  	[sflag:s10] =	ssyncadd.s32 $0xFFFFE800  }
0x390: {  	_ =	swait.ge [sflag:s28], $0x3000  }
0x391: {  	[sflag:s28] =	ssyncset.done $0x0  }
0x392: {  	[sflag:s28] =	ssyncadd.s32 $0xFFFFD000  }
0x393: {  	_ =	swait.ge [sflag:s29], $0x1800  }
0x394: {  	[sflag:s29] =	ssyncset.done $0x0  }
0x395: {  	[sflag:s29] =	ssyncadd.s32 $0xFFFFE800  }
0x396: {  	v1 =	vld [tilespmem:$0x13C30]  }
0x397: {  	v2 =	vld [tilespmem:$0x13C40]  }
0x398: {  	v3 =	vld [tilespmem:$0x13C50];
	_ =	sdelay $0x2  }
0x399: {  	v1 =	vadd.s32 $0xFFFFD880, v1  }
0x39a: {  	[tilespmem:$0x1FF00] =	vst v1;
	v1 =	vadd.s32 $0xFFFFD880, v2  }
0x39b: {  	[tilespmem:$0x1FF10] =	vst v1;
	v1 =	vadd.s32 $0xFFFFD880, v3  }
0x39c: {  	s1 =	simm.s32 $0x0;
	[tilespmem:$0x1FF20] =	vst v1  }
0x39d: {  	v1 =	vld [tilespmem:s1+$0x13F70]  }
0x39e: {  	v2 =	vld [tilespmem:s1+$0x15770]  }
0x39f: {  	v3 =	vld [tilespmem:s1+$0x13F00]  }
0x3a0: {  	v4 =	vld [tilespmem:s1+$0x19F70]  }
0x3a1: {  	v5 =	vld [tilespmem:s1+$0x15700]  }
0x3a2: {  	v6 =	vld [tilespmem:s1+$0x13F10]  }
0x3a3: {  	v7 =	vld [tilespmem:s1+$0x15710]  }
0x3a4: {  	v8 =	vld [tilespmem:s1+$0x15720]  }
0x3a5: {  	v10 =	vld [tilespmem:s1+$0x15730]  }
0x3a6: {  	v11 =	vld [tilespmem:s1+$0x13F40]  }
0x3a7: {  	v12 =	vld [tilespmem:s1+$0x13F50]  }
0x3a8: {  	v13 =	vld [tilespmem:s1+$0x15750]  }
0x3a9: {  	v14 =	vld [tilespmem:s1+$0x13F60];
	v1 =	vadd.f32 v2, v1  }
0x3aa: {  	v15 =	vld [tilespmem:s1+$0x15760]  }
0x3ab: {  	v61 =	vld [tilespmem:s1+$0x19F00];
	v1 =	vadd.f32 v4, v1  }
0x3ac: {  	v2 =	vld [tilespmem:s1+$0x13F20]  }
0x3ad: {  	v4 =	vld [tilespmem:s1+$0x13F30];
	v1 =	vmax.f32 v1, $0.0e+00  }
0x3ae: {  	[tilespmem:s1+$0x1CF70] =	vst v1;
	v1 =	vld [tilespmem:s1+$0x15740]  }
0x3af: {  	v62 =	vld [tilespmem:s1+$0x19F10]  }
0x3b0: {  	v18 =	vld [tilespmem:s1+$0x19F20]  }
0x3b1: {  	v9 =	vld [tilespmem:s1+$0x19F30];
	v3 =	vadd.f32 v5, v3;
	v19 =	vadd.f32 v7, v6  }
0x3b2: {  	v20 =	vadd.f32 v8, v2;
	v8 =	vld [tilespmem:s1+$0x19F40];
	v5 =	vadd.f32 v10, v4  }
0x3b3: {  	v7 =	vld [tilespmem:s1+$0x19F50];
	v4 =	vadd.f32 v1, v11;
	v11 =	vadd.f32 v61, v3  }
0x3b4: {  	s0 =	simm.s32 $0x80;
	v6 =	vld [tilespmem:s1+$0x19F60];
	v10 =	vadd.f32 v62, v19;
	v3 =	vadd.f32 v13, v12  }
0x3b5: {  	s14 =	simm.s32 $0x400;
	v2 =	vld [tilespmem:s0+$0x13F70];
	v1 =	vadd.f32 v15, v14;
	v12 =	vmax.f32 v11, $0.0e+00;
	v11 =	vadd.f32 v18, v20  }
.LBB2_21:
0x3b6: {  	p0 =	sne.s32 s14, $0x5E00;
	v13 =	vld [tilespmem:s0+$0x15770];
	[tilespmem:s1+$0x1CF00] =	vst v12;
	v10 =	vmax.f32 v10, $0.0e+00;
	v5 =	vadd.f32 v9, v5  }
0x3b7: {  	v9 =	vld [tilespmem:s0+$0x13F00];
	[tilespmem:s1+$0x1CF10] =	vst v10;
	v10 =	vmax.f32 v11, $0.0e+00;
	v4 =	vadd.f32 v8, v4  }
0x3b8: {  	v8 =	vld [tilespmem:s0+$0x19F70];
	[tilespmem:s1+$0x1CF20] =	vst v10;
	v5 =	vmax.f32 v5, $0.0e+00;
	v3 =	vadd.f32 v7, v3  }
0x3b9: {  	v7 =	vld [tilespmem:s0+$0x15700];
	[tilespmem:s1+$0x1CF30] =	vst v5;
	v4 =	vmax.f32 v4, $0.0e+00;
	v1 =	vadd.f32 v6, v1  }
0x3ba: {  	v5 =	vld [tilespmem:s0+$0x13F10];
	[tilespmem:s1+$0x1CF40] =	vst v4;
	v3 =	vmax.f32 v3, $0.0e+00  }
0x3bb: {  	v4 =	vld [tilespmem:s0+$0x15710];
	v2 =	vadd.f32 v13, v2;
	[tilespmem:s1+$0x1CF50] =	vst v3;
	v1 =	vmax.f32 v1, $0.0e+00  }
0x3bc: {  	v3 =	vld [tilespmem:s0+$0x13F20];
	[tilespmem:s1+$0x1CF60] =	vst v1;
	s1 =	smov.u32 s0  }
0x3bd: {  	v1 =	vld [tilespmem:s1+$0x15720];
	v2 =	vadd.f32 v8, v2  }
0x3be: {  	v6 =	vadd.f32 v7, v9;
	v7 =	vld [tilespmem:s1+$0x13F30]  }
0x3bf: {  	v8 =	vld [tilespmem:s1+$0x15730];
	v2 =	vmax.f32 v2, $0.0e+00  }
0x3c0: {  	v10 =	vadd.f32 v4, v5;
	v4 =	vld [tilespmem:s1+$0x13F40];
	[tilespmem:s1+$0x1CF70] =	vst v2  }
0x3c1: {  	v2 =	vld [tilespmem:s1+$0x15740]  }
0x3c2: {  	v11 =	vadd.f32 v1, v3;
	v1 =	vld [tilespmem:s1+$0x13F50]  }
0x3c3: {  	v3 =	vld [tilespmem:s1+$0x15750]  }
0x3c4: {  	v5 =	vadd.f32 v8, v7;
	v7 =	vld [tilespmem:s1+$0x13F60]  }
0x3c5: {  	v12 =	vld [tilespmem:s1+$0x15760]  }
0x3c6: {  	v13 =	vld [tilespmem:s1+$0x19F00];
	v4 =	vadd.f32 v2, v4  }
0x3c7: {  	v2 =	vld [tilespmem:s1+$0x19F10]  }
0x3c8: {  	v14 =	vld [tilespmem:s1+$0x19F20];
	v3 =	vadd.f32 v3, v1  }
.Ltmp9:
0x3c9: {  	v9 =	vld [tilespmem:s1+$0x19F30];
	(pc) =	sbr.rel @p0 .LBB2_21-.Ltmp9, $4  }
0x3ca: {  	v8 =	vld [tilespmem:s1+$0x19F40];
	v1 =	vadd.f32 v12, v7  }
0x3cb: {  	v12 =	vadd.f32 v13, v6;
	v7 =	vld [tilespmem:s1+$0x19F50]  }
0x3cc: {  	s0 =	sshra.s32 s14, $0x2;
	v10 =	vadd.f32 v2, v10;
	v6 =	vld [tilespmem:s1+$0x19F60]  }
0x3cd: {  	s14 =	sadd.s32 $0x200, s14;
	v2 =	vld [tilespmem:s0+$0x13F70];
	v12 =	vmax.f32 v12, $0.0e+00;
	v11 =	vadd.f32 v14, v11  }
0x3ce: {  	v13 =	vld [tilespmem:s0+$0x15770];
	[tilespmem:s1+$0x1CF00] =	vst v12;
	v10 =	vmax.f32 v10, $0.0e+00;
	v5 =	vadd.f32 v9, v5  }
0x3cf: {  	v12 =	vld [tilespmem:s0+$0x13F00];
	[tilespmem:s1+$0x1CF10] =	vst v10;
	v9 =	vmax.f32 v11, $0.0e+00;
	v4 =	vadd.f32 v8, v4  }
0x3d0: {  	v10 =	vld [tilespmem:s0+$0x19F70];
	[tilespmem:s1+$0x1CF20] =	vst v9;
	v5 =	vmax.f32 v5, $0.0e+00;
	v3 =	vadd.f32 v7, v3  }
0x3d1: {  	v8 =	vld [tilespmem:s0+$0x15700];
	[tilespmem:s1+$0x1CF30] =	vst v5;
	v4 =	vmax.f32 v4, $0.0e+00;
	v1 =	vadd.f32 v6, v1  }
0x3d2: {  	v5 =	vld [tilespmem:s0+$0x13F10];
	[tilespmem:s1+$0x1CF40] =	vst v4;
	v3 =	vmax.f32 v3, $0.0e+00  }
0x3d3: {  	v4 =	vld [tilespmem:s0+$0x15710];
	[tilespmem:s1+$0x1CF50] =	vst v3;
	v1 =	vmax.f32 v1, $0.0e+00  }
0x3d4: {  	v3 =	vld [tilespmem:s0+$0x13F20];
	[tilespmem:s1+$0x1CF60] =	vst v1  }
0x3d5: {  	v1 =	vld [tilespmem:s0+$0x15720]  }
0x3d6: {  	v6 =	vld [tilespmem:s0+$0x13F30]  }
0x3d7: {  	v2 =	vadd.f32 v13, v2;
	v7 =	vld [tilespmem:s0+$0x15730]  }
0x3d8: {  	v9 =	vld [tilespmem:s0+$0x13F40]  }
0x3d9: {  	v2 =	vadd.f32 v10, v2;
	v10 =	vld [tilespmem:s0+$0x13F50]  }
0x3da: {  	v11 =	vld [tilespmem:s0+$0x15750]  }
0x3db: {  	v13 =	vld [tilespmem:s0+$0x13F60]  }
0x3dc: {  	v14 =	vld [tilespmem:s0+$0x15760]  }
0x3dd: {  	v15 =	vld [tilespmem:s0+$0x19F00]  }
0x3de: {  	v16 =	vld [tilespmem:s0+$0x19F10]  }
0x3df: {  	v17 =	vld [tilespmem:s0+$0x19F20];
	v2 =	vmax.f32 v2, $0.0e+00  }
0x3e0: {  	[tilespmem:s0+$0x1CF70] =	vst v2;
	v2 =	vld [tilespmem:s0+$0x15740]  }
0x3e1: {  	v8 =	vadd.f32 v8, v12;
	v12 =	vld [tilespmem:s0+$0x19F30]  }
0x3e2: {  	v4 =	vadd.f32 v4, v5;
	v5 =	vld [tilespmem:s0+$0x19F40]  }
0x3e3: {  	v1 =	vadd.f32 v1, v3;
	v3 =	vadd.f32 v15, v8;
	v8 =	vld [tilespmem:s0+$0x19F50]  }
0x3e4: {  	v6 =	vadd.f32 v7, v6;
	v4 =	vadd.f32 v16, v4;
	v7 =	vld [tilespmem:s0+$0x19F60]  }
0x3e5: {  	v3 =	vmax.f32 v3, $0.0e+00;
	v1 =	vadd.f32 v17, v1;
	v2 =	vadd.f32 v2, v9  }
0x3e6: {  	v9 =	vadd.f32 v11, v10;
	[tilespmem:s0+$0x1CF00] =	vst v3;
	v3 =	vmax.f32 v4, $0.0e+00;
	v4 =	vadd.f32 v12, v6  }
0x3e7: {  	v6 =	vadd.f32 v14, v13;
	[tilespmem:s0+$0x1CF10] =	vst v3;
	v1 =	vmax.f32 v1, $0.0e+00;
	v2 =	vadd.f32 v5, v2  }
0x3e8: {  	[tilespmem:s0+$0x1CF20] =	vst v1;
	v1 =	vmax.f32 v4, $0.0e+00;
	v3 =	vadd.f32 v8, v9  }
0x3e9: {  	[tilespmem:s0+$0x1CF30] =	vst v1;
	v1 =	vmax.f32 v2, $0.0e+00;
	v2 =	vadd.f32 v7, v6  }
0x3ea: {  	[tilespmem:s0+$0x1CF40] =	vst v1;
	v1 =	vmax.f32 v3, $0.0e+00  }
0x3eb: {  	s14 =	rddreg [dreg:$0x1c];
	[tilespmem:s0+$0x1CF50] =	vst v1;
	v1 =	vmax.f32 v2, $0.0e+00  }
0x3ec: {  	[tilespmem:s0+$0x1CF60] =	vst v1;
	s0 =	sadd.s32 s30, s14  }
0x3ed: {  	[spmem:s3] =	stream.indirect.scatter.add.f32 [tilespmem:s9], [sflag:$0x5], $0x80, s8, s16, $0xb8;
	v63 =	vld [tilespmem:$0x0]  }
0x3ee: {  	s1 =	simm.s32 $0x13CC0;
	s0 =	sshll.u32 s0, $0x4  }
0x3ef: {  	[tilespmem:s19], [sflag:$0x1] =	stream.indirect.gather [hbm4b:s5+s22], $0x80, s1, s22, $0xb8;
	v63 =	vld [tilespmem:$0x0]  }
0x3f0: {  	s31 =	simm.s32 $0x0;
	s0 =	sadd.s32 s6, s0  }
0x3f1: {  	[tilespmem:s23], [sflag:$0x3] =	stream.linear.gather [hbm4b:s0+s31], $0x1800, $0x38;
	v63 =	vld [tilespmem:$0x0]  }
0x3f2: {  	_ =	swait.ge [sflag:s4], $0x1800  }
0x3f3: {  	[sflag:s4] =	ssyncset.done $0x0  }
0x3f4: {  	[sflag:s4] =	ssyncadd.s32 $0xFFFFE800  }
0x3f5: {  	_ =	swait.ge [sflag:s11], $0x3000  }
0x3f6: {  	[sflag:s11] =	ssyncset.done $0x0  }
0x3f7: {  	[sflag:s11] =	ssyncadd.s32 $0xFFFFD000  }
0x3f8: {  	_ =	swait.ge [sflag:s12], $0x1800  }
0x3f9: {  	[sflag:s12] =	ssyncset.done $0x0  }
0x3fa: {  	[sflag:s12] =	ssyncadd.s32 $0xFFFFE800  }
0x3fb: {  	v1 =	vld [tilespmem:$0x13C90]  }
0x3fc: {  	v2 =	vld [tilespmem:$0x13CA0]  }
0x3fd: {  	v3 =	vld [tilespmem:$0x13CB0];
	_ =	sdelay $0x2  }
0x3fe: {  	v1 =	vadd.s32 $0xFFFFD880, v1  }
0x3ff: {  	[tilespmem:$0x1FF80] =	vst v1;
	v1 =	vadd.s32 $0xFFFFD880, v2  }
0x400: {  	[tilespmem:$0x1FF90] =	vst v1;
	v1 =	vadd.s32 $0xFFFFD880, v3  }
0x401: {  	s1 =	simm.s32 $0x0;
	[tilespmem:$0x1FFA0] =	vst v1  }
0x402: {  	v1 =	vld [tilespmem:s1+$0x16F70]  }
0x403: {  	v2 =	vld [tilespmem:s1+$0x18770]  }
0x404: {  	v3 =	vld [tilespmem:s1+$0x16F00]  }
0x405: {  	v4 =	vld [tilespmem:s1+$0x1B770]  }
0x406: {  	v5 =	vld [tilespmem:s1+$0x18700]  }
0x407: {  	v6 =	vld [tilespmem:s1+$0x16F10]  }
0x408: {  	v7 =	vld [tilespmem:s1+$0x18710]  }
0x409: {  	v8 =	vld [tilespmem:s1+$0x18720]  }
0x40a: {  	v10 =	vld [tilespmem:s1+$0x18730]  }
0x40b: {  	v11 =	vld [tilespmem:s1+$0x16F40]  }
0x40c: {  	v12 =	vld [tilespmem:s1+$0x16F50]  }
0x40d: {  	v13 =	vld [tilespmem:s1+$0x18750]  }
0x40e: {  	v14 =	vld [tilespmem:s1+$0x16F60];
	v1 =	vadd.f32 v2, v1  }
0x40f: {  	v15 =	vld [tilespmem:s1+$0x18760]  }
0x410: {  	v61 =	vld [tilespmem:s1+$0x1B700];
	v1 =	vadd.f32 v4, v1  }
0x411: {  	v2 =	vld [tilespmem:s1+$0x16F20]  }
0x412: {  	v4 =	vld [tilespmem:s1+$0x16F30];
	v1 =	vmax.f32 v1, $0.0e+00  }
0x413: {  	[tilespmem:s1+$0x1E770] =	vst v1;
	v1 =	vld [tilespmem:s1+$0x18740]  }
0x414: {  	v62 =	vld [tilespmem:s1+$0x1B710]  }
0x415: {  	v18 =	vld [tilespmem:s1+$0x1B720]  }
0x416: {  	v9 =	vld [tilespmem:s1+$0x1B730];
	v3 =	vadd.f32 v5, v3;
	v19 =	vadd.f32 v7, v6  }
0x417: {  	v20 =	vadd.f32 v8, v2;
	v8 =	vld [tilespmem:s1+$0x1B740];
	v5 =	vadd.f32 v10, v4  }
0x418: {  	v7 =	vld [tilespmem:s1+$0x1B750];
	v4 =	vadd.f32 v1, v11;
	v11 =	vadd.f32 v61, v3  }
0x419: {  	s0 =	simm.s32 $0x80;
	v6 =	vld [tilespmem:s1+$0x1B760];
	v10 =	vadd.f32 v62, v19;
	v3 =	vadd.f32 v13, v12  }
0x41a: {  	s14 =	simm.s32 $0x400;
	v2 =	vld [tilespmem:s0+$0x16F70];
	v1 =	vadd.f32 v15, v14;
	v12 =	vmax.f32 v11, $0.0e+00;
	v11 =	vadd.f32 v18, v20  }
.LBB2_23:
0x41b: {  	p0 =	sne.s32 s14, $0x5E00;
	v13 =	vld [tilespmem:s0+$0x18770];
	[tilespmem:s1+$0x1E700] =	vst v12;
	v10 =	vmax.f32 v10, $0.0e+00;
	v5 =	vadd.f32 v9, v5  }
0x41c: {  	v9 =	vld [tilespmem:s0+$0x16F00];
	[tilespmem:s1+$0x1E710] =	vst v10;
	v10 =	vmax.f32 v11, $0.0e+00;
	v4 =	vadd.f32 v8, v4  }
0x41d: {  	v8 =	vld [tilespmem:s0+$0x1B770];
	[tilespmem:s1+$0x1E720] =	vst v10;
	v5 =	vmax.f32 v5, $0.0e+00;
	v3 =	vadd.f32 v7, v3  }
0x41e: {  	v7 =	vld [tilespmem:s0+$0x18700];
	[tilespmem:s1+$0x1E730] =	vst v5;
	v4 =	vmax.f32 v4, $0.0e+00;
	v1 =	vadd.f32 v6, v1  }
0x41f: {  	v5 =	vld [tilespmem:s0+$0x16F10];
	[tilespmem:s1+$0x1E740] =	vst v4;
	v3 =	vmax.f32 v3, $0.0e+00  }
0x420: {  	v4 =	vld [tilespmem:s0+$0x18710];
	v2 =	vadd.f32 v13, v2;
	[tilespmem:s1+$0x1E750] =	vst v3;
	v1 =	vmax.f32 v1, $0.0e+00  }
0x421: {  	v3 =	vld [tilespmem:s0+$0x16F20];
	[tilespmem:s1+$0x1E760] =	vst v1;
	s1 =	smov.u32 s0  }
0x422: {  	v1 =	vld [tilespmem:s1+$0x18720];
	v2 =	vadd.f32 v8, v2  }
0x423: {  	v6 =	vadd.f32 v7, v9;
	v7 =	vld [tilespmem:s1+$0x16F30]  }
0x424: {  	v8 =	vld [tilespmem:s1+$0x18730];
	v2 =	vmax.f32 v2, $0.0e+00  }
0x425: {  	v10 =	vadd.f32 v4, v5;
	v4 =	vld [tilespmem:s1+$0x16F40];
	[tilespmem:s1+$0x1E770] =	vst v2  }
0x426: {  	v2 =	vld [tilespmem:s1+$0x18740]  }
0x427: {  	v11 =	vadd.f32 v1, v3;
	v1 =	vld [tilespmem:s1+$0x16F50]  }
0x428: {  	v3 =	vld [tilespmem:s1+$0x18750]  }
0x429: {  	v5 =	vadd.f32 v8, v7;
	v7 =	vld [tilespmem:s1+$0x16F60]  }
0x42a: {  	v12 =	vld [tilespmem:s1+$0x18760]  }
0x42b: {  	v13 =	vld [tilespmem:s1+$0x1B700];
	v4 =	vadd.f32 v2, v4  }
0x42c: {  	v2 =	vld [tilespmem:s1+$0x1B710]  }
0x42d: {  	v14 =	vld [tilespmem:s1+$0x1B720];
	v3 =	vadd.f32 v3, v1  }
.Ltmp10:
0x42e: {  	v9 =	vld [tilespmem:s1+$0x1B730];
	(pc) =	sbr.rel @p0 .LBB2_23-.Ltmp10, $4  }
0x42f: {  	v8 =	vld [tilespmem:s1+$0x1B740];
	v1 =	vadd.f32 v12, v7  }
0x430: {  	v12 =	vadd.f32 v13, v6;
	v7 =	vld [tilespmem:s1+$0x1B750]  }
0x431: {  	s0 =	sshra.s32 s14, $0x2;
	v10 =	vadd.f32 v2, v10;
	v6 =	vld [tilespmem:s1+$0x1B760]  }
0x432: {  	s14 =	sadd.s32 $0x200, s14;
	v2 =	vld [tilespmem:s0+$0x16F70];
	v12 =	vmax.f32 v12, $0.0e+00;
	v11 =	vadd.f32 v14, v11  }
0x433: {  	v13 =	vld [tilespmem:s0+$0x18770];
	[tilespmem:s1+$0x1E700] =	vst v12;
	v10 =	vmax.f32 v10, $0.0e+00;
	v5 =	vadd.f32 v9, v5  }
0x434: {  	v12 =	vld [tilespmem:s0+$0x16F00];
	[tilespmem:s1+$0x1E710] =	vst v10;
	v49 =	vmax.f32 v11, $0.0e+00;
	v4 =	vadd.f32 v8, v4  }
0x435: {  	v10 =	vld [tilespmem:s0+$0x1B770];
	[tilespmem:s1+$0x1E720] =	vst v49;
	v5 =	vmax.f32 v5, $0.0e+00;
	v3 =	vadd.f32 v7, v3  }
0x436: {  	v50 =	vld [tilespmem:s0+$0x18700];
	[tilespmem:s1+$0x1E730] =	vst v5;
	v4 =	vmax.f32 v4, $0.0e+00;
	v1 =	vadd.f32 v6, v1  }
0x437: {  	v5 =	vld [tilespmem:s0+$0x16F10];
	[tilespmem:s1+$0x1E740] =	vst v4;
	v3 =	vmax.f32 v3, $0.0e+00  }
0x438: {  	v4 =	vld [tilespmem:s0+$0x18710];
	[tilespmem:s1+$0x1E750] =	vst v3;
	v1 =	vmax.f32 v1, $0.0e+00  }
0x439: {  	v3 =	vld [tilespmem:s0+$0x16F20];
	[tilespmem:s1+$0x1E760] =	vst v1  }
0x43a: {  	v1 =	vld [tilespmem:s0+$0x18720]  }
0x43b: {  	v51 =	vld [tilespmem:s0+$0x16F30]  }
0x43c: {  	v52 =	vld [tilespmem:s0+$0x18730]  }
0x43d: {  	v9 =	vld [tilespmem:s0+$0x16F40]  }
0x43e: {  	v53 =	vld [tilespmem:s0+$0x16F50]  }
0x43f: {  	v54 =	vld [tilespmem:s0+$0x18750]  }
0x440: {  	v2 =	vadd.f32 v13, v2;
	v55 =	vld [tilespmem:s0+$0x16F60]  }
0x441: {  	v14 =	vld [tilespmem:s0+$0x18760]  }
0x442: {  	v2 =	vadd.f32 v10, v2;
	v15 =	vld [tilespmem:s0+$0x1B700]  }
0x443: {  	v16 =	vld [tilespmem:s0+$0x1B710]  }
0x444: {  	v17 =	vld [tilespmem:s0+$0x1B720];
	v2 =	vmax.f32 v2, $0.0e+00  }
0x445: {  	[tilespmem:s0+$0x1E770] =	vst v2;
	v2 =	vld [tilespmem:s0+$0x18740]  }
0x446: {  	v56 =	vld [tilespmem:s0+$0x1B730];
	v8 =	vadd.f32 v50, v12  }
0x447: {  	v57 =	vld [tilespmem:s0+$0x1B740];
	v4 =	vadd.f32 v4, v5  }
0x448: {  	v58 =	vld [tilespmem:s0+$0x1B750];
	v1 =	vadd.f32 v1, v3;
	v3 =	vadd.f32 v15, v8  }
0x449: {  	v59 =	vld [tilespmem:s0+$0x1B760];
	v6 =	vadd.f32 v52, v51;
	v4 =	vadd.f32 v16, v4  }
0x44a: {  	v1 =	vadd.f32 v17, v1;
	v3 =	vmax.f32 v3, $0.0e+00;
	v2 =	vadd.f32 v2, v9  }
0x44b: {  	v60 =	vadd.f32 v54, v53;
	v61 =	vadd.f32 v56, v6;
	[tilespmem:s0+$0x1E700] =	vst v3;
	v3 =	vmax.f32 v4, $0.0e+00  }
0x44c: {  	v62 =	vadd.f32 v14, v55;
	[tilespmem:s0+$0x1E710] =	vst v3;
	v1 =	vmax.f32 v1, $0.0e+00;
	v2 =	vadd.f32 v57, v2  }
0x44d: {  	v3 =	vadd.f32 v58, v60;
	[tilespmem:s0+$0x1E720] =	vst v1;
	v1 =	vmax.f32 v61, $0.0e+00  }
0x44e: {  	[tilespmem:s0+$0x1E730] =	vst v1;
	v1 =	vmax.f32 v2, $0.0e+00;
	v2 =	vadd.f32 v59, v62  }
0x44f: {  	[tilespmem:s0+$0x1E740] =	vst v1;
	v1 =	vmax.f32 v3, $0.0e+00  }
0x450: {  	s2 =	sadd.s32 $0x1, s2;
	[tilespmem:s0+$0x1E750] =	vst v1;
	v1 =	vmax.f32 v2, $0.0e+00  }
0x451: {  	s31 =	rddreg [dreg:$0x1d];
	p0 =	sne.s32 s2, $0x1A;
	[tilespmem:s0+$0x1E760] =	vst v1  }
0x452: {  	[spmem:s3] =	stream.indirect.scatter.add.f32 [tilespmem:s7], [sflag:$0x6], $0x80, s13, s16, $0xb8;
	v63 =	vld [tilespmem:$0x0]  }
.Ltmp11:
0x453: {  	s0 =	sadd.s32 s30, s31;
	(pc) =	sbr.rel @p0 .LBB2_8-.Ltmp11, $4  }
0x454: {  	s14 =	simm.s32 $0x13D20;
	s0 =	sshll.u32 s0, $0x4  }
0x455: {  	[tilespmem:s25], [sflag:$0x2] =	stream.indirect.gather [hbm4b:s5+s22], $0x80, s14, s22, $0xb8;
	v63 =	vld [tilespmem:$0x0]  }
0x456: {  	s0 =	sadd.s32 s6, s0  }
0x457: {  	[tilespmem:s26], [sflag:$0x4] =	stream.linear.gather [hbm4b:s0+s18], $0x1800, $0x38;
	v63 =	vld [tilespmem:$0x0]  }
0x458: {  	_ =	swait.ge [sflag:s10], $0x1800  }
0x459: {  	[sflag:s10] =	ssyncset.done $0x0  }
0x45a: {  	[sflag:s10] =	ssyncadd.s32 $0xFFFFE800  }
0x45b: {  	_ =	swait.ge [sflag:s28], $0x3000  }
0x45c: {  	[sflag:s28] =	ssyncset.done $0x0  }
0x45d: {  	[sflag:s28] =	ssyncadd.s32 $0xFFFFD000  }
0x45e: {  	_ =	swait.ge [sflag:s29], $0x1800  }
0x45f: {  	[sflag:s29] =	ssyncset.done $0x0  }
0x460: {  	[sflag:s29] =	ssyncadd.s32 $0xFFFFE800  }
0x461: {  	v1 =	vld [tilespmem:$0x13CF0]  }
0x462: {  	v2 =	vld [tilespmem:$0x13D00]  }
0x463: {  	v3 =	vld [tilespmem:$0x13D10];
	_ =	sdelay $0x2  }
0x464: {  	v1 =	vadd.s32 $0xFFFFD880, v1  }
0x465: {  	[tilespmem:$0x1FF00] =	vst v1;
	v1 =	vadd.s32 $0xFFFFD880, v2  }
0x466: {  	[tilespmem:$0x1FF10] =	vst v1;
	v1 =	vadd.s32 $0xFFFFD880, v3  }
0x467: {  	s1 =	simm.s32 $0x0;
	[tilespmem:$0x1FF20] =	vst v1  }
0x468: {  	v1 =	vld [tilespmem:s1+$0x13F70]  }
0x469: {  	v2 =	vld [tilespmem:s1+$0x15770]  }
0x46a: {  	v3 =	vld [tilespmem:s1+$0x13F00]  }
0x46b: {  	v4 =	vld [tilespmem:s1+$0x19F70]  }
0x46c: {  	v5 =	vld [tilespmem:s1+$0x15700]  }
0x46d: {  	v6 =	vld [tilespmem:s1+$0x13F10]  }
0x46e: {  	v7 =	vld [tilespmem:s1+$0x15710]  }
0x46f: {  	v8 =	vld [tilespmem:s1+$0x15720]  }
0x470: {  	v10 =	vld [tilespmem:s1+$0x15730]  }
0x471: {  	v11 =	vld [tilespmem:s1+$0x13F40]  }
0x472: {  	v12 =	vld [tilespmem:s1+$0x13F50]  }
0x473: {  	v13 =	vld [tilespmem:s1+$0x15750]  }
0x474: {  	v14 =	vld [tilespmem:s1+$0x13F60];
	v1 =	vadd.f32 v2, v1  }
0x475: {  	v15 =	vld [tilespmem:s1+$0x15760]  }
0x476: {  	v16 =	vld [tilespmem:s1+$0x19F00];
	v1 =	vadd.f32 v4, v1  }
0x477: {  	v2 =	vld [tilespmem:s1+$0x13F20]  }
0x478: {  	v4 =	vld [tilespmem:s1+$0x13F30];
	v1 =	vmax.f32 v1, $0.0e+00  }
0x479: {  	[tilespmem:s1+$0x1CF70] =	vst v1;
	v1 =	vld [tilespmem:s1+$0x15740]  }
0x47a: {  	v17 =	vld [tilespmem:s1+$0x19F10]  }
0x47b: {  	v18 =	vld [tilespmem:s1+$0x19F20]  }
0x47c: {  	v9 =	vld [tilespmem:s1+$0x19F30];
	v3 =	vadd.f32 v5, v3;
	v19 =	vadd.f32 v7, v6  }
0x47d: {  	v20 =	vadd.f32 v8, v2;
	v8 =	vld [tilespmem:s1+$0x19F40];
	v5 =	vadd.f32 v10, v4  }
0x47e: {  	v7 =	vld [tilespmem:s1+$0x19F50];
	v4 =	vadd.f32 v1, v11;
	v11 =	vadd.f32 v16, v3  }
0x47f: {  	s0 =	simm.s32 $0x80;
	v6 =	vld [tilespmem:s1+$0x19F60];
	v10 =	vadd.f32 v17, v19;
	v3 =	vadd.f32 v13, v12  }
0x480: {  	s2 =	simm.s32 $0x400;
	v2 =	vld [tilespmem:s0+$0x13F70];
	v1 =	vadd.f32 v15, v14;
	v12 =	vmax.f32 v11, $0.0e+00;
	v11 =	vadd.f32 v18, v20  }
.LBB2_26:
0x481: {  	p0 =	sne.s32 s2, $0x5E00;
	v13 =	vld [tilespmem:s0+$0x15770];
	[tilespmem:s1+$0x1CF00] =	vst v12;
	v10 =	vmax.f32 v10, $0.0e+00;
	v5 =	vadd.f32 v9, v5  }
0x482: {  	v9 =	vld [tilespmem:s0+$0x13F00];
	[tilespmem:s1+$0x1CF10] =	vst v10;
	v10 =	vmax.f32 v11, $0.0e+00;
	v4 =	vadd.f32 v8, v4  }
0x483: {  	v8 =	vld [tilespmem:s0+$0x19F70];
	[tilespmem:s1+$0x1CF20] =	vst v10;
	v5 =	vmax.f32 v5, $0.0e+00;
	v3 =	vadd.f32 v7, v3  }
0x484: {  	v7 =	vld [tilespmem:s0+$0x15700];
	[tilespmem:s1+$0x1CF30] =	vst v5;
	v4 =	vmax.f32 v4, $0.0e+00;
	v1 =	vadd.f32 v6, v1  }
0x485: {  	v5 =	vld [tilespmem:s0+$0x13F10];
	[tilespmem:s1+$0x1CF40] =	vst v4;
	v3 =	vmax.f32 v3, $0.0e+00  }
0x486: {  	v4 =	vld [tilespmem:s0+$0x15710];
	v2 =	vadd.f32 v13, v2;
	[tilespmem:s1+$0x1CF50] =	vst v3;
	v1 =	vmax.f32 v1, $0.0e+00  }
0x487: {  	v3 =	vld [tilespmem:s0+$0x13F20];
	[tilespmem:s1+$0x1CF60] =	vst v1;
	s1 =	smov.u32 s0  }
0x488: {  	v1 =	vld [tilespmem:s1+$0x15720];
	v2 =	vadd.f32 v8, v2  }
0x489: {  	v6 =	vadd.f32 v7, v9;
	v7 =	vld [tilespmem:s1+$0x13F30]  }
0x48a: {  	v8 =	vld [tilespmem:s1+$0x15730];
	v2 =	vmax.f32 v2, $0.0e+00  }
0x48b: {  	v10 =	vadd.f32 v4, v5;
	v4 =	vld [tilespmem:s1+$0x13F40];
	[tilespmem:s1+$0x1CF70] =	vst v2  }
0x48c: {  	v2 =	vld [tilespmem:s1+$0x15740]  }
0x48d: {  	v11 =	vadd.f32 v1, v3;
	v1 =	vld [tilespmem:s1+$0x13F50]  }
0x48e: {  	v3 =	vld [tilespmem:s1+$0x15750]  }
0x48f: {  	v5 =	vadd.f32 v8, v7;
	v7 =	vld [tilespmem:s1+$0x13F60]  }
0x490: {  	v12 =	vld [tilespmem:s1+$0x15760]  }
0x491: {  	v13 =	vld [tilespmem:s1+$0x19F00];
	v4 =	vadd.f32 v2, v4  }
0x492: {  	v2 =	vld [tilespmem:s1+$0x19F10]  }
0x493: {  	v14 =	vld [tilespmem:s1+$0x19F20];
	v3 =	vadd.f32 v3, v1  }
.Ltmp12:
0x494: {  	v9 =	vld [tilespmem:s1+$0x19F30];
	(pc) =	sbr.rel @p0 .LBB2_26-.Ltmp12, $4  }
0x495: {  	v8 =	vld [tilespmem:s1+$0x19F40];
	v1 =	vadd.f32 v12, v7  }
0x496: {  	v12 =	vadd.f32 v13, v6;
	v7 =	vld [tilespmem:s1+$0x19F50]  }
0x497: {  	s0 =	sshra.s32 s2, $0x2;
	v10 =	vadd.f32 v2, v10;
	v6 =	vld [tilespmem:s1+$0x19F60]  }
0x498: {  	s2 =	sadd.s32 $0x200, s2;
	v2 =	vld [tilespmem:s0+$0x13F70];
	v12 =	vmax.f32 v12, $0.0e+00;
	v11 =	vadd.f32 v14, v11  }
0x499: {  	v13 =	vld [tilespmem:s0+$0x15770];
	[tilespmem:s1+$0x1CF00] =	vst v12;
	v10 =	vmax.f32 v10, $0.0e+00;
	v5 =	vadd.f32 v9, v5  }
0x49a: {  	v12 =	vld [tilespmem:s0+$0x13F00];
	[tilespmem:s1+$0x1CF10] =	vst v10;
	v9 =	vmax.f32 v11, $0.0e+00;
	v4 =	vadd.f32 v8, v4  }
0x49b: {  	v10 =	vld [tilespmem:s0+$0x19F70];
	[tilespmem:s1+$0x1CF20] =	vst v9;
	v5 =	vmax.f32 v5, $0.0e+00;
	v3 =	vadd.f32 v7, v3  }
0x49c: {  	v8 =	vld [tilespmem:s0+$0x15700];
	[tilespmem:s1+$0x1CF30] =	vst v5;
	v4 =	vmax.f32 v4, $0.0e+00;
	v1 =	vadd.f32 v6, v1  }
0x49d: {  	v5 =	vld [tilespmem:s0+$0x13F10];
	[tilespmem:s1+$0x1CF40] =	vst v4;
	v3 =	vmax.f32 v3, $0.0e+00  }
0x49e: {  	v4 =	vld [tilespmem:s0+$0x15710];
	[tilespmem:s1+$0x1CF50] =	vst v3;
	v1 =	vmax.f32 v1, $0.0e+00  }
0x49f: {  	v3 =	vld [tilespmem:s0+$0x13F20];
	[tilespmem:s1+$0x1CF60] =	vst v1  }
0x4a0: {  	v1 =	vld [tilespmem:s0+$0x15720]  }
0x4a1: {  	v6 =	vld [tilespmem:s0+$0x13F30]  }
0x4a2: {  	v2 =	vadd.f32 v13, v2;
	v7 =	vld [tilespmem:s0+$0x15730]  }
0x4a3: {  	v9 =	vld [tilespmem:s0+$0x13F40]  }
0x4a4: {  	v2 =	vadd.f32 v10, v2;
	v10 =	vld [tilespmem:s0+$0x13F50]  }
0x4a5: {  	v11 =	vld [tilespmem:s0+$0x15750]  }
0x4a6: {  	v13 =	vld [tilespmem:s0+$0x13F60]  }
0x4a7: {  	v14 =	vld [tilespmem:s0+$0x15760]  }
0x4a8: {  	v15 =	vld [tilespmem:s0+$0x19F00]  }
0x4a9: {  	v16 =	vld [tilespmem:s0+$0x19F10]  }
0x4aa: {  	v17 =	vld [tilespmem:s0+$0x19F20];
	v2 =	vmax.f32 v2, $0.0e+00  }
0x4ab: {  	[tilespmem:s0+$0x1CF70] =	vst v2;
	v2 =	vld [tilespmem:s0+$0x15740]  }
0x4ac: {  	v8 =	vadd.f32 v8, v12;
	v12 =	vld [tilespmem:s0+$0x19F30]  }
0x4ad: {  	v4 =	vadd.f32 v4, v5;
	v5 =	vld [tilespmem:s0+$0x19F40]  }
0x4ae: {  	v1 =	vadd.f32 v1, v3;
	v3 =	vadd.f32 v15, v8;
	v8 =	vld [tilespmem:s0+$0x19F50]  }
0x4af: {  	v6 =	vadd.f32 v7, v6;
	v4 =	vadd.f32 v16, v4;
	v7 =	vld [tilespmem:s0+$0x19F60]  }
0x4b0: {  	v3 =	vmax.f32 v3, $0.0e+00;
	v1 =	vadd.f32 v17, v1;
	v2 =	vadd.f32 v2, v9  }
0x4b1: {  	v9 =	vadd.f32 v11, v10;
	[tilespmem:s0+$0x1CF00] =	vst v3;
	v3 =	vmax.f32 v4, $0.0e+00;
	v4 =	vadd.f32 v12, v6  }
0x4b2: {  	v6 =	vadd.f32 v14, v13;
	[tilespmem:s0+$0x1CF10] =	vst v3;
	v1 =	vmax.f32 v1, $0.0e+00;
	v2 =	vadd.f32 v5, v2  }
0x4b3: {  	[tilespmem:s0+$0x1CF20] =	vst v1;
	v1 =	vmax.f32 v4, $0.0e+00;
	v3 =	vadd.f32 v8, v9  }
0x4b4: {  	[tilespmem:s0+$0x1CF30] =	vst v1;
	v1 =	vmax.f32 v2, $0.0e+00;
	v2 =	vadd.f32 v7, v6  }
0x4b5: {  	[tilespmem:s0+$0x1CF40] =	vst v1;
	v1 =	vmax.f32 v3, $0.0e+00  }
0x4b6: {  	[tilespmem:s0+$0x1CF50] =	vst v1;
	v1 =	vmax.f32 v2, $0.0e+00  }
0x4b7: {  	[tilespmem:s0+$0x1CF60] =	vst v1  }
0x4b8: {  	[spmem:s3] =	stream.indirect.scatter.add.f32 [tilespmem:s9], [sflag:$0x5], $0x80, s8, s16, $0xb8;
	v63 =	vld [tilespmem:$0x0]  }
0x4b9: {  	_ =	swait.ge [sflag:s4], $0x1800  }
0x4ba: {  	[sflag:s4] =	ssyncset.done $0x0  }
0x4bb: {  	[sflag:s4] =	ssyncadd.s32 $0xFFFFE800  }
0x4bc: {  	_ =	swait.ge [sflag:s11], $0x3000  }
0x4bd: {  	[sflag:s11] =	ssyncset.done $0x0  }
0x4be: {  	[sflag:s11] =	ssyncadd.s32 $0xFFFFD000  }
0x4bf: {  	_ =	swait.ge [sflag:s12], $0x1800  }
0x4c0: {  	[sflag:s12] =	ssyncset.done $0x0  }
0x4c1: {  	[sflag:s12] =	ssyncadd.s32 $0xFFFFE800  }
0x4c2: {  	v1 =	vld [tilespmem:$0x13D50]  }
0x4c3: {  	v2 =	vld [tilespmem:$0x13D60]  }
0x4c4: {  	v3 =	vld [tilespmem:$0x13D70];
	_ =	sdelay $0x2  }
0x4c5: {  	v1 =	vadd.s32 $0xFFFFD880, v1  }
0x4c6: {  	[tilespmem:$0x1FF80] =	vst v1;
	v1 =	vadd.s32 $0xFFFFD880, v2  }
0x4c7: {  	[tilespmem:$0x1FF90] =	vst v1;
	v1 =	vadd.s32 $0xFFFFD880, v3  }
0x4c8: {  	s1 =	simm.s32 $0x0;
	[tilespmem:$0x1FFA0] =	vst v1  }
0x4c9: {  	v1 =	vld [tilespmem:s1+$0x16F70]  }
0x4ca: {  	v2 =	vld [tilespmem:s1+$0x18770]  }
0x4cb: {  	v3 =	vld [tilespmem:s1+$0x16F00]  }
0x4cc: {  	v4 =	vld [tilespmem:s1+$0x1B770]  }
0x4cd: {  	v5 =	vld [tilespmem:s1+$0x18700]  }
0x4ce: {  	v6 =	vld [tilespmem:s1+$0x16F10]  }
0x4cf: {  	v7 =	vld [tilespmem:s1+$0x18710]  }
0x4d0: {  	v8 =	vld [tilespmem:s1+$0x18720]  }
0x4d1: {  	v10 =	vld [tilespmem:s1+$0x18730]  }
0x4d2: {  	v11 =	vld [tilespmem:s1+$0x16F40]  }
0x4d3: {  	v12 =	vld [tilespmem:s1+$0x16F50]  }
0x4d4: {  	v13 =	vld [tilespmem:s1+$0x18750]  }
0x4d5: {  	v14 =	vld [tilespmem:s1+$0x16F60];
	v1 =	vadd.f32 v2, v1  }
0x4d6: {  	v15 =	vld [tilespmem:s1+$0x18760]  }
0x4d7: {  	v61 =	vld [tilespmem:s1+$0x1B700];
	v1 =	vadd.f32 v4, v1  }
0x4d8: {  	v2 =	vld [tilespmem:s1+$0x16F20]  }
0x4d9: {  	v4 =	vld [tilespmem:s1+$0x16F30];
	v1 =	vmax.f32 v1, $0.0e+00  }
0x4da: {  	[tilespmem:s1+$0x1E770] =	vst v1;
	v1 =	vld [tilespmem:s1+$0x18740]  }
0x4db: {  	v62 =	vld [tilespmem:s1+$0x1B710]  }
0x4dc: {  	v18 =	vld [tilespmem:s1+$0x1B720]  }
0x4dd: {  	v9 =	vld [tilespmem:s1+$0x1B730];
	v3 =	vadd.f32 v5, v3;
	v19 =	vadd.f32 v7, v6  }
0x4de: {  	v20 =	vadd.f32 v8, v2;
	v8 =	vld [tilespmem:s1+$0x1B740];
	v5 =	vadd.f32 v10, v4  }
0x4df: {  	v7 =	vld [tilespmem:s1+$0x1B750];
	v4 =	vadd.f32 v1, v11;
	v11 =	vadd.f32 v61, v3  }
0x4e0: {  	s0 =	simm.s32 $0x80;
	s14 =	rddreg [dreg:$0x4];
	v6 =	vld [tilespmem:s1+$0x1B760];
	v2 =	vadd.f32 v15, v14;
	v10 =	vadd.f32 v62, v19  }
0x4e1: {  	s2 =	simm.s32 $0x400;
	s30 =	rddreg [dreg:$0x5];
	v3 =	vadd.f32 v13, v12;
	v1 =	vld [tilespmem:s0+$0x16F70];
	v12 =	vmax.f32 v11, $0.0e+00;
	v11 =	vadd.f32 v18, v20  }
.LBB2_28:
0x4e2: {  	p0 =	sne.s32 s2, $0x5E00;
	v13 =	vld [tilespmem:s0+$0x18770];
	[tilespmem:s1+$0x1E700] =	vst v12;
	v10 =	vmax.f32 v10, $0.0e+00;
	v5 =	vadd.f32 v9, v5  }
0x4e3: {  	v9 =	vld [tilespmem:s0+$0x16F00];
	[tilespmem:s1+$0x1E710] =	vst v10;
	v10 =	vmax.f32 v11, $0.0e+00;
	v4 =	vadd.f32 v8, v4  }
0x4e4: {  	v8 =	vld [tilespmem:s0+$0x1B770];
	[tilespmem:s1+$0x1E720] =	vst v10;
	v5 =	vmax.f32 v5, $0.0e+00;
	v3 =	vadd.f32 v7, v3  }
0x4e5: {  	v7 =	vld [tilespmem:s0+$0x18700];
	[tilespmem:s1+$0x1E730] =	vst v5;
	v4 =	vmax.f32 v4, $0.0e+00;
	v2 =	vadd.f32 v6, v2  }
0x4e6: {  	v5 =	vld [tilespmem:s0+$0x16F10];
	[tilespmem:s1+$0x1E740] =	vst v4;
	v3 =	vmax.f32 v3, $0.0e+00  }
0x4e7: {  	v4 =	vld [tilespmem:s0+$0x18710];
	v1 =	vadd.f32 v13, v1;
	[tilespmem:s1+$0x1E750] =	vst v3;
	v2 =	vmax.f32 v2, $0.0e+00  }
0x4e8: {  	v3 =	vld [tilespmem:s0+$0x16F20];
	[tilespmem:s1+$0x1E760] =	vst v2;
	s1 =	smov.u32 s0  }
0x4e9: {  	v2 =	vld [tilespmem:s1+$0x18720];
	v1 =	vadd.f32 v8, v1  }
0x4ea: {  	v6 =	vadd.f32 v7, v9;
	v7 =	vld [tilespmem:s1+$0x16F30]  }
0x4eb: {  	v8 =	vld [tilespmem:s1+$0x18730];
	v1 =	vmax.f32 v1, $0.0e+00  }
0x4ec: {  	v10 =	vadd.f32 v4, v5;
	v4 =	vld [tilespmem:s1+$0x16F40];
	[tilespmem:s1+$0x1E770] =	vst v1  }
0x4ed: {  	v1 =	vld [tilespmem:s1+$0x18740]  }
0x4ee: {  	v11 =	vadd.f32 v2, v3;
	v2 =	vld [tilespmem:s1+$0x16F50]  }
0x4ef: {  	v3 =	vld [tilespmem:s1+$0x18750]  }
0x4f0: {  	v5 =	vadd.f32 v8, v7;
	v7 =	vld [tilespmem:s1+$0x16F60]  }
0x4f1: {  	v12 =	vld [tilespmem:s1+$0x18760]  }
0x4f2: {  	v13 =	vld [tilespmem:s1+$0x1B700];
	v4 =	vadd.f32 v1, v4  }
0x4f3: {  	v1 =	vld [tilespmem:s1+$0x1B710]  }
0x4f4: {  	v14 =	vld [tilespmem:s1+$0x1B720];
	v3 =	vadd.f32 v3, v2  }
.Ltmp13:
0x4f5: {  	v9 =	vld [tilespmem:s1+$0x1B730];
	(pc) =	sbr.rel @p0 .LBB2_28-.Ltmp13, $4  }
0x4f6: {  	v8 =	vld [tilespmem:s1+$0x1B740];
	v2 =	vadd.f32 v12, v7  }
0x4f7: {  	v12 =	vadd.f32 v13, v6;
	v7 =	vld [tilespmem:s1+$0x1B750]  }
0x4f8: {  	s0 =	sshra.s32 s2, $0x2;
	v10 =	vadd.f32 v1, v10;
	v6 =	vld [tilespmem:s1+$0x1B760]  }
0x4f9: {  	s2 =	sadd.s32 $0x200, s2;
	v1 =	vld [tilespmem:s0+$0x16F70];
	v12 =	vmax.f32 v12, $0.0e+00;
	v11 =	vadd.f32 v14, v11  }
0x4fa: {  	v13 =	vld [tilespmem:s0+$0x18770];
	[tilespmem:s1+$0x1E700] =	vst v12;
	v10 =	vmax.f32 v10, $0.0e+00;
	v5 =	vadd.f32 v9, v5  }
0x4fb: {  	v12 =	vld [tilespmem:s0+$0x16F00];
	[tilespmem:s1+$0x1E710] =	vst v10;
	v49 =	vmax.f32 v11, $0.0e+00;
	v4 =	vadd.f32 v8, v4  }
0x4fc: {  	v10 =	vld [tilespmem:s0+$0x1B770];
	[tilespmem:s1+$0x1E720] =	vst v49;
	v5 =	vmax.f32 v5, $0.0e+00;
	v3 =	vadd.f32 v7, v3  }
0x4fd: {  	v50 =	vld [tilespmem:s0+$0x18700];
	[tilespmem:s1+$0x1E730] =	vst v5;
	v4 =	vmax.f32 v4, $0.0e+00;
	v2 =	vadd.f32 v6, v2  }
0x4fe: {  	v5 =	vld [tilespmem:s0+$0x16F10];
	[tilespmem:s1+$0x1E740] =	vst v4;
	v3 =	vmax.f32 v3, $0.0e+00  }
0x4ff: {  	v4 =	vld [tilespmem:s0+$0x18710];
	[tilespmem:s1+$0x1E750] =	vst v3;
	v2 =	vmax.f32 v2, $0.0e+00  }
0x500: {  	v3 =	vld [tilespmem:s0+$0x16F20];
	[tilespmem:s1+$0x1E760] =	vst v2  }
0x501: {  	v2 =	vld [tilespmem:s0+$0x18720]  }
0x502: {  	v51 =	vld [tilespmem:s0+$0x16F30]  }
0x503: {  	v52 =	vld [tilespmem:s0+$0x18730]  }
0x504: {  	v9 =	vld [tilespmem:s0+$0x16F40]  }
0x505: {  	v53 =	vld [tilespmem:s0+$0x16F50]  }
0x506: {  	v54 =	vld [tilespmem:s0+$0x18750]  }
0x507: {  	v1 =	vadd.f32 v13, v1;
	v55 =	vld [tilespmem:s0+$0x16F60]  }
0x508: {  	v14 =	vld [tilespmem:s0+$0x18760]  }
0x509: {  	v1 =	vadd.f32 v10, v1;
	v15 =	vld [tilespmem:s0+$0x1B700]  }
0x50a: {  	v16 =	vld [tilespmem:s0+$0x1B710]  }
0x50b: {  	v17 =	vld [tilespmem:s0+$0x1B720];
	v1 =	vmax.f32 v1, $0.0e+00  }
0x50c: {  	[tilespmem:s0+$0x1E770] =	vst v1;
	v1 =	vld [tilespmem:s0+$0x18740]  }
0x50d: {  	v56 =	vld [tilespmem:s0+$0x1B730];
	v8 =	vadd.f32 v50, v12  }
0x50e: {  	v57 =	vld [tilespmem:s0+$0x1B740];
	v4 =	vadd.f32 v4, v5  }
0x50f: {  	v58 =	vld [tilespmem:s0+$0x1B750];
	v2 =	vadd.f32 v2, v3;
	v3 =	vadd.f32 v15, v8  }
0x510: {  	v59 =	vld [tilespmem:s0+$0x1B760];
	v6 =	vadd.f32 v52, v51;
	v4 =	vadd.f32 v16, v4  }
0x511: {  	v2 =	vadd.f32 v17, v2;
	v3 =	vmax.f32 v3, $0.0e+00;
	v1 =	vadd.f32 v1, v9  }
0x512: {  	v60 =	vadd.f32 v54, v53;
	v61 =	vadd.f32 v56, v6;
	[tilespmem:s0+$0x1E700] =	vst v3;
	v3 =	vmax.f32 v4, $0.0e+00  }
0x513: {  	v62 =	vadd.f32 v14, v55;
	[tilespmem:s0+$0x1E710] =	vst v3;
	v2 =	vmax.f32 v2, $0.0e+00;
	v1 =	vadd.f32 v57, v1  }
0x514: {  	v3 =	vadd.f32 v58, v60;
	[tilespmem:s0+$0x1E720] =	vst v2;
	v2 =	vmax.f32 v61, $0.0e+00  }
0x515: {  	[tilespmem:s0+$0x1E730] =	vst v2;
	v2 =	vadd.f32 v59, v62;
	v1 =	vmax.f32 v1, $0.0e+00  }
0x516: {  	[tilespmem:s0+$0x1E740] =	vst v1;
	v1 =	vmax.f32 v3, $0.0e+00  }
0x517: {  	[tilespmem:s0+$0x1E750] =	vst v1;
	v1 =	vmax.f32 v2, $0.0e+00  }
0x518: {  	[tilespmem:s0+$0x1E760] =	vst v1  }
0x519: {  	[spmem:s3] =	stream.indirect.scatter.add.f32 [tilespmem:s7], [sflag:$0x6], $0x80, s13, s16, $0xb8;
	v63 =	vld [tilespmem:$0x0]  }
0x51a: {  	_ =	swait.ge [sflag:s10], $0x1800  }
0x51b: {  	[sflag:s10] =	ssyncset.done $0x0  }
0x51c: {  	[sflag:s10] =	ssyncadd.s32 $0xFFFFE800  }
0x51d: {  	_ =	swait.ge [sflag:s4], $0x1800  }
0x51e: {  	[sflag:s4] =	ssyncset.done $0x0  }
0x51f: {  	[sflag:s4] =	ssyncadd.s32 $0xFFFFE800  }
0x520: {  	[bflag:$0x0] =	sbarrier.arrive $0xFFFF  }
0x521: {  	[tilespmem:s19], [sflag:$0x7] =	stream.linear.gather [spmem:s14], $0x3000, $0x38;
	v63 =	vld [tilespmem:$0x0]  }
0x522: {  	_ =	swait.ge [sflag:s20], $0x3000  }
0x523: {  	[sflag:s20] =	ssyncset.done $0x0  }
0x524: {  	s0 =	simm.s32 $0x0;
	s2 =	rddreg [dreg:$0xd];
	[sflag:s20] =	ssyncadd.s32 $0xFFFFD000  }
0x525: {  	[hbm4b:s2+s0] =	stream.linear.scatter [tilespmem:s19], [sflag:$0x7], $0x3000, $0x38;
	v63 =	vld [tilespmem:$0x0]  }
0x526: {  	_ =	swait.ge [sflag:s20], $0x3000  }
0x527: {  	[sflag:s20] =	ssyncset.done $0x0  }
0x528: {  	[sflag:s20] =	ssyncadd.s32 $0xFFFFD000  }
0x529: {  	[tilespmem:s19], [sflag:$0x7] =	stream.linear.gather [spmem:s30], $0x3000, $0x38;
	v63 =	vld [tilespmem:$0x0]  }
0x52a: {  	_ =	swait.ge [sflag:s20], $0x3000  }
0x52b: {  	[sflag:s20] =	ssyncset.done $0x0  }
0x52c: {  	s18 =	rddreg [dreg:$0xe];
	[sflag:s20] =	ssyncadd.s32 $0xFFFFD000  }
0x52d: {  	[hbm4b:s18+s0] =	stream.linear.scatter [tilespmem:s19], [sflag:$0x7], $0x3000, $0x38;
	v63 =	vld [tilespmem:$0x0]  }
0x52e: {  	_ =	swait.ge [sflag:s20], $0x3000  }
0x52f: {  	[sflag:s20] =	ssyncset.done $0x0  }
0x530: {  	s31 =	rddreg [dreg:$0x6];
	[sflag:s20] =	ssyncadd.s32 $0xFFFFD000  }
0x531: {  	[tilespmem:s19], [sflag:$0x7] =	stream.linear.gather [spmem:s31], $0x3000, $0x38;
	v63 =	vld [tilespmem:$0x0]  }
0x532: {  	_ =	swait.ge [sflag:s20], $0x3000  }
0x533: {  	[sflag:s20] =	ssyncset.done $0x0  }
0x534: {  	s2 =	rddreg [dreg:$0xf];
	[sflag:s20] =	ssyncadd.s32 $0xFFFFD000  }
0x535: {  	[hbm4b:s2+s0] =	stream.linear.scatter [tilespmem:s19], [sflag:$0x7], $0x3000, $0x38;
	v63 =	vld [tilespmem:$0x0]  }
0x536: {  	_ =	swait.ge [sflag:s20], $0x3000  }
0x537: {  	[sflag:s20] =	ssyncset.done $0x0  }
0x538: {  	s18 =	rddreg [dreg:$0x7];
	[sflag:s20] =	ssyncadd.s32 $0xFFFFD000  }
0x539: {  	[tilespmem:s19], [sflag:$0x7] =	stream.linear.gather [spmem:s18], $0x3000, $0x38;
	v63 =	vld [tilespmem:$0x0]  }
0x53a: {  	_ =	swait.ge [sflag:s20], $0x3000  }
0x53b: {  	[sflag:s20] =	ssyncset.done $0x0  }
0x53c: {  	s31 =	rddreg [dreg:$0x10];
	[sflag:s20] =	ssyncadd.s32 $0xFFFFD000  }
0x53d: {  	[hbm4b:s31+s0] =	stream.linear.scatter [tilespmem:s19], [sflag:$0x7], $0x3000, $0x38;
	v63 =	vld [tilespmem:$0x0]  }
0x53e: {  	_ =	swait.ge [sflag:s20], $0x3000  }
0x53f: {  	[sflag:s20] =	ssyncset.done $0x0  }
0x540: {  	s2 =	rddreg [dreg:$0x8];
	[sflag:s20] =	ssyncadd.s32 $0xFFFFD000  }
0x541: {  	[tilespmem:s19], [sflag:$0x7] =	stream.linear.gather [spmem:s2], $0x3000, $0x38;
	v63 =	vld [tilespmem:$0x0]  }
0x542: {  	_ =	swait.ge [sflag:s20], $0x3000  }
0x543: {  	[sflag:s20] =	ssyncset.done $0x0  }
0x544: {  	s18 =	rddreg [dreg:$0x11];
	[sflag:s20] =	ssyncadd.s32 $0xFFFFD000  }
0x545: {  	[hbm4b:s18+s0] =	stream.linear.scatter [tilespmem:s19], [sflag:$0x7], $0x3000, $0x38;
	v63 =	vld [tilespmem:$0x0]  }
0x546: {  	_ =	swait.ge [sflag:s20], $0x3000  }
0x547: {  	[sflag:s20] =	ssyncset.done $0x0  }
0x548: {  	s31 =	rddreg [dreg:$0x9];
	[sflag:s20] =	ssyncadd.s32 $0xFFFFD000  }
0x549: {  	[tilespmem:s19], [sflag:$0x7] =	stream.linear.gather [spmem:s31], $0x3000, $0x38;
	v63 =	vld [tilespmem:$0x0]  }
0x54a: {  	_ =	swait.ge [sflag:s20], $0x3000  }
0x54b: {  	[sflag:s20] =	ssyncset.done $0x0  }
0x54c: {  	s2 =	rddreg [dreg:$0x12];
	[sflag:s20] =	ssyncadd.s32 $0xFFFFD000  }
0x54d: {  	[hbm4b:s2+s0] =	stream.linear.scatter [tilespmem:s19], [sflag:$0x7], $0x3000, $0x38;
	v63 =	vld [tilespmem:$0x0]  }
0x54e: {  	_ =	swait.ge [sflag:s20], $0x3000  }
0x54f: {  	[sflag:s20] =	ssyncset.done $0x0  }
0x550: {  	s18 =	rddreg [dreg:$0xa];
	[sflag:s20] =	ssyncadd.s32 $0xFFFFD000  }
0x551: {  	[tilespmem:s19], [sflag:$0x7] =	stream.linear.gather [spmem:s18], $0x1C00, $0x38;
	v63 =	vld [tilespmem:$0x0]  }
0x552: {  	_ =	swait.ge [sflag:s20], $0x1C00  }
0x553: {  	[sflag:s20] =	ssyncset.done $0x0  }
0x554: {  	s31 =	rddreg [dreg:$0x13];
	[sflag:s20] =	ssyncadd.s32 $0xFFFFE400  }
0x555: {  	[hbm4b:s31+s0] =	stream.linear.scatter [tilespmem:s19], [sflag:$0x7], $0x1C00, $0x38;
	v63 =	vld [tilespmem:$0x0]  }
0x556: {  	_ =	swait.ge [sflag:s20], $0x1C00  }
0x557: {  	s2 =	rddreg [dreg:$0x1e]  }
0x558: {  	s31 =	rddreg [dreg:$0x14];
	s1 =	sadd.s32 $0x1, s2  }
0x559: {  	p0 =	sne.s32 s1, s31  }
.Ltmp14:
0x55a: {  	_ = 	snop;
	(pc) =	sbr.rel @p0 .LBB2_1-.Ltmp14, $3  }
0x55b: {  	_ =	sdelay $0x1  }
0x55c: {  	[sflag:s20] =	ssyncset.done $0x0  }
0x55d: {  	s18 =	simm.s32 $0x0;
	[sflag:s20] =	ssyncadd.s32 $0xFFFFE400  }
0x55e: {  	_ =	sfence.sel $0x180000  }
0x55f: {  	[bflag:$0x0] =	sbarrier.arrive $0xFFFF  }
0x560: {  	_ =	strace $0x90000047  }
0x561: {  	s0 =	stileid.u32;
	[bflag:$0x2] =	sbarrier.arrive $0xFFFF  }
0x562: {  	p0 =	sne.s32 s0, $0x0;
	s0 =	rddreg [dreg:$0x3]  }
0x563: {  	s0 =	sadd.s32 @!p0 $0x100000, s0  }
0x564: {  	[sflag:s0] =	ssyncadd.tile.s32 @!p0 $0x1;
	_ =	shalt  }
.Lfunc_end2:
_tile_overlayer_lowered:
.L_overlay_start_2:
0x565: {  	(tag) =	ssettag $0x2  }
0x566: {  	s0 =	rddreg [dreg:$0x0];
	s2 =	stileid.u32  }
0x567: {  	s1 =	rddreg [dreg:$0x1];
	p0 =	sne.s32 s2, $0x0  }
0x568: {  	s3 =	rddreg [dreg:$0x2];
	[bflag:$0x3] =	sbarrier.arrive $0xFFFF;
	s2 =	simm.s32 @!p0 $0x1C07  }
0x569: {  	[timem:s3], [sflag:s2] =	dma.local @!p0 [hbm:s0], s1  }
0x56a: {  	s0 =	simm.s32 @!p0 $0x7  }
0x56b: {  	_ =	swait.ge @!p0 [sflag:s0], s1  }
0x56c: {  	s1 =	ssub.s32 @!p0 $0x0, s1;
	[sflag:s0] =	ssyncset.done @!p0 $0x0  }
0x56d: {  	[sflag:s0] =	ssyncadd.s32 @!p0 s1  }
0x56e: {  	[bflag:$0x3] =	sbarrier.arrive $0xFFFF  }
0x56f: {  	_ =	shalt  }

</sc_bundles>
